<compile_context>
chip_gen: v7x
topology: tpu7x:2x2x1
jax: 0.10.2.dev20260603
libtpu: 0.0.44.dev20260713+nightly
codegen_flags: <defaults>
</compile_context>

<pallas_src>
import functools

import jax
import jax.numpy as jnp
from jax import lax
from jax.experimental import pallas as pl
from jax.experimental.pallas import tpu as pltpu
from jax.experimental.pallas import tpu_sc as plsc

_N = 10000
_E = 160000
_FEAT = 256
_FP = 2048
_RADIUS = 3
_HALF = 128

_NSUB = 16
_EPT = _E // _NSUB
_K = 125
_NCHUNK = _EPT // _K
_PHASES = 2
_PHCH = _NCHUNK // _PHASES
_PHPAIR = _PHCH // 2
_RPT = 624
_RLAST = _N - 15 * _RPT

_BNH = 2000
_GRIDH = _N // _BNH
_BNF = 1000
_GRIDF = _N // _BNF


def _sc_agg_body(x0, x1, src2, dst2, out0, out1, srcv, dstv, rows0, rows1,
                 acc, sem0, sem1, sem2):
  cid = lax.axis_index("c")
  sid = lax.axis_index("s")
  r0 = pl.multiple_of(sid * _RPT, 8)

  def rowcopy(src_ref, dst_ref):
    @pl.when(sid < 15)
    def _():
      pltpu.sync_copy(src_ref.at[pl.ds(r0, _RPT)], dst_ref.at[pl.ds(r0, _RPT)])

    @pl.when(sid == 15)
    def _():
      pltpu.sync_copy(
          src_ref.at[pl.ds(15 * _RPT, _RLAST)],
          dst_ref.at[pl.ds(15 * _RPT, _RLAST)],
      )

  def rowcopy_async(src_ref, dst_ref, wait):
    @pl.when(sid < 15)
    def _():
      d = pltpu.make_async_copy(
          src_ref.at[pl.ds(r0, _RPT)], dst_ref.at[pl.ds(r0, _RPT)], sem2)
      d.wait() if wait else d.start()

    @pl.when(sid == 15)
    def _():
      d = pltpu.make_async_copy(
          src_ref.at[pl.ds(15 * _RPT, _RLAST)],
          dst_ref.at[pl.ds(15 * _RPT, _RLAST)], sem2)
      d.wait() if wait else d.start()

  c00 = pl.multiple_of(sid * _NCHUNK, 8)
  pltpu.sync_copy(src2.at[pl.ds(c00, _PHCH)], srcv)
  pltpu.sync_copy(dst2.at[pl.ds(c00, _PHCH)], dstv)

  @pl.when(cid == 0)
  def _():
    rowcopy_async(x0, acc, False)
    pltpu.async_copy(x0.at[srcv.at[0]], rows0, sem0)

  @pl.when(cid != 0)
  def _():
    rowcopy_async(x1, acc, False)
    pltpu.async_copy(x1.at[srcv.at[0]], rows0, sem0)

  @pl.when(cid == 0)
  def _():
    rowcopy_async(x0, acc, True)

  @pl.when(cid != 0)
  def _():
    rowcopy_async(x1, acc, True)

  plsc.subcore_barrier()

  def run_edges(xh):
    for p in range(_PHASES):
      if p > 0:
        c0 = pl.multiple_of(sid * _NCHUNK + p * _PHCH, 8)
        pltpu.sync_copy(src2.at[pl.ds(c0, _PHCH)], srcv)
        pltpu.sync_copy(dst2.at[pl.ds(c0, _PHCH)], dstv)
        pltpu.async_copy(xh.at[srcv.at[0]], rows0, sem0)

      def pair(t, c):
        a = 2 * t
        pltpu.async_copy(xh.at[srcv.at[a + 1]], rows1, sem1)
        pltpu.make_async_copy(xh.at[srcv.at[0]], rows0, sem0).wait()
        pltpu.sync_copy(rows0, acc.at[dstv.at[a]], add=True)

        @pl.when(t + 1 < _PHPAIR)
        def _():
          pltpu.async_copy(xh.at[srcv.at[a + 2]], rows0, sem0)

        pltpu.make_async_copy(xh.at[srcv.at[0]], rows1, sem1).wait()
        pltpu.sync_copy(rows1, acc.at[dstv.at[a + 1]], add=True)
        return c

      lax.fori_loop(0, _PHPAIR, pair, 0)

  @pl.when(cid == 0)
  def _():
    run_edges(x0)

  @pl.when(cid != 0)
  def _():
    run_edges(x1)

  plsc.subcore_barrier()

  @pl.when(cid == 0)
  def _():
    rowcopy(acc, out0)

  @pl.when(cid != 0)
  def _():
    rowcopy(acc, out1)


@functools.cache
def _get_sc_agg():
  return pl.kernel(
      _sc_agg_body,
      out_type=(
          jax.ShapeDtypeStruct((_N, _HALF), jnp.float32),
          jax.ShapeDtypeStruct((_N, _HALF), jnp.float32),
      ),
      mesh=plsc.VectorSubcoreMesh(core_axis_name="c", subcore_axis_name="s"),
      scratch_types=[
          pltpu.VMEM((_PHCH, _K), jnp.int32),
          pltpu.VMEM((_PHCH, _K), jnp.int32),
          pltpu.VMEM((_K, _HALF), jnp.float32),
          pltpu.VMEM((_K, _HALF), jnp.float32),
          pltpu.VMEM_SHARED((_N, _HALF), jnp.float32),
          pltpu.SemaphoreType.DMA,
          pltpu.SemaphoreType.DMA,
          pltpu.SemaphoreType.DMA,
      ],
  )


def _tc_h_body(agg0, agg1, w1t, b1r, h0, h1):
  h = jnp.dot(agg0[...], w1t[:_HALF, :], preferred_element_type=jnp.float32)
  h = h + jnp.dot(agg1[...], w1t[_HALF:, :], preferred_element_type=jnp.float32)
  h = jnp.maximum(h + b1r[...], 0.0)
  h0[...] = h[:, :_HALF]
  h1[...] = h[:, _HALF:]


_tc_h = pl.pallas_call(
    _tc_h_body,
    grid=(_GRIDH,),
    in_specs=[
        pl.BlockSpec((_BNH, _HALF), lambda i: (i, 0)),
        pl.BlockSpec((_BNH, _HALF), lambda i: (i, 0)),
        pl.BlockSpec((_FEAT, _FEAT), lambda i: (0, 0)),
        pl.BlockSpec((1, _FEAT), lambda i: (0, 0)),
    ],
    out_specs=[
        pl.BlockSpec((_BNH, _HALF), lambda i: (i, 0)),
        pl.BlockSpec((_BNH, _HALF), lambda i: (i, 0)),
    ],
    out_shape=[
        jax.ShapeDtypeStruct((_N, _HALF), jnp.float32),
        jax.ShapeDtypeStruct((_N, _HALF), jnp.float32),
    ],
)


def _tc_last_body(agg0, agg1, w1t, b1r, w2t, b2r, fp):
  h = jnp.dot(agg0[...], w1t[:_HALF, :], preferred_element_type=jnp.float32)
  h = h + jnp.dot(agg1[...], w1t[_HALF:, :], preferred_element_type=jnp.float32)
  h = jnp.maximum(h + b1r[...], 0.0)
  z = jnp.dot(h, w2t[...], preferred_element_type=jnp.float32) + b2r[...]
  m = jnp.max(z, axis=1, keepdims=True)
  e = jnp.exp(z - m)
  s = jnp.sum(e, axis=1, keepdims=True)
  col = jnp.sum(e * (1.0 / s), axis=0, keepdims=True)

  @pl.when(pl.program_id(0) == 0)
  def _():
    fp[...] = jnp.zeros_like(fp)

  fp[...] += col


_tc_last = pl.pallas_call(
    _tc_last_body,
    grid=(_GRIDH,),
    in_specs=[
        pl.BlockSpec((_BNH, _HALF), lambda i: (i, 0)),
        pl.BlockSpec((_BNH, _HALF), lambda i: (i, 0)),
        pl.BlockSpec((_FEAT, _FEAT), lambda i: (0, 0)),
        pl.BlockSpec((1, _FEAT), lambda i: (0, 0)),
        pl.BlockSpec((_FEAT, _FP), lambda i: (0, 0)),
        pl.BlockSpec((1, _FP), lambda i: (0, 0)),
    ],
    out_specs=[
        pl.BlockSpec((1, _FP), lambda i: (0, 0)),
    ],
    out_shape=[
        jax.ShapeDtypeStruct((1, _FP), jnp.float32),
    ],
)


def _tc_fp_body(h0, h1, w2t, b2r, fp):
  z = jnp.dot(h0[...], w2t[:_HALF, :], preferred_element_type=jnp.float32)
  z = z + jnp.dot(h1[...], w2t[_HALF:, :], preferred_element_type=jnp.float32)
  z = z + b2r[...]
  m = jnp.max(z, axis=1, keepdims=True)
  e = jnp.exp(z - m)
  s = jnp.sum(e, axis=1, keepdims=True)
  col = jnp.sum(e * (1.0 / s), axis=0, keepdims=True)

  @pl.when(pl.program_id(0) == 0)
  def _():
    fp[...] = jnp.zeros_like(fp)

  fp[...] += col


_tc_fp = pl.pallas_call(
    _tc_fp_body,
    grid=(_GRIDF,),
    in_specs=[
        pl.BlockSpec((_BNF, _HALF), lambda i: (i, 0)),
        pl.BlockSpec((_BNF, _HALF), lambda i: (i, 0)),
        pl.BlockSpec((_FEAT, _FP), lambda i: (0, 0)),
        pl.BlockSpec((1, _FP), lambda i: (0, 0)),
    ],
    out_specs=[
        pl.BlockSpec((1, _FP), lambda i: (0, 0)),
    ],
    out_shape=[
        jax.ShapeDtypeStruct((1, _FP), jnp.float32),
    ],
)


@jax.jit
def kernel(x, edge_index, W1, b1, W2, b2):
  src = edge_index[0].reshape(_E // _K, _K)
  dst = edge_index[1].reshape(_E // _K, _K)
  w1t = W1.T
  w2t = W2.T
  b1r = b1.reshape(1, _FEAT)
  b2r = b2.reshape(1, _FP)
  f0 = x[:, :_HALF]
  f1 = x[:, _HALF:]
  fp = jnp.zeros((1, _FP), jnp.float32)
  sc_agg = _get_sc_agg()
  for r in range(_RADIUS):
    a0, a1 = sc_agg(f0, f1, src, dst)
    if r < _RADIUS - 1:
      f0, f1 = _tc_h(a0, a1, w1t, b1r)
      (fpp,) = _tc_fp(f0, f1, w2t, b2r)
    else:
      (fpp,) = _tc_last(a0, a1, w1t, b1r, w2t, b2r)
    fp = fp + fpp
  return fp

# --- scband reference (transcript-rebuilt; emitter-appended) ---
"""Pipeline reference for scband-neural-fingerprint-65163243815357 (READ-ONLY COPY).

The authoritative reference and input builder live on the scoring server;
editing this copy changes nothing except your own understanding.
"""

import jax, jax.numpy as jnp
import numpy as np

N = 10000
E = 160000
FEAT = 256
FP = 2048
RADIUS = 3


def setup_inputs(seed: int = 0) -> dict:
    key = jax.random.key(seed)
    k1, k2, k3, k4, k5, k6 = jax.random.split(key, 6)
    x = jax.random.normal(k1, (N, FEAT), dtype=jnp.float32)
    edge_index = jax.random.randint(k2, (2, E), 0, N, dtype=jnp.int32)
    # torch.nn.Linear default init: U(-1/sqrt(fan_in), 1/sqrt(fan_in))
    b1lim = 1.0 / np.sqrt(FEAT)
    W1 = jax.random.uniform(k3, (FEAT, FEAT), minval=-b1lim, maxval=b1lim, dtype=jnp.float32)
    b1 = jax.random.uniform(k4, (FEAT,), minval=-b1lim, maxval=b1lim, dtype=jnp.float32)
    W2 = jax.random.uniform(k5, (FP, FEAT), minval=-b1lim, maxval=b1lim, dtype=jnp.float32)
    b2 = jax.random.uniform(k6, (FP,), minval=-b1lim, maxval=b1lim, dtype=jnp.float32)
    return {"x": x, "edge_index": edge_index, "W1": W1, "b1": b1, "W2": W2, "b2": b2}


def reference(x, edge_index, W1, b1, W2, b2):
    # Faithful rewrite of NeuralFingerprint.forward:
    # per radius step: agg[i] = feats[i] + sum_{j in N(i)} feats[j]
    # h = relu(lin1(agg)); p = softmax(lin2(h)); fingerprint += sum(p, dim=0)
    # feats <- h (detached in torch via .data.cpu().numpy())
    src = edge_index[0]
    dst = edge_index[1]
    fingerprint = jnp.zeros((1, FP), dtype=jnp.float32)
    feats = x
    for _ in range(RADIUS):
        neighbor_sum = jax.ops.segment_sum(jnp.take(feats, src, axis=0), dst, num_segments=N)
        agg = feats + neighbor_sum
        h = jax.nn.relu(agg @ W1.T + b1)
        p = jax.nn.softmax(h @ W2.T + b2, axis=1)
        fingerprint = fingerprint + jnp.sum(p, axis=0, keepdims=True)
        feats = h
    return fingerprint

if __name__ == "__main__":
    import jax
    _d = setup_inputs()
    print(jax.jit(kernel)(*tuple(_d.values())))

</pallas_src>

<mosaic_0001>
#map = affine_map<(d0, d1) -> (0, 0)>
module attributes {stable_mosaic.version = 14 : i64} {
  func.func @_sc_agg_body(%arg0: i32, %arg1: i32, %arg2: memref<10000x128xf32, #tpu.memory_space<hbm>>, %arg3: memref<10000x128xf32, #tpu.memory_space<hbm>>, %arg4: memref<1280x125xi32, #tpu.memory_space<hbm>>, %arg5: memref<1280x125xi32, #tpu.memory_space<hbm>>, %arg6: memref<10000x128xf32, #tpu.memory_space<hbm>>, %arg7: memref<10000x128xf32, #tpu.memory_space<hbm>>, %arg8: memref<40x125xi32, #tpu.memory_space<vmem>>, %arg9: memref<40x125xi32, #tpu.memory_space<vmem>>, %arg10: memref<125x128xf32, #tpu.memory_space<vmem>>, %arg11: memref<125x128xf32, #tpu.memory_space<vmem>>, %arg12: memref<10000x128xf32, #tpu.memory_space<vmem_shared>>, %arg13: memref<!tpu.dma_semaphore, #tpu.memory_space<semaphore_mem>>, %arg14: memref<!tpu.dma_semaphore, #tpu.memory_space<semaphore_mem>>, %arg15: memref<!tpu.dma_semaphore, #tpu.memory_space<semaphore_mem>>) attributes {dimension_semantics = [#tpu.dimension_semantics<core_parallel>, #tpu.dimension_semantics<subcore_parallel>], iteration_bounds = array<i64: 2, 16>, scalar_prefetch = 0 : i64, scratch_operands = 8 : i64, tpu.core_type = #tpu.core_type<sc_vector_subcore>, window_params = [{transform_indices = #map}, {transform_indices = #map}, {transform_indices = #map}, {transform_indices = #map}, {transform_indices = #map}, {transform_indices = #map}]} {
    %mul3A = arith.constant 624 : i32
    %mul3A_0 = arith.muli %arg1, %mul3A : i32
    %multiple_of3A = tpu.assume_multiple %mul3A_0, 8 : i32
    %mul3A_1 = arith.constant 80 : i32
    %mul3A_2 = arith.muli %arg1, %mul3A_1 : i32
    %multiple_of3A_3 = tpu.assume_multiple %mul3A_2, 8 : i32
    "tpu.region"() ({
      %run_scoped3A = tpu.sem_alloc : memref<!tpu.dma_semaphore, #tpu.memory_space<semaphore_mem>>
      %dma_start3A = arith.constant 0 : i32
      %dma_start3A_41 = tpu.memref_slice %arg4[%multiple_of3A_3, %dma_start3A] : memref<1280x125xi32, #tpu.memory_space<hbm>> -> memref<40x125xi32, #tpu.memory_space<hbm>>
      %dma_start3A_42 = arith.constant 0 : i32
      %dma_start3A_43 = tpu.memref_slice %arg4[%multiple_of3A_3, %dma_start3A_42] : memref<1280x125xi32, #tpu.memory_space<hbm>> -> memref<40x125xi32, #tpu.memory_space<hbm>>
      tpu.enqueue_dma source(%dma_start3A_43 : memref<40x125xi32, #tpu.memory_space<hbm>>) target(%arg8 : memref<40x125xi32, #tpu.memory_space<vmem>>) target_semaphore(%run_scoped3A : memref<!tpu.dma_semaphore, #tpu.memory_space<semaphore_mem>>)
      %dma_wait3A = arith.constant 0 : i32
      %dma_wait3A_44 = tpu.memref_slice %arg4[%multiple_of3A_3, %dma_wait3A] : memref<1280x125xi32, #tpu.memory_space<hbm>> -> memref<40x125xi32, #tpu.memory_space<hbm>>
      %dma_wait3A_45 = arith.constant 0 : i32
      %dma_wait3A_46 = tpu.memref_slice %arg4[%multiple_of3A_3, %dma_wait3A_45] : memref<1280x125xi32, #tpu.memory_space<hbm>> -> memref<40x125xi32, #tpu.memory_space<hbm>>
      tpu.wait_dma2 semaphore(%run_scoped3A : memref<!tpu.dma_semaphore, #tpu.memory_space<semaphore_mem>>) src(%dma_wait3A_46 : memref<40x125xi32, #tpu.memory_space<hbm>>) dst(%arg8 : memref<40x125xi32, #tpu.memory_space<vmem>>)
      tpu.yield
    }) : () -> ()
    "tpu.region"() ({
      %run_scoped3A = tpu.sem_alloc : memref<!tpu.dma_semaphore, #tpu.memory_space<semaphore_mem>>
      %dma_start3A = arith.constant 0 : i32
      %dma_start3A_41 = tpu.memref_slice %arg5[%multiple_of3A_3, %dma_start3A] : memref<1280x125xi32, #tpu.memory_space<hbm>> -> memref<40x125xi32, #tpu.memory_space<hbm>>
      %dma_start3A_42 = arith.constant 0 : i32
      %dma_start3A_43 = tpu.memref_slice %arg5[%multiple_of3A_3, %dma_start3A_42] : memref<1280x125xi32, #tpu.memory_space<hbm>> -> memref<40x125xi32, #tpu.memory_space<hbm>>
      tpu.enqueue_dma source(%dma_start3A_43 : memref<40x125xi32, #tpu.memory_space<hbm>>) target(%arg9 : memref<40x125xi32, #tpu.memory_space<vmem>>) target_semaphore(%run_scoped3A : memref<!tpu.dma_semaphore, #tpu.memory_space<semaphore_mem>>)
      %dma_wait3A = arith.constant 0 : i32
      %dma_wait3A_44 = tpu.memref_slice %arg5[%multiple_of3A_3, %dma_wait3A] : memref<1280x125xi32, #tpu.memory_space<hbm>> -> memref<40x125xi32, #tpu.memory_space<hbm>>
      %dma_wait3A_45 = arith.constant 0 : i32
      %dma_wait3A_46 = tpu.memref_slice %arg5[%multiple_of3A_3, %dma_wait3A_45] : memref<1280x125xi32, #tpu.memory_space<hbm>> -> memref<40x125xi32, #tpu.memory_space<hbm>>
      tpu.wait_dma2 semaphore(%run_scoped3A : memref<!tpu.dma_semaphore, #tpu.memory_space<semaphore_mem>>) src(%dma_wait3A_46 : memref<40x125xi32, #tpu.memory_space<hbm>>) dst(%arg9 : memref<40x125xi32, #tpu.memory_space<vmem>>)
      tpu.yield
    }) : () -> ()
    %eq3A = arith.constant 0 : i32
    %eq3A_4 = arith.cmpi eq, %arg0, %eq3A : i32
    %convert_element_type3A = arith.extui %eq3A_4 : i1 to i32
    %cond3A = arith.constant 0 : i32
    %cond3A_5 = arith.cmpi ne, %convert_element_type3A, %cond3A : i32
    scf.if %cond3A_5 {
      %lt3A = arith.constant 15 : i32
      %lt3A_41 = arith.cmpi slt, %arg1, %lt3A : i32
      %convert_element_type3A_42 = arith.extui %lt3A_41 : i1 to i32
      %cond3A_43 = arith.constant 0 : i32
      %cond3A_44 = arith.cmpi ne, %convert_element_type3A_42, %cond3A_43 : i32
      scf.if %cond3A_44 {
        %dma_start3A_56 = arith.constant 0 : i32
        %dma_start3A_57 = tpu.memref_slice %arg12[%multiple_of3A, %dma_start3A_56] : memref<10000x128xf32, #tpu.memory_space<vmem_shared>> -> memref<624x128xf32, #tpu.memory_space<vmem_shared>>
        %dma_start3A_58 = arith.constant 0 : i32
        %dma_start3A_59 = tpu.memref_slice %arg2[%multiple_of3A, %dma_start3A_58] : memref<10000x128xf32, #tpu.memory_space<hbm>> -> memref<624x128xf32, #tpu.memory_space<hbm>>
        tpu.enqueue_dma source(%dma_start3A_59 : memref<624x128xf32, #tpu.memory_space<hbm>>) target(%dma_start3A_57 : memref<624x128xf32, #tpu.memory_space<vmem_shared>>) target_semaphore(%arg15 : memref<!tpu.dma_semaphore, #tpu.memory_space<semaphore_mem>>)
      } else {
      }
      %eq3A_45 = arith.constant 15 : i32
      %eq3A_46 = arith.cmpi eq, %arg1, %eq3A_45 : i32
      %convert_element_type3A_47 = arith.extui %eq3A_46 : i1 to i32
      %cond3A_48 = arith.constant 0 : i32
      %cond3A_49 = arith.cmpi ne, %convert_element_type3A_47, %cond3A_48 : i32
      scf.if %cond3A_49 {
        %dma_start3A_56 = arith.constant 9360 : i32
        %dma_start3A_57 = arith.constant 0 : i32
        %dma_start3A_58 = tpu.memref_slice %arg12[%dma_start3A_56, %dma_start3A_57] : memref<10000x128xf32, #tpu.memory_space<vmem_shared>> -> memref<640x128xf32, #tpu.memory_space<vmem_shared>>
        %dma_start3A_59 = arith.constant 9360 : i32
        %dma_start3A_60 = arith.constant 0 : i32
        %dma_start3A_61 = tpu.memref_slice %arg2[%dma_start3A_59, %dma_start3A_60] : memref<10000x128xf32, #tpu.memory_space<hbm>> -> memref<640x128xf32, #tpu.memory_space<hbm>>
        tpu.enqueue_dma source(%dma_start3A_61 : memref<640x128xf32, #tpu.memory_space<hbm>>) target(%dma_start3A_58 : memref<640x128xf32, #tpu.memory_space<vmem_shared>>) target_semaphore(%arg15 : memref<!tpu.dma_semaphore, #tpu.memory_space<semaphore_mem>>)
      } else {
      }
      %dma_start3A = arith.constant 0 : i32
      %dma_start3A_50 = arith.constant 0 : i32
      %dma_start3A_51 = tpu.memref_slice %arg8[%dma_start3A, %dma_start3A_50] : memref<40x125xi32, #tpu.memory_space<vmem>> -> memref<1x125xi32, #tpu.memory_space<vmem>>
      %dma_start3A_52 = tpu.memref_squeeze %dma_start3A_51 : memref<1x125xi32, #tpu.memory_space<vmem>> -> memref<125xi32, #tpu.memory_space<vmem>>
      %dma_start3A_53 = arith.constant 0 : i32
      %dma_start3A_54 = arith.constant 0 : i32
      %dma_start3A_55 = tpu.memref_slice %arg2[%dma_start3A_53, %dma_start3A_54] : memref<10000x128xf32, #tpu.memory_space<hbm>> -> memref<10000x128xf32, #tpu.memory_space<hbm>>
      tpu.enqueue_indirect_dma source(%dma_start3A_55 : memref<10000x128xf32, #tpu.memory_space<hbm>>) target(%arg10 : memref<125x128xf32, #tpu.memory_space<vmem>>) offsets(%dma_start3A_52 : memref<125xi32, #tpu.memory_space<vmem>>) semaphore(%arg13 : memref<!tpu.dma_semaphore, #tpu.memory_space<semaphore_mem>>)
    } else {
    }
    %ne3A = arith.constant 0 : i32
    %ne3A_6 = arith.cmpi ne, %arg0, %ne3A : i32
    %convert_element_type3A_7 = arith.extui %ne3A_6 : i1 to i32
    %cond3A_8 = arith.constant 0 : i32
    %cond3A_9 = arith.cmpi ne, %convert_element_type3A_7, %cond3A_8 : i32
    scf.if %cond3A_9 {
      %lt3A = arith.constant 15 : i32
      %lt3A_41 = arith.cmpi slt, %arg1, %lt3A : i32
      %convert_element_type3A_42 = arith.extui %lt3A_41 : i1 to i32
      %cond3A_43 = arith.constant 0 : i32
      %cond3A_44 = arith.cmpi ne, %convert_element_type3A_42, %cond3A_43 : i32
      scf.if %cond3A_44 {
        %dma_start3A_56 = arith.constant 0 : i32
        %dma_start3A_57 = tpu.memref_slice %arg12[%multiple_of3A, %dma_start3A_56] : memref<10000x128xf32, #tpu.memory_space<vmem_shared>> -> memref<624x128xf32, #tpu.memory_space<vmem_shared>>
        %dma_start3A_58 = arith.constant 0 : i32
        %dma_start3A_59 = tpu.memref_slice %arg3[%multiple_of3A, %dma_start3A_58] : memref<10000x128xf32, #tpu.memory_space<hbm>> -> memref<624x128xf32, #tpu.memory_space<hbm>>
        tpu.enqueue_dma source(%dma_start3A_59 : memref<624x128xf32, #tpu.memory_space<hbm>>) target(%dma_start3A_57 : memref<624x128xf32, #tpu.memory_space<vmem_shared>>) target_semaphore(%arg15 : memref<!tpu.dma_semaphore, #tpu.memory_space<semaphore_mem>>)
      } else {
      }
      %eq3A_45 = arith.constant 15 : i32
      %eq3A_46 = arith.cmpi eq, %arg1, %eq3A_45 : i32
      %convert_element_type3A_47 = arith.extui %eq3A_46 : i1 to i32
      %cond3A_48 = arith.constant 0 : i32
      %cond3A_49 = arith.cmpi ne, %convert_element_type3A_47, %cond3A_48 : i32
      scf.if %cond3A_49 {
        %dma_start3A_56 = arith.constant 9360 : i32
        %dma_start3A_57 = arith.constant 0 : i32
        %dma_start3A_58 = tpu.memref_slice %arg12[%dma_start3A_56, %dma_start3A_57] : memref<10000x128xf32, #tpu.memory_space<vmem_shared>> -> memref<640x128xf32, #tpu.memory_space<vmem_shared>>
        %dma_start3A_59 = arith.constant 9360 : i32
        %dma_start3A_60 = arith.constant 0 : i32
        %dma_start3A_61 = tpu.memref_slice %arg3[%dma_start3A_59, %dma_start3A_60] : memref<10000x128xf32, #tpu.memory_space<hbm>> -> memref<640x128xf32, #tpu.memory_space<hbm>>
        tpu.enqueue_dma source(%dma_start3A_61 : memref<640x128xf32, #tpu.memory_space<hbm>>) target(%dma_start3A_58 : memref<640x128xf32, #tpu.memory_space<vmem_shared>>) target_semaphore(%arg15 : memref<!tpu.dma_semaphore, #tpu.memory_space<semaphore_mem>>)
      } else {
      }
      %dma_start3A = arith.constant 0 : i32
      %dma_start3A_50 = arith.constant 0 : i32
      %dma_start3A_51 = tpu.memref_slice %arg8[%dma_start3A, %dma_start3A_50] : memref<40x125xi32, #tpu.memory_space<vmem>> -> memref<1x125xi32, #tpu.memory_space<vmem>>
      %dma_start3A_52 = tpu.memref_squeeze %dma_start3A_51 : memref<1x125xi32, #tpu.memory_space<vmem>> -> memref<125xi32, #tpu.memory_space<vmem>>
      %dma_start3A_53 = arith.constant 0 : i32
      %dma_start3A_54 = arith.constant 0 : i32
      %dma_start3A_55 = tpu.memref_slice %arg3[%dma_start3A_53, %dma_start3A_54] : memref<10000x128xf32, #tpu.memory_space<hbm>> -> memref<10000x128xf32, #tpu.memory_space<hbm>>
      tpu.enqueue_indirect_dma source(%dma_start3A_55 : memref<10000x128xf32, #tpu.memory_space<hbm>>) target(%arg10 : memref<125x128xf32, #tpu.memory_space<vmem>>) offsets(%dma_start3A_52 : memref<125xi32, #tpu.memory_space<vmem>>) semaphore(%arg13 : memref<!tpu.dma_semaphore, #tpu.memory_space<semaphore_mem>>)
    } else {
    }
    %eq3A_10 = arith.constant 0 : i32
    %eq3A_11 = arith.cmpi eq, %arg0, %eq3A_10 : i32
    %convert_element_type3A_12 = arith.extui %eq3A_11 : i1 to i32
    %cond3A_13 = arith.constant 0 : i32
    %cond3A_14 = arith.cmpi ne, %convert_element_type3A_12, %cond3A_13 : i32
    scf.if %cond3A_14 {
      %lt3A = arith.constant 15 : i32
      %lt3A_41 = arith.cmpi slt, %arg1, %lt3A : i32
      %convert_element_type3A_42 = arith.extui %lt3A_41 : i1 to i32
      %cond3A_43 = arith.constant 0 : i32
      %cond3A_44 = arith.cmpi ne, %convert_element_type3A_42, %cond3A_43 : i32
      scf.if %cond3A_44 {
        %dma_wait3A = arith.constant 0 : i32
        %dma_wait3A_50 = tpu.memref_slice %arg12[%multiple_of3A, %dma_wait3A] : memref<10000x128xf32, #tpu.memory_space<vmem_shared>> -> memref<624x128xf32, #tpu.memory_space<vmem_shared>>
        %dma_wait3A_51 = arith.constant 0 : i32
        %dma_wait3A_52 = tpu.memref_slice %arg2[%multiple_of3A, %dma_wait3A_51] : memref<10000x128xf32, #tpu.memory_space<hbm>> -> memref<624x128xf32, #tpu.memory_space<hbm>>
        tpu.wait_dma2 semaphore(%arg15 : memref<!tpu.dma_semaphore, #tpu.memory_space<semaphore_mem>>) src(%dma_wait3A_52 : memref<624x128xf32, #tpu.memory_space<hbm>>) dst(%dma_wait3A_50 : memref<624x128xf32, #tpu.memory_space<vmem_shared>>)
      } else {
      }
      %eq3A_45 = arith.constant 15 : i32
      %eq3A_46 = arith.cmpi eq, %arg1, %eq3A_45 : i32
      %convert_element_type3A_47 = arith.extui %eq3A_46 : i1 to i32
      %cond3A_48 = arith.constant 0 : i32
      %cond3A_49 = arith.cmpi ne, %convert_element_type3A_47, %cond3A_48 : i32
      scf.if %cond3A_49 {
        %dma_wait3A = arith.constant 9360 : i32
        %dma_wait3A_50 = arith.constant 0 : i32
        %dma_wait3A_51 = tpu.memref_slice %arg12[%dma_wait3A, %dma_wait3A_50] : memref<10000x128xf32, #tpu.memory_space<vmem_shared>> -> memref<640x128xf32, #tpu.memory_space<vmem_shared>>
        %dma_wait3A_52 = arith.constant 9360 : i32
        %dma_wait3A_53 = arith.constant 0 : i32
        %dma_wait3A_54 = tpu.memref_slice %arg2[%dma_wait3A_52, %dma_wait3A_53] : memref<10000x128xf32, #tpu.memory_space<hbm>> -> memref<640x128xf32, #tpu.memory_space<hbm>>
        tpu.wait_dma2 semaphore(%arg15 : memref<!tpu.dma_semaphore, #tpu.memory_space<semaphore_mem>>) src(%dma_wait3A_54 : memref<640x128xf32, #tpu.memory_space<hbm>>) dst(%dma_wait3A_51 : memref<640x128xf32, #tpu.memory_space<vmem_shared>>)
      } else {
      }
    } else {
    }
    %ne3A_15 = arith.constant 0 : i32
    %ne3A_16 = arith.cmpi ne, %arg0, %ne3A_15 : i32
    %convert_element_type3A_17 = arith.extui %ne3A_16 : i1 to i32
    %cond3A_18 = arith.constant 0 : i32
    %cond3A_19 = arith.cmpi ne, %convert_element_type3A_17, %cond3A_18 : i32
    scf.if %cond3A_19 {
      %lt3A = arith.constant 15 : i32
      %lt3A_41 = arith.cmpi slt, %arg1, %lt3A : i32
      %convert_element_type3A_42 = arith.extui %lt3A_41 : i1 to i32
      %cond3A_43 = arith.constant 0 : i32
      %cond3A_44 = arith.cmpi ne, %convert_element_type3A_42, %cond3A_43 : i32
      scf.if %cond3A_44 {
        %dma_wait3A = arith.constant 0 : i32
        %dma_wait3A_50 = tpu.memref_slice %arg12[%multiple_of3A, %dma_wait3A] : memref<10000x128xf32, #tpu.memory_space<vmem_shared>> -> memref<624x128xf32, #tpu.memory_space<vmem_shared>>
        %dma_wait3A_51 = arith.constant 0 : i32
        %dma_wait3A_52 = tpu.memref_slice %arg3[%multiple_of3A, %dma_wait3A_51] : memref<10000x128xf32, #tpu.memory_space<hbm>> -> memref<624x128xf32, #tpu.memory_space<hbm>>
        tpu.wait_dma2 semaphore(%arg15 : memref<!tpu.dma_semaphore, #tpu.memory_space<semaphore_mem>>) src(%dma_wait3A_52 : memref<624x128xf32, #tpu.memory_space<hbm>>) dst(%dma_wait3A_50 : memref<624x128xf32, #tpu.memory_space<vmem_shared>>)
      } else {
      }
      %eq3A_45 = arith.constant 15 : i32
      %eq3A_46 = arith.cmpi eq, %arg1, %eq3A_45 : i32
      %convert_element_type3A_47 = arith.extui %eq3A_46 : i1 to i32
      %cond3A_48 = arith.constant 0 : i32
      %cond3A_49 = arith.cmpi ne, %convert_element_type3A_47, %cond3A_48 : i32
      scf.if %cond3A_49 {
        %dma_wait3A = arith.constant 9360 : i32
        %dma_wait3A_50 = arith.constant 0 : i32
        %dma_wait3A_51 = tpu.memref_slice %arg12[%dma_wait3A, %dma_wait3A_50] : memref<10000x128xf32, #tpu.memory_space<vmem_shared>> -> memref<640x128xf32, #tpu.memory_space<vmem_shared>>
        %dma_wait3A_52 = arith.constant 9360 : i32
        %dma_wait3A_53 = arith.constant 0 : i32
        %dma_wait3A_54 = tpu.memref_slice %arg3[%dma_wait3A_52, %dma_wait3A_53] : memref<10000x128xf32, #tpu.memory_space<hbm>> -> memref<640x128xf32, #tpu.memory_space<hbm>>
        tpu.wait_dma2 semaphore(%arg15 : memref<!tpu.dma_semaphore, #tpu.memory_space<semaphore_mem>>) src(%dma_wait3A_54 : memref<640x128xf32, #tpu.memory_space<hbm>>) dst(%dma_wait3A_51 : memref<640x128xf32, #tpu.memory_space<vmem_shared>>)
      } else {
      }
    } else {
    }
    %barrier3A = arith.constant 0 : index
    tpu.barrier barrier_id(%barrier3A)
    %eq3A_20 = arith.constant 0 : i32
    %eq3A_21 = arith.cmpi eq, %arg0, %eq3A_20 : i32
    %convert_element_type3A_22 = arith.extui %eq3A_21 : i1 to i32
    %cond3A_23 = arith.constant 0 : i32
    %cond3A_24 = arith.cmpi ne, %convert_element_type3A_22, %cond3A_23 : i32
    scf.if %cond3A_24 {
      %scan3A = arith.constant 0 : i32
      %scan3A_41 = arith.constant 0 : i32
      %scan3A_42 = arith.constant 20 : i32
      %scan3A_43 = arith.addi %scan3A_41, %scan3A_42 : i32
      %scan3A_44 = arith.constant 1 : i32
      scf.for %scan3A_62 = %scan3A_41 to %scan3A_43 step %scan3A_44  : i32 {
        %mul3A_63 = arith.constant 2 : i32
        %mul3A_64 = arith.muli %mul3A_63, %scan3A_62 : i32
        %add3A_65 = arith.constant 1 : i32
        %add3A_66 = arith.addi %mul3A_64, %add3A_65 : i32
        %dma_start3A_67 = arith.constant 0 : i32
        %dma_start3A_68 = tpu.memref_slice %arg8[%add3A_66, %dma_start3A_67] : memref<40x125xi32, #tpu.memory_space<vmem>> -> memref<1x125xi32, #tpu.memory_space<vmem>>
        %dma_start3A_69 = tpu.memref_squeeze %dma_start3A_68 : memref<1x125xi32, #tpu.memory_space<vmem>> -> memref<125xi32, #tpu.memory_space<vmem>>
        %dma_start3A_70 = arith.constant 0 : i32
        %dma_start3A_71 = arith.constant 0 : i32
        %dma_start3A_72 = tpu.memref_slice %arg2[%dma_start3A_70, %dma_start3A_71] : memref<10000x128xf32, #tpu.memory_space<hbm>> -> memref<10000x128xf32, #tpu.memory_space<hbm>>
        tpu.enqueue_indirect_dma source(%dma_start3A_72 : memref<10000x128xf32, #tpu.memory_space<hbm>>) target(%arg11 : memref<125x128xf32, #tpu.memory_space<vmem>>) offsets(%dma_start3A_69 : memref<125xi32, #tpu.memory_space<vmem>>) semaphore(%arg14 : memref<!tpu.dma_semaphore, #tpu.memory_space<semaphore_mem>>)
        %dma_wait3A = arith.constant 0 : i32
        %dma_wait3A_73 = arith.constant 0 : i32
        %dma_wait3A_74 = tpu.memref_slice %arg8[%dma_wait3A, %dma_wait3A_73] : memref<40x125xi32, #tpu.memory_space<vmem>> -> memref<1x125xi32, #tpu.memory_space<vmem>>
        %dma_wait3A_75 = tpu.memref_squeeze %dma_wait3A_74 : memref<1x125xi32, #tpu.memory_space<vmem>> -> memref<125xi32, #tpu.memory_space<vmem>>
        %dma_wait3A_76 = arith.constant 0 : i32
        %dma_wait3A_77 = arith.constant 0 : i32
        %dma_wait3A_78 = tpu.memref_slice %arg2[%dma_wait3A_76, %dma_wait3A_77] : memref<10000x128xf32, #tpu.memory_space<hbm>> -> memref<10000x128xf32, #tpu.memory_space<hbm>>
        tpu.wait_indirect_dma semaphore(%arg13 : memref<!tpu.dma_semaphore, #tpu.memory_space<semaphore_mem>>) src(%dma_wait3A_78 : memref<10000x128xf32, #tpu.memory_space<hbm>>) dst(%arg10 : memref<125x128xf32, #tpu.memory_space<vmem>>)
        "tpu.region"() ({
          %run_scoped3A = tpu.sem_alloc : memref<!tpu.dma_semaphore, #tpu.memory_space<semaphore_mem>>
          %dma_start3A_94 = arith.constant 0 : i32
          %dma_start3A_95 = tpu.memref_slice %arg9[%mul3A_64, %dma_start3A_94] : memref<40x125xi32, #tpu.memory_space<vmem>> -> memref<1x125xi32, #tpu.memory_space<vmem>>
          %dma_start3A_96 = tpu.memref_squeeze %dma_start3A_95 : memref<1x125xi32, #tpu.memory_space<vmem>> -> memref<125xi32, #tpu.memory_space<vmem>>
          %dma_start3A_97 = arith.constant 0 : i32
          %dma_start3A_98 = arith.constant 0 : i32
          %dma_start3A_99 = tpu.memref_slice %arg12[%dma_start3A_97, %dma_start3A_98] : memref<10000x128xf32, #tpu.memory_space<vmem_shared>> -> memref<10000x128xf32, #tpu.memory_space<vmem_shared>>
          tpu.enqueue_indirect_dma source(%arg10 : memref<125x128xf32, #tpu.memory_space<vmem>>) target(%dma_start3A_99 : memref<10000x128xf32, #tpu.memory_space<vmem_shared>>) offsets(%dma_start3A_96 : memref<125xi32, #tpu.memory_space<vmem>>) semaphore(%run_scoped3A : memref<!tpu.dma_semaphore, #tpu.memory_space<semaphore_mem>>) {add = true}
          %dma_wait3A_100 = arith.constant 0 : i32
          %dma_wait3A_101 = tpu.memref_slice %arg9[%mul3A_64, %dma_wait3A_100] : memref<40x125xi32, #tpu.memory_space<vmem>> -> memref<1x125xi32, #tpu.memory_space<vmem>>
          %dma_wait3A_102 = tpu.memref_squeeze %dma_wait3A_101 : memref<1x125xi32, #tpu.memory_space<vmem>> -> memref<125xi32, #tpu.memory_space<vmem>>
          %dma_wait3A_103 = arith.constant 0 : i32
          %dma_wait3A_104 = arith.constant 0 : i32
          %dma_wait3A_105 = tpu.memref_slice %arg12[%dma_wait3A_103, %dma_wait3A_104] : memref<10000x128xf32, #tpu.memory_space<vmem_shared>> -> memref<10000x128xf32, #tpu.memory_space<vmem_shared>>
          tpu.wait_indirect_dma semaphore(%run_scoped3A : memref<!tpu.dma_semaphore, #tpu.memory_space<semaphore_mem>>) src(%arg10 : memref<125x128xf32, #tpu.memory_space<vmem>>) dst(%dma_wait3A_105 : memref<10000x128xf32, #tpu.memory_space<vmem_shared>>)
          tpu.yield
        }) : () -> ()
        %add3A_79 = arith.constant 1 : i32
        %add3A_80 = arith.addi %scan3A_62, %add3A_79 : i32
        %lt3A = arith.constant 20 : i32
        %lt3A_81 = arith.cmpi slt, %add3A_80, %lt3A : i32
        %convert_element_type3A_82 = arith.extui %lt3A_81 : i1 to i32
        %cond3A_83 = arith.constant 0 : i32
        %cond3A_84 = arith.cmpi ne, %convert_element_type3A_82, %cond3A_83 : i32
        scf.if %cond3A_84 {
          %add3A_94 = arith.constant 2 : i32
          %add3A_95 = arith.addi %mul3A_64, %add3A_94 : i32
          %dma_start3A_96 = arith.constant 0 : i32
          %dma_start3A_97 = tpu.memref_slice %arg8[%add3A_95, %dma_start3A_96] : memref<40x125xi32, #tpu.memory_space<vmem>> -> memref<1x125xi32, #tpu.memory_space<vmem>>
          %dma_start3A_98 = tpu.memref_squeeze %dma_start3A_97 : memref<1x125xi32, #tpu.memory_space<vmem>> -> memref<125xi32, #tpu.memory_space<vmem>>
          %dma_start3A_99 = arith.constant 0 : i32
          %dma_start3A_100 = arith.constant 0 : i32
          %dma_start3A_101 = tpu.memref_slice %arg2[%dma_start3A_99, %dma_start3A_100] : memref<10000x128xf32, #tpu.memory_space<hbm>> -> memref<10000x128xf32, #tpu.memory_space<hbm>>
          tpu.enqueue_indirect_dma source(%dma_start3A_101 : memref<10000x128xf32, #tpu.memory_space<hbm>>) target(%arg10 : memref<125x128xf32, #tpu.memory_space<vmem>>) offsets(%dma_start3A_98 : memref<125xi32, #tpu.memory_space<vmem>>) semaphore(%arg13 : memref<!tpu.dma_semaphore, #tpu.memory_space<semaphore_mem>>)
        } else {
        }
        %dma_wait3A_85 = arith.constant 0 : i32
        %dma_wait3A_86 = arith.constant 0 : i32
        %dma_wait3A_87 = tpu.memref_slice %arg8[%dma_wait3A_85, %dma_wait3A_86] : memref<40x125xi32, #tpu.memory_space<vmem>> -> memref<1x125xi32, #tpu.memory_space<vmem>>
        %dma_wait3A_88 = tpu.memref_squeeze %dma_wait3A_87 : memref<1x125xi32, #tpu.memory_space<vmem>> -> memref<125xi32, #tpu.memory_space<vmem>>
        %dma_wait3A_89 = arith.constant 0 : i32
        %dma_wait3A_90 = arith.constant 0 : i32
        %dma_wait3A_91 = tpu.memref_slice %arg2[%dma_wait3A_89, %dma_wait3A_90] : memref<10000x128xf32, #tpu.memory_space<hbm>> -> memref<10000x128xf32, #tpu.memory_space<hbm>>
        tpu.wait_indirect_dma semaphore(%arg14 : memref<!tpu.dma_semaphore, #tpu.memory_space<semaphore_mem>>) src(%dma_wait3A_91 : memref<10000x128xf32, #tpu.memory_space<hbm>>) dst(%arg11 : memref<125x128xf32, #tpu.memory_space<vmem>>)
        %add3A_92 = arith.constant 1 : i32
        %add3A_93 = arith.addi %mul3A_64, %add3A_92 : i32
        "tpu.region"() ({
          %run_scoped3A = tpu.sem_alloc : memref<!tpu.dma_semaphore, #tpu.memory_space<semaphore_mem>>
          %dma_start3A_94 = arith.constant 0 : i32
          %dma_start3A_95 = tpu.memref_slice %arg9[%add3A_93, %dma_start3A_94] : memref<40x125xi32, #tpu.memory_space<vmem>> -> memref<1x125xi32, #tpu.memory_space<vmem>>
          %dma_start3A_96 = tpu.memref_squeeze %dma_start3A_95 : memref<1x125xi32, #tpu.memory_space<vmem>> -> memref<125xi32, #tpu.memory_space<vmem>>
          %dma_start3A_97 = arith.constant 0 : i32
          %dma_start3A_98 = arith.constant 0 : i32
          %dma_start3A_99 = tpu.memref_slice %arg12[%dma_start3A_97, %dma_start3A_98] : memref<10000x128xf32, #tpu.memory_space<vmem_shared>> -> memref<10000x128xf32, #tpu.memory_space<vmem_shared>>
          tpu.enqueue_indirect_dma source(%arg11 : memref<125x128xf32, #tpu.memory_space<vmem>>) target(%dma_start3A_99 : memref<10000x128xf32, #tpu.memory_space<vmem_shared>>) offsets(%dma_start3A_96 : memref<125xi32, #tpu.memory_space<vmem>>) semaphore(%run_scoped3A : memref<!tpu.dma_semaphore, #tpu.memory_space<semaphore_mem>>) {add = true}
          %dma_wait3A_100 = arith.constant 0 : i32
          %dma_wait3A_101 = tpu.memref_slice %arg9[%add3A_93, %dma_wait3A_100] : memref<40x125xi32, #tpu.memory_space<vmem>> -> memref<1x125xi32, #tpu.memory_space<vmem>>
          %dma_wait3A_102 = tpu.memref_squeeze %dma_wait3A_101 : memref<1x125xi32, #tpu.memory_space<vmem>> -> memref<125xi32, #tpu.memory_space<vmem>>
          %dma_wait3A_103 = arith.constant 0 : i32
          %dma_wait3A_104 = arith.constant 0 : i32
          %dma_wait3A_105 = tpu.memref_slice %arg12[%dma_wait3A_103, %dma_wait3A_104] : memref<10000x128xf32, #tpu.memory_space<vmem_shared>> -> memref<10000x128xf32, #tpu.memory_space<vmem_shared>>
          tpu.wait_indirect_dma semaphore(%run_scoped3A : memref<!tpu.dma_semaphore, #tpu.memory_space<semaphore_mem>>) src(%arg11 : memref<125x128xf32, #tpu.memory_space<vmem>>) dst(%dma_wait3A_105 : memref<10000x128xf32, #tpu.memory_space<vmem_shared>>)
          tpu.yield
        }) : () -> ()
      }
      %scan3A_45 = arith.constant 20 : i32
      %mul3A_46 = arith.constant 80 : i32
      %mul3A_47 = arith.muli %arg1, %mul3A_46 : i32
      %add3A = arith.constant 40 : i32
      %add3A_48 = arith.addi %mul3A_47, %add3A : i32
      %multiple_of3A_49 = tpu.assume_multiple %add3A_48, 8 : i32
      "tpu.region"() ({
        %run_scoped3A = tpu.sem_alloc : memref<!tpu.dma_semaphore, #tpu.memory_space<semaphore_mem>>
        %dma_start3A_62 = arith.constant 0 : i32
        %dma_start3A_63 = tpu.memref_slice %arg4[%multiple_of3A_49, %dma_start3A_62] : memref<1280x125xi32, #tpu.memory_space<hbm>> -> memref<40x125xi32, #tpu.memory_space<hbm>>
        %dma_start3A_64 = arith.constant 0 : i32
        %dma_start3A_65 = tpu.memref_slice %arg4[%multiple_of3A_49, %dma_start3A_64] : memref<1280x125xi32, #tpu.memory_space<hbm>> -> memref<40x125xi32, #tpu.memory_space<hbm>>
        tpu.enqueue_dma source(%dma_start3A_65 : memref<40x125xi32, #tpu.memory_space<hbm>>) target(%arg8 : memref<40x125xi32, #tpu.memory_space<vmem>>) target_semaphore(%run_scoped3A : memref<!tpu.dma_semaphore, #tpu.memory_space<semaphore_mem>>)
        %dma_wait3A = arith.constant 0 : i32
        %dma_wait3A_66 = tpu.memref_slice %arg4[%multiple_of3A_49, %dma_wait3A] : memref<1280x125xi32, #tpu.memory_space<hbm>> -> memref<40x125xi32, #tpu.memory_space<hbm>>
        %dma_wait3A_67 = arith.constant 0 : i32
        %dma_wait3A_68 = tpu.memref_slice %arg4[%multiple_of3A_49, %dma_wait3A_67] : memref<1280x125xi32, #tpu.memory_space<hbm>> -> memref<40x125xi32, #tpu.memory_space<hbm>>
        tpu.wait_dma2 semaphore(%run_scoped3A : memref<!tpu.dma_semaphore, #tpu.memory_space<semaphore_mem>>) src(%dma_wait3A_68 : memref<40x125xi32, #tpu.memory_space<hbm>>) dst(%arg8 : memref<40x125xi32, #tpu.memory_space<vmem>>)
        tpu.yield
      }) : () -> ()
      "tpu.region"() ({
        %run_scoped3A = tpu.sem_alloc : memref<!tpu.dma_semaphore, #tpu.memory_space<semaphore_mem>>
        %dma_start3A_62 = arith.constant 0 : i32
        %dma_start3A_63 = tpu.memref_slice %arg5[%multiple_of3A_49, %dma_start3A_62] : memref<1280x125xi32, #tpu.memory_space<hbm>> -> memref<40x125xi32, #tpu.memory_space<hbm>>
        %dma_start3A_64 = arith.constant 0 : i32
        %dma_start3A_65 = tpu.memref_slice %arg5[%multiple_of3A_49, %dma_start3A_64] : memref<1280x125xi32, #tpu.memory_space<hbm>> -> memref<40x125xi32, #tpu.memory_space<hbm>>
        tpu.enqueue_dma source(%dma_start3A_65 : memref<40x125xi32, #tpu.memory_space<hbm>>) target(%arg9 : memref<40x125xi32, #tpu.memory_space<vmem>>) target_semaphore(%run_scoped3A : memref<!tpu.dma_semaphore, #tpu.memory_space<semaphore_mem>>)
        %dma_wait3A = arith.constant 0 : i32
        %dma_wait3A_66 = tpu.memref_slice %arg5[%multiple_of3A_49, %dma_wait3A] : memref<1280x125xi32, #tpu.memory_space<hbm>> -> memref<40x125xi32, #tpu.memory_space<hbm>>
        %dma_wait3A_67 = arith.constant 0 : i32
        %dma_wait3A_68 = tpu.memref_slice %arg5[%multiple_of3A_49, %dma_wait3A_67] : memref<1280x125xi32, #tpu.memory_space<hbm>> -> memref<40x125xi32, #tpu.memory_space<hbm>>
        tpu.wait_dma2 semaphore(%run_scoped3A : memref<!tpu.dma_semaphore, #tpu.memory_space<semaphore_mem>>) src(%dma_wait3A_68 : memref<40x125xi32, #tpu.memory_space<hbm>>) dst(%arg9 : memref<40x125xi32, #tpu.memory_space<vmem>>)
        tpu.yield
      }) : () -> ()
      %dma_start3A = arith.constant 0 : i32
      %dma_start3A_50 = arith.constant 0 : i32
      %dma_start3A_51 = tpu.memref_slice %arg8[%dma_start3A, %dma_start3A_50] : memref<40x125xi32, #tpu.memory_space<vmem>> -> memref<1x125xi32, #tpu.memory_space<vmem>>
      %dma_start3A_52 = tpu.memref_squeeze %dma_start3A_51 : memref<1x125xi32, #tpu.memory_space<vmem>> -> memref<125xi32, #tpu.memory_space<vmem>>
      %dma_start3A_53 = arith.constant 0 : i32
      %dma_start3A_54 = arith.constant 0 : i32
      %dma_start3A_55 = tpu.memref_slice %arg2[%dma_start3A_53, %dma_start3A_54] : memref<10000x128xf32, #tpu.memory_space<hbm>> -> memref<10000x128xf32, #tpu.memory_space<hbm>>
      tpu.enqueue_indirect_dma source(%dma_start3A_55 : memref<10000x128xf32, #tpu.memory_space<hbm>>) target(%arg10 : memref<125x128xf32, #tpu.memory_space<vmem>>) offsets(%dma_start3A_52 : memref<125xi32, #tpu.memory_space<vmem>>) semaphore(%arg13 : memref<!tpu.dma_semaphore, #tpu.memory_space<semaphore_mem>>)
      %scan3A_56 = arith.constant 0 : i32
      %scan3A_57 = arith.constant 0 : i32
      %scan3A_58 = arith.constant 20 : i32
      %scan3A_59 = arith.addi %scan3A_57, %scan3A_58 : i32
      %scan3A_60 = arith.constant 1 : i32
      scf.for %scan3A_62 = %scan3A_57 to %scan3A_59 step %scan3A_60  : i32 {
        %mul3A_63 = arith.constant 2 : i32
        %mul3A_64 = arith.muli %mul3A_63, %scan3A_62 : i32
        %add3A_65 = arith.constant 1 : i32
        %add3A_66 = arith.addi %mul3A_64, %add3A_65 : i32
        %dma_start3A_67 = arith.constant 0 : i32
        %dma_start3A_68 = tpu.memref_slice %arg8[%add3A_66, %dma_start3A_67] : memref<40x125xi32, #tpu.memory_space<vmem>> -> memref<1x125xi32, #tpu.memory_space<vmem>>
        %dma_start3A_69 = tpu.memref_squeeze %dma_start3A_68 : memref<1x125xi32, #tpu.memory_space<vmem>> -> memref<125xi32, #tpu.memory_space<vmem>>
        %dma_start3A_70 = arith.constant 0 : i32
        %dma_start3A_71 = arith.constant 0 : i32
        %dma_start3A_72 = tpu.memref_slice %arg2[%dma_start3A_70, %dma_start3A_71] : memref<10000x128xf32, #tpu.memory_space<hbm>> -> memref<10000x128xf32, #tpu.memory_space<hbm>>
        tpu.enqueue_indirect_dma source(%dma_start3A_72 : memref<10000x128xf32, #tpu.memory_space<hbm>>) target(%arg11 : memref<125x128xf32, #tpu.memory_space<vmem>>) offsets(%dma_start3A_69 : memref<125xi32, #tpu.memory_space<vmem>>) semaphore(%arg14 : memref<!tpu.dma_semaphore, #tpu.memory_space<semaphore_mem>>)
        %dma_wait3A = arith.constant 0 : i32
        %dma_wait3A_73 = arith.constant 0 : i32
        %dma_wait3A_74 = tpu.memref_slice %arg8[%dma_wait3A, %dma_wait3A_73] : memref<40x125xi32, #tpu.memory_space<vmem>> -> memref<1x125xi32, #tpu.memory_space<vmem>>
        %dma_wait3A_75 = tpu.memref_squeeze %dma_wait3A_74 : memref<1x125xi32, #tpu.memory_space<vmem>> -> memref<125xi32, #tpu.memory_space<vmem>>
        %dma_wait3A_76 = arith.constant 0 : i32
        %dma_wait3A_77 = arith.constant 0 : i32
        %dma_wait3A_78 = tpu.memref_slice %arg2[%dma_wait3A_76, %dma_wait3A_77] : memref<10000x128xf32, #tpu.memory_space<hbm>> -> memref<10000x128xf32, #tpu.memory_space<hbm>>
        tpu.wait_indirect_dma semaphore(%arg13 : memref<!tpu.dma_semaphore, #tpu.memory_space<semaphore_mem>>) src(%dma_wait3A_78 : memref<10000x128xf32, #tpu.memory_space<hbm>>) dst(%arg10 : memref<125x128xf32, #tpu.memory_space<vmem>>)
        "tpu.region"() ({
          %run_scoped3A = tpu.sem_alloc : memref<!tpu.dma_semaphore, #tpu.memory_space<semaphore_mem>>
          %dma_start3A_94 = arith.constant 0 : i32
          %dma_start3A_95 = tpu.memref_slice %arg9[%mul3A_64, %dma_start3A_94] : memref<40x125xi32, #tpu.memory_space<vmem>> -> memref<1x125xi32, #tpu.memory_space<vmem>>
          %dma_start3A_96 = tpu.memref_squeeze %dma_start3A_95 : memref<1x125xi32, #tpu.memory_space<vmem>> -> memref<125xi32, #tpu.memory_space<vmem>>
          %dma_start3A_97 = arith.constant 0 : i32
          %dma_start3A_98 = arith.constant 0 : i32
          %dma_start3A_99 = tpu.memref_slice %arg12[%dma_start3A_97, %dma_start3A_98] : memref<10000x128xf32, #tpu.memory_space<vmem_shared>> -> memref<10000x128xf32, #tpu.memory_space<vmem_shared>>
          tpu.enqueue_indirect_dma source(%arg10 : memref<125x128xf32, #tpu.memory_space<vmem>>) target(%dma_start3A_99 : memref<10000x128xf32, #tpu.memory_space<vmem_shared>>) offsets(%dma_start3A_96 : memref<125xi32, #tpu.memory_space<vmem>>) semaphore(%run_scoped3A : memref<!tpu.dma_semaphore, #tpu.memory_space<semaphore_mem>>) {add = true}
          %dma_wait3A_100 = arith.constant 0 : i32
          %dma_wait3A_101 = tpu.memref_slice %arg9[%mul3A_64, %dma_wait3A_100] : memref<40x125xi32, #tpu.memory_space<vmem>> -> memref<1x125xi32, #tpu.memory_space<vmem>>
          %dma_wait3A_102 = tpu.memref_squeeze %dma_wait3A_101 : memref<1x125xi32, #tpu.memory_space<vmem>> -> memref<125xi32, #tpu.memory_space<vmem>>
          %dma_wait3A_103 = arith.constant 0 : i32
          %dma_wait3A_104 = arith.constant 0 : i32
          %dma_wait3A_105 = tpu.memref_slice %arg12[%dma_wait3A_103, %dma_wait3A_104] : memref<10000x128xf32, #tpu.memory_space<vmem_shared>> -> memref<10000x128xf32, #tpu.memory_space<vmem_shared>>
          tpu.wait_indirect_dma semaphore(%run_scoped3A : memref<!tpu.dma_semaphore, #tpu.memory_space<semaphore_mem>>) src(%arg10 : memref<125x128xf32, #tpu.memory_space<vmem>>) dst(%dma_wait3A_105 : memref<10000x128xf32, #tpu.memory_space<vmem_shared>>)
          tpu.yield
        }) : () -> ()
        %add3A_79 = arith.constant 1 : i32
        %add3A_80 = arith.addi %scan3A_62, %add3A_79 : i32
        %lt3A = arith.constant 20 : i32
        %lt3A_81 = arith.cmpi slt, %add3A_80, %lt3A : i32
        %convert_element_type3A_82 = arith.extui %lt3A_81 : i1 to i32
        %cond3A_83 = arith.constant 0 : i32
        %cond3A_84 = arith.cmpi ne, %convert_element_type3A_82, %cond3A_83 : i32
        scf.if %cond3A_84 {
          %add3A_94 = arith.constant 2 : i32
          %add3A_95 = arith.addi %mul3A_64, %add3A_94 : i32
          %dma_start3A_96 = arith.constant 0 : i32
          %dma_start3A_97 = tpu.memref_slice %arg8[%add3A_95, %dma_start3A_96] : memref<40x125xi32, #tpu.memory_space<vmem>> -> memref<1x125xi32, #tpu.memory_space<vmem>>
          %dma_start3A_98 = tpu.memref_squeeze %dma_start3A_97 : memref<1x125xi32, #tpu.memory_space<vmem>> -> memref<125xi32, #tpu.memory_space<vmem>>
          %dma_start3A_99 = arith.constant 0 : i32
          %dma_start3A_100 = arith.constant 0 : i32
          %dma_start3A_101 = tpu.memref_slice %arg2[%dma_start3A_99, %dma_start3A_100] : memref<10000x128xf32, #tpu.memory_space<hbm>> -> memref<10000x128xf32, #tpu.memory_space<hbm>>
          tpu.enqueue_indirect_dma source(%dma_start3A_101 : memref<10000x128xf32, #tpu.memory_space<hbm>>) target(%arg10 : memref<125x128xf32, #tpu.memory_space<vmem>>) offsets(%dma_start3A_98 : memref<125xi32, #tpu.memory_space<vmem>>) semaphore(%arg13 : memref<!tpu.dma_semaphore, #tpu.memory_space<semaphore_mem>>)
        } else {
        }
        %dma_wait3A_85 = arith.constant 0 : i32
        %dma_wait3A_86 = arith.constant 0 : i32
        %dma_wait3A_87 = tpu.memref_slice %arg8[%dma_wait3A_85, %dma_wait3A_86] : memref<40x125xi32, #tpu.memory_space<vmem>> -> memref<1x125xi32, #tpu.memory_space<vmem>>
        %dma_wait3A_88 = tpu.memref_squeeze %dma_wait3A_87 : memref<1x125xi32, #tpu.memory_space<vmem>> -> memref<125xi32, #tpu.memory_space<vmem>>
        %dma_wait3A_89 = arith.constant 0 : i32
        %dma_wait3A_90 = arith.constant 0 : i32
        %dma_wait3A_91 = tpu.memref_slice %arg2[%dma_wait3A_89, %dma_wait3A_90] : memref<10000x128xf32, #tpu.memory_space<hbm>> -> memref<10000x128xf32, #tpu.memory_space<hbm>>
        tpu.wait_indirect_dma semaphore(%arg14 : memref<!tpu.dma_semaphore, #tpu.memory_space<semaphore_mem>>) src(%dma_wait3A_91 : memref<10000x128xf32, #tpu.memory_space<hbm>>) dst(%arg11 : memref<125x128xf32, #tpu.memory_space<vmem>>)
        %add3A_92 = arith.constant 1 : i32
        %add3A_93 = arith.addi %mul3A_64, %add3A_92 : i32
        "tpu.region"() ({
          %run_scoped3A = tpu.sem_alloc : memref<!tpu.dma_semaphore, #tpu.memory_space<semaphore_mem>>
          %dma_start3A_94 = arith.constant 0 : i32
          %dma_start3A_95 = tpu.memref_slice %arg9[%add3A_93, %dma_start3A_94] : memref<40x125xi32, #tpu.memory_space<vmem>> -> memref<1x125xi32, #tpu.memory_space<vmem>>
          %dma_start3A_96 = tpu.memref_squeeze %dma_start3A_95 : memref<1x125xi32, #tpu.memory_space<vmem>> -> memref<125xi32, #tpu.memory_space<vmem>>
          %dma_start3A_97 = arith.constant 0 : i32
          %dma_start3A_98 = arith.constant 0 : i32
          %dma_start3A_99 = tpu.memref_slice %arg12[%dma_start3A_97, %dma_start3A_98] : memref<10000x128xf32, #tpu.memory_space<vmem_shared>> -> memref<10000x128xf32, #tpu.memory_space<vmem_shared>>
          tpu.enqueue_indirect_dma source(%arg11 : memref<125x128xf32, #tpu.memory_space<vmem>>) target(%dma_start3A_99 : memref<10000x128xf32, #tpu.memory_space<vmem_shared>>) offsets(%dma_start3A_96 : memref<125xi32, #tpu.memory_space<vmem>>) semaphore(%run_scoped3A : memref<!tpu.dma_semaphore, #tpu.memory_space<semaphore_mem>>) {add = true}
          %dma_wait3A_100 = arith.constant 0 : i32
          %dma_wait3A_101 = tpu.memref_slice %arg9[%add3A_93, %dma_wait3A_100] : memref<40x125xi32, #tpu.memory_space<vmem>> -> memref<1x125xi32, #tpu.memory_space<vmem>>
          %dma_wait3A_102 = tpu.memref_squeeze %dma_wait3A_101 : memref<1x125xi32, #tpu.memory_space<vmem>> -> memref<125xi32, #tpu.memory_space<vmem>>
          %dma_wait3A_103 = arith.constant 0 : i32
          %dma_wait3A_104 = arith.constant 0 : i32
          %dma_wait3A_105 = tpu.memref_slice %arg12[%dma_wait3A_103, %dma_wait3A_104] : memref<10000x128xf32, #tpu.memory_space<vmem_shared>> -> memref<10000x128xf32, #tpu.memory_space<vmem_shared>>
          tpu.wait_indirect_dma semaphore(%run_scoped3A : memref<!tpu.dma_semaphore, #tpu.memory_space<semaphore_mem>>) src(%arg11 : memref<125x128xf32, #tpu.memory_space<vmem>>) dst(%dma_wait3A_105 : memref<10000x128xf32, #tpu.memory_space<vmem_shared>>)
          tpu.yield
        }) : () -> ()
      }
      %scan3A_61 = arith.constant 20 : i32
    } else {
    }
    %ne3A_25 = arith.constant 0 : i32
    %ne3A_26 = arith.cmpi ne, %arg0, %ne3A_25 : i32
    %convert_element_type3A_27 = arith.extui %ne3A_26 : i1 to i32
    %cond3A_28 = arith.constant 0 : i32
    %cond3A_29 = arith.cmpi ne, %convert_element_type3A_27, %cond3A_28 : i32
    scf.if %cond3A_29 {
      %scan3A = arith.constant 0 : i32
      %scan3A_41 = arith.constant 0 : i32
      %scan3A_42 = arith.constant 20 : i32
      %scan3A_43 = arith.addi %scan3A_41, %scan3A_42 : i32
      %scan3A_44 = arith.constant 1 : i32
      scf.for %scan3A_62 = %scan3A_41 to %scan3A_43 step %scan3A_44  : i32 {
        %mul3A_63 = arith.constant 2 : i32
        %mul3A_64 = arith.muli %mul3A_63, %scan3A_62 : i32
        %add3A_65 = arith.constant 1 : i32
        %add3A_66 = arith.addi %mul3A_64, %add3A_65 : i32
        %dma_start3A_67 = arith.constant 0 : i32
        %dma_start3A_68 = tpu.memref_slice %arg8[%add3A_66, %dma_start3A_67] : memref<40x125xi32, #tpu.memory_space<vmem>> -> memref<1x125xi32, #tpu.memory_space<vmem>>
        %dma_start3A_69 = tpu.memref_squeeze %dma_start3A_68 : memref<1x125xi32, #tpu.memory_space<vmem>> -> memref<125xi32, #tpu.memory_space<vmem>>
        %dma_start3A_70 = arith.constant 0 : i32
        %dma_start3A_71 = arith.constant 0 : i32
        %dma_start3A_72 = tpu.memref_slice %arg3[%dma_start3A_70, %dma_start3A_71] : memref<10000x128xf32, #tpu.memory_space<hbm>> -> memref<10000x128xf32, #tpu.memory_space<hbm>>
        tpu.enqueue_indirect_dma source(%dma_start3A_72 : memref<10000x128xf32, #tpu.memory_space<hbm>>) target(%arg11 : memref<125x128xf32, #tpu.memory_space<vmem>>) offsets(%dma_start3A_69 : memref<125xi32, #tpu.memory_space<vmem>>) semaphore(%arg14 : memref<!tpu.dma_semaphore, #tpu.memory_space<semaphore_mem>>)
        %dma_wait3A = arith.constant 0 : i32
        %dma_wait3A_73 = arith.constant 0 : i32
        %dma_wait3A_74 = tpu.memref_slice %arg8[%dma_wait3A, %dma_wait3A_73] : memref<40x125xi32, #tpu.memory_space<vmem>> -> memref<1x125xi32, #tpu.memory_space<vmem>>
        %dma_wait3A_75 = tpu.memref_squeeze %dma_wait3A_74 : memref<1x125xi32, #tpu.memory_space<vmem>> -> memref<125xi32, #tpu.memory_space<vmem>>
        %dma_wait3A_76 = arith.constant 0 : i32
        %dma_wait3A_77 = arith.constant 0 : i32
        %dma_wait3A_78 = tpu.memref_slice %arg3[%dma_wait3A_76, %dma_wait3A_77] : memref<10000x128xf32, #tpu.memory_space<hbm>> -> memref<10000x128xf32, #tpu.memory_space<hbm>>
        tpu.wait_indirect_dma semaphore(%arg13 : memref<!tpu.dma_semaphore, #tpu.memory_space<semaphore_mem>>) src(%dma_wait3A_78 : memref<10000x128xf32, #tpu.memory_space<hbm>>) dst(%arg10 : memref<125x128xf32, #tpu.memory_space<vmem>>)
        "tpu.region"() ({
          %run_scoped3A = tpu.sem_alloc : memref<!tpu.dma_semaphore, #tpu.memory_space<semaphore_mem>>
          %dma_start3A_94 = arith.constant 0 : i32
          %dma_start3A_95 = tpu.memref_slice %arg9[%mul3A_64, %dma_start3A_94] : memref<40x125xi32, #tpu.memory_space<vmem>> -> memref<1x125xi32, #tpu.memory_space<vmem>>
          %dma_start3A_96 = tpu.memref_squeeze %dma_start3A_95 : memref<1x125xi32, #tpu.memory_space<vmem>> -> memref<125xi32, #tpu.memory_space<vmem>>
          %dma_start3A_97 = arith.constant 0 : i32
          %dma_start3A_98 = arith.constant 0 : i32
          %dma_start3A_99 = tpu.memref_slice %arg12[%dma_start3A_97, %dma_start3A_98] : memref<10000x128xf32, #tpu.memory_space<vmem_shared>> -> memref<10000x128xf32, #tpu.memory_space<vmem_shared>>
          tpu.enqueue_indirect_dma source(%arg10 : memref<125x128xf32, #tpu.memory_space<vmem>>) target(%dma_start3A_99 : memref<10000x128xf32, #tpu.memory_space<vmem_shared>>) offsets(%dma_start3A_96 : memref<125xi32, #tpu.memory_space<vmem>>) semaphore(%run_scoped3A : memref<!tpu.dma_semaphore, #tpu.memory_space<semaphore_mem>>) {add = true}
          %dma_wait3A_100 = arith.constant 0 : i32
          %dma_wait3A_101 = tpu.memref_slice %arg9[%mul3A_64, %dma_wait3A_100] : memref<40x125xi32, #tpu.memory_space<vmem>> -> memref<1x125xi32, #tpu.memory_space<vmem>>
          %dma_wait3A_102 = tpu.memref_squeeze %dma_wait3A_101 : memref<1x125xi32, #tpu.memory_space<vmem>> -> memref<125xi32, #tpu.memory_space<vmem>>
          %dma_wait3A_103 = arith.constant 0 : i32
          %dma_wait3A_104 = arith.constant 0 : i32
          %dma_wait3A_105 = tpu.memref_slice %arg12[%dma_wait3A_103, %dma_wait3A_104] : memref<10000x128xf32, #tpu.memory_space<vmem_shared>> -> memref<10000x128xf32, #tpu.memory_space<vmem_shared>>
          tpu.wait_indirect_dma semaphore(%run_scoped3A : memref<!tpu.dma_semaphore, #tpu.memory_space<semaphore_mem>>) src(%arg10 : memref<125x128xf32, #tpu.memory_space<vmem>>) dst(%dma_wait3A_105 : memref<10000x128xf32, #tpu.memory_space<vmem_shared>>)
          tpu.yield
        }) : () -> ()
        %add3A_79 = arith.constant 1 : i32
        %add3A_80 = arith.addi %scan3A_62, %add3A_79 : i32
        %lt3A = arith.constant 20 : i32
        %lt3A_81 = arith.cmpi slt, %add3A_80, %lt3A : i32
        %convert_element_type3A_82 = arith.extui %lt3A_81 : i1 to i32
        %cond3A_83 = arith.constant 0 : i32
        %cond3A_84 = arith.cmpi ne, %convert_element_type3A_82, %cond3A_83 : i32
        scf.if %cond3A_84 {
          %add3A_94 = arith.constant 2 : i32
          %add3A_95 = arith.addi %mul3A_64, %add3A_94 : i32
          %dma_start3A_96 = arith.constant 0 : i32
          %dma_start3A_97 = tpu.memref_slice %arg8[%add3A_95, %dma_start3A_96] : memref<40x125xi32, #tpu.memory_space<vmem>> -> memref<1x125xi32, #tpu.memory_space<vmem>>
          %dma_start3A_98 = tpu.memref_squeeze %dma_start3A_97 : memref<1x125xi32, #tpu.memory_space<vmem>> -> memref<125xi32, #tpu.memory_space<vmem>>
          %dma_start3A_99 = arith.constant 0 : i32
          %dma_start3A_100 = arith.constant 0 : i32
          %dma_start3A_101 = tpu.memref_slice %arg3[%dma_start3A_99, %dma_start3A_100] : memref<10000x128xf32, #tpu.memory_space<hbm>> -> memref<10000x128xf32, #tpu.memory_space<hbm>>
          tpu.enqueue_indirect_dma source(%dma_start3A_101 : memref<10000x128xf32, #tpu.memory_space<hbm>>) target(%arg10 : memref<125x128xf32, #tpu.memory_space<vmem>>) offsets(%dma_start3A_98 : memref<125xi32, #tpu.memory_space<vmem>>) semaphore(%arg13 : memref<!tpu.dma_semaphore, #tpu.memory_space<semaphore_mem>>)
        } else {
        }
        %dma_wait3A_85 = arith.constant 0 : i32
        %dma_wait3A_86 = arith.constant 0 : i32
        %dma_wait3A_87 = tpu.memref_slice %arg8[%dma_wait3A_85, %dma_wait3A_86] : memref<40x125xi32, #tpu.memory_space<vmem>> -> memref<1x125xi32, #tpu.memory_space<vmem>>
        %dma_wait3A_88 = tpu.memref_squeeze %dma_wait3A_87 : memref<1x125xi32, #tpu.memory_space<vmem>> -> memref<125xi32, #tpu.memory_space<vmem>>
        %dma_wait3A_89 = arith.constant 0 : i32
        %dma_wait3A_90 = arith.constant 0 : i32
        %dma_wait3A_91 = tpu.memref_slice %arg3[%dma_wait3A_89, %dma_wait3A_90] : memref<10000x128xf32, #tpu.memory_space<hbm>> -> memref<10000x128xf32, #tpu.memory_space<hbm>>
        tpu.wait_indirect_dma semaphore(%arg14 : memref<!tpu.dma_semaphore, #tpu.memory_space<semaphore_mem>>) src(%dma_wait3A_91 : memref<10000x128xf32, #tpu.memory_space<hbm>>) dst(%arg11 : memref<125x128xf32, #tpu.memory_space<vmem>>)
        %add3A_92 = arith.constant 1 : i32
        %add3A_93 = arith.addi %mul3A_64, %add3A_92 : i32
        "tpu.region"() ({
          %run_scoped3A = tpu.sem_alloc : memref<!tpu.dma_semaphore, #tpu.memory_space<semaphore_mem>>
          %dma_start3A_94 = arith.constant 0 : i32
          %dma_start3A_95 = tpu.memref_slice %arg9[%add3A_93, %dma_start3A_94] : memref<40x125xi32, #tpu.memory_space<vmem>> -> memref<1x125xi32, #tpu.memory_space<vmem>>
          %dma_start3A_96 = tpu.memref_squeeze %dma_start3A_95 : memref<1x125xi32, #tpu.memory_space<vmem>> -> memref<125xi32, #tpu.memory_space<vmem>>
          %dma_start3A_97 = arith.constant 0 : i32
          %dma_start3A_98 = arith.constant 0 : i32
          %dma_start3A_99 = tpu.memref_slice %arg12[%dma_start3A_97, %dma_start3A_98] : memref<10000x128xf32, #tpu.memory_space<vmem_shared>> -> memref<10000x128xf32, #tpu.memory_space<vmem_shared>>
          tpu.enqueue_indirect_dma source(%arg11 : memref<125x128xf32, #tpu.memory_space<vmem>>) target(%dma_start3A_99 : memref<10000x128xf32, #tpu.memory_space<vmem_shared>>) offsets(%dma_start3A_96 : memref<125xi32, #tpu.memory_space<vmem>>) semaphore(%run_scoped3A : memref<!tpu.dma_semaphore, #tpu.memory_space<semaphore_mem>>) {add = true}
          %dma_wait3A_100 = arith.constant 0 : i32
          %dma_wait3A_101 = tpu.memref_slice %arg9[%add3A_93, %dma_wait3A_100] : memref<40x125xi32, #tpu.memory_space<vmem>> -> memref<1x125xi32, #tpu.memory_space<vmem>>
          %dma_wait3A_102 = tpu.memref_squeeze %dma_wait3A_101 : memref<1x125xi32, #tpu.memory_space<vmem>> -> memref<125xi32, #tpu.memory_space<vmem>>
          %dma_wait3A_103 = arith.constant 0 : i32
          %dma_wait3A_104 = arith.constant 0 : i32
          %dma_wait3A_105 = tpu.memref_slice %arg12[%dma_wait3A_103, %dma_wait3A_104] : memref<10000x128xf32, #tpu.memory_space<vmem_shared>> -> memref<10000x128xf32, #tpu.memory_space<vmem_shared>>
          tpu.wait_indirect_dma semaphore(%run_scoped3A : memref<!tpu.dma_semaphore, #tpu.memory_space<semaphore_mem>>) src(%arg11 : memref<125x128xf32, #tpu.memory_space<vmem>>) dst(%dma_wait3A_105 : memref<10000x128xf32, #tpu.memory_space<vmem_shared>>)
          tpu.yield
        }) : () -> ()
      }
      %scan3A_45 = arith.constant 20 : i32
      %mul3A_46 = arith.constant 80 : i32
      %mul3A_47 = arith.muli %arg1, %mul3A_46 : i32
      %add3A = arith.constant 40 : i32
      %add3A_48 = arith.addi %mul3A_47, %add3A : i32
      %multiple_of3A_49 = tpu.assume_multiple %add3A_48, 8 : i32
      "tpu.region"() ({
        %run_scoped3A = tpu.sem_alloc : memref<!tpu.dma_semaphore, #tpu.memory_space<semaphore_mem>>
        %dma_start3A_62 = arith.constant 0 : i32
        %dma_start3A_63 = tpu.memref_slice %arg4[%multiple_of3A_49, %dma_start3A_62] : memref<1280x125xi32, #tpu.memory_space<hbm>> -> memref<40x125xi32, #tpu.memory_space<hbm>>
        %dma_start3A_64 = arith.constant 0 : i32
        %dma_start3A_65 = tpu.memref_slice %arg4[%multiple_of3A_49, %dma_start3A_64] : memref<1280x125xi32, #tpu.memory_space<hbm>> -> memref<40x125xi32, #tpu.memory_space<hbm>>
        tpu.enqueue_dma source(%dma_start3A_65 : memref<40x125xi32, #tpu.memory_space<hbm>>) target(%arg8 : memref<40x125xi32, #tpu.memory_space<vmem>>) target_semaphore(%run_scoped3A : memref<!tpu.dma_semaphore, #tpu.memory_space<semaphore_mem>>)
        %dma_wait3A = arith.constant 0 : i32
        %dma_wait3A_66 = tpu.memref_slice %arg4[%multiple_of3A_49, %dma_wait3A] : memref<1280x125xi32, #tpu.memory_space<hbm>> -> memref<40x125xi32, #tpu.memory_space<hbm>>
        %dma_wait3A_67 = arith.constant 0 : i32
        %dma_wait3A_68 = tpu.memref_slice %arg4[%multiple_of3A_49, %dma_wait3A_67] : memref<1280x125xi32, #tpu.memory_space<hbm>> -> memref<40x125xi32, #tpu.memory_space<hbm>>
        tpu.wait_dma2 semaphore(%run_scoped3A : memref<!tpu.dma_semaphore, #tpu.memory_space<semaphore_mem>>) src(%dma_wait3A_68 : memref<40x125xi32, #tpu.memory_space<hbm>>) dst(%arg8 : memref<40x125xi32, #tpu.memory_space<vmem>>)
        tpu.yield
      }) : () -> ()
      "tpu.region"() ({
        %run_scoped3A = tpu.sem_alloc : memref<!tpu.dma_semaphore, #tpu.memory_space<semaphore_mem>>
        %dma_start3A_62 = arith.constant 0 : i32
        %dma_start3A_63 = tpu.memref_slice %arg5[%multiple_of3A_49, %dma_start3A_62] : memref<1280x125xi32, #tpu.memory_space<hbm>> -> memref<40x125xi32, #tpu.memory_space<hbm>>
        %dma_start3A_64 = arith.constant 0 : i32
        %dma_start3A_65 = tpu.memref_slice %arg5[%multiple_of3A_49, %dma_start3A_64] : memref<1280x125xi32, #tpu.memory_space<hbm>> -> memref<40x125xi32, #tpu.memory_space<hbm>>
        tpu.enqueue_dma source(%dma_start3A_65 : memref<40x125xi32, #tpu.memory_space<hbm>>) target(%arg9 : memref<40x125xi32, #tpu.memory_space<vmem>>) target_semaphore(%run_scoped3A : memref<!tpu.dma_semaphore, #tpu.memory_space<semaphore_mem>>)
        %dma_wait3A = arith.constant 0 : i32
        %dma_wait3A_66 = tpu.memref_slice %arg5[%multiple_of3A_49, %dma_wait3A] : memref<1280x125xi32, #tpu.memory_space<hbm>> -> memref<40x125xi32, #tpu.memory_space<hbm>>
        %dma_wait3A_67 = arith.constant 0 : i32
        %dma_wait3A_68 = tpu.memref_slice %arg5[%multiple_of3A_49, %dma_wait3A_67] : memref<1280x125xi32, #tpu.memory_space<hbm>> -> memref<40x125xi32, #tpu.memory_space<hbm>>
        tpu.wait_dma2 semaphore(%run_scoped3A : memref<!tpu.dma_semaphore, #tpu.memory_space<semaphore_mem>>) src(%dma_wait3A_68 : memref<40x125xi32, #tpu.memory_space<hbm>>) dst(%arg9 : memref<40x125xi32, #tpu.memory_space<vmem>>)
        tpu.yield
      }) : () -> ()
      %dma_start3A = arith.constant 0 : i32
      %dma_start3A_50 = arith.constant 0 : i32
      %dma_start3A_51 = tpu.memref_slice %arg8[%dma_start3A, %dma_start3A_50] : memref<40x125xi32, #tpu.memory_space<vmem>> -> memref<1x125xi32, #tpu.memory_space<vmem>>
      %dma_start3A_52 = tpu.memref_squeeze %dma_start3A_51 : memref<1x125xi32, #tpu.memory_space<vmem>> -> memref<125xi32, #tpu.memory_space<vmem>>
      %dma_start3A_53 = arith.constant 0 : i32
      %dma_start3A_54 = arith.constant 0 : i32
      %dma_start3A_55 = tpu.memref_slice %arg3[%dma_start3A_53, %dma_start3A_54] : memref<10000x128xf32, #tpu.memory_space<hbm>> -> memref<10000x128xf32, #tpu.memory_space<hbm>>
      tpu.enqueue_indirect_dma source(%dma_start3A_55 : memref<10000x128xf32, #tpu.memory_space<hbm>>) target(%arg10 : memref<125x128xf32, #tpu.memory_space<vmem>>) offsets(%dma_start3A_52 : memref<125xi32, #tpu.memory_space<vmem>>) semaphore(%arg13 : memref<!tpu.dma_semaphore, #tpu.memory_space<semaphore_mem>>)
      %scan3A_56 = arith.constant 0 : i32
      %scan3A_57 = arith.constant 0 : i32
      %scan3A_58 = arith.constant 20 : i32
      %scan3A_59 = arith.addi %scan3A_57, %scan3A_58 : i32
      %scan3A_60 = arith.constant 1 : i32
      scf.for %scan3A_62 = %scan3A_57 to %scan3A_59 step %scan3A_60  : i32 {
        %mul3A_63 = arith.constant 2 : i32
        %mul3A_64 = arith.muli %mul3A_63, %scan3A_62 : i32
        %add3A_65 = arith.constant 1 : i32
        %add3A_66 = arith.addi %mul3A_64, %add3A_65 : i32
        %dma_start3A_67 = arith.constant 0 : i32
        %dma_start3A_68 = tpu.memref_slice %arg8[%add3A_66, %dma_start3A_67] : memref<40x125xi32, #tpu.memory_space<vmem>> -> memref<1x125xi32, #tpu.memory_space<vmem>>
        %dma_start3A_69 = tpu.memref_squeeze %dma_start3A_68 : memref<1x125xi32, #tpu.memory_space<vmem>> -> memref<125xi32, #tpu.memory_space<vmem>>
        %dma_start3A_70 = arith.constant 0 : i32
        %dma_start3A_71 = arith.constant 0 : i32
        %dma_start3A_72 = tpu.memref_slice %arg3[%dma_start3A_70, %dma_start3A_71] : memref<10000x128xf32, #tpu.memory_space<hbm>> -> memref<10000x128xf32, #tpu.memory_space<hbm>>
        tpu.enqueue_indirect_dma source(%dma_start3A_72 : memref<10000x128xf32, #tpu.memory_space<hbm>>) target(%arg11 : memref<125x128xf32, #tpu.memory_space<vmem>>) offsets(%dma_start3A_69 : memref<125xi32, #tpu.memory_space<vmem>>) semaphore(%arg14 : memref<!tpu.dma_semaphore, #tpu.memory_space<semaphore_mem>>)
        %dma_wait3A = arith.constant 0 : i32
        %dma_wait3A_73 = arith.constant 0 : i32
        %dma_wait3A_74 = tpu.memref_slice %arg8[%dma_wait3A, %dma_wait3A_73] : memref<40x125xi32, #tpu.memory_space<vmem>> -> memref<1x125xi32, #tpu.memory_space<vmem>>
        %dma_wait3A_75 = tpu.memref_squeeze %dma_wait3A_74 : memref<1x125xi32, #tpu.memory_space<vmem>> -> memref<125xi32, #tpu.memory_space<vmem>>
        %dma_wait3A_76 = arith.constant 0 : i32
        %dma_wait3A_77 = arith.constant 0 : i32
        %dma_wait3A_78 = tpu.memref_slice %arg3[%dma_wait3A_76, %dma_wait3A_77] : memref<10000x128xf32, #tpu.memory_space<hbm>> -> memref<10000x128xf32, #tpu.memory_space<hbm>>
        tpu.wait_indirect_dma semaphore(%arg13 : memref<!tpu.dma_semaphore, #tpu.memory_space<semaphore_mem>>) src(%dma_wait3A_78 : memref<10000x128xf32, #tpu.memory_space<hbm>>) dst(%arg10 : memref<125x128xf32, #tpu.memory_space<vmem>>)
        "tpu.region"() ({
          %run_scoped3A = tpu.sem_alloc : memref<!tpu.dma_semaphore, #tpu.memory_space<semaphore_mem>>
          %dma_start3A_94 = arith.constant 0 : i32
          %dma_start3A_95 = tpu.memref_slice %arg9[%mul3A_64, %dma_start3A_94] : memref<40x125xi32, #tpu.memory_space<vmem>> -> memref<1x125xi32, #tpu.memory_space<vmem>>
          %dma_start3A_96 = tpu.memref_squeeze %dma_start3A_95 : memref<1x125xi32, #tpu.memory_space<vmem>> -> memref<125xi32, #tpu.memory_space<vmem>>
          %dma_start3A_97 = arith.constant 0 : i32
          %dma_start3A_98 = arith.constant 0 : i32
          %dma_start3A_99 = tpu.memref_slice %arg12[%dma_start3A_97, %dma_start3A_98] : memref<10000x128xf32, #tpu.memory_space<vmem_shared>> -> memref<10000x128xf32, #tpu.memory_space<vmem_shared>>
          tpu.enqueue_indirect_dma source(%arg10 : memref<125x128xf32, #tpu.memory_space<vmem>>) target(%dma_start3A_99 : memref<10000x128xf32, #tpu.memory_space<vmem_shared>>) offsets(%dma_start3A_96 : memref<125xi32, #tpu.memory_space<vmem>>) semaphore(%run_scoped3A : memref<!tpu.dma_semaphore, #tpu.memory_space<semaphore_mem>>) {add = true}
          %dma_wait3A_100 = arith.constant 0 : i32
          %dma_wait3A_101 = tpu.memref_slice %arg9[%mul3A_64, %dma_wait3A_100] : memref<40x125xi32, #tpu.memory_space<vmem>> -> memref<1x125xi32, #tpu.memory_space<vmem>>
          %dma_wait3A_102 = tpu.memref_squeeze %dma_wait3A_101 : memref<1x125xi32, #tpu.memory_space<vmem>> -> memref<125xi32, #tpu.memory_space<vmem>>
          %dma_wait3A_103 = arith.constant 0 : i32
          %dma_wait3A_104 = arith.constant 0 : i32
          %dma_wait3A_105 = tpu.memref_slice %arg12[%dma_wait3A_103, %dma_wait3A_104] : memref<10000x128xf32, #tpu.memory_space<vmem_shared>> -> memref<10000x128xf32, #tpu.memory_space<vmem_shared>>
          tpu.wait_indirect_dma semaphore(%run_scoped3A : memref<!tpu.dma_semaphore, #tpu.memory_space<semaphore_mem>>) src(%arg10 : memref<125x128xf32, #tpu.memory_space<vmem>>) dst(%dma_wait3A_105 : memref<10000x128xf32, #tpu.memory_space<vmem_shared>>)
          tpu.yield
        }) : () -> ()
        %add3A_79 = arith.constant 1 : i32
        %add3A_80 = arith.addi %scan3A_62, %add3A_79 : i32
        %lt3A = arith.constant 20 : i32
        %lt3A_81 = arith.cmpi slt, %add3A_80, %lt3A : i32
        %convert_element_type3A_82 = arith.extui %lt3A_81 : i1 to i32
        %cond3A_83 = arith.constant 0 : i32
        %cond3A_84 = arith.cmpi ne, %convert_element_type3A_82, %cond3A_83 : i32
        scf.if %cond3A_84 {
          %add3A_94 = arith.constant 2 : i32
          %add3A_95 = arith.addi %mul3A_64, %add3A_94 : i32
          %dma_start3A_96 = arith.constant 0 : i32
          %dma_start3A_97 = tpu.memref_slice %arg8[%add3A_95, %dma_start3A_96] : memref<40x125xi32, #tpu.memory_space<vmem>> -> memref<1x125xi32, #tpu.memory_space<vmem>>
          %dma_start3A_98 = tpu.memref_squeeze %dma_start3A_97 : memref<1x125xi32, #tpu.memory_space<vmem>> -> memref<125xi32, #tpu.memory_space<vmem>>
          %dma_start3A_99 = arith.constant 0 : i32
          %dma_start3A_100 = arith.constant 0 : i32
          %dma_start3A_101 = tpu.memref_slice %arg3[%dma_start3A_99, %dma_start3A_100] : memref<10000x128xf32, #tpu.memory_space<hbm>> -> memref<10000x128xf32, #tpu.memory_space<hbm>>
          tpu.enqueue_indirect_dma source(%dma_start3A_101 : memref<10000x128xf32, #tpu.memory_space<hbm>>) target(%arg10 : memref<125x128xf32, #tpu.memory_space<vmem>>) offsets(%dma_start3A_98 : memref<125xi32, #tpu.memory_space<vmem>>) semaphore(%arg13 : memref<!tpu.dma_semaphore, #tpu.memory_space<semaphore_mem>>)
        } else {
        }
        %dma_wait3A_85 = arith.constant 0 : i32
        %dma_wait3A_86 = arith.constant 0 : i32
        %dma_wait3A_87 = tpu.memref_slice %arg8[%dma_wait3A_85, %dma_wait3A_86] : memref<40x125xi32, #tpu.memory_space<vmem>> -> memref<1x125xi32, #tpu.memory_space<vmem>>
        %dma_wait3A_88 = tpu.memref_squeeze %dma_wait3A_87 : memref<1x125xi32, #tpu.memory_space<vmem>> -> memref<125xi32, #tpu.memory_space<vmem>>
        %dma_wait3A_89 = arith.constant 0 : i32
        %dma_wait3A_90 = arith.constant 0 : i32
        %dma_wait3A_91 = tpu.memref_slice %arg3[%dma_wait3A_89, %dma_wait3A_90] : memref<10000x128xf32, #tpu.memory_space<hbm>> -> memref<10000x128xf32, #tpu.memory_space<hbm>>
        tpu.wait_indirect_dma semaphore(%arg14 : memref<!tpu.dma_semaphore, #tpu.memory_space<semaphore_mem>>) src(%dma_wait3A_91 : memref<10000x128xf32, #tpu.memory_space<hbm>>) dst(%arg11 : memref<125x128xf32, #tpu.memory_space<vmem>>)
        %add3A_92 = arith.constant 1 : i32
        %add3A_93 = arith.addi %mul3A_64, %add3A_92 : i32
        "tpu.region"() ({
          %run_scoped3A = tpu.sem_alloc : memref<!tpu.dma_semaphore, #tpu.memory_space<semaphore_mem>>
          %dma_start3A_94 = arith.constant 0 : i32
          %dma_start3A_95 = tpu.memref_slice %arg9[%add3A_93, %dma_start3A_94] : memref<40x125xi32, #tpu.memory_space<vmem>> -> memref<1x125xi32, #tpu.memory_space<vmem>>
          %dma_start3A_96 = tpu.memref_squeeze %dma_start3A_95 : memref<1x125xi32, #tpu.memory_space<vmem>> -> memref<125xi32, #tpu.memory_space<vmem>>
          %dma_start3A_97 = arith.constant 0 : i32
          %dma_start3A_98 = arith.constant 0 : i32
          %dma_start3A_99 = tpu.memref_slice %arg12[%dma_start3A_97, %dma_start3A_98] : memref<10000x128xf32, #tpu.memory_space<vmem_shared>> -> memref<10000x128xf32, #tpu.memory_space<vmem_shared>>
          tpu.enqueue_indirect_dma source(%arg11 : memref<125x128xf32, #tpu.memory_space<vmem>>) target(%dma_start3A_99 : memref<10000x128xf32, #tpu.memory_space<vmem_shared>>) offsets(%dma_start3A_96 : memref<125xi32, #tpu.memory_space<vmem>>) semaphore(%run_scoped3A : memref<!tpu.dma_semaphore, #tpu.memory_space<semaphore_mem>>) {add = true}
          %dma_wait3A_100 = arith.constant 0 : i32
          %dma_wait3A_101 = tpu.memref_slice %arg9[%add3A_93, %dma_wait3A_100] : memref<40x125xi32, #tpu.memory_space<vmem>> -> memref<1x125xi32, #tpu.memory_space<vmem>>
          %dma_wait3A_102 = tpu.memref_squeeze %dma_wait3A_101 : memref<1x125xi32, #tpu.memory_space<vmem>> -> memref<125xi32, #tpu.memory_space<vmem>>
          %dma_wait3A_103 = arith.constant 0 : i32
          %dma_wait3A_104 = arith.constant 0 : i32
          %dma_wait3A_105 = tpu.memref_slice %arg12[%dma_wait3A_103, %dma_wait3A_104] : memref<10000x128xf32, #tpu.memory_space<vmem_shared>> -> memref<10000x128xf32, #tpu.memory_space<vmem_shared>>
          tpu.wait_indirect_dma semaphore(%run_scoped3A : memref<!tpu.dma_semaphore, #tpu.memory_space<semaphore_mem>>) src(%arg11 : memref<125x128xf32, #tpu.memory_space<vmem>>) dst(%dma_wait3A_105 : memref<10000x128xf32, #tpu.memory_space<vmem_shared>>)
          tpu.yield
        }) : () -> ()
      }
      %scan3A_61 = arith.constant 20 : i32
    } else {
    }
    %barrier3A_30 = arith.constant 0 : index
    tpu.barrier barrier_id(%barrier3A_30)
    %eq3A_31 = arith.constant 0 : i32
    %eq3A_32 = arith.cmpi eq, %arg0, %eq3A_31 : i32
    %convert_element_type3A_33 = arith.extui %eq3A_32 : i1 to i32
    %cond3A_34 = arith.constant 0 : i32
    %cond3A_35 = arith.cmpi ne, %convert_element_type3A_33, %cond3A_34 : i32
    scf.if %cond3A_35 {
      %lt3A = arith.constant 15 : i32
      %lt3A_41 = arith.cmpi slt, %arg1, %lt3A : i32
      %convert_element_type3A_42 = arith.extui %lt3A_41 : i1 to i32
      %cond3A_43 = arith.constant 0 : i32
      %cond3A_44 = arith.cmpi ne, %convert_element_type3A_42, %cond3A_43 : i32
      scf.if %cond3A_44 {
        "tpu.region"() ({
          %run_scoped3A = tpu.sem_alloc : memref<!tpu.dma_semaphore, #tpu.memory_space<semaphore_mem>>
          %dma_start3A = arith.constant 0 : i32
          %dma_start3A_50 = tpu.memref_slice %arg6[%multiple_of3A, %dma_start3A] : memref<10000x128xf32, #tpu.memory_space<hbm>> -> memref<624x128xf32, #tpu.memory_space<hbm>>
          %dma_start3A_51 = arith.constant 0 : i32
          %dma_start3A_52 = tpu.memref_slice %arg12[%multiple_of3A, %dma_start3A_51] : memref<10000x128xf32, #tpu.memory_space<vmem_shared>> -> memref<624x128xf32, #tpu.memory_space<vmem_shared>>
          tpu.enqueue_dma source(%dma_start3A_52 : memref<624x128xf32, #tpu.memory_space<vmem_shared>>) target(%dma_start3A_50 : memref<624x128xf32, #tpu.memory_space<hbm>>) target_semaphore(%run_scoped3A : memref<!tpu.dma_semaphore, #tpu.memory_space<semaphore_mem>>)
          %dma_wait3A = arith.constant 0 : i32
          %dma_wait3A_53 = tpu.memref_slice %arg6[%multiple_of3A, %dma_wait3A] : memref<10000x128xf32, #tpu.memory_space<hbm>> -> memref<624x128xf32, #tpu.memory_space<hbm>>
          %dma_wait3A_54 = arith.constant 0 : i32
          %dma_wait3A_55 = tpu.memref_slice %arg12[%multiple_of3A, %dma_wait3A_54] : memref<10000x128xf32, #tpu.memory_space<vmem_shared>> -> memref<624x128xf32, #tpu.memory_space<vmem_shared>>
          tpu.wait_dma2 semaphore(%run_scoped3A : memref<!tpu.dma_semaphore, #tpu.memory_space<semaphore_mem>>) src(%dma_wait3A_55 : memref<624x128xf32, #tpu.memory_space<vmem_shared>>) dst(%dma_wait3A_53 : memref<624x128xf32, #tpu.memory_space<hbm>>)
          tpu.yield
        }) : () -> ()
      } else {
      }
      %eq3A_45 = arith.constant 15 : i32
      %eq3A_46 = arith.cmpi eq, %arg1, %eq3A_45 : i32
      %convert_element_type3A_47 = arith.extui %eq3A_46 : i1 to i32
      %cond3A_48 = arith.constant 0 : i32
      %cond3A_49 = arith.cmpi ne, %convert_element_type3A_47, %cond3A_48 : i32
      scf.if %cond3A_49 {
        "tpu.region"() ({
          %run_scoped3A = tpu.sem_alloc : memref<!tpu.dma_semaphore, #tpu.memory_space<semaphore_mem>>
          %dma_start3A = arith.constant 9360 : i32
          %dma_start3A_50 = arith.constant 0 : i32
          %dma_start3A_51 = tpu.memref_slice %arg6[%dma_start3A, %dma_start3A_50] : memref<10000x128xf32, #tpu.memory_space<hbm>> -> memref<640x128xf32, #tpu.memory_space<hbm>>
          %dma_start3A_52 = arith.constant 9360 : i32
          %dma_start3A_53 = arith.constant 0 : i32
          %dma_start3A_54 = tpu.memref_slice %arg12[%dma_start3A_52, %dma_start3A_53] : memref<10000x128xf32, #tpu.memory_space<vmem_shared>> -> memref<640x128xf32, #tpu.memory_space<vmem_shared>>
          tpu.enqueue_dma source(%dma_start3A_54 : memref<640x128xf32, #tpu.memory_space<vmem_shared>>) target(%dma_start3A_51 : memref<640x128xf32, #tpu.memory_space<hbm>>) target_semaphore(%run_scoped3A : memref<!tpu.dma_semaphore, #tpu.memory_space<semaphore_mem>>)
          %dma_wait3A = arith.constant 9360 : i32
          %dma_wait3A_55 = arith.constant 0 : i32
          %dma_wait3A_56 = tpu.memref_slice %arg6[%dma_wait3A, %dma_wait3A_55] : memref<10000x128xf32, #tpu.memory_space<hbm>> -> memref<640x128xf32, #tpu.memory_space<hbm>>
          %dma_wait3A_57 = arith.constant 9360 : i32
          %dma_wait3A_58 = arith.constant 0 : i32
          %dma_wait3A_59 = tpu.memref_slice %arg12[%dma_wait3A_57, %dma_wait3A_58] : memref<10000x128xf32, #tpu.memory_space<vmem_shared>> -> memref<640x128xf32, #tpu.memory_space<vmem_shared>>
          tpu.wait_dma2 semaphore(%run_scoped3A : memref<!tpu.dma_semaphore, #tpu.memory_space<semaphore_mem>>) src(%dma_wait3A_59 : memref<640x128xf32, #tpu.memory_space<vmem_shared>>) dst(%dma_wait3A_56 : memref<640x128xf32, #tpu.memory_space<hbm>>)
          tpu.yield
        }) : () -> ()
      } else {
      }
    } else {
    }
    %ne3A_36 = arith.constant 0 : i32
    %ne3A_37 = arith.cmpi ne, %arg0, %ne3A_36 : i32
    %convert_element_type3A_38 = arith.extui %ne3A_37 : i1 to i32
    %cond3A_39 = arith.constant 0 : i32
    %cond3A_40 = arith.cmpi ne, %convert_element_type3A_38, %cond3A_39 : i32
    scf.if %cond3A_40 {
      %lt3A = arith.constant 15 : i32
      %lt3A_41 = arith.cmpi slt, %arg1, %lt3A : i32
      %convert_element_type3A_42 = arith.extui %lt3A_41 : i1 to i32
      %cond3A_43 = arith.constant 0 : i32
      %cond3A_44 = arith.cmpi ne, %convert_element_type3A_42, %cond3A_43 : i32
      scf.if %cond3A_44 {
        "tpu.region"() ({
          %run_scoped3A = tpu.sem_alloc : memref<!tpu.dma_semaphore, #tpu.memory_space<semaphore_mem>>
          %dma_start3A = arith.constant 0 : i32
          %dma_start3A_50 = tpu.memref_slice %arg7[%multiple_of3A, %dma_start3A] : memref<10000x128xf32, #tpu.memory_space<hbm>> -> memref<624x128xf32, #tpu.memory_space<hbm>>
          %dma_start3A_51 = arith.constant 0 : i32
          %dma_start3A_52 = tpu.memref_slice %arg12[%multiple_of3A, %dma_start3A_51] : memref<10000x128xf32, #tpu.memory_space<vmem_shared>> -> memref<624x128xf32, #tpu.memory_space<vmem_shared>>
          tpu.enqueue_dma source(%dma_start3A_52 : memref<624x128xf32, #tpu.memory_space<vmem_shared>>) target(%dma_start3A_50 : memref<624x128xf32, #tpu.memory_space<hbm>>) target_semaphore(%run_scoped3A : memref<!tpu.dma_semaphore, #tpu.memory_space<semaphore_mem>>)
          %dma_wait3A = arith.constant 0 : i32
          %dma_wait3A_53 = tpu.memref_slice %arg7[%multiple_of3A, %dma_wait3A] : memref<10000x128xf32, #tpu.memory_space<hbm>> -> memref<624x128xf32, #tpu.memory_space<hbm>>
          %dma_wait3A_54 = arith.constant 0 : i32
          %dma_wait3A_55 = tpu.memref_slice %arg12[%multiple_of3A, %dma_wait3A_54] : memref<10000x128xf32, #tpu.memory_space<vmem_shared>> -> memref<624x128xf32, #tpu.memory_space<vmem_shared>>
          tpu.wait_dma2 semaphore(%run_scoped3A : memref<!tpu.dma_semaphore, #tpu.memory_space<semaphore_mem>>) src(%dma_wait3A_55 : memref<624x128xf32, #tpu.memory_space<vmem_shared>>) dst(%dma_wait3A_53 : memref<624x128xf32, #tpu.memory_space<hbm>>)
          tpu.yield
        }) : () -> ()
      } else {
      }
      %eq3A_45 = arith.constant 15 : i32
      %eq3A_46 = arith.cmpi eq, %arg1, %eq3A_45 : i32
      %convert_element_type3A_47 = arith.extui %eq3A_46 : i1 to i32
      %cond3A_48 = arith.constant 0 : i32
      %cond3A_49 = arith.cmpi ne, %convert_element_type3A_47, %cond3A_48 : i32
      scf.if %cond3A_49 {
        "tpu.region"() ({
          %run_scoped3A = tpu.sem_alloc : memref<!tpu.dma_semaphore, #tpu.memory_space<semaphore_mem>>
          %dma_start3A = arith.constant 9360 : i32
          %dma_start3A_50 = arith.constant 0 : i32
          %dma_start3A_51 = tpu.memref_slice %arg7[%dma_start3A, %dma_start3A_50] : memref<10000x128xf32, #tpu.memory_space<hbm>> -> memref<640x128xf32, #tpu.memory_space<hbm>>
          %dma_start3A_52 = arith.constant 9360 : i32
          %dma_start3A_53 = arith.constant 0 : i32
          %dma_start3A_54 = tpu.memref_slice %arg12[%dma_start3A_52, %dma_start3A_53] : memref<10000x128xf32, #tpu.memory_space<vmem_shared>> -> memref<640x128xf32, #tpu.memory_space<vmem_shared>>
          tpu.enqueue_dma source(%dma_start3A_54 : memref<640x128xf32, #tpu.memory_space<vmem_shared>>) target(%dma_start3A_51 : memref<640x128xf32, #tpu.memory_space<hbm>>) target_semaphore(%run_scoped3A : memref<!tpu.dma_semaphore, #tpu.memory_space<semaphore_mem>>)
          %dma_wait3A = arith.constant 9360 : i32
          %dma_wait3A_55 = arith.constant 0 : i32
          %dma_wait3A_56 = tpu.memref_slice %arg7[%dma_wait3A, %dma_wait3A_55] : memref<10000x128xf32, #tpu.memory_space<hbm>> -> memref<640x128xf32, #tpu.memory_space<hbm>>
          %dma_wait3A_57 = arith.constant 9360 : i32
          %dma_wait3A_58 = arith.constant 0 : i32
          %dma_wait3A_59 = tpu.memref_slice %arg12[%dma_wait3A_57, %dma_wait3A_58] : memref<10000x128xf32, #tpu.memory_space<vmem_shared>> -> memref<640x128xf32, #tpu.memory_space<vmem_shared>>
          tpu.wait_dma2 semaphore(%run_scoped3A : memref<!tpu.dma_semaphore, #tpu.memory_space<semaphore_mem>>) src(%dma_wait3A_59 : memref<640x128xf32, #tpu.memory_space<vmem_shared>>) dst(%dma_wait3A_56 : memref<640x128xf32, #tpu.memory_space<hbm>>)
          tpu.yield
        }) : () -> ()
      } else {
      }
    } else {
    }
    return
  }
}

#map = affine_map<(d0, d1) -> (0, 0)>
module attributes {stable_mosaic.version = 14 : i64} {
  func.func @_sc_agg_body(%arg0: i32, %arg1: i32, %arg2: memref<10000x128xf32, #tpu.memory_space<hbm>>, %arg3: memref<10000x128xf32, #tpu.memory_space<hbm>>, %arg4: memref<1280x125xi32, #tpu.memory_space<hbm>>, %arg5: memref<1280x125xi32, #tpu.memory_space<hbm>>, %arg6: memref<10000x128xf32, #tpu.memory_space<hbm>>, %arg7: memref<10000x128xf32, #tpu.memory_space<hbm>>, %arg8: memref<40x125xi32, #tpu.memory_space<vmem>>, %arg9: memref<40x125xi32, #tpu.memory_space<vmem>>, %arg10: memref<125x128xf32, #tpu.memory_space<vmem>>, %arg11: memref<125x128xf32, #tpu.memory_space<vmem>>, %arg12: memref<10000x128xf32, #tpu.memory_space<vmem_shared>>, %arg13: memref<!tpu.dma_semaphore, #tpu.memory_space<semaphore_mem>>, %arg14: memref<!tpu.dma_semaphore, #tpu.memory_space<semaphore_mem>>, %arg15: memref<!tpu.dma_semaphore, #tpu.memory_space<semaphore_mem>>) attributes {dimension_semantics = [#tpu.dimension_semantics<core_parallel>, #tpu.dimension_semantics<subcore_parallel>], iteration_bounds = array<i64: 2, 16>, scalar_prefetch = 0 : i64, scratch_operands = 8 : i64, tpu.core_type = #tpu.core_type<sc_vector_subcore>, window_params = [{transform_indices = #map}, {transform_indices = #map}, {transform_indices = #map}, {transform_indices = #map}, {transform_indices = #map}, {transform_indices = #map}]} {
    %mul3A = arith.constant 624 : i32
    %mul3A_0 = arith.muli %arg1, %mul3A : i32
    %multiple_of3A = tpu.assume_multiple %mul3A_0, 8 : i32
    %mul3A_1 = arith.constant 80 : i32
    %mul3A_2 = arith.muli %arg1, %mul3A_1 : i32
    %multiple_of3A_3 = tpu.assume_multiple %mul3A_2, 8 : i32
    "tpu.region"() ({
      %run_scoped3A = tpu.sem_alloc : memref<!tpu.dma_semaphore, #tpu.memory_space<semaphore_mem>>
      %dma_start3A = arith.constant 0 : i32
      %dma_start3A_41 = tpu.memref_slice %arg4[%multiple_of3A_3, %dma_start3A] : memref<1280x125xi32, #tpu.memory_space<hbm>> -> memref<40x125xi32, #tpu.memory_space<hbm>>
      %dma_start3A_42 = arith.constant 0 : i32
      %dma_start3A_43 = tpu.memref_slice %arg4[%multiple_of3A_3, %dma_start3A_42] : memref<1280x125xi32, #tpu.memory_space<hbm>> -> memref<40x125xi32, #tpu.memory_space<hbm>>
      tpu.enqueue_dma source(%dma_start3A_43 : memref<40x125xi32, #tpu.memory_space<hbm>>) target(%arg8 : memref<40x125xi32, #tpu.memory_space<vmem>>) target_semaphore(%run_scoped3A : memref<!tpu.dma_semaphore, #tpu.memory_space<semaphore_mem>>)
      %dma_wait3A = arith.constant 0 : i32
      %dma_wait3A_44 = tpu.memref_slice %arg4[%multiple_of3A_3, %dma_wait3A] : memref<1280x125xi32, #tpu.memory_space<hbm>> -> memref<40x125xi32, #tpu.memory_space<hbm>>
      %dma_wait3A_45 = arith.constant 0 : i32
      %dma_wait3A_46 = tpu.memref_slice %arg4[%multiple_of3A_3, %dma_wait3A_45] : memref<1280x125xi32, #tpu.memory_space<hbm>> -> memref<40x125xi32, #tpu.memory_space<hbm>>
      tpu.wait_dma2 semaphore(%run_scoped3A : memref<!tpu.dma_semaphore, #tpu.memory_space<semaphore_mem>>) src(%dma_wait3A_46 : memref<40x125xi32, #tpu.memory_space<hbm>>) dst(%arg8 : memref<40x125xi32, #tpu.memory_space<vmem>>)
      tpu.yield
    }) : () -> ()
    "tpu.region"() ({
      %run_scoped3A = tpu.sem_alloc : memref<!tpu.dma_semaphore, #tpu.memory_space<semaphore_mem>>
      %dma_start3A = arith.constant 0 : i32
      %dma_start3A_41 = tpu.memref_slice %arg5[%multiple_of3A_3, %dma_start3A] : memref<1280x125xi32, #tpu.memory_space<hbm>> -> memref<40x125xi32, #tpu.memory_space<hbm>>
      %dma_start3A_42 = arith.constant 0 : i32
      %dma_start3A_43 = tpu.memref_slice %arg5[%multiple_of3A_3, %dma_start3A_42] : memref<1280x125xi32, #tpu.memory_space<hbm>> -> memref<40x125xi32, #tpu.memory_space<hbm>>
      tpu.enqueue_dma source(%dma_start3A_43 : memref<40x125xi32, #tpu.memory_space<hbm>>) target(%arg9 : memref<40x125xi32, #tpu.memory_space<vmem>>) target_semaphore(%run_scoped3A : memref<!tpu.dma_semaphore, #tpu.memory_space<semaphore_mem>>)
      %dma_wait3A = arith.constant 0 : i32
      %dma_wait3A_44 = tpu.memref_slice %arg5[%multiple_of3A_3, %dma_wait3A] : memref<1280x125xi32, #tpu.memory_space<hbm>> -> memref<40x125xi32, #tpu.memory_space<hbm>>
      %dma_wait3A_45 = arith.constant 0 : i32
      %dma_wait3A_46 = tpu.memref_slice %arg5[%multiple_of3A_3, %dma_wait3A_45] : memref<1280x125xi32, #tpu.memory_space<hbm>> -> memref<40x125xi32, #tpu.memory_space<hbm>>
      tpu.wait_dma2 semaphore(%run_scoped3A : memref<!tpu.dma_semaphore, #tpu.memory_space<semaphore_mem>>) src(%dma_wait3A_46 : memref<40x125xi32, #tpu.memory_space<hbm>>) dst(%arg9 : memref<40x125xi32, #tpu.memory_space<vmem>>)
      tpu.yield
    }) : () -> ()
    %eq3A = arith.constant 0 : i32
    %eq3A_4 = arith.cmpi eq, %arg0, %eq3A : i32
    %convert_element_type3A = arith.extui %eq3A_4 : i1 to i32
    %cond3A = arith.constant 0 : i32
    %cond3A_5 = arith.cmpi ne, %convert_element_type3A, %cond3A : i32
    scf.if %cond3A_5 {
      %lt3A = arith.constant 15 : i32
      %lt3A_41 = arith.cmpi slt, %arg1, %lt3A : i32
      %convert_element_type3A_42 = arith.extui %lt3A_41 : i1 to i32
      %cond3A_43 = arith.constant 0 : i32
      %cond3A_44 = arith.cmpi ne, %convert_element_type3A_42, %cond3A_43 : i32
      scf.if %cond3A_44 {
        %dma_start3A_56 = arith.constant 0 : i32
        %dma_start3A_57 = tpu.memref_slice %arg12[%multiple_of3A, %dma_start3A_56] : memref<10000x128xf32, #tpu.memory_space<vmem_shared>> -> memref<624x128xf32, #tpu.memory_space<vmem_shared>>
        %dma_start3A_58 = arith.constant 0 : i32
        %dma_start3A_59 = tpu.memref_slice %arg2[%multiple_of3A, %dma_start3A_58] : memref<10000x128xf32, #tpu.memory_space<hbm>> -> memref<624x128xf32, #tpu.memory_space<hbm>>
        tpu.enqueue_dma source(%dma_start3A_59 : memref<624x128xf32, #tpu.memory_space<hbm>>) target(%dma_start3A_57 : memref<624x128xf32, #tpu.memory_space<vmem_shared>>) target_semaphore(%arg15 : memref<!tpu.dma_semaphore, #tpu.memory_space<semaphore_mem>>)
      } else {
      }
      %eq3A_45 = arith.constant 15 : i32
      %eq3A_46 = arith.cmpi eq, %arg1, %eq3A_45 : i32
      %convert_element_type3A_47 = arith.extui %eq3A_46 : i1 to i32
      %cond3A_48 = arith.constant 0 : i32
      %cond3A_49 = arith.cmpi ne, %convert_element_type3A_47, %cond3A_48 : i32
      scf.if %cond3A_49 {
        %dma_start3A_56 = arith.constant 9360 : i32
        %dma_start3A_57 = arith.constant 0 : i32
        %dma_start3A_58 = tpu.memref_slice %arg12[%dma_start3A_56, %dma_start3A_57] : memref<10000x128xf32, #tpu.memory_space<vmem_shared>> -> memref<640x128xf32, #tpu.memory_space<vmem_shared>>
        %dma_start3A_59 = arith.constant 9360 : i32
        %dma_start3A_60 = arith.constant 0 : i32
        %dma_start3A_61 = tpu.memref_slice %arg2[%dma_start3A_59, %dma_start3A_60] : memref<10000x128xf32, #tpu.memory_space<hbm>> -> memref<640x128xf32, #tpu.memory_space<hbm>>
        tpu.enqueue_dma source(%dma_start3A_61 : memref<640x128xf32, #tpu.memory_space<hbm>>) target(%dma_start3A_58 : memref<640x128xf32, #tpu.memory_space<vmem_shared>>) target_semaphore(%arg15 : memref<!tpu.dma_semaphore, #tpu.memory_space<semaphore_mem>>)
      } else {
      }
      %dma_start3A = arith.constant 0 : i32
      %dma_start3A_50 = arith.constant 0 : i32
      %dma_start3A_51 = tpu.memref_slice %arg8[%dma_start3A, %dma_start3A_50] : memref<40x125xi32, #tpu.memory_space<vmem>> -> memref<1x125xi32, #tpu.memory_space<vmem>>
      %dma_start3A_52 = tpu.memref_squeeze %dma_start3A_51 : memref<1x125xi32, #tpu.memory_space<vmem>> -> memref<125xi32, #tpu.memory_space<vmem>>
      %dma_start3A_53 = arith.constant 0 : i32
      %dma_start3A_54 = arith.constant 0 : i32
      %dma_start3A_55 = tpu.memref_slice %arg2[%dma_start3A_53, %dma_start3A_54] : memref<10000x128xf32, #tpu.memory_space<hbm>> -> memref<10000x128xf32, #tpu.memory_space<hbm>>
      tpu.enqueue_indirect_dma source(%dma_start3A_55 : memref<10000x128xf32, #tpu.memory_space<hbm>>) target(%arg10 : memref<125x128xf32, #tpu.memory_space<vmem>>) offsets(%dma_start3A_52 : memref<125xi32, #tpu.memory_space<vmem>>) semaphore(%arg13 : memref<!tpu.dma_semaphore, #tpu.memory_space<semaphore_mem>>)
    } else {
    }
    %ne3A = arith.constant 0 : i32
    %ne3A_6 = arith.cmpi ne, %arg0, %ne3A : i32
    %convert_element_type3A_7 = arith.extui %ne3A_6 : i1 to i32
    %cond3A_8 = arith.constant 0 : i32
    %cond3A_9 = arith.cmpi ne, %convert_element_type3A_7, %cond3A_8 : i32
    scf.if %cond3A_9 {
      %lt3A = arith.constant 15 : i32
      %lt3A_41 = arith.cmpi slt, %arg1, %lt3A : i32
      %convert_element_type3A_42 = arith.extui %lt3A_41 : i1 to i32
      %cond3A_43 = arith.constant 0 : i32
      %cond3A_44 = arith.cmpi ne, %convert_element_type3A_42, %cond3A_43 : i32
      scf.if %cond3A_44 {
        %dma_start3A_56 = arith.constant 0 : i32
        %dma_start3A_57 = tpu.memref_slice %arg12[%multiple_of3A, %dma_start3A_56] : memref<10000x128xf32, #tpu.memory_space<vmem_shared>> -> memref<624x128xf32, #tpu.memory_space<vmem_shared>>
        %dma_start3A_58 = arith.constant 0 : i32
        %dma_start3A_59 = tpu.memref_slice %arg3[%multiple_of3A, %dma_start3A_58] : memref<10000x128xf32, #tpu.memory_space<hbm>> -> memref<624x128xf32, #tpu.memory_space<hbm>>
        tpu.enqueue_dma source(%dma_start3A_59 : memref<624x128xf32, #tpu.memory_space<hbm>>) target(%dma_start3A_57 : memref<624x128xf32, #tpu.memory_space<vmem_shared>>) target_semaphore(%arg15 : memref<!tpu.dma_semaphore, #tpu.memory_space<semaphore_mem>>)
      } else {
      }
      %eq3A_45 = arith.constant 15 : i32
      %eq3A_46 = arith.cmpi eq, %arg1, %eq3A_45 : i32
      %convert_element_type3A_47 = arith.extui %eq3A_46 : i1 to i32
      %cond3A_48 = arith.constant 0 : i32
      %cond3A_49 = arith.cmpi ne, %convert_element_type3A_47, %cond3A_48 : i32
      scf.if %cond3A_49 {
        %dma_start3A_56 = arith.constant 9360 : i32
        %dma_start3A_57 = arith.constant 0 : i32
        %dma_start3A_58 = tpu.memref_slice %arg12[%dma_start3A_56, %dma_start3A_57] : memref<10000x128xf32, #tpu.memory_space<vmem_shared>> -> memref<640x128xf32, #tpu.memory_space<vmem_shared>>
        %dma_start3A_59 = arith.constant 9360 : i32
        %dma_start3A_60 = arith.constant 0 : i32
        %dma_start3A_61 = tpu.memref_slice %arg3[%dma_start3A_59, %dma_start3A_60] : memref<10000x128xf32, #tpu.memory_space<hbm>> -> memref<640x128xf32, #tpu.memory_space<hbm>>
        tpu.enqueue_dma source(%dma_start3A_61 : memref<640x128xf32, #tpu.memory_space<hbm>>) target(%dma_start3A_58 : memref<640x128xf32, #tpu.memory_space<vmem_shared>>) target_semaphore(%arg15 : memref<!tpu.dma_semaphore, #tpu.memory_space<semaphore_mem>>)
      } else {
      }
      %dma_start3A = arith.constant 0 : i32
      %dma_start3A_50 = arith.constant 0 : i32
      %dma_start3A_51 = tpu.memref_slice %arg8[%dma_start3A, %dma_start3A_50] : memref<40x125xi32, #tpu.memory_space<vmem>> -> memref<1x125xi32, #tpu.memory_space<vmem>>
      %dma_start3A_52 = tpu.memref_squeeze %dma_start3A_51 : memref<1x125xi32, #tpu.memory_space<vmem>> -> memref<125xi32, #tpu.memory_space<vmem>>
      %dma_start3A_53 = arith.constant 0 : i32
      %dma_start3A_54 = arith.constant 0 : i32
      %dma_start3A_55 = tpu.memref_slice %arg3[%dma_start3A_53, %dma_start3A_54] : memref<10000x128xf32, #tpu.memory_space<hbm>> -> memref<10000x128xf32, #tpu.memory_space<hbm>>
      tpu.enqueue_indirect_dma source(%dma_start3A_55 : memref<10000x128xf32, #tpu.memory_space<hbm>>) target(%arg10 : memref<125x128xf32, #tpu.memory_space<vmem>>) offsets(%dma_start3A_52 : memref<125xi32, #tpu.memory_space<vmem>>) semaphore(%arg13 : memref<!tpu.dma_semaphore, #tpu.memory_space<semaphore_mem>>)
    } else {
    }
    %eq3A_10 = arith.constant 0 : i32
    %eq3A_11 = arith.cmpi eq, %arg0, %eq3A_10 : i32
    %convert_element_type3A_12 = arith.extui %eq3A_11 : i1 to i32
    %cond3A_13 = arith.constant 0 : i32
    %cond3A_14 = arith.cmpi ne, %convert_element_type3A_12, %cond3A_13 : i32
    scf.if %cond3A_14 {
      %lt3A = arith.constant 15 : i32
      %lt3A_41 = arith.cmpi slt, %arg1, %lt3A : i32
      %convert_element_type3A_42 = arith.extui %lt3A_41 : i1 to i32
      %cond3A_43 = arith.constant 0 : i32
      %cond3A_44 = arith.cmpi ne, %convert_element_type3A_42, %cond3A_43 : i32
      scf.if %cond3A_44 {
        %dma_wait3A = arith.constant 0 : i32
        %dma_wait3A_50 = tpu.memref_slice %arg12[%multiple_of3A, %dma_wait3A] : memref<10000x128xf32, #tpu.memory_space<vmem_shared>> -> memref<624x128xf32, #tpu.memory_space<vmem_shared>>
        %dma_wait3A_51 = arith.constant 0 : i32
        %dma_wait3A_52 = tpu.memref_slice %arg2[%multiple_of3A, %dma_wait3A_51] : memref<10000x128xf32, #tpu.memory_space<hbm>> -> memref<624x128xf32, #tpu.memory_space<hbm>>
        tpu.wait_dma2 semaphore(%arg15 : memref<!tpu.dma_semaphore, #tpu.memory_space<semaphore_mem>>) src(%dma_wait3A_52 : memref<624x128xf32, #tpu.memory_space<hbm>>) dst(%dma_wait3A_50 : memref<624x128xf32, #tpu.memory_space<vmem_shared>>)
      } else {
      }
      %eq3A_45 = arith.constant 15 : i32
      %eq3A_46 = arith.cmpi eq, %arg1, %eq3A_45 : i32
      %convert_element_type3A_47 = arith.extui %eq3A_46 : i1 to i32
      %cond3A_48 = arith.constant 0 : i32
      %cond3A_49 = arith.cmpi ne, %convert_element_type3A_47, %cond3A_48 : i32
      scf.if %cond3A_49 {
        %dma_wait3A = arith.constant 9360 : i32
        %dma_wait3A_50 = arith.constant 0 : i32
        %dma_wait3A_51 = tpu.memref_slice %arg12[%dma_wait3A, %dma_wait3A_50] : memref<10000x128xf32, #tpu.memory_space<vmem_shared>> -> memref<640x128xf32, #tpu.memory_space<vmem_shared>>
        %dma_wait3A_52 = arith.constant 9360 : i32
        %dma_wait3A_53 = arith.constant 0 : i32
        %dma_wait3A_54 = tpu.memref_slice %arg2[%dma_wait3A_52, %dma_wait3A_53] : memref<10000x128xf32, #tpu.memory_space<hbm>> -> memref<640x128xf32, #tpu.memory_space<hbm>>
        tpu.wait_dma2 semaphore(%arg15 : memref<!tpu.dma_semaphore, #tpu.memory_space<semaphore_mem>>) src(%dma_wait3A_54 : memref<640x128xf32, #tpu.memory_space<hbm>>) dst(%dma_wait3A_51 : memref<640x128xf32, #tpu.memory_space<vmem_shared>>)
      } else {
      }
    } else {
    }
    %ne3A_15 = arith.constant 0 : i32
    %ne3A_16 = arith.cmpi ne, %arg0, %ne3A_15 : i32
    %convert_element_type3A_17 = arith.extui %ne3A_16 : i1 to i32
    %cond3A_18 = arith.constant 0 : i32
    %cond3A_19 = arith.cmpi ne, %convert_element_type3A_17, %cond3A_18 : i32
    scf.if %cond3A_19 {
      %lt3A = arith.constant 15 : i32
      %lt3A_41 = arith.cmpi slt, %arg1, %lt3A : i32
      %convert_element_type3A_42 = arith.extui %lt3A_41 : i1 to i32
      %cond3A_43 = arith.constant 0 : i32
      %cond3A_44 = arith.cmpi ne, %convert_element_type3A_42, %cond3A_43 : i32
      scf.if %cond3A_44 {
        %dma_wait3A = arith.constant 0 : i32
        %dma_wait3A_50 = tpu.memref_slice %arg12[%multiple_of3A, %dma_wait3A] : memref<10000x128xf32, #tpu.memory_space<vmem_shared>> -> memref<624x128xf32, #tpu.memory_space<vmem_shared>>
        %dma_wait3A_51 = arith.constant 0 : i32
        %dma_wait3A_52 = tpu.memref_slice %arg3[%multiple_of3A, %dma_wait3A_51] : memref<10000x128xf32, #tpu.memory_space<hbm>> -> memref<624x128xf32, #tpu.memory_space<hbm>>
        tpu.wait_dma2 semaphore(%arg15 : memref<!tpu.dma_semaphore, #tpu.memory_space<semaphore_mem>>) src(%dma_wait3A_52 : memref<624x128xf32, #tpu.memory_space<hbm>>) dst(%dma_wait3A_50 : memref<624x128xf32, #tpu.memory_space<vmem_shared>>)
      } else {
      }
      %eq3A_45 = arith.constant 15 : i32
      %eq3A_46 = arith.cmpi eq, %arg1, %eq3A_45 : i32
      %convert_element_type3A_47 = arith.extui %eq3A_46 : i1 to i32
      %cond3A_48 = arith.constant 0 : i32
      %cond3A_49 = arith.cmpi ne, %convert_element_type3A_47, %cond3A_48 : i32
      scf.if %cond3A_49 {
        %dma_wait3A = arith.constant 9360 : i32
        %dma_wait3A_50 = arith.constant 0 : i32
        %dma_wait3A_51 = tpu.memref_slice %arg12[%dma_wait3A, %dma_wait3A_50] : memref<10000x128xf32, #tpu.memory_space<vmem_shared>> -> memref<640x128xf32, #tpu.memory_space<vmem_shared>>
        %dma_wait3A_52 = arith.constant 9360 : i32
        %dma_wait3A_53 = arith.constant 0 : i32
        %dma_wait3A_54 = tpu.memref_slice %arg3[%dma_wait3A_52, %dma_wait3A_53] : memref<10000x128xf32, #tpu.memory_space<hbm>> -> memref<640x128xf32, #tpu.memory_space<hbm>>
        tpu.wait_dma2 semaphore(%arg15 : memref<!tpu.dma_semaphore, #tpu.memory_space<semaphore_mem>>) src(%dma_wait3A_54 : memref<640x128xf32, #tpu.memory_space<hbm>>) dst(%dma_wait3A_51 : memref<640x128xf32, #tpu.memory_space<vmem_shared>>)
      } else {
      }
    } else {
    }
    %barrier3A = arith.constant 0 : index
    tpu.barrier barrier_id(%barrier3A)
    %eq3A_20 = arith.constant 0 : i32
    %eq3A_21 = arith.cmpi eq, %arg0, %eq3A_20 : i32
    %convert_element_type3A_22 = arith.extui %eq3A_21 : i1 to i32
    %cond3A_23 = arith.constant 0 : i32
    %cond3A_24 = arith.cmpi ne, %convert_element_type3A_22, %cond3A_23 : i32
    scf.if %cond3A_24 {
      %scan3A = arith.constant 0 : i32
      %scan3A_41 = arith.constant 0 : i32
      %scan3A_42 = arith.constant 20 : i32
      %scan3A_43 = arith.addi %scan3A_41, %scan3A_42 : i32
      %scan3A_44 = arith.constant 1 : i32
      scf.for %scan3A_62 = %scan3A_41 to %scan3A_43 step %scan3A_44  : i32 {
        %mul3A_63 = arith.constant 2 : i32
        %mul3A_64 = arith.muli %mul3A_63, %scan3A_62 : i32
        %add3A_65 = arith.constant 1 : i32
        %add3A_66 = arith.addi %mul3A_64, %add3A_65 : i32
        %dma_start3A_67 = arith.constant 0 : i32
        %dma_start3A_68 = tpu.memref_slice %arg8[%add3A_66, %dma_start3A_67] : memref<40x125xi32, #tpu.memory_space<vmem>> -> memref<1x125xi32, #tpu.memory_space<vmem>>
        %dma_start3A_69 = tpu.memref_squeeze %dma_start3A_68 : memref<1x125xi32, #tpu.memory_space<vmem>> -> memref<125xi32, #tpu.memory_space<vmem>>
        %dma_start3A_70 = arith.constant 0 : i32
        %dma_start3A_71 = arith.constant 0 : i32
        %dma_start3A_72 = tpu.memref_slice %arg2[%dma_start3A_70, %dma_start3A_71] : memref<10000x128xf32, #tpu.memory_space<hbm>> -> memref<10000x128xf32, #tpu.memory_space<hbm>>
        tpu.enqueue_indirect_dma source(%dma_start3A_72 : memref<10000x128xf32, #tpu.memory_space<hbm>>) target(%arg11 : memref<125x128xf32, #tpu.memory_space<vmem>>) offsets(%dma_start3A_69 : memref<125xi32, #tpu.memory_space<vmem>>) semaphore(%arg14 : memref<!tpu.dma_semaphore, #tpu.memory_space<semaphore_mem>>)
        %dma_wait3A = arith.constant 0 : i32
        %dma_wait3A_73 = arith.constant 0 : i32
        %dma_wait3A_74 = tpu.memref_slice %arg8[%dma_wait3A, %dma_wait3A_73] : memref<40x125xi32, #tpu.memory_space<vmem>> -> memref<1x125xi32, #tpu.memory_space<vmem>>
        %dma_wait3A_75 = tpu.memref_squeeze %dma_wait3A_74 : memref<1x125xi32, #tpu.memory_space<vmem>> -> memref<125xi32, #tpu.memory_space<vmem>>
        %dma_wait3A_76 = arith.constant 0 : i32
        %dma_wait3A_77 = arith.constant 0 : i32
        %dma_wait3A_78 = tpu.memref_slice %arg2[%dma_wait3A_76, %dma_wait3A_77] : memref<10000x128xf32, #tpu.memory_space<hbm>> -> memref<10000x128xf32, #tpu.memory_space<hbm>>
        tpu.wait_indirect_dma semaphore(%arg13 : memref<!tpu.dma_semaphore, #tpu.memory_space<semaphore_mem>>) src(%dma_wait3A_78 : memref<10000x128xf32, #tpu.memory_space<hbm>>) dst(%arg10 : memref<125x128xf32, #tpu.memory_space<vmem>>)
        "tpu.region"() ({
          %run_scoped3A = tpu.sem_alloc : memref<!tpu.dma_semaphore, #tpu.memory_space<semaphore_mem>>
          %dma_start3A_94 = arith.constant 0 : i32
          %dma_start3A_95 = tpu.memref_slice %arg9[%mul3A_64, %dma_start3A_94] : memref<40x125xi32, #tpu.memory_space<vmem>> -> memref<1x125xi32, #tpu.memory_space<vmem>>
          %dma_start3A_96 = tpu.memref_squeeze %dma_start3A_95 : memref<1x125xi32, #tpu.memory_space<vmem>> -> memref<125xi32, #tpu.memory_space<vmem>>
          %dma_start3A_97 = arith.constant 0 : i32
          %dma_start3A_98 = arith.constant 0 : i32
          %dma_start3A_99 = tpu.memref_slice %arg12[%dma_start3A_97, %dma_start3A_98] : memref<10000x128xf32, #tpu.memory_space<vmem_shared>> -> memref<10000x128xf32, #tpu.memory_space<vmem_shared>>
          tpu.enqueue_indirect_dma source(%arg10 : memref<125x128xf32, #tpu.memory_space<vmem>>) target(%dma_start3A_99 : memref<10000x128xf32, #tpu.memory_space<vmem_shared>>) offsets(%dma_start3A_96 : memref<125xi32, #tpu.memory_space<vmem>>) semaphore(%run_scoped3A : memref<!tpu.dma_semaphore, #tpu.memory_space<semaphore_mem>>) {add = true}
          %dma_wait3A_100 = arith.constant 0 : i32
          %dma_wait3A_101 = tpu.memref_slice %arg9[%mul3A_64, %dma_wait3A_100] : memref<40x125xi32, #tpu.memory_space<vmem>> -> memref<1x125xi32, #tpu.memory_space<vmem>>
          %dma_wait3A_102 = tpu.memref_squeeze %dma_wait3A_101 : memref<1x125xi32, #tpu.memory_space<vmem>> -> memref<125xi32, #tpu.memory_space<vmem>>
          %dma_wait3A_103 = arith.constant 0 : i32
          %dma_wait3A_104 = arith.constant 0 : i32
          %dma_wait3A_105 = tpu.memref_slice %arg12[%dma_wait3A_103, %dma_wait3A_104] : memref<10000x128xf32, #tpu.memory_space<vmem_shared>> -> memref<10000x128xf32, #tpu.memory_space<vmem_shared>>
          tpu.wait_indirect_dma semaphore(%run_scoped3A : memref<!tpu.dma_semaphore, #tpu.memory_space<semaphore_mem>>) src(%arg10 : memref<125x128xf32, #tpu.memory_space<vmem>>) dst(%dma_wait3A_105 : memref<10000x128xf32, #tpu.memory_space<vmem_shared>>)
          tpu.yield
        }) : () -> ()
        %add3A_79 = arith.constant 1 : i32
        %add3A_80 = arith.addi %scan3A_62, %add3A_79 : i32
        %lt3A = arith.constant 20 : i32
        %lt3A_81 = arith.cmpi slt, %add3A_80, %lt3A : i32
        %convert_element_type3A_82 = arith.extui %lt3A_81 : i1 to i32
        %cond3A_83 = arith.constant 0 : i32
        %cond3A_84 = arith.cmpi ne, %convert_element_type3A_82, %cond3A_83 : i32
        scf.if %cond3A_84 {
          %add3A_94 = arith.constant 2 : i32
          %add3A_95 = arith.addi %mul3A_64, %add3A_94 : i32
          %dma_start3A_96 = arith.constant 0 : i32
          %dma_start3A_97 = tpu.memref_slice %arg8[%add3A_95, %dma_start3A_96] : memref<40x125xi32, #tpu.memory_space<vmem>> -> memref<1x125xi32, #tpu.memory_space<vmem>>
          %dma_start3A_98 = tpu.memref_squeeze %dma_start3A_97 : memref<1x125xi32, #tpu.memory_space<vmem>> -> memref<125xi32, #tpu.memory_space<vmem>>
          %dma_start3A_99 = arith.constant 0 : i32
          %dma_start3A_100 = arith.constant 0 : i32
          %dma_start3A_101 = tpu.memref_slice %arg2[%dma_start3A_99, %dma_start3A_100] : memref<10000x128xf32, #tpu.memory_space<hbm>> -> memref<10000x128xf32, #tpu.memory_space<hbm>>
          tpu.enqueue_indirect_dma source(%dma_start3A_101 : memref<10000x128xf32, #tpu.memory_space<hbm>>) target(%arg10 : memref<125x128xf32, #tpu.memory_space<vmem>>) offsets(%dma_start3A_98 : memref<125xi32, #tpu.memory_space<vmem>>) semaphore(%arg13 : memref<!tpu.dma_semaphore, #tpu.memory_space<semaphore_mem>>)
        } else {
        }
        %dma_wait3A_85 = arith.constant 0 : i32
        %dma_wait3A_86 = arith.constant 0 : i32
        %dma_wait3A_87 = tpu.memref_slice %arg8[%dma_wait3A_85, %dma_wait3A_86] : memref<40x125xi32, #tpu.memory_space<vmem>> -> memref<1x125xi32, #tpu.memory_space<vmem>>
        %dma_wait3A_88 = tpu.memref_squeeze %dma_wait3A_87 : memref<1x125xi32, #tpu.memory_space<vmem>> -> memref<125xi32, #tpu.memory_space<vmem>>
        %dma_wait3A_89 = arith.constant 0 : i32
        %dma_wait3A_90 = arith.constant 0 : i32
        %dma_wait3A_91 = tpu.memref_slice %arg2[%dma_wait3A_89, %dma_wait3A_90] : memref<10000x128xf32, #tpu.memory_space<hbm>> -> memref<10000x128xf32, #tpu.memory_space<hbm>>
        tpu.wait_indirect_dma semaphore(%arg14 : memref<!tpu.dma_semaphore, #tpu.memory_space<semaphore_mem>>) src(%dma_wait3A_91 : memref<10000x128xf32, #tpu.memory_space<hbm>>) dst(%arg11 : memref<125x128xf32, #tpu.memory_space<vmem>>)
        %add3A_92 = arith.constant 1 : i32
        %add3A_93 = arith.addi %mul3A_64, %add3A_92 : i32
        "tpu.region"() ({
          %run_scoped3A = tpu.sem_alloc : memref<!tpu.dma_semaphore, #tpu.memory_space<semaphore_mem>>
          %dma_start3A_94 = arith.constant 0 : i32
          %dma_start3A_95 = tpu.memref_slice %arg9[%add3A_93, %dma_start3A_94] : memref<40x125xi32, #tpu.memory_space<vmem>> -> memref<1x125xi32, #tpu.memory_space<vmem>>
          %dma_start3A_96 = tpu.memref_squeeze %dma_start3A_95 : memref<1x125xi32, #tpu.memory_space<vmem>> -> memref<125xi32, #tpu.memory_space<vmem>>
          %dma_start3A_97 = arith.constant 0 : i32
          %dma_start3A_98 = arith.constant 0 : i32
          %dma_start3A_99 = tpu.memref_slice %arg12[%dma_start3A_97, %dma_start3A_98] : memref<10000x128xf32, #tpu.memory_space<vmem_shared>> -> memref<10000x128xf32, #tpu.memory_space<vmem_shared>>
          tpu.enqueue_indirect_dma source(%arg11 : memref<125x128xf32, #tpu.memory_space<vmem>>) target(%dma_start3A_99 : memref<10000x128xf32, #tpu.memory_space<vmem_shared>>) offsets(%dma_start3A_96 : memref<125xi32, #tpu.memory_space<vmem>>) semaphore(%run_scoped3A : memref<!tpu.dma_semaphore, #tpu.memory_space<semaphore_mem>>) {add = true}
          %dma_wait3A_100 = arith.constant 0 : i32
          %dma_wait3A_101 = tpu.memref_slice %arg9[%add3A_93, %dma_wait3A_100] : memref<40x125xi32, #tpu.memory_space<vmem>> -> memref<1x125xi32, #tpu.memory_space<vmem>>
          %dma_wait3A_102 = tpu.memref_squeeze %dma_wait3A_101 : memref<1x125xi32, #tpu.memory_space<vmem>> -> memref<125xi32, #tpu.memory_space<vmem>>
          %dma_wait3A_103 = arith.constant 0 : i32
          %dma_wait3A_104 = arith.constant 0 : i32
          %dma_wait3A_105 = tpu.memref_slice %arg12[%dma_wait3A_103, %dma_wait3A_104] : memref<10000x128xf32, #tpu.memory_space<vmem_shared>> -> memref<10000x128xf32, #tpu.memory_space<vmem_shared>>
          tpu.wait_indirect_dma semaphore(%run_scoped3A : memref<!tpu.dma_semaphore, #tpu.memory_space<semaphore_mem>>) src(%arg11 : memref<125x128xf32, #tpu.memory_space<vmem>>) dst(%dma_wait3A_105 : memref<10000x128xf32, #tpu.memory_space<vmem_shared>>)
          tpu.yield
        }) : () -> ()
      }
      %scan3A_45 = arith.constant 20 : i32
      %mul3A_46 = arith.constant 80 : i32
      %mul3A_47 = arith.muli %arg1, %mul3A_46 : i32
      %add3A = arith.constant 40 : i32
      %add3A_48 = arith.addi %mul3A_47, %add3A : i32
      %multiple_of3A_49 = tpu.assume_multiple %add3A_48, 8 : i32
      "tpu.region"() ({
        %run_scoped3A = tpu.sem_alloc : memref<!tpu.dma_semaphore, #tpu.memory_space<semaphore_mem>>
        %dma_start3A_62 = arith.constant 0 : i32
        %dma_start3A_63 = tpu.memref_slice %arg4[%multiple_of3A_49, %dma_start3A_62] : memref<1280x125xi32, #tpu.memory_space<hbm>> -> memref<40x125xi32, #tpu.memory_space<hbm>>
        %dma_start3A_64 = arith.constant 0 : i32
        %dma_start3A_65 = tpu.memref_slice %arg4[%multiple_of3A_49, %dma_start3A_64] : memref<1280x125xi32, #tpu.memory_space<hbm>> -> memref<40x125xi32, #tpu.memory_space<hbm>>
        tpu.enqueue_dma source(%dma_start3A_65 : memref<40x125xi32, #tpu.memory_space<hbm>>) target(%arg8 : memref<40x125xi32, #tpu.memory_space<vmem>>) target_semaphore(%run_scoped3A : memref<!tpu.dma_semaphore, #tpu.memory_space<semaphore_mem>>)
        %dma_wait3A = arith.constant 0 : i32
        %dma_wait3A_66 = tpu.memref_slice %arg4[%multiple_of3A_49, %dma_wait3A] : memref<1280x125xi32, #tpu.memory_space<hbm>> -> memref<40x125xi32, #tpu.memory_space<hbm>>
        %dma_wait3A_67 = arith.constant 0 : i32
        %dma_wait3A_68 = tpu.memref_slice %arg4[%multiple_of3A_49, %dma_wait3A_67] : memref<1280x125xi32, #tpu.memory_space<hbm>> -> memref<40x125xi32, #tpu.memory_space<hbm>>
        tpu.wait_dma2 semaphore(%run_scoped3A : memref<!tpu.dma_semaphore, #tpu.memory_space<semaphore_mem>>) src(%dma_wait3A_68 : memref<40x125xi32, #tpu.memory_space<hbm>>) dst(%arg8 : memref<40x125xi32, #tpu.memory_space<vmem>>)
        tpu.yield
      }) : () -> ()
      "tpu.region"() ({
        %run_scoped3A = tpu.sem_alloc : memref<!tpu.dma_semaphore, #tpu.memory_space<semaphore_mem>>
        %dma_start3A_62 = arith.constant 0 : i32
        %dma_start3A_63 = tpu.memref_slice %arg5[%multiple_of3A_49, %dma_start3A_62] : memref<1280x125xi32, #tpu.memory_space<hbm>> -> memref<40x125xi32, #tpu.memory_space<hbm>>
        %dma_start3A_64 = arith.constant 0 : i32
        %dma_start3A_65 = tpu.memref_slice %arg5[%multiple_of3A_49, %dma_start3A_64] : memref<1280x125xi32, #tpu.memory_space<hbm>> -> memref<40x125xi32, #tpu.memory_space<hbm>>
        tpu.enqueue_dma source(%dma_start3A_65 : memref<40x125xi32, #tpu.memory_space<hbm>>) target(%arg9 : memref<40x125xi32, #tpu.memory_space<vmem>>) target_semaphore(%run_scoped3A : memref<!tpu.dma_semaphore, #tpu.memory_space<semaphore_mem>>)
        %dma_wait3A = arith.constant 0 : i32
        %dma_wait3A_66 = tpu.memref_slice %arg5[%multiple_of3A_49, %dma_wait3A] : memref<1280x125xi32, #tpu.memory_space<hbm>> -> memref<40x125xi32, #tpu.memory_space<hbm>>
        %dma_wait3A_67 = arith.constant 0 : i32
        %dma_wait3A_68 = tpu.memref_slice %arg5[%multiple_of3A_49, %dma_wait3A_67] : memref<1280x125xi32, #tpu.memory_space<hbm>> -> memref<40x125xi32, #tpu.memory_space<hbm>>
        tpu.wait_dma2 semaphore(%run_scoped3A : memref<!tpu.dma_semaphore, #tpu.memory_space<semaphore_mem>>) src(%dma_wait3A_68 : memref<40x125xi32, #tpu.memory_space<hbm>>) dst(%arg9 : memref<40x125xi32, #tpu.memory_space<vmem>>)
        tpu.yield
      }) : () -> ()
      %dma_start3A = arith.constant 0 : i32
      %dma_start3A_50 = arith.constant 0 : i32
      %dma_start3A_51 = tpu.memref_slice %arg8[%dma_start3A, %dma_start3A_50] : memref<40x125xi32, #tpu.memory_space<vmem>> -> memref<1x125xi32, #tpu.memory_space<vmem>>
      %dma_start3A_52 = tpu.memref_squeeze %dma_start3A_51 : memref<1x125xi32, #tpu.memory_space<vmem>> -> memref<125xi32, #tpu.memory_space<vmem>>
      %dma_start3A_53 = arith.constant 0 : i32
      %dma_start3A_54 = arith.constant 0 : i32
      %dma_start3A_55 = tpu.memref_slice %arg2[%dma_start3A_53, %dma_start3A_54] : memref<10000x128xf32, #tpu.memory_space<hbm>> -> memref<10000x128xf32, #tpu.memory_space<hbm>>
      tpu.enqueue_indirect_dma source(%dma_start3A_55 : memref<10000x128xf32, #tpu.memory_space<hbm>>) target(%arg10 : memref<125x128xf32, #tpu.memory_space<vmem>>) offsets(%dma_start3A_52 : memref<125xi32, #tpu.memory_space<vmem>>) semaphore(%arg13 : memref<!tpu.dma_semaphore, #tpu.memory_space<semaphore_mem>>)
      %scan3A_56 = arith.constant 0 : i32
      %scan3A_57 = arith.constant 0 : i32
      %scan3A_58 = arith.constant 20 : i32
      %scan3A_59 = arith.addi %scan3A_57, %scan3A_58 : i32
      %scan3A_60 = arith.constant 1 : i32
      scf.for %scan3A_62 = %scan3A_57 to %scan3A_59 step %scan3A_60  : i32 {
        %mul3A_63 = arith.constant 2 : i32
        %mul3A_64 = arith.muli %mul3A_63, %scan3A_62 : i32
        %add3A_65 = arith.constant 1 : i32
        %add3A_66 = arith.addi %mul3A_64, %add3A_65 : i32
        %dma_start3A_67 = arith.constant 0 : i32
        %dma_start3A_68 = tpu.memref_slice %arg8[%add3A_66, %dma_start3A_67] : memref<40x125xi32, #tpu.memory_space<vmem>> -> memref<1x125xi32, #tpu.memory_space<vmem>>
        %dma_start3A_69 = tpu.memref_squeeze %dma_start3A_68 : memref<1x125xi32, #tpu.memory_space<vmem>> -> memref<125xi32, #tpu.memory_space<vmem>>
        %dma_start3A_70 = arith.constant 0 : i32
        %dma_start3A_71 = arith.constant 0 : i32
        %dma_start3A_72 = tpu.memref_slice %arg2[%dma_start3A_70, %dma_start3A_71] : memref<10000x128xf32, #tpu.memory_space<hbm>> -> memref<10000x128xf32, #tpu.memory_space<hbm>>
        tpu.enqueue_indirect_dma source(%dma_start3A_72 : memref<10000x128xf32, #tpu.memory_space<hbm>>) target(%arg11 : memref<125x128xf32, #tpu.memory_space<vmem>>) offsets(%dma_start3A_69 : memref<125xi32, #tpu.memory_space<vmem>>) semaphore(%arg14 : memref<!tpu.dma_semaphore, #tpu.memory_space<semaphore_mem>>)
        %dma_wait3A = arith.constant 0 : i32
        %dma_wait3A_73 = arith.constant 0 : i32
        %dma_wait3A_74 = tpu.memref_slice %arg8[%dma_wait3A, %dma_wait3A_73] : memref<40x125xi32, #tpu.memory_space<vmem>> -> memref<1x125xi32, #tpu.memory_space<vmem>>
        %dma_wait3A_75 = tpu.memref_squeeze %dma_wait3A_74 : memref<1x125xi32, #tpu.memory_space<vmem>> -> memref<125xi32, #tpu.memory_space<vmem>>
        %dma_wait3A_76 = arith.constant 0 : i32
        %dma_wait3A_77 = arith.constant 0 : i32
        %dma_wait3A_78 = tpu.memref_slice %arg2[%dma_wait3A_76, %dma_wait3A_77] : memref<10000x128xf32, #tpu.memory_space<hbm>> -> memref<10000x128xf32, #tpu.memory_space<hbm>>
        tpu.wait_indirect_dma semaphore(%arg13 : memref<!tpu.dma_semaphore, #tpu.memory_space<semaphore_mem>>) src(%dma_wait3A_78 : memref<10000x128xf32, #tpu.memory_space<hbm>>) dst(%arg10 : memref<125x128xf32, #tpu.memory_space<vmem>>)
        "tpu.region"() ({
          %run_scoped3A = tpu.sem_alloc : memref<!tpu.dma_semaphore, #tpu.memory_space<semaphore_mem>>
          %dma_start3A_94 = arith.constant 0 : i32
          %dma_start3A_95 = tpu.memref_slice %arg9[%mul3A_64, %dma_start3A_94] : memref<40x125xi32, #tpu.memory_space<vmem>> -> memref<1x125xi32, #tpu.memory_space<vmem>>
          %dma_start3A_96 = tpu.memref_squeeze %dma_start3A_95 : memref<1x125xi32, #tpu.memory_space<vmem>> -> memref<125xi32, #tpu.memory_space<vmem>>
          %dma_start3A_97 = arith.constant 0 : i32
          %dma_start3A_98 = arith.constant 0 : i32
          %dma_start3A_99 = tpu.memref_slice %arg12[%dma_start3A_97, %dma_start3A_98] : memref<10000x128xf32, #tpu.memory_space<vmem_shared>> -> memref<10000x128xf32, #tpu.memory_space<vmem_shared>>
          tpu.enqueue_indirect_dma source(%arg10 : memref<125x128xf32, #tpu.memory_space<vmem>>) target(%dma_start3A_99 : memref<10000x128xf32, #tpu.memory_space<vmem_shared>>) offsets(%dma_start3A_96 : memref<125xi32, #tpu.memory_space<vmem>>) semaphore(%run_scoped3A : memref<!tpu.dma_semaphore, #tpu.memory_space<semaphore_mem>>) {add = true}
          %dma_wait3A_100 = arith.constant 0 : i32
          %dma_wait3A_101 = tpu.memref_slice %arg9[%mul3A_64, %dma_wait3A_100] : memref<40x125xi32, #tpu.memory_space<vmem>> -> memref<1x125xi32, #tpu.memory_space<vmem>>
          %dma_wait3A_102 = tpu.memref_squeeze %dma_wait3A_101 : memref<1x125xi32, #tpu.memory_space<vmem>> -> memref<125xi32, #tpu.memory_space<vmem>>
          %dma_wait3A_103 = arith.constant 0 : i32
          %dma_wait3A_104 = arith.constant 0 : i32
          %dma_wait3A_105 = tpu.memref_slice %arg12[%dma_wait3A_103, %dma_wait3A_104] : memref<10000x128xf32, #tpu.memory_space<vmem_shared>> -> memref<10000x128xf32, #tpu.memory_space<vmem_shared>>
          tpu.wait_indirect_dma semaphore(%run_scoped3A : memref<!tpu.dma_semaphore, #tpu.memory_space<semaphore_mem>>) src(%arg10 : memref<125x128xf32, #tpu.memory_space<vmem>>) dst(%dma_wait3A_105 : memref<10000x128xf32, #tpu.memory_space<vmem_shared>>)
          tpu.yield
        }) : () -> ()
        %add3A_79 = arith.constant 1 : i32
        %add3A_80 = arith.addi %scan3A_62, %add3A_79 : i32
        %lt3A = arith.constant 20 : i32
        %lt3A_81 = arith.cmpi slt, %add3A_80, %lt3A : i32
        %convert_element_type3A_82 = arith.extui %lt3A_81 : i1 to i32
        %cond3A_83 = arith.constant 0 : i32
        %cond3A_84 = arith.cmpi ne, %convert_element_type3A_82, %cond3A_83 : i32
        scf.if %cond3A_84 {
          %add3A_94 = arith.constant 2 : i32
          %add3A_95 = arith.addi %mul3A_64, %add3A_94 : i32
          %dma_start3A_96 = arith.constant 0 : i32
          %dma_start3A_97 = tpu.memref_slice %arg8[%add3A_95, %dma_start3A_96] : memref<40x125xi32, #tpu.memory_space<vmem>> -> memref<1x125xi32, #tpu.memory_space<vmem>>
          %dma_start3A_98 = tpu.memref_squeeze %dma_start3A_97 : memref<1x125xi32, #tpu.memory_space<vmem>> -> memref<125xi32, #tpu.memory_space<vmem>>
          %dma_start3A_99 = arith.constant 0 : i32
          %dma_start3A_100 = arith.constant 0 : i32
          %dma_start3A_101 = tpu.memref_slice %arg2[%dma_start3A_99, %dma_start3A_100] : memref<10000x128xf32, #tpu.memory_space<hbm>> -> memref<10000x128xf32, #tpu.memory_space<hbm>>
          tpu.enqueue_indirect_dma source(%dma_start3A_101 : memref<10000x128xf32, #tpu.memory_space<hbm>>) target(%arg10 : memref<125x128xf32, #tpu.memory_space<vmem>>) offsets(%dma_start3A_98 : memref<125xi32, #tpu.memory_space<vmem>>) semaphore(%arg13 : memref<!tpu.dma_semaphore, #tpu.memory_space<semaphore_mem>>)
        } else {
        }
        %dma_wait3A_85 = arith.constant 0 : i32
        %dma_wait3A_86 = arith.constant 0 : i32
        %dma_wait3A_87 = tpu.memref_slice %arg8[%dma_wait3A_85, %dma_wait3A_86] : memref<40x125xi32, #tpu.memory_space<vmem>> -> memref<1x125xi32, #tpu.memory_space<vmem>>
        %dma_wait3A_88 = tpu.memref_squeeze %dma_wait3A_87 : memref<1x125xi32, #tpu.memory_space<vmem>> -> memref<125xi32, #tpu.memory_space<vmem>>
        %dma_wait3A_89 = arith.constant 0 : i32
        %dma_wait3A_90 = arith.constant 0 : i32
        %dma_wait3A_91 = tpu.memref_slice %arg2[%dma_wait3A_89, %dma_wait3A_90] : memref<10000x128xf32, #tpu.memory_space<hbm>> -> memref<10000x128xf32, #tpu.memory_space<hbm>>
        tpu.wait_indirect_dma semaphore(%arg14 : memref<!tpu.dma_semaphore, #tpu.memory_space<semaphore_mem>>) src(%dma_wait3A_91 : memref<10000x128xf32, #tpu.memory_space<hbm>>) dst(%arg11 : memref<125x128xf32, #tpu.memory_space<vmem>>)
        %add3A_92 = arith.constant 1 : i32
        %add3A_93 = arith.addi %mul3A_64, %add3A_92 : i32
        "tpu.region"() ({
          %run_scoped3A = tpu.sem_alloc : memref<!tpu.dma_semaphore, #tpu.memory_space<semaphore_mem>>
          %dma_start3A_94 = arith.constant 0 : i32
          %dma_start3A_95 = tpu.memref_slice %arg9[%add3A_93, %dma_start3A_94] : memref<40x125xi32, #tpu.memory_space<vmem>> -> memref<1x125xi32, #tpu.memory_space<vmem>>
          %dma_start3A_96 = tpu.memref_squeeze %dma_start3A_95 : memref<1x125xi32, #tpu.memory_space<vmem>> -> memref<125xi32, #tpu.memory_space<vmem>>
          %dma_start3A_97 = arith.constant 0 : i32
          %dma_start3A_98 = arith.constant 0 : i32
          %dma_start3A_99 = tpu.memref_slice %arg12[%dma_start3A_97, %dma_start3A_98] : memref<10000x128xf32, #tpu.memory_space<vmem_shared>> -> memref<10000x128xf32, #tpu.memory_space<vmem_shared>>
          tpu.enqueue_indirect_dma source(%arg11 : memref<125x128xf32, #tpu.memory_space<vmem>>) target(%dma_start3A_99 : memref<10000x128xf32, #tpu.memory_space<vmem_shared>>) offsets(%dma_start3A_96 : memref<125xi32, #tpu.memory_space<vmem>>) semaphore(%run_scoped3A : memref<!tpu.dma_semaphore, #tpu.memory_space<semaphore_mem>>) {add = true}
          %dma_wait3A_100 = arith.constant 0 : i32
          %dma_wait3A_101 = tpu.memref_slice %arg9[%add3A_93, %dma_wait3A_100] : memref<40x125xi32, #tpu.memory_space<vmem>> -> memref<1x125xi32, #tpu.memory_space<vmem>>
          %dma_wait3A_102 = tpu.memref_squeeze %dma_wait3A_101 : memref<1x125xi32, #tpu.memory_space<vmem>> -> memref<125xi32, #tpu.memory_space<vmem>>
          %dma_wait3A_103 = arith.constant 0 : i32
          %dma_wait3A_104 = arith.constant 0 : i32
          %dma_wait3A_105 = tpu.memref_slice %arg12[%dma_wait3A_103, %dma_wait3A_104] : memref<10000x128xf32, #tpu.memory_space<vmem_shared>> -> memref<10000x128xf32, #tpu.memory_space<vmem_shared>>
          tpu.wait_indirect_dma semaphore(%run_scoped3A : memref<!tpu.dma_semaphore, #tpu.memory_space<semaphore_mem>>) src(%arg11 : memref<125x128xf32, #tpu.memory_space<vmem>>) dst(%dma_wait3A_105 : memref<10000x128xf32, #tpu.memory_space<vmem_shared>>)
          tpu.yield
        }) : () -> ()
      }
      %scan3A_61 = arith.constant 20 : i32
    } else {
    }
    %ne3A_25 = arith.constant 0 : i32
    %ne3A_26 = arith.cmpi ne, %arg0, %ne3A_25 : i32
    %convert_element_type3A_27 = arith.extui %ne3A_26 : i1 to i32
    %cond3A_28 = arith.constant 0 : i32
    %cond3A_29 = arith.cmpi ne, %convert_element_type3A_27, %cond3A_28 : i32
    scf.if %cond3A_29 {
      %scan3A = arith.constant 0 : i32
      %scan3A_41 = arith.constant 0 : i32
      %scan3A_42 = arith.constant 20 : i32
      %scan3A_43 = arith.addi %scan3A_41, %scan3A_42 : i32
      %scan3A_44 = arith.constant 1 : i32
      scf.for %scan3A_62 = %scan3A_41 to %scan3A_43 step %scan3A_44  : i32 {
        %mul3A_63 = arith.constant 2 : i32
        %mul3A_64 = arith.muli %mul3A_63, %scan3A_62 : i32
        %add3A_65 = arith.constant 1 : i32
        %add3A_66 = arith.addi %mul3A_64, %add3A_65 : i32
        %dma_start3A_67 = arith.constant 0 : i32
        %dma_start3A_68 = tpu.memref_slice %arg8[%add3A_66, %dma_start3A_67] : memref<40x125xi32, #tpu.memory_space<vmem>> -> memref<1x125xi32, #tpu.memory_space<vmem>>
        %dma_start3A_69 = tpu.memref_squeeze %dma_start3A_68 : memref<1x125xi32, #tpu.memory_space<vmem>> -> memref<125xi32, #tpu.memory_space<vmem>>
        %dma_start3A_70 = arith.constant 0 : i32
        %dma_start3A_71 = arith.constant 0 : i32
        %dma_start3A_72 = tpu.memref_slice %arg3[%dma_start3A_70, %dma_start3A_71] : memref<10000x128xf32, #tpu.memory_space<hbm>> -> memref<10000x128xf32, #tpu.memory_space<hbm>>
        tpu.enqueue_indirect_dma source(%dma_start3A_72 : memref<10000x128xf32, #tpu.memory_space<hbm>>) target(%arg11 : memref<125x128xf32, #tpu.memory_space<vmem>>) offsets(%dma_start3A_69 : memref<125xi32, #tpu.memory_space<vmem>>) semaphore(%arg14 : memref<!tpu.dma_semaphore, #tpu.memory_space<semaphore_mem>>)
        %dma_wait3A = arith.constant 0 : i32
        %dma_wait3A_73 = arith.constant 0 : i32
        %dma_wait3A_74 = tpu.memref_slice %arg8[%dma_wait3A, %dma_wait3A_73] : memref<40x125xi32, #tpu.memory_space<vmem>> -> memref<1x125xi32, #tpu.memory_space<vmem>>
        %dma_wait3A_75 = tpu.memref_squeeze %dma_wait3A_74 : memref<1x125xi32, #tpu.memory_space<vmem>> -> memref<125xi32, #tpu.memory_space<vmem>>
        %dma_wait3A_76 = arith.constant 0 : i32
        %dma_wait3A_77 = arith.constant 0 : i32
        %dma_wait3A_78 = tpu.memref_slice %arg3[%dma_wait3A_76, %dma_wait3A_77] : memref<10000x128xf32, #tpu.memory_space<hbm>> -> memref<10000x128xf32, #tpu.memory_space<hbm>>
        tpu.wait_indirect_dma semaphore(%arg13 : memref<!tpu.dma_semaphore, #tpu.memory_space<semaphore_mem>>) src(%dma_wait3A_78 : memref<10000x128xf32, #tpu.memory_space<hbm>>) dst(%arg10 : memref<125x128xf32, #tpu.memory_space<vmem>>)
        "tpu.region"() ({
          %run_scoped3A = tpu.sem_alloc : memref<!tpu.dma_semaphore, #tpu.memory_space<semaphore_mem>>
          %dma_start3A_94 = arith.constant 0 : i32
          %dma_start3A_95 = tpu.memref_slice %arg9[%mul3A_64, %dma_start3A_94] : memref<40x125xi32, #tpu.memory_space<vmem>> -> memref<1x125xi32, #tpu.memory_space<vmem>>
          %dma_start3A_96 = tpu.memref_squeeze %dma_start3A_95 : memref<1x125xi32, #tpu.memory_space<vmem>> -> memref<125xi32, #tpu.memory_space<vmem>>
          %dma_start3A_97 = arith.constant 0 : i32
          %dma_start3A_98 = arith.constant 0 : i32
          %dma_start3A_99 = tpu.memref_slice %arg12[%dma_start3A_97, %dma_start3A_98] : memref<10000x128xf32, #tpu.memory_space<vmem_shared>> -> memref<10000x128xf32, #tpu.memory_space<vmem_shared>>
          tpu.enqueue_indirect_dma source(%arg10 : memref<125x128xf32, #tpu.memory_space<vmem>>) target(%dma_start3A_99 : memref<10000x128xf32, #tpu.memory_space<vmem_shared>>) offsets(%dma_start3A_96 : memref<125xi32, #tpu.memory_space<vmem>>) semaphore(%run_scoped3A : memref<!tpu.dma_semaphore, #tpu.memory_space<semaphore_mem>>) {add = true}
          %dma_wait3A_100 = arith.constant 0 : i32
          %dma_wait3A_101 = tpu.memref_slice %arg9[%mul3A_64, %dma_wait3A_100] : memref<40x125xi32, #tpu.memory_space<vmem>> -> memref<1x125xi32, #tpu.memory_space<vmem>>
          %dma_wait3A_102 = tpu.memref_squeeze %dma_wait3A_101 : memref<1x125xi32, #tpu.memory_space<vmem>> -> memref<125xi32, #tpu.memory_space<vmem>>
          %dma_wait3A_103 = arith.constant 0 : i32
          %dma_wait3A_104 = arith.constant 0 : i32
          %dma_wait3A_105 = tpu.memref_slice %arg12[%dma_wait3A_103, %dma_wait3A_104] : memref<10000x128xf32, #tpu.memory_space<vmem_shared>> -> memref<10000x128xf32, #tpu.memory_space<vmem_shared>>
          tpu.wait_indirect_dma semaphore(%run_scoped3A : memref<!tpu.dma_semaphore, #tpu.memory_space<semaphore_mem>>) src(%arg10 : memref<125x128xf32, #tpu.memory_space<vmem>>) dst(%dma_wait3A_105 : memref<10000x128xf32, #tpu.memory_space<vmem_shared>>)
          tpu.yield
        }) : () -> ()
        %add3A_79 = arith.constant 1 : i32
        %add3A_80 = arith.addi %scan3A_62, %add3A_79 : i32
        %lt3A = arith.constant 20 : i32
        %lt3A_81 = arith.cmpi slt, %add3A_80, %lt3A : i32
        %convert_element_type3A_82 = arith.extui %lt3A_81 : i1 to i32
        %cond3A_83 = arith.constant 0 : i32
        %cond3A_84 = arith.cmpi ne, %convert_element_type3A_82, %cond3A_83 : i32
        scf.if %cond3A_84 {
          %add3A_94 = arith.constant 2 : i32
          %add3A_95 = arith.addi %mul3A_64, %add3A_94 : i32
          %dma_start3A_96 = arith.constant 0 : i32
          %dma_start3A_97 = tpu.memref_slice %arg8[%add3A_95, %dma_start3A_96] : memref<40x125xi32, #tpu.memory_space<vmem>> -> memref<1x125xi32, #tpu.memory_space<vmem>>
          %dma_start3A_98 = tpu.memref_squeeze %dma_start3A_97 : memref<1x125xi32, #tpu.memory_space<vmem>> -> memref<125xi32, #tpu.memory_space<vmem>>
          %dma_start3A_99 = arith.constant 0 : i32
          %dma_start3A_100 = arith.constant 0 : i32
          %dma_start3A_101 = tpu.memref_slice %arg3[%dma_start3A_99, %dma_start3A_100] : memref<10000x128xf32, #tpu.memory_space<hbm>> -> memref<10000x128xf32, #tpu.memory_space<hbm>>
          tpu.enqueue_indirect_dma source(%dma_start3A_101 : memref<10000x128xf32, #tpu.memory_space<hbm>>) target(%arg10 : memref<125x128xf32, #tpu.memory_space<vmem>>) offsets(%dma_start3A_98 : memref<125xi32, #tpu.memory_space<vmem>>) semaphore(%arg13 : memref<!tpu.dma_semaphore, #tpu.memory_space<semaphore_mem>>)
        } else {
        }
        %dma_wait3A_85 = arith.constant 0 : i32
        %dma_wait3A_86 = arith.constant 0 : i32
        %dma_wait3A_87 = tpu.memref_slice %arg8[%dma_wait3A_85, %dma_wait3A_86] : memref<40x125xi32, #tpu.memory_space<vmem>> -> memref<1x125xi32, #tpu.memory_space<vmem>>
        %dma_wait3A_88 = tpu.memref_squeeze %dma_wait3A_87 : memref<1x125xi32, #tpu.memory_space<vmem>> -> memref<125xi32, #tpu.memory_space<vmem>>
        %dma_wait3A_89 = arith.constant 0 : i32
        %dma_wait3A_90 = arith.constant 0 : i32
        %dma_wait3A_91 = tpu.memref_slice %arg3[%dma_wait3A_89, %dma_wait3A_90] : memref<10000x128xf32, #tpu.memory_space<hbm>> -> memref<10000x128xf32, #tpu.memory_space<hbm>>
        tpu.wait_indirect_dma semaphore(%arg14 : memref<!tpu.dma_semaphore, #tpu.memory_space<semaphore_mem>>) src(%dma_wait3A_91 : memref<10000x128xf32, #tpu.memory_space<hbm>>) dst(%arg11 : memref<125x128xf32, #tpu.memory_space<vmem>>)
        %add3A_92 = arith.constant 1 : i32
        %add3A_93 = arith.addi %mul3A_64, %add3A_92 : i32
        "tpu.region"() ({
          %run_scoped3A = tpu.sem_alloc : memref<!tpu.dma_semaphore, #tpu.memory_space<semaphore_mem>>
          %dma_start3A_94 = arith.constant 0 : i32
          %dma_start3A_95 = tpu.memref_slice %arg9[%add3A_93, %dma_start3A_94] : memref<40x125xi32, #tpu.memory_space<vmem>> -> memref<1x125xi32, #tpu.memory_space<vmem>>
          %dma_start3A_96 = tpu.memref_squeeze %dma_start3A_95 : memref<1x125xi32, #tpu.memory_space<vmem>> -> memref<125xi32, #tpu.memory_space<vmem>>
          %dma_start3A_97 = arith.constant 0 : i32
          %dma_start3A_98 = arith.constant 0 : i32
          %dma_start3A_99 = tpu.memref_slice %arg12[%dma_start3A_97, %dma_start3A_98] : memref<10000x128xf32, #tpu.memory_space<vmem_shared>> -> memref<10000x128xf32, #tpu.memory_space<vmem_shared>>
          tpu.enqueue_indirect_dma source(%arg11 : memref<125x128xf32, #tpu.memory_space<vmem>>) target(%dma_start3A_99 : memref<10000x128xf32, #tpu.memory_space<vmem_shared>>) offsets(%dma_start3A_96 : memref<125xi32, #tpu.memory_space<vmem>>) semaphore(%run_scoped3A : memref<!tpu.dma_semaphore, #tpu.memory_space<semaphore_mem>>) {add = true}
          %dma_wait3A_100 = arith.constant 0 : i32
          %dma_wait3A_101 = tpu.memref_slice %arg9[%add3A_93, %dma_wait3A_100] : memref<40x125xi32, #tpu.memory_space<vmem>> -> memref<1x125xi32, #tpu.memory_space<vmem>>
          %dma_wait3A_102 = tpu.memref_squeeze %dma_wait3A_101 : memref<1x125xi32, #tpu.memory_space<vmem>> -> memref<125xi32, #tpu.memory_space<vmem>>
          %dma_wait3A_103 = arith.constant 0 : i32
          %dma_wait3A_104 = arith.constant 0 : i32
          %dma_wait3A_105 = tpu.memref_slice %arg12[%dma_wait3A_103, %dma_wait3A_104] : memref<10000x128xf32, #tpu.memory_space<vmem_shared>> -> memref<10000x128xf32, #tpu.memory_space<vmem_shared>>
          tpu.wait_indirect_dma semaphore(%run_scoped3A : memref<!tpu.dma_semaphore, #tpu.memory_space<semaphore_mem>>) src(%arg11 : memref<125x128xf32, #tpu.memory_space<vmem>>) dst(%dma_wait3A_105 : memref<10000x128xf32, #tpu.memory_space<vmem_shared>>)
          tpu.yield
        }) : () -> ()
      }
      %scan3A_45 = arith.constant 20 : i32
      %mul3A_46 = arith.constant 80 : i32
      %mul3A_47 = arith.muli %arg1, %mul3A_46 : i32
      %add3A = arith.constant 40 : i32
      %add3A_48 = arith.addi %mul3A_47, %add3A : i32
      %multiple_of3A_49 = tpu.assume_multiple %add3A_48, 8 : i32
      "tpu.region"() ({
        %run_scoped3A = tpu.sem_alloc : memref<!tpu.dma_semaphore, #tpu.memory_space<semaphore_mem>>
        %dma_start3A_62 = arith.constant 0 : i32
        %dma_start3A_63 = tpu.memref_slice %arg4[%multiple_of3A_49, %dma_start3A_62] : memref<1280x125xi32, #tpu.memory_space<hbm>> -> memref<40x125xi32, #tpu.memory_space<hbm>>
        %dma_start3A_64 = arith.constant 0 : i32
        %dma_start3A_65 = tpu.memref_slice %arg4[%multiple_of3A_49, %dma_start3A_64] : memref<1280x125xi32, #tpu.memory_space<hbm>> -> memref<40x125xi32, #tpu.memory_space<hbm>>
        tpu.enqueue_dma source(%dma_start3A_65 : memref<40x125xi32, #tpu.memory_space<hbm>>) target(%arg8 : memref<40x125xi32, #tpu.memory_space<vmem>>) target_semaphore(%run_scoped3A : memref<!tpu.dma_semaphore, #tpu.memory_space<semaphore_mem>>)
        %dma_wait3A = arith.constant 0 : i32
        %dma_wait3A_66 = tpu.memref_slice %arg4[%multiple_of3A_49, %dma_wait3A] : memref<1280x125xi32, #tpu.memory_space<hbm>> -> memref<40x125xi32, #tpu.memory_space<hbm>>
        %dma_wait3A_67 = arith.constant 0 : i32
        %dma_wait3A_68 = tpu.memref_slice %arg4[%multiple_of3A_49, %dma_wait3A_67] : memref<1280x125xi32, #tpu.memory_space<hbm>> -> memref<40x125xi32, #tpu.memory_space<hbm>>
        tpu.wait_dma2 semaphore(%run_scoped3A : memref<!tpu.dma_semaphore, #tpu.memory_space<semaphore_mem>>) src(%dma_wait3A_68 : memref<40x125xi32, #tpu.memory_space<hbm>>) dst(%arg8 : memref<40x125xi32, #tpu.memory_space<vmem>>)
        tpu.yield
      }) : () -> ()
      "tpu.region"() ({
        %run_scoped3A = tpu.sem_alloc : memref<!tpu.dma_semaphore, #tpu.memory_space<semaphore_mem>>
        %dma_start3A_62 = arith.constant 0 : i32
        %dma_start3A_63 = tpu.memref_slice %arg5[%multiple_of3A_49, %dma_start3A_62] : memref<1280x125xi32, #tpu.memory_space<hbm>> -> memref<40x125xi32, #tpu.memory_space<hbm>>
        %dma_start3A_64 = arith.constant 0 : i32
        %dma_start3A_65 = tpu.memref_slice %arg5[%multiple_of3A_49, %dma_start3A_64] : memref<1280x125xi32, #tpu.memory_space<hbm>> -> memref<40x125xi32, #tpu.memory_space<hbm>>
        tpu.enqueue_dma source(%dma_start3A_65 : memref<40x125xi32, #tpu.memory_space<hbm>>) target(%arg9 : memref<40x125xi32, #tpu.memory_space<vmem>>) target_semaphore(%run_scoped3A : memref<!tpu.dma_semaphore, #tpu.memory_space<semaphore_mem>>)
        %dma_wait3A = arith.constant 0 : i32
        %dma_wait3A_66 = tpu.memref_slice %arg5[%multiple_of3A_49, %dma_wait3A] : memref<1280x125xi32, #tpu.memory_space<hbm>> -> memref<40x125xi32, #tpu.memory_space<hbm>>
        %dma_wait3A_67 = arith.constant 0 : i32
        %dma_wait3A_68 = tpu.memref_slice %arg5[%multiple_of3A_49, %dma_wait3A_67] : memref<1280x125xi32, #tpu.memory_space<hbm>> -> memref<40x125xi32, #tpu.memory_space<hbm>>
        tpu.wait_dma2 semaphore(%run_scoped3A : memref<!tpu.dma_semaphore, #tpu.memory_space<semaphore_mem>>) src(%dma_wait3A_68 : memref<40x125xi32, #tpu.memory_space<hbm>>) dst(%arg9 : memref<40x125xi32, #tpu.memory_space<vmem>>)
        tpu.yield
      }) : () -> ()
      %dma_start3A = arith.constant 0 : i32
      %dma_start3A_50 = arith.constant 0 : i32
      %dma_start3A_51 = tpu.memref_slice %arg8[%dma_start3A, %dma_start3A_50] : memref<40x125xi32, #tpu.memory_space<vmem>> -> memref<1x125xi32, #tpu.memory_space<vmem>>
      %dma_start3A_52 = tpu.memref_squeeze %dma_start3A_51 : memref<1x125xi32, #tpu.memory_space<vmem>> -> memref<125xi32, #tpu.memory_space<vmem>>
      %dma_start3A_53 = arith.constant 0 : i32
      %dma_start3A_54 = arith.constant 0 : i32
      %dma_start3A_55 = tpu.memref_slice %arg3[%dma_start3A_53, %dma_start3A_54] : memref<10000x128xf32, #tpu.memory_space<hbm>> -> memref<10000x128xf32, #tpu.memory_space<hbm>>
      tpu.enqueue_indirect_dma source(%dma_start3A_55 : memref<10000x128xf32, #tpu.memory_space<hbm>>) target(%arg10 : memref<125x128xf32, #tpu.memory_space<vmem>>) offsets(%dma_start3A_52 : memref<125xi32, #tpu.memory_space<vmem>>) semaphore(%arg13 : memref<!tpu.dma_semaphore, #tpu.memory_space<semaphore_mem>>)
      %scan3A_56 = arith.constant 0 : i32
      %scan3A_57 = arith.constant 0 : i32
      %scan3A_58 = arith.constant 20 : i32
      %scan3A_59 = arith.addi %scan3A_57, %scan3A_58 : i32
      %scan3A_60 = arith.constant 1 : i32
      scf.for %scan3A_62 = %scan3A_57 to %scan3A_59 step %scan3A_60  : i32 {
        %mul3A_63 = arith.constant 2 : i32
        %mul3A_64 = arith.muli %mul3A_63, %scan3A_62 : i32
        %add3A_65 = arith.constant 1 : i32
        %add3A_66 = arith.addi %mul3A_64, %add3A_65 : i32
        %dma_start3A_67 = arith.constant 0 : i32
        %dma_start3A_68 = tpu.memref_slice %arg8[%add3A_66, %dma_start3A_67] : memref<40x125xi32, #tpu.memory_space<vmem>> -> memref<1x125xi32, #tpu.memory_space<vmem>>
        %dma_start3A_69 = tpu.memref_squeeze %dma_start3A_68 : memref<1x125xi32, #tpu.memory_space<vmem>> -> memref<125xi32, #tpu.memory_space<vmem>>
        %dma_start3A_70 = arith.constant 0 : i32
        %dma_start3A_71 = arith.constant 0 : i32
        %dma_start3A_72 = tpu.memref_slice %arg3[%dma_start3A_70, %dma_start3A_71] : memref<10000x128xf32, #tpu.memory_space<hbm>> -> memref<10000x128xf32, #tpu.memory_space<hbm>>
        tpu.enqueue_indirect_dma source(%dma_start3A_72 : memref<10000x128xf32, #tpu.memory_space<hbm>>) target(%arg11 : memref<125x128xf32, #tpu.memory_space<vmem>>) offsets(%dma_start3A_69 : memref<125xi32, #tpu.memory_space<vmem>>) semaphore(%arg14 : memref<!tpu.dma_semaphore, #tpu.memory_space<semaphore_mem>>)
        %dma_wait3A = arith.constant 0 : i32
        %dma_wait3A_73 = arith.constant 0 : i32
        %dma_wait3A_74 = tpu.memref_slice %arg8[%dma_wait3A, %dma_wait3A_73] : memref<40x125xi32, #tpu.memory_space<vmem>> -> memref<1x125xi32, #tpu.memory_space<vmem>>
        %dma_wait3A_75 = tpu.memref_squeeze %dma_wait3A_74 : memref<1x125xi32, #tpu.memory_space<vmem>> -> memref<125xi32, #tpu.memory_space<vmem>>
        %dma_wait3A_76 = arith.constant 0 : i32
        %dma_wait3A_77 = arith.constant 0 : i32
        %dma_wait3A_78 = tpu.memref_slice %arg3[%dma_wait3A_76, %dma_wait3A_77] : memref<10000x128xf32, #tpu.memory_space<hbm>> -> memref<10000x128xf32, #tpu.memory_space<hbm>>
        tpu.wait_indirect_dma semaphore(%arg13 : memref<!tpu.dma_semaphore, #tpu.memory_space<semaphore_mem>>) src(%dma_wait3A_78 : memref<10000x128xf32, #tpu.memory_space<hbm>>) dst(%arg10 : memref<125x128xf32, #tpu.memory_space<vmem>>)
        "tpu.region"() ({
          %run_scoped3A = tpu.sem_alloc : memref<!tpu.dma_semaphore, #tpu.memory_space<semaphore_mem>>
          %dma_start3A_94 = arith.constant 0 : i32
          %dma_start3A_95 = tpu.memref_slice %arg9[%mul3A_64, %dma_start3A_94] : memref<40x125xi32, #tpu.memory_space<vmem>> -> memref<1x125xi32, #tpu.memory_space<vmem>>
          %dma_start3A_96 = tpu.memref_squeeze %dma_start3A_95 : memref<1x125xi32, #tpu.memory_space<vmem>> -> memref<125xi32, #tpu.memory_space<vmem>>
          %dma_start3A_97 = arith.constant 0 : i32
          %dma_start3A_98 = arith.constant 0 : i32
          %dma_start3A_99 = tpu.memref_slice %arg12[%dma_start3A_97, %dma_start3A_98] : memref<10000x128xf32, #tpu.memory_space<vmem_shared>> -> memref<10000x128xf32, #tpu.memory_space<vmem_shared>>
          tpu.enqueue_indirect_dma source(%arg10 : memref<125x128xf32, #tpu.memory_space<vmem>>) target(%dma_start3A_99 : memref<10000x128xf32, #tpu.memory_space<vmem_shared>>) offsets(%dma_start3A_96 : memref<125xi32, #tpu.memory_space<vmem>>) semaphore(%run_scoped3A : memref<!tpu.dma_semaphore, #tpu.memory_space<semaphore_mem>>) {add = true}
          %dma_wait3A_100 = arith.constant 0 : i32
          %dma_wait3A_101 = tpu.memref_slice %arg9[%mul3A_64, %dma_wait3A_100] : memref<40x125xi32, #tpu.memory_space<vmem>> -> memref<1x125xi32, #tpu.memory_space<vmem>>
          %dma_wait3A_102 = tpu.memref_squeeze %dma_wait3A_101 : memref<1x125xi32, #tpu.memory_space<vmem>> -> memref<125xi32, #tpu.memory_space<vmem>>
          %dma_wait3A_103 = arith.constant 0 : i32
          %dma_wait3A_104 = arith.constant 0 : i32
          %dma_wait3A_105 = tpu.memref_slice %arg12[%dma_wait3A_103, %dma_wait3A_104] : memref<10000x128xf32, #tpu.memory_space<vmem_shared>> -> memref<10000x128xf32, #tpu.memory_space<vmem_shared>>
          tpu.wait_indirect_dma semaphore(%run_scoped3A : memref<!tpu.dma_semaphore, #tpu.memory_space<semaphore_mem>>) src(%arg10 : memref<125x128xf32, #tpu.memory_space<vmem>>) dst(%dma_wait3A_105 : memref<10000x128xf32, #tpu.memory_space<vmem_shared>>)
          tpu.yield
        }) : () -> ()
        %add3A_79 = arith.constant 1 : i32
        %add3A_80 = arith.addi %scan3A_62, %add3A_79 : i32
        %lt3A = arith.constant 20 : i32
        %lt3A_81 = arith.cmpi slt, %add3A_80, %lt3A : i32
        %convert_element_type3A_82 = arith.extui %lt3A_81 : i1 to i32
        %cond3A_83 = arith.constant 0 : i32
        %cond3A_84 = arith.cmpi ne, %convert_element_type3A_82, %cond3A_83 : i32
        scf.if %cond3A_84 {
          %add3A_94 = arith.constant 2 : i32
          %add3A_95 = arith.addi %mul3A_64, %add3A_94 : i32
          %dma_start3A_96 = arith.constant 0 : i32
          %dma_start3A_97 = tpu.memref_slice %arg8[%add3A_95, %dma_start3A_96] : memref<40x125xi32, #tpu.memory_space<vmem>> -> memref<1x125xi32, #tpu.memory_space<vmem>>
          %dma_start3A_98 = tpu.memref_squeeze %dma_start3A_97 : memref<1x125xi32, #tpu.memory_space<vmem>> -> memref<125xi32, #tpu.memory_space<vmem>>
          %dma_start3A_99 = arith.constant 0 : i32
          %dma_start3A_100 = arith.constant 0 : i32
          %dma_start3A_101 = tpu.memref_slice %arg3[%dma_start3A_99, %dma_start3A_100] : memref<10000x128xf32, #tpu.memory_space<hbm>> -> memref<10000x128xf32, #tpu.memory_space<hbm>>
          tpu.enqueue_indirect_dma source(%dma_start3A_101 : memref<10000x128xf32, #tpu.memory_space<hbm>>) target(%arg10 : memref<125x128xf32, #tpu.memory_space<vmem>>) offsets(%dma_start3A_98 : memref<125xi32, #tpu.memory_space<vmem>>) semaphore(%arg13 : memref<!tpu.dma_semaphore, #tpu.memory_space<semaphore_mem>>)
        } else {
        }
        %dma_wait3A_85 = arith.constant 0 : i32
        %dma_wait3A_86 = arith.constant 0 : i32
        %dma_wait3A_87 = tpu.memref_slice %arg8[%dma_wait3A_85, %dma_wait3A_86] : memref<40x125xi32, #tpu.memory_space<vmem>> -> memref<1x125xi32, #tpu.memory_space<vmem>>
        %dma_wait3A_88 = tpu.memref_squeeze %dma_wait3A_87 : memref<1x125xi32, #tpu.memory_space<vmem>> -> memref<125xi32, #tpu.memory_space<vmem>>
        %dma_wait3A_89 = arith.constant 0 : i32
        %dma_wait3A_90 = arith.constant 0 : i32
        %dma_wait3A_91 = tpu.memref_slice %arg3[%dma_wait3A_89, %dma_wait3A_90] : memref<10000x128xf32, #tpu.memory_space<hbm>> -> memref<10000x128xf32, #tpu.memory_space<hbm>>
        tpu.wait_indirect_dma semaphore(%arg14 : memref<!tpu.dma_semaphore, #tpu.memory_space<semaphore_mem>>) src(%dma_wait3A_91 : memref<10000x128xf32, #tpu.memory_space<hbm>>) dst(%arg11 : memref<125x128xf32, #tpu.memory_space<vmem>>)
        %add3A_92 = arith.constant 1 : i32
        %add3A_93 = arith.addi %mul3A_64, %add3A_92 : i32
        "tpu.region"() ({
          %run_scoped3A = tpu.sem_alloc : memref<!tpu.dma_semaphore, #tpu.memory_space<semaphore_mem>>
          %dma_start3A_94 = arith.constant 0 : i32
          %dma_start3A_95 = tpu.memref_slice %arg9[%add3A_93, %dma_start3A_94] : memref<40x125xi32, #tpu.memory_space<vmem>> -> memref<1x125xi32, #tpu.memory_space<vmem>>
          %dma_start3A_96 = tpu.memref_squeeze %dma_start3A_95 : memref<1x125xi32, #tpu.memory_space<vmem>> -> memref<125xi32, #tpu.memory_space<vmem>>
          %dma_start3A_97 = arith.constant 0 : i32
          %dma_start3A_98 = arith.constant 0 : i32
          %dma_start3A_99 = tpu.memref_slice %arg12[%dma_start3A_97, %dma_start3A_98] : memref<10000x128xf32, #tpu.memory_space<vmem_shared>> -> memref<10000x128xf32, #tpu.memory_space<vmem_shared>>
          tpu.enqueue_indirect_dma source(%arg11 : memref<125x128xf32, #tpu.memory_space<vmem>>) target(%dma_start3A_99 : memref<10000x128xf32, #tpu.memory_space<vmem_shared>>) offsets(%dma_start3A_96 : memref<125xi32, #tpu.memory_space<vmem>>) semaphore(%run_scoped3A : memref<!tpu.dma_semaphore, #tpu.memory_space<semaphore_mem>>) {add = true}
          %dma_wait3A_100 = arith.constant 0 : i32
          %dma_wait3A_101 = tpu.memref_slice %arg9[%add3A_93, %dma_wait3A_100] : memref<40x125xi32, #tpu.memory_space<vmem>> -> memref<1x125xi32, #tpu.memory_space<vmem>>
          %dma_wait3A_102 = tpu.memref_squeeze %dma_wait3A_101 : memref<1x125xi32, #tpu.memory_space<vmem>> -> memref<125xi32, #tpu.memory_space<vmem>>
          %dma_wait3A_103 = arith.constant 0 : i32
          %dma_wait3A_104 = arith.constant 0 : i32
          %dma_wait3A_105 = tpu.memref_slice %arg12[%dma_wait3A_103, %dma_wait3A_104] : memref<10000x128xf32, #tpu.memory_space<vmem_shared>> -> memref<10000x128xf32, #tpu.memory_space<vmem_shared>>
          tpu.wait_indirect_dma semaphore(%run_scoped3A : memref<!tpu.dma_semaphore, #tpu.memory_space<semaphore_mem>>) src(%arg11 : memref<125x128xf32, #tpu.memory_space<vmem>>) dst(%dma_wait3A_105 : memref<10000x128xf32, #tpu.memory_space<vmem_shared>>)
          tpu.yield
        }) : () -> ()
      }
      %scan3A_61 = arith.constant 20 : i32
    } else {
    }
    %barrier3A_30 = arith.constant 0 : index
    tpu.barrier barrier_id(%barrier3A_30)
    %eq3A_31 = arith.constant 0 : i32
    %eq3A_32 = arith.cmpi eq, %arg0, %eq3A_31 : i32
    %convert_element_type3A_33 = arith.extui %eq3A_32 : i1 to i32
    %cond3A_34 = arith.constant 0 : i32
    %cond3A_35 = arith.cmpi ne, %convert_element_type3A_33, %cond3A_34 : i32
    scf.if %cond3A_35 {
      %lt3A = arith.constant 15 : i32
      %lt3A_41 = arith.cmpi slt, %arg1, %lt3A : i32
      %convert_element_type3A_42 = arith.extui %lt3A_41 : i1 to i32
      %cond3A_43 = arith.constant 0 : i32
      %cond3A_44 = arith.cmpi ne, %convert_element_type3A_42, %cond3A_43 : i32
      scf.if %cond3A_44 {
        "tpu.region"() ({
          %run_scoped3A = tpu.sem_alloc : memref<!tpu.dma_semaphore, #tpu.memory_space<semaphore_mem>>
          %dma_start3A = arith.constant 0 : i32
          %dma_start3A_50 = tpu.memref_slice %arg6[%multiple_of3A, %dma_start3A] : memref<10000x128xf32, #tpu.memory_space<hbm>> -> memref<624x128xf32, #tpu.memory_space<hbm>>
          %dma_start3A_51 = arith.constant 0 : i32
          %dma_start3A_52 = tpu.memref_slice %arg12[%multiple_of3A, %dma_start3A_51] : memref<10000x128xf32, #tpu.memory_space<vmem_shared>> -> memref<624x128xf32, #tpu.memory_space<vmem_shared>>
          tpu.enqueue_dma source(%dma_start3A_52 : memref<624x128xf32, #tpu.memory_space<vmem_shared>>) target(%dma_start3A_50 : memref<624x128xf32, #tpu.memory_space<hbm>>) target_semaphore(%run_scoped3A : memref<!tpu.dma_semaphore, #tpu.memory_space<semaphore_mem>>)
          %dma_wait3A = arith.constant 0 : i32
          %dma_wait3A_53 = tpu.memref_slice %arg6[%multiple_of3A, %dma_wait3A] : memref<10000x128xf32, #tpu.memory_space<hbm>> -> memref<624x128xf32, #tpu.memory_space<hbm>>
          %dma_wait3A_54 = arith.constant 0 : i32
          %dma_wait3A_55 = tpu.memref_slice %arg12[%multiple_of3A, %dma_wait3A_54] : memref<10000x128xf32, #tpu.memory_space<vmem_shared>> -> memref<624x128xf32, #tpu.memory_space<vmem_shared>>
          tpu.wait_dma2 semaphore(%run_scoped3A : memref<!tpu.dma_semaphore, #tpu.memory_space<semaphore_mem>>) src(%dma_wait3A_55 : memref<624x128xf32, #tpu.memory_space<vmem_shared>>) dst(%dma_wait3A_53 : memref<624x128xf32, #tpu.memory_space<hbm>>)
          tpu.yield
        }) : () -> ()
      } else {
      }
      %eq3A_45 = arith.constant 15 : i32
      %eq3A_46 = arith.cmpi eq, %arg1, %eq3A_45 : i32
      %convert_element_type3A_47 = arith.extui %eq3A_46 : i1 to i32
      %cond3A_48 = arith.constant 0 : i32
      %cond3A_49 = arith.cmpi ne, %convert_element_type3A_47, %cond3A_48 : i32
      scf.if %cond3A_49 {
        "tpu.region"() ({
          %run_scoped3A = tpu.sem_alloc : memref<!tpu.dma_semaphore, #tpu.memory_space<semaphore_mem>>
          %dma_start3A = arith.constant 9360 : i32
          %dma_start3A_50 = arith.constant 0 : i32
          %dma_start3A_51 = tpu.memref_slice %arg6[%dma_start3A, %dma_start3A_50] : memref<10000x128xf32, #tpu.memory_space<hbm>> -> memref<640x128xf32, #tpu.memory_space<hbm>>
          %dma_start3A_52 = arith.constant 9360 : i32
          %dma_start3A_53 = arith.constant 0 : i32
          %dma_start3A_54 = tpu.memref_slice %arg12[%dma_start3A_52, %dma_start3A_53] : memref<10000x128xf32, #tpu.memory_space<vmem_shared>> -> memref<640x128xf32, #tpu.memory_space<vmem_shared>>
          tpu.enqueue_dma source(%dma_start3A_54 : memref<640x128xf32, #tpu.memory_space<vmem_shared>>) target(%dma_start3A_51 : memref<640x128xf32, #tpu.memory_space<hbm>>) target_semaphore(%run_scoped3A : memref<!tpu.dma_semaphore, #tpu.memory_space<semaphore_mem>>)
          %dma_wait3A = arith.constant 9360 : i32
          %dma_wait3A_55 = arith.constant 0 : i32
          %dma_wait3A_56 = tpu.memref_slice %arg6[%dma_wait3A, %dma_wait3A_55] : memref<10000x128xf32, #tpu.memory_space<hbm>> -> memref<640x128xf32, #tpu.memory_space<hbm>>
          %dma_wait3A_57 = arith.constant 9360 : i32
          %dma_wait3A_58 = arith.constant 0 : i32
          %dma_wait3A_59 = tpu.memref_slice %arg12[%dma_wait3A_57, %dma_wait3A_58] : memref<10000x128xf32, #tpu.memory_space<vmem_shared>> -> memref<640x128xf32, #tpu.memory_space<vmem_shared>>
          tpu.wait_dma2 semaphore(%run_scoped3A : memref<!tpu.dma_semaphore, #tpu.memory_space<semaphore_mem>>) src(%dma_wait3A_59 : memref<640x128xf32, #tpu.memory_space<vmem_shared>>) dst(%dma_wait3A_56 : memref<640x128xf32, #tpu.memory_space<hbm>>)
          tpu.yield
        }) : () -> ()
      } else {
      }
    } else {
    }
    %ne3A_36 = arith.constant 0 : i32
    %ne3A_37 = arith.cmpi ne, %arg0, %ne3A_36 : i32
    %convert_element_type3A_38 = arith.extui %ne3A_37 : i1 to i32
    %cond3A_39 = arith.constant 0 : i32
    %cond3A_40 = arith.cmpi ne, %convert_element_type3A_38, %cond3A_39 : i32
    scf.if %cond3A_40 {
      %lt3A = arith.constant 15 : i32
      %lt3A_41 = arith.cmpi slt, %arg1, %lt3A : i32
      %convert_element_type3A_42 = arith.extui %lt3A_41 : i1 to i32
      %cond3A_43 = arith.constant 0 : i32
      %cond3A_44 = arith.cmpi ne, %convert_element_type3A_42, %cond3A_43 : i32
      scf.if %cond3A_44 {
        "tpu.region"() ({
          %run_scoped3A = tpu.sem_alloc : memref<!tpu.dma_semaphore, #tpu.memory_space<semaphore_mem>>
          %dma_start3A = arith.constant 0 : i32
          %dma_start3A_50 = tpu.memref_slice %arg7[%multiple_of3A, %dma_start3A] : memref<10000x128xf32, #tpu.memory_space<hbm>> -> memref<624x128xf32, #tpu.memory_space<hbm>>
          %dma_start3A_51 = arith.constant 0 : i32
          %dma_start3A_52 = tpu.memref_slice %arg12[%multiple_of3A, %dma_start3A_51] : memref<10000x128xf32, #tpu.memory_space<vmem_shared>> -> memref<624x128xf32, #tpu.memory_space<vmem_shared>>
          tpu.enqueue_dma source(%dma_start3A_52 : memref<624x128xf32, #tpu.memory_space<vmem_shared>>) target(%dma_start3A_50 : memref<624x128xf32, #tpu.memory_space<hbm>>) target_semaphore(%run_scoped3A : memref<!tpu.dma_semaphore, #tpu.memory_space<semaphore_mem>>)
          %dma_wait3A = arith.constant 0 : i32
          %dma_wait3A_53 = tpu.memref_slice %arg7[%multiple_of3A, %dma_wait3A] : memref<10000x128xf32, #tpu.memory_space<hbm>> -> memref<624x128xf32, #tpu.memory_space<hbm>>
          %dma_wait3A_54 = arith.constant 0 : i32
          %dma_wait3A_55 = tpu.memref_slice %arg12[%multiple_of3A, %dma_wait3A_54] : memref<10000x128xf32, #tpu.memory_space<vmem_shared>> -> memref<624x128xf32, #tpu.memory_space<vmem_shared>>
          tpu.wait_dma2 semaphore(%run_scoped3A : memref<!tpu.dma_semaphore, #tpu.memory_space<semaphore_mem>>) src(%dma_wait3A_55 : memref<624x128xf32, #tpu.memory_space<vmem_shared>>) dst(%dma_wait3A_53 : memref<624x128xf32, #tpu.memory_space<hbm>>)
          tpu.yield
        }) : () -> ()
      } else {
      }
      %eq3A_45 = arith.constant 15 : i32
      %eq3A_46 = arith.cmpi eq, %arg1, %eq3A_45 : i32
      %convert_element_type3A_47 = arith.extui %eq3A_46 : i1 to i32
      %cond3A_48 = arith.constant 0 : i32
      %cond3A_49 = arith.cmpi ne, %convert_element_type3A_47, %cond3A_48 : i32
      scf.if %cond3A_49 {
        "tpu.region"() ({
          %run_scoped3A = tpu.sem_alloc : memref<!tpu.dma_semaphore, #tpu.memory_space<semaphore_mem>>
          %dma_start3A = arith.constant 9360 : i32
          %dma_start3A_50 = arith.constant 0 : i32
          %dma_start3A_51 = tpu.memref_slice %arg7[%dma_start3A, %dma_start3A_50] : memref<10000x128xf32, #tpu.memory_space<hbm>> -> memref<640x128xf32, #tpu.memory_space<hbm>>
          %dma_start3A_52 = arith.constant 9360 : i32
          %dma_start3A_53 = arith.constant 0 : i32
          %dma_start3A_54 = tpu.memref_slice %arg12[%dma_start3A_52, %dma_start3A_53] : memref<10000x128xf32, #tpu.memory_space<vmem_shared>> -> memref<640x128xf32, #tpu.memory_space<vmem_shared>>
          tpu.enqueue_dma source(%dma_start3A_54 : memref<640x128xf32, #tpu.memory_space<vmem_shared>>) target(%dma_start3A_51 : memref<640x128xf32, #tpu.memory_space<hbm>>) target_semaphore(%run_scoped3A : memref<!tpu.dma_semaphore, #tpu.memory_space<semaphore_mem>>)
          %dma_wait3A = arith.constant 9360 : i32
          %dma_wait3A_55 = arith.constant 0 : i32
          %dma_wait3A_56 = tpu.memref_slice %arg7[%dma_wait3A, %dma_wait3A_55] : memref<10000x128xf32, #tpu.memory_space<hbm>> -> memref<640x128xf32, #tpu.memory_space<hbm>>
          %dma_wait3A_57 = arith.constant 9360 : i32
          %dma_wait3A_58 = arith.constant 0 : i32
          %dma_wait3A_59 = tpu.memref_slice %arg12[%dma_wait3A_57, %dma_wait3A_58] : memref<10000x128xf32, #tpu.memory_space<vmem_shared>> -> memref<640x128xf32, #tpu.memory_space<vmem_shared>>
          tpu.wait_dma2 semaphore(%run_scoped3A : memref<!tpu.dma_semaphore, #tpu.memory_space<semaphore_mem>>) src(%dma_wait3A_59 : memref<640x128xf32, #tpu.memory_space<vmem_shared>>) dst(%dma_wait3A_56 : memref<640x128xf32, #tpu.memory_space<hbm>>)
          tpu.yield
        }) : () -> ()
      } else {
      }
    } else {
    }
    return
  }
}

#map = affine_map<(d0, d1) -> (0, 0)>
module attributes {stable_mosaic.version = 14 : i64} {
  func.func @_sc_agg_body(%arg0: i32, %arg1: i32, %arg2: memref<10000x128xf32, #tpu.memory_space<hbm>>, %arg3: memref<10000x128xf32, #tpu.memory_space<hbm>>, %arg4: memref<1280x125xi32, #tpu.memory_space<hbm>>, %arg5: memref<1280x125xi32, #tpu.memory_space<hbm>>, %arg6: memref<10000x128xf32, #tpu.memory_space<hbm>>, %arg7: memref<10000x128xf32, #tpu.memory_space<hbm>>, %arg8: memref<40x125xi32, #tpu.memory_space<vmem>>, %arg9: memref<40x125xi32, #tpu.memory_space<vmem>>, %arg10: memref<125x128xf32, #tpu.memory_space<vmem>>, %arg11: memref<125x128xf32, #tpu.memory_space<vmem>>, %arg12: memref<10000x128xf32, #tpu.memory_space<vmem_shared>>, %arg13: memref<!tpu.dma_semaphore, #tpu.memory_space<semaphore_mem>>, %arg14: memref<!tpu.dma_semaphore, #tpu.memory_space<semaphore_mem>>, %arg15: memref<!tpu.dma_semaphore, #tpu.memory_space<semaphore_mem>>) attributes {dimension_semantics = [#tpu.dimension_semantics<core_parallel>, #tpu.dimension_semantics<subcore_parallel>], iteration_bounds = array<i64: 2, 16>, scalar_prefetch = 0 : i64, scratch_operands = 8 : i64, tpu.core_type = #tpu.core_type<sc_vector_subcore>, window_params = [{transform_indices = #map}, {transform_indices = #map}, {transform_indices = #map}, {transform_indices = #map}, {transform_indices = #map}, {transform_indices = #map}]} {
    %mul3A = arith.constant 624 : i32
    %mul3A_0 = arith.muli %arg1, %mul3A : i32
    %multiple_of3A = tpu.assume_multiple %mul3A_0, 8 : i32
    %mul3A_1 = arith.constant 80 : i32
    %mul3A_2 = arith.muli %arg1, %mul3A_1 : i32
    %multiple_of3A_3 = tpu.assume_multiple %mul3A_2, 8 : i32
    "tpu.region"() ({
      %run_scoped3A = tpu.sem_alloc : memref<!tpu.dma_semaphore, #tpu.memory_space<semaphore_mem>>
      %dma_start3A = arith.constant 0 : i32
      %dma_start3A_41 = tpu.memref_slice %arg4[%multiple_of3A_3, %dma_start3A] : memref<1280x125xi32, #tpu.memory_space<hbm>> -> memref<40x125xi32, #tpu.memory_space<hbm>>
      %dma_start3A_42 = arith.constant 0 : i32
      %dma_start3A_43 = tpu.memref_slice %arg4[%multiple_of3A_3, %dma_start3A_42] : memref<1280x125xi32, #tpu.memory_space<hbm>> -> memref<40x125xi32, #tpu.memory_space<hbm>>
      tpu.enqueue_dma source(%dma_start3A_43 : memref<40x125xi32, #tpu.memory_space<hbm>>) target(%arg8 : memref<40x125xi32, #tpu.memory_space<vmem>>) target_semaphore(%run_scoped3A : memref<!tpu.dma_semaphore, #tpu.memory_space<semaphore_mem>>)
      %dma_wait3A = arith.constant 0 : i32
      %dma_wait3A_44 = tpu.memref_slice %arg4[%multiple_of3A_3, %dma_wait3A] : memref<1280x125xi32, #tpu.memory_space<hbm>> -> memref<40x125xi32, #tpu.memory_space<hbm>>
      %dma_wait3A_45 = arith.constant 0 : i32
      %dma_wait3A_46 = tpu.memref_slice %arg4[%multiple_of3A_3, %dma_wait3A_45] : memref<1280x125xi32, #tpu.memory_space<hbm>> -> memref<40x125xi32, #tpu.memory_space<hbm>>
      tpu.wait_dma2 semaphore(%run_scoped3A : memref<!tpu.dma_semaphore, #tpu.memory_space<semaphore_mem>>) src(%dma_wait3A_46 : memref<40x125xi32, #tpu.memory_space<hbm>>) dst(%arg8 : memref<40x125xi32, #tpu.memory_space<vmem>>)
      tpu.yield
    }) : () -> ()
    "tpu.region"() ({
      %run_scoped3A = tpu.sem_alloc : memref<!tpu.dma_semaphore, #tpu.memory_space<semaphore_mem>>
      %dma_start3A = arith.constant 0 : i32
      %dma_start3A_41 = tpu.memref_slice %arg5[%multiple_of3A_3, %dma_start3A] : memref<1280x125xi32, #tpu.memory_space<hbm>> -> memref<40x125xi32, #tpu.memory_space<hbm>>
      %dma_start3A_42 = arith.constant 0 : i32
      %dma_start3A_43 = tpu.memref_slice %arg5[%multiple_of3A_3, %dma_start3A_42] : memref<1280x125xi32, #tpu.memory_space<hbm>> -> memref<40x125xi32, #tpu.memory_space<hbm>>
      tpu.enqueue_dma source(%dma_start3A_43 : memref<40x125xi32, #tpu.memory_space<hbm>>) target(%arg9 : memref<40x125xi32, #tpu.memory_space<vmem>>) target_semaphore(%run_scoped3A : memref<!tpu.dma_semaphore, #tpu.memory_space<semaphore_mem>>)
      %dma_wait3A = arith.constant 0 : i32
      %dma_wait3A_44 = tpu.memref_slice %arg5[%multiple_of3A_3, %dma_wait3A] : memref<1280x125xi32, #tpu.memory_space<hbm>> -> memref<40x125xi32, #tpu.memory_space<hbm>>
      %dma_wait3A_45 = arith.constant 0 : i32
      %dma_wait3A_46 = tpu.memref_slice %arg5[%multiple_of3A_3, %dma_wait3A_45] : memref<1280x125xi32, #tpu.memory_space<hbm>> -> memref<40x125xi32, #tpu.memory_space<hbm>>
      tpu.wait_dma2 semaphore(%run_scoped3A : memref<!tpu.dma_semaphore, #tpu.memory_space<semaphore_mem>>) src(%dma_wait3A_46 : memref<40x125xi32, #tpu.memory_space<hbm>>) dst(%arg9 : memref<40x125xi32, #tpu.memory_space<vmem>>)
      tpu.yield
    }) : () -> ()
    %eq3A = arith.constant 0 : i32
    %eq3A_4 = arith.cmpi eq, %arg0, %eq3A : i32
    %convert_element_type3A = arith.extui %eq3A_4 : i1 to i32
    %cond3A = arith.constant 0 : i32
    %cond3A_5 = arith.cmpi ne, %convert_element_type3A, %cond3A : i32
    scf.if %cond3A_5 {
      %lt3A = arith.constant 15 : i32
      %lt3A_41 = arith.cmpi slt, %arg1, %lt3A : i32
      %convert_element_type3A_42 = arith.extui %lt3A_41 : i1 to i32
      %cond3A_43 = arith.constant 0 : i32
      %cond3A_44 = arith.cmpi ne, %convert_element_type3A_42, %cond3A_43 : i32
      scf.if %cond3A_44 {
        %dma_start3A_56 = arith.constant 0 : i32
        %dma_start3A_57 = tpu.memref_slice %arg12[%multiple_of3A, %dma_start3A_56] : memref<10000x128xf32, #tpu.memory_space<vmem_shared>> -> memref<624x128xf32, #tpu.memory_space<vmem_shared>>
        %dma_start3A_58 = arith.constant 0 : i32
        %dma_start3A_59 = tpu.memref_slice %arg2[%multiple_of3A, %dma_start3A_58] : memref<10000x128xf32, #tpu.memory_space<hbm>> -> memref<624x128xf32, #tpu.memory_space<hbm>>
        tpu.enqueue_dma source(%dma_start3A_59 : memref<624x128xf32, #tpu.memory_space<hbm>>) target(%dma_start3A_57 : memref<624x128xf32, #tpu.memory_space<vmem_shared>>) target_semaphore(%arg15 : memref<!tpu.dma_semaphore, #tpu.memory_space<semaphore_mem>>)
      } else {
      }
      %eq3A_45 = arith.constant 15 : i32
      %eq3A_46 = arith.cmpi eq, %arg1, %eq3A_45 : i32
      %convert_element_type3A_47 = arith.extui %eq3A_46 : i1 to i32
      %cond3A_48 = arith.constant 0 : i32
      %cond3A_49 = arith.cmpi ne, %convert_element_type3A_47, %cond3A_48 : i32
      scf.if %cond3A_49 {
        %dma_start3A_56 = arith.constant 9360 : i32
        %dma_start3A_57 = arith.constant 0 : i32
        %dma_start3A_58 = tpu.memref_slice %arg12[%dma_start3A_56, %dma_start3A_57] : memref<10000x128xf32, #tpu.memory_space<vmem_shared>> -> memref<640x128xf32, #tpu.memory_space<vmem_shared>>
        %dma_start3A_59 = arith.constant 9360 : i32
        %dma_start3A_60 = arith.constant 0 : i32
        %dma_start3A_61 = tpu.memref_slice %arg2[%dma_start3A_59, %dma_start3A_60] : memref<10000x128xf32, #tpu.memory_space<hbm>> -> memref<640x128xf32, #tpu.memory_space<hbm>>
        tpu.enqueue_dma source(%dma_start3A_61 : memref<640x128xf32, #tpu.memory_space<hbm>>) target(%dma_start3A_58 : memref<640x128xf32, #tpu.memory_space<vmem_shared>>) target_semaphore(%arg15 : memref<!tpu.dma_semaphore, #tpu.memory_space<semaphore_mem>>)
      } else {
      }
      %dma_start3A = arith.constant 0 : i32
      %dma_start3A_50 = arith.constant 0 : i32
      %dma_start3A_51 = tpu.memref_slice %arg8[%dma_start3A, %dma_start3A_50] : memref<40x125xi32, #tpu.memory_space<vmem>> -> memref<1x125xi32, #tpu.memory_space<vmem>>
      %dma_start3A_52 = tpu.memref_squeeze %dma_start3A_51 : memref<1x125xi32, #tpu.memory_space<vmem>> -> memref<125xi32, #tpu.memory_space<vmem>>
      %dma_start3A_53 = arith.constant 0 : i32
      %dma_start3A_54 = arith.constant 0 : i32
      %dma_start3A_55 = tpu.memref_slice %arg2[%dma_start3A_53, %dma_start3A_54] : memref<10000x128xf32, #tpu.memory_space<hbm>> -> memref<10000x128xf32, #tpu.memory_space<hbm>>
      tpu.enqueue_indirect_dma source(%dma_start3A_55 : memref<10000x128xf32, #tpu.memory_space<hbm>>) target(%arg10 : memref<125x128xf32, #tpu.memory_space<vmem>>) offsets(%dma_start3A_52 : memref<125xi32, #tpu.memory_space<vmem>>) semaphore(%arg13 : memref<!tpu.dma_semaphore, #tpu.memory_space<semaphore_mem>>)
    } else {
    }
    %ne3A = arith.constant 0 : i32
    %ne3A_6 = arith.cmpi ne, %arg0, %ne3A : i32
    %convert_element_type3A_7 = arith.extui %ne3A_6 : i1 to i32
    %cond3A_8 = arith.constant 0 : i32
    %cond3A_9 = arith.cmpi ne, %convert_element_type3A_7, %cond3A_8 : i32
    scf.if %cond3A_9 {
      %lt3A = arith.constant 15 : i32
      %lt3A_41 = arith.cmpi slt, %arg1, %lt3A : i32
      %convert_element_type3A_42 = arith.extui %lt3A_41 : i1 to i32
      %cond3A_43 = arith.constant 0 : i32
      %cond3A_44 = arith.cmpi ne, %convert_element_type3A_42, %cond3A_43 : i32
      scf.if %cond3A_44 {
        %dma_start3A_56 = arith.constant 0 : i32
        %dma_start3A_57 = tpu.memref_slice %arg12[%multiple_of3A, %dma_start3A_56] : memref<10000x128xf32, #tpu.memory_space<vmem_shared>> -> memref<624x128xf32, #tpu.memory_space<vmem_shared>>
        %dma_start3A_58 = arith.constant 0 : i32
        %dma_start3A_59 = tpu.memref_slice %arg3[%multiple_of3A, %dma_start3A_58] : memref<10000x128xf32, #tpu.memory_space<hbm>> -> memref<624x128xf32, #tpu.memory_space<hbm>>
        tpu.enqueue_dma source(%dma_start3A_59 : memref<624x128xf32, #tpu.memory_space<hbm>>) target(%dma_start3A_57 : memref<624x128xf32, #tpu.memory_space<vmem_shared>>) target_semaphore(%arg15 : memref<!tpu.dma_semaphore, #tpu.memory_space<semaphore_mem>>)
      } else {
      }
      %eq3A_45 = arith.constant 15 : i32
      %eq3A_46 = arith.cmpi eq, %arg1, %eq3A_45 : i32
      %convert_element_type3A_47 = arith.extui %eq3A_46 : i1 to i32
      %cond3A_48 = arith.constant 0 : i32
      %cond3A_49 = arith.cmpi ne, %convert_element_type3A_47, %cond3A_48 : i32
      scf.if %cond3A_49 {
        %dma_start3A_56 = arith.constant 9360 : i32
        %dma_start3A_57 = arith.constant 0 : i32
        %dma_start3A_58 = tpu.memref_slice %arg12[%dma_start3A_56, %dma_start3A_57] : memref<10000x128xf32, #tpu.memory_space<vmem_shared>> -> memref<640x128xf32, #tpu.memory_space<vmem_shared>>
        %dma_start3A_59 = arith.constant 9360 : i32
        %dma_start3A_60 = arith.constant 0 : i32
        %dma_start3A_61 = tpu.memref_slice %arg3[%dma_start3A_59, %dma_start3A_60] : memref<10000x128xf32, #tpu.memory_space<hbm>> -> memref<640x128xf32, #tpu.memory_space<hbm>>
        tpu.enqueue_dma source(%dma_start3A_61 : memref<640x128xf32, #tpu.memory_space<hbm>>) target(%dma_start3A_58 : memref<640x128xf32, #tpu.memory_space<vmem_shared>>) target_semaphore(%arg15 : memref<!tpu.dma_semaphore, #tpu.memory_space<semaphore_mem>>)
      } else {
      }
      %dma_start3A = arith.constant 0 : i32
      %dma_start3A_50 = arith.constant 0 : i32
      %dma_start3A_51 = tpu.memref_slice %arg8[%dma_start3A, %dma_start3A_50] : memref<40x125xi32, #tpu.memory_space<vmem>> -> memref<1x125xi32, #tpu.memory_space<vmem>>
      %dma_start3A_52 = tpu.memref_squeeze %dma_start3A_51 : memref<1x125xi32, #tpu.memory_space<vmem>> -> memref<125xi32, #tpu.memory_space<vmem>>
      %dma_start3A_53 = arith.constant 0 : i32
      %dma_start3A_54 = arith.constant 0 : i32
      %dma_start3A_55 = tpu.memref_slice %arg3[%dma_start3A_53, %dma_start3A_54] : memref<10000x128xf32, #tpu.memory_space<hbm>> -> memref<10000x128xf32, #tpu.memory_space<hbm>>
      tpu.enqueue_indirect_dma source(%dma_start3A_55 : memref<10000x128xf32, #tpu.memory_space<hbm>>) target(%arg10 : memref<125x128xf32, #tpu.memory_space<vmem>>) offsets(%dma_start3A_52 : memref<125xi32, #tpu.memory_space<vmem>>) semaphore(%arg13 : memref<!tpu.dma_semaphore, #tpu.memory_space<semaphore_mem>>)
    } else {
    }
    %eq3A_10 = arith.constant 0 : i32
    %eq3A_11 = arith.cmpi eq, %arg0, %eq3A_10 : i32
    %convert_element_type3A_12 = arith.extui %eq3A_11 : i1 to i32
    %cond3A_13 = arith.constant 0 : i32
    %cond3A_14 = arith.cmpi ne, %convert_element_type3A_12, %cond3A_13 : i32
    scf.if %cond3A_14 {
      %lt3A = arith.constant 15 : i32
      %lt3A_41 = arith.cmpi slt, %arg1, %lt3A : i32
      %convert_element_type3A_42 = arith.extui %lt3A_41 : i1 to i32
      %cond3A_43 = arith.constant 0 : i32
      %cond3A_44 = arith.cmpi ne, %convert_element_type3A_42, %cond3A_43 : i32
      scf.if %cond3A_44 {
        %dma_wait3A = arith.constant 0 : i32
        %dma_wait3A_50 = tpu.memref_slice %arg12[%multiple_of3A, %dma_wait3A] : memref<10000x128xf32, #tpu.memory_space<vmem_shared>> -> memref<624x128xf32, #tpu.memory_space<vmem_shared>>
        %dma_wait3A_51 = arith.constant 0 : i32
        %dma_wait3A_52 = tpu.memref_slice %arg2[%multiple_of3A, %dma_wait3A_51] : memref<10000x128xf32, #tpu.memory_space<hbm>> -> memref<624x128xf32, #tpu.memory_space<hbm>>
        tpu.wait_dma2 semaphore(%arg15 : memref<!tpu.dma_semaphore, #tpu.memory_space<semaphore_mem>>) src(%dma_wait3A_52 : memref<624x128xf32, #tpu.memory_space<hbm>>) dst(%dma_wait3A_50 : memref<624x128xf32, #tpu.memory_space<vmem_shared>>)
      } else {
      }
      %eq3A_45 = arith.constant 15 : i32
      %eq3A_46 = arith.cmpi eq, %arg1, %eq3A_45 : i32
      %convert_element_type3A_47 = arith.extui %eq3A_46 : i1 to i32
      %cond3A_48 = arith.constant 0 : i32
      %cond3A_49 = arith.cmpi ne, %convert_element_type3A_47, %cond3A_48 : i32
      scf.if %cond3A_49 {
        %dma_wait3A = arith.constant 9360 : i32
        %dma_wait3A_50 = arith.constant 0 : i32
        %dma_wait3A_51 = tpu.memref_slice %arg12[%dma_wait3A, %dma_wait3A_50] : memref<10000x128xf32, #tpu.memory_space<vmem_shared>> -> memref<640x128xf32, #tpu.memory_space<vmem_shared>>
        %dma_wait3A_52 = arith.constant 9360 : i32
        %dma_wait3A_53 = arith.constant 0 : i32
        %dma_wait3A_54 = tpu.memref_slice %arg2[%dma_wait3A_52, %dma_wait3A_53] : memref<10000x128xf32, #tpu.memory_space<hbm>> -> memref<640x128xf32, #tpu.memory_space<hbm>>
        tpu.wait_dma2 semaphore(%arg15 : memref<!tpu.dma_semaphore, #tpu.memory_space<semaphore_mem>>) src(%dma_wait3A_54 : memref<640x128xf32, #tpu.memory_space<hbm>>) dst(%dma_wait3A_51 : memref<640x128xf32, #tpu.memory_space<vmem_shared>>)
      } else {
      }
    } else {
    }
    %ne3A_15 = arith.constant 0 : i32
    %ne3A_16 = arith.cmpi ne, %arg0, %ne3A_15 : i32
    %convert_element_type3A_17 = arith.extui %ne3A_16 : i1 to i32
    %cond3A_18 = arith.constant 0 : i32
    %cond3A_19 = arith.cmpi ne, %convert_element_type3A_17, %cond3A_18 : i32
    scf.if %cond3A_19 {
      %lt3A = arith.constant 15 : i32
      %lt3A_41 = arith.cmpi slt, %arg1, %lt3A : i32
      %convert_element_type3A_42 = arith.extui %lt3A_41 : i1 to i32
      %cond3A_43 = arith.constant 0 : i32
      %cond3A_44 = arith.cmpi ne, %convert_element_type3A_42, %cond3A_43 : i32
      scf.if %cond3A_44 {
        %dma_wait3A = arith.constant 0 : i32
        %dma_wait3A_50 = tpu.memref_slice %arg12[%multiple_of3A, %dma_wait3A] : memref<10000x128xf32, #tpu.memory_space<vmem_shared>> -> memref<624x128xf32, #tpu.memory_space<vmem_shared>>
        %dma_wait3A_51 = arith.constant 0 : i32
        %dma_wait3A_52 = tpu.memref_slice %arg3[%multiple_of3A, %dma_wait3A_51] : memref<10000x128xf32, #tpu.memory_space<hbm>> -> memref<624x128xf32, #tpu.memory_space<hbm>>
        tpu.wait_dma2 semaphore(%arg15 : memref<!tpu.dma_semaphore, #tpu.memory_space<semaphore_mem>>) src(%dma_wait3A_52 : memref<624x128xf32, #tpu.memory_space<hbm>>) dst(%dma_wait3A_50 : memref<624x128xf32, #tpu.memory_space<vmem_shared>>)
      } else {
      }
      %eq3A_45 = arith.constant 15 : i32
      %eq3A_46 = arith.cmpi eq, %arg1, %eq3A_45 : i32
      %convert_element_type3A_47 = arith.extui %eq3A_46 : i1 to i32
      %cond3A_48 = arith.constant 0 : i32
      %cond3A_49 = arith.cmpi ne, %convert_element_type3A_47, %cond3A_48 : i32
      scf.if %cond3A_49 {
        %dma_wait3A = arith.constant 9360 : i32
        %dma_wait3A_50 = arith.constant 0 : i32
        %dma_wait3A_51 = tpu.memref_slice %arg12[%dma_wait3A, %dma_wait3A_50] : memref<10000x128xf32, #tpu.memory_space<vmem_shared>> -> memref<640x128xf32, #tpu.memory_space<vmem_shared>>
        %dma_wait3A_52 = arith.constant 9360 : i32
        %dma_wait3A_53 = arith.constant 0 : i32
        %dma_wait3A_54 = tpu.memref_slice %arg3[%dma_wait3A_52, %dma_wait3A_53] : memref<10000x128xf32, #tpu.memory_space<hbm>> -> memref<640x128xf32, #tpu.memory_space<hbm>>
        tpu.wait_dma2 semaphore(%arg15 : memref<!tpu.dma_semaphore, #tpu.memory_space<semaphore_mem>>) src(%dma_wait3A_54 : memref<640x128xf32, #tpu.memory_space<hbm>>) dst(%dma_wait3A_51 : memref<640x128xf32, #tpu.memory_space<vmem_shared>>)
      } else {
      }
    } else {
    }
    %barrier3A = arith.constant 0 : index
    tpu.barrier barrier_id(%barrier3A)
    %eq3A_20 = arith.constant 0 : i32
    %eq3A_21 = arith.cmpi eq, %arg0, %eq3A_20 : i32
    %convert_element_type3A_22 = arith.extui %eq3A_21 : i1 to i32
    %cond3A_23 = arith.constant 0 : i32
    %cond3A_24 = arith.cmpi ne, %convert_element_type3A_22, %cond3A_23 : i32
    scf.if %cond3A_24 {
      %scan3A = arith.constant 0 : i32
      %scan3A_41 = arith.constant 0 : i32
      %scan3A_42 = arith.constant 20 : i32
      %scan3A_43 = arith.addi %scan3A_41, %scan3A_42 : i32
      %scan3A_44 = arith.constant 1 : i32
      scf.for %scan3A_62 = %scan3A_41 to %scan3A_43 step %scan3A_44  : i32 {
        %mul3A_63 = arith.constant 2 : i32
        %mul3A_64 = arith.muli %mul3A_63, %scan3A_62 : i32
        %add3A_65 = arith.constant 1 : i32
        %add3A_66 = arith.addi %mul3A_64, %add3A_65 : i32
        %dma_start3A_67 = arith.constant 0 : i32
        %dma_start3A_68 = tpu.memref_slice %arg8[%add3A_66, %dma_start3A_67] : memref<40x125xi32, #tpu.memory_space<vmem>> -> memref<1x125xi32, #tpu.memory_space<vmem>>
        %dma_start3A_69 = tpu.memref_squeeze %dma_start3A_68 : memref<1x125xi32, #tpu.memory_space<vmem>> -> memref<125xi32, #tpu.memory_space<vmem>>
        %dma_start3A_70 = arith.constant 0 : i32
        %dma_start3A_71 = arith.constant 0 : i32
        %dma_start3A_72 = tpu.memref_slice %arg2[%dma_start3A_70, %dma_start3A_71] : memref<10000x128xf32, #tpu.memory_space<hbm>> -> memref<10000x128xf32, #tpu.memory_space<hbm>>
        tpu.enqueue_indirect_dma source(%dma_start3A_72 : memref<10000x128xf32, #tpu.memory_space<hbm>>) target(%arg11 : memref<125x128xf32, #tpu.memory_space<vmem>>) offsets(%dma_start3A_69 : memref<125xi32, #tpu.memory_space<vmem>>) semaphore(%arg14 : memref<!tpu.dma_semaphore, #tpu.memory_space<semaphore_mem>>)
        %dma_wait3A = arith.constant 0 : i32
        %dma_wait3A_73 = arith.constant 0 : i32
        %dma_wait3A_74 = tpu.memref_slice %arg8[%dma_wait3A, %dma_wait3A_73] : memref<40x125xi32, #tpu.memory_space<vmem>> -> memref<1x125xi32, #tpu.memory_space<vmem>>
        %dma_wait3A_75 = tpu.memref_squeeze %dma_wait3A_74 : memref<1x125xi32, #tpu.memory_space<vmem>> -> memref<125xi32, #tpu.memory_space<vmem>>
        %dma_wait3A_76 = arith.constant 0 : i32
        %dma_wait3A_77 = arith.constant 0 : i32
        %dma_wait3A_78 = tpu.memref_slice %arg2[%dma_wait3A_76, %dma_wait3A_77] : memref<10000x128xf32, #tpu.memory_space<hbm>> -> memref<10000x128xf32, #tpu.memory_space<hbm>>
        tpu.wait_indirect_dma semaphore(%arg13 : memref<!tpu.dma_semaphore, #tpu.memory_space<semaphore_mem>>) src(%dma_wait3A_78 : memref<10000x128xf32, #tpu.memory_space<hbm>>) dst(%arg10 : memref<125x128xf32, #tpu.memory_space<vmem>>)
        "tpu.region"() ({
          %run_scoped3A = tpu.sem_alloc : memref<!tpu.dma_semaphore, #tpu.memory_space<semaphore_mem>>
          %dma_start3A_94 = arith.constant 0 : i32
          %dma_start3A_95 = tpu.memref_slice %arg9[%mul3A_64, %dma_start3A_94] : memref<40x125xi32, #tpu.memory_space<vmem>> -> memref<1x125xi32, #tpu.memory_space<vmem>>
          %dma_start3A_96 = tpu.memref_squeeze %dma_start3A_95 : memref<1x125xi32, #tpu.memory_space<vmem>> -> memref<125xi32, #tpu.memory_space<vmem>>
          %dma_start3A_97 = arith.constant 0 : i32
          %dma_start3A_98 = arith.constant 0 : i32
          %dma_start3A_99 = tpu.memref_slice %arg12[%dma_start3A_97, %dma_start3A_98] : memref<10000x128xf32, #tpu.memory_space<vmem_shared>> -> memref<10000x128xf32, #tpu.memory_space<vmem_shared>>
          tpu.enqueue_indirect_dma source(%arg10 : memref<125x128xf32, #tpu.memory_space<vmem>>) target(%dma_start3A_99 : memref<10000x128xf32, #tpu.memory_space<vmem_shared>>) offsets(%dma_start3A_96 : memref<125xi32, #tpu.memory_space<vmem>>) semaphore(%run_scoped3A : memref<!tpu.dma_semaphore, #tpu.memory_space<semaphore_mem>>) {add = true}
          %dma_wait3A_100 = arith.constant 0 : i32
          %dma_wait3A_101 = tpu.memref_slice %arg9[%mul3A_64, %dma_wait3A_100] : memref<40x125xi32, #tpu.memory_space<vmem>> -> memref<1x125xi32, #tpu.memory_space<vmem>>
          %dma_wait3A_102 = tpu.memref_squeeze %dma_wait3A_101 : memref<1x125xi32, #tpu.memory_space<vmem>> -> memref<125xi32, #tpu.memory_space<vmem>>
          %dma_wait3A_103 = arith.constant 0 : i32
          %dma_wait3A_104 = arith.constant 0 : i32
          %dma_wait3A_105 = tpu.memref_slice %arg12[%dma_wait3A_103, %dma_wait3A_104] : memref<10000x128xf32, #tpu.memory_space<vmem_shared>> -> memref<10000x128xf32, #tpu.memory_space<vmem_shared>>
          tpu.wait_indirect_dma semaphore(%run_scoped3A : memref<!tpu.dma_semaphore, #tpu.memory_space<semaphore_mem>>) src(%arg10 : memref<125x128xf32, #tpu.memory_space<vmem>>) dst(%dma_wait3A_105 : memref<10000x128xf32, #tpu.memory_space<vmem_shared>>)
          tpu.yield
        }) : () -> ()
        %add3A_79 = arith.constant 1 : i32
        %add3A_80 = arith.addi %scan3A_62, %add3A_79 : i32
        %lt3A = arith.constant 20 : i32
        %lt3A_81 = arith.cmpi slt, %add3A_80, %lt3A : i32
        %convert_element_type3A_82 = arith.extui %lt3A_81 : i1 to i32
        %cond3A_83 = arith.constant 0 : i32
        %cond3A_84 = arith.cmpi ne, %convert_element_type3A_82, %cond3A_83 : i32
        scf.if %cond3A_84 {
          %add3A_94 = arith.constant 2 : i32
          %add3A_95 = arith.addi %mul3A_64, %add3A_94 : i32
          %dma_start3A_96 = arith.constant 0 : i32
          %dma_start3A_97 = tpu.memref_slice %arg8[%add3A_95, %dma_start3A_96] : memref<40x125xi32, #tpu.memory_space<vmem>> -> memref<1x125xi32, #tpu.memory_space<vmem>>
          %dma_start3A_98 = tpu.memref_squeeze %dma_start3A_97 : memref<1x125xi32, #tpu.memory_space<vmem>> -> memref<125xi32, #tpu.memory_space<vmem>>
          %dma_start3A_99 = arith.constant 0 : i32
          %dma_start3A_100 = arith.constant 0 : i32
          %dma_start3A_101 = tpu.memref_slice %arg2[%dma_start3A_99, %dma_start3A_100] : memref<10000x128xf32, #tpu.memory_space<hbm>> -> memref<10000x128xf32, #tpu.memory_space<hbm>>
          tpu.enqueue_indirect_dma source(%dma_start3A_101 : memref<10000x128xf32, #tpu.memory_space<hbm>>) target(%arg10 : memref<125x128xf32, #tpu.memory_space<vmem>>) offsets(%dma_start3A_98 : memref<125xi32, #tpu.memory_space<vmem>>) semaphore(%arg13 : memref<!tpu.dma_semaphore, #tpu.memory_space<semaphore_mem>>)
        } else {
        }
        %dma_wait3A_85 = arith.constant 0 : i32
        %dma_wait3A_86 = arith.constant 0 : i32
        %dma_wait3A_87 = tpu.memref_slice %arg8[%dma_wait3A_85, %dma_wait3A_86] : memref<40x125xi32, #tpu.memory_space<vmem>> -> memref<1x125xi32, #tpu.memory_space<vmem>>
        %dma_wait3A_88 = tpu.memref_squeeze %dma_wait3A_87 : memref<1x125xi32, #tpu.memory_space<vmem>> -> memref<125xi32, #tpu.memory_space<vmem>>
        %dma_wait3A_89 = arith.constant 0 : i32
        %dma_wait3A_90 = arith.constant 0 : i32
        %dma_wait3A_91 = tpu.memref_slice %arg2[%dma_wait3A_89, %dma_wait3A_90] : memref<10000x128xf32, #tpu.memory_space<hbm>> -> memref<10000x128xf32, #tpu.memory_space<hbm>>
        tpu.wait_indirect_dma semaphore(%arg14 : memref<!tpu.dma_semaphore, #tpu.memory_space<semaphore_mem>>) src(%dma_wait3A_91 : memref<10000x128xf32, #tpu.memory_space<hbm>>) dst(%arg11 : memref<125x128xf32, #tpu.memory_space<vmem>>)
        %add3A_92 = arith.constant 1 : i32
        %add3A_93 = arith.addi %mul3A_64, %add3A_92 : i32
        "tpu.region"() ({
          %run_scoped3A = tpu.sem_alloc : memref<!tpu.dma_semaphore, #tpu.memory_space<semaphore_mem>>
          %dma_start3A_94 = arith.constant 0 : i32
          %dma_start3A_95 = tpu.memref_slice %arg9[%add3A_93, %dma_start3A_94] : memref<40x125xi32, #tpu.memory_space<vmem>> -> memref<1x125xi32, #tpu.memory_space<vmem>>
          %dma_start3A_96 = tpu.memref_squeeze %dma_start3A_95 : memref<1x125xi32, #tpu.memory_space<vmem>> -> memref<125xi32, #tpu.memory_space<vmem>>
          %dma_start3A_97 = arith.constant 0 : i32
          %dma_start3A_98 = arith.constant 0 : i32
          %dma_start3A_99 = tpu.memref_slice %arg12[%dma_start3A_97, %dma_start3A_98] : memref<10000x128xf32, #tpu.memory_space<vmem_shared>> -> memref<10000x128xf32, #tpu.memory_space<vmem_shared>>
          tpu.enqueue_indirect_dma source(%arg11 : memref<125x128xf32, #tpu.memory_space<vmem>>) target(%dma_start3A_99 : memref<10000x128xf32, #tpu.memory_space<vmem_shared>>) offsets(%dma_start3A_96 : memref<125xi32, #tpu.memory_space<vmem>>) semaphore(%run_scoped3A : memref<!tpu.dma_semaphore, #tpu.memory_space<semaphore_mem>>) {add = true}
          %dma_wait3A_100 = arith.constant 0 : i32
          %dma_wait3A_101 = tpu.memref_slice %arg9[%add3A_93, %dma_wait3A_100] : memref<40x125xi32, #tpu.memory_space<vmem>> -> memref<1x125xi32, #tpu.memory_space<vmem>>
          %dma_wait3A_102 = tpu.memref_squeeze %dma_wait3A_101 : memref<1x125xi32, #tpu.memory_space<vmem>> -> memref<125xi32, #tpu.memory_space<vmem>>
          %dma_wait3A_103 = arith.constant 0 : i32
          %dma_wait3A_104 = arith.constant 0 : i32
          %dma_wait3A_105 = tpu.memref_slice %arg12[%dma_wait3A_103, %dma_wait3A_104] : memref<10000x128xf32, #tpu.memory_space<vmem_shared>> -> memref<10000x128xf32, #tpu.memory_space<vmem_shared>>
          tpu.wait_indirect_dma semaphore(%run_scoped3A : memref<!tpu.dma_semaphore, #tpu.memory_space<semaphore_mem>>) src(%arg11 : memref<125x128xf32, #tpu.memory_space<vmem>>) dst(%dma_wait3A_105 : memref<10000x128xf32, #tpu.memory_space<vmem_shared>>)
          tpu.yield
        }) : () -> ()
      }
      %scan3A_45 = arith.constant 20 : i32
      %mul3A_46 = arith.constant 80 : i32
      %mul3A_47 = arith.muli %arg1, %mul3A_46 : i32
      %add3A = arith.constant 40 : i32
      %add3A_48 = arith.addi %mul3A_47, %add3A : i32
      %multiple_of3A_49 = tpu.assume_multiple %add3A_48, 8 : i32
      "tpu.region"() ({
        %run_scoped3A = tpu.sem_alloc : memref<!tpu.dma_semaphore, #tpu.memory_space<semaphore_mem>>
        %dma_start3A_62 = arith.constant 0 : i32
        %dma_start3A_63 = tpu.memref_slice %arg4[%multiple_of3A_49, %dma_start3A_62] : memref<1280x125xi32, #tpu.memory_space<hbm>> -> memref<40x125xi32, #tpu.memory_space<hbm>>
        %dma_start3A_64 = arith.constant 0 : i32
        %dma_start3A_65 = tpu.memref_slice %arg4[%multiple_of3A_49, %dma_start3A_64] : memref<1280x125xi32, #tpu.memory_space<hbm>> -> memref<40x125xi32, #tpu.memory_space<hbm>>
        tpu.enqueue_dma source(%dma_start3A_65 : memref<40x125xi32, #tpu.memory_space<hbm>>) target(%arg8 : memref<40x125xi32, #tpu.memory_space<vmem>>) target_semaphore(%run_scoped3A : memref<!tpu.dma_semaphore, #tpu.memory_space<semaphore_mem>>)
        %dma_wait3A = arith.constant 0 : i32
        %dma_wait3A_66 = tpu.memref_slice %arg4[%multiple_of3A_49, %dma_wait3A] : memref<1280x125xi32, #tpu.memory_space<hbm>> -> memref<40x125xi32, #tpu.memory_space<hbm>>
        %dma_wait3A_67 = arith.constant 0 : i32
        %dma_wait3A_68 = tpu.memref_slice %arg4[%multiple_of3A_49, %dma_wait3A_67] : memref<1280x125xi32, #tpu.memory_space<hbm>> -> memref<40x125xi32, #tpu.memory_space<hbm>>
        tpu.wait_dma2 semaphore(%run_scoped3A : memref<!tpu.dma_semaphore, #tpu.memory_space<semaphore_mem>>) src(%dma_wait3A_68 : memref<40x125xi32, #tpu.memory_space<hbm>>) dst(%arg8 : memref<40x125xi32, #tpu.memory_space<vmem>>)
        tpu.yield
      }) : () -> ()
      "tpu.region"() ({
        %run_scoped3A = tpu.sem_alloc : memref<!tpu.dma_semaphore, #tpu.memory_space<semaphore_mem>>
        %dma_start3A_62 = arith.constant 0 : i32
        %dma_start3A_63 = tpu.memref_slice %arg5[%multiple_of3A_49, %dma_start3A_62] : memref<1280x125xi32, #tpu.memory_space<hbm>> -> memref<40x125xi32, #tpu.memory_space<hbm>>
        %dma_start3A_64 = arith.constant 0 : i32
        %dma_start3A_65 = tpu.memref_slice %arg5[%multiple_of3A_49, %dma_start3A_64] : memref<1280x125xi32, #tpu.memory_space<hbm>> -> memref<40x125xi32, #tpu.memory_space<hbm>>
        tpu.enqueue_dma source(%dma_start3A_65 : memref<40x125xi32, #tpu.memory_space<hbm>>) target(%arg9 : memref<40x125xi32, #tpu.memory_space<vmem>>) target_semaphore(%run_scoped3A : memref<!tpu.dma_semaphore, #tpu.memory_space<semaphore_mem>>)
        %dma_wait3A = arith.constant 0 : i32
        %dma_wait3A_66 = tpu.memref_slice %arg5[%multiple_of3A_49, %dma_wait3A] : memref<1280x125xi32, #tpu.memory_space<hbm>> -> memref<40x125xi32, #tpu.memory_space<hbm>>
        %dma_wait3A_67 = arith.constant 0 : i32
        %dma_wait3A_68 = tpu.memref_slice %arg5[%multiple_of3A_49, %dma_wait3A_67] : memref<1280x125xi32, #tpu.memory_space<hbm>> -> memref<40x125xi32, #tpu.memory_space<hbm>>
        tpu.wait_dma2 semaphore(%run_scoped3A : memref<!tpu.dma_semaphore, #tpu.memory_space<semaphore_mem>>) src(%dma_wait3A_68 : memref<40x125xi32, #tpu.memory_space<hbm>>) dst(%arg9 : memref<40x125xi32, #tpu.memory_space<vmem>>)
        tpu.yield
      }) : () -> ()
      %dma_start3A = arith.constant 0 : i32
      %dma_start3A_50 = arith.constant 0 : i32
      %dma_start3A_51 = tpu.memref_slice %arg8[%dma_start3A, %dma_start3A_50] : memref<40x125xi32, #tpu.memory_space<vmem>> -> memref<1x125xi32, #tpu.memory_space<vmem>>
      %dma_start3A_52 = tpu.memref_squeeze %dma_start3A_51 : memref<1x125xi32, #tpu.memory_space<vmem>> -> memref<125xi32, #tpu.memory_space<vmem>>
      %dma_start3A_53 = arith.constant 0 : i32
      %dma_start3A_54 = arith.constant 0 : i32
      %dma_start3A_55 = tpu.memref_slice %arg2[%dma_start3A_53, %dma_start3A_54] : memref<10000x128xf32, #tpu.memory_space<hbm>> -> memref<10000x128xf32, #tpu.memory_space<hbm>>
      tpu.enqueue_indirect_dma source(%dma_start3A_55 : memref<10000x128xf32, #tpu.memory_space<hbm>>) target(%arg10 : memref<125x128xf32, #tpu.memory_space<vmem>>) offsets(%dma_start3A_52 : memref<125xi32, #tpu.memory_space<vmem>>) semaphore(%arg13 : memref<!tpu.dma_semaphore, #tpu.memory_space<semaphore_mem>>)
      %scan3A_56 = arith.constant 0 : i32
      %scan3A_57 = arith.constant 0 : i32
      %scan3A_58 = arith.constant 20 : i32
      %scan3A_59 = arith.addi %scan3A_57, %scan3A_58 : i32
      %scan3A_60 = arith.constant 1 : i32
      scf.for %scan3A_62 = %scan3A_57 to %scan3A_59 step %scan3A_60  : i32 {
        %mul3A_63 = arith.constant 2 : i32
        %mul3A_64 = arith.muli %mul3A_63, %scan3A_62 : i32
        %add3A_65 = arith.constant 1 : i32
        %add3A_66 = arith.addi %mul3A_64, %add3A_65 : i32
        %dma_start3A_67 = arith.constant 0 : i32
        %dma_start3A_68 = tpu.memref_slice %arg8[%add3A_66, %dma_start3A_67] : memref<40x125xi32, #tpu.memory_space<vmem>> -> memref<1x125xi32, #tpu.memory_space<vmem>>
        %dma_start3A_69 = tpu.memref_squeeze %dma_start3A_68 : memref<1x125xi32, #tpu.memory_space<vmem>> -> memref<125xi32, #tpu.memory_space<vmem>>
        %dma_start3A_70 = arith.constant 0 : i32
        %dma_start3A_71 = arith.constant 0 : i32
        %dma_start3A_72 = tpu.memref_slice %arg2[%dma_start3A_70, %dma_start3A_71] : memref<10000x128xf32, #tpu.memory_space<hbm>> -> memref<10000x128xf32, #tpu.memory_space<hbm>>
        tpu.enqueue_indirect_dma source(%dma_start3A_72 : memref<10000x128xf32, #tpu.memory_space<hbm>>) target(%arg11 : memref<125x128xf32, #tpu.memory_space<vmem>>) offsets(%dma_start3A_69 : memref<125xi32, #tpu.memory_space<vmem>>) semaphore(%arg14 : memref<!tpu.dma_semaphore, #tpu.memory_space<semaphore_mem>>)
        %dma_wait3A = arith.constant 0 : i32
        %dma_wait3A_73 = arith.constant 0 : i32
        %dma_wait3A_74 = tpu.memref_slice %arg8[%dma_wait3A, %dma_wait3A_73] : memref<40x125xi32, #tpu.memory_space<vmem>> -> memref<1x125xi32, #tpu.memory_space<vmem>>
        %dma_wait3A_75 = tpu.memref_squeeze %dma_wait3A_74 : memref<1x125xi32, #tpu.memory_space<vmem>> -> memref<125xi32, #tpu.memory_space<vmem>>
        %dma_wait3A_76 = arith.constant 0 : i32
        %dma_wait3A_77 = arith.constant 0 : i32
        %dma_wait3A_78 = tpu.memref_slice %arg2[%dma_wait3A_76, %dma_wait3A_77] : memref<10000x128xf32, #tpu.memory_space<hbm>> -> memref<10000x128xf32, #tpu.memory_space<hbm>>
        tpu.wait_indirect_dma semaphore(%arg13 : memref<!tpu.dma_semaphore, #tpu.memory_space<semaphore_mem>>) src(%dma_wait3A_78 : memref<10000x128xf32, #tpu.memory_space<hbm>>) dst(%arg10 : memref<125x128xf32, #tpu.memory_space<vmem>>)
        "tpu.region"() ({
          %run_scoped3A = tpu.sem_alloc : memref<!tpu.dma_semaphore, #tpu.memory_space<semaphore_mem>>
          %dma_start3A_94 = arith.constant 0 : i32
          %dma_start3A_95 = tpu.memref_slice %arg9[%mul3A_64, %dma_start3A_94] : memref<40x125xi32, #tpu.memory_space<vmem>> -> memref<1x125xi32, #tpu.memory_space<vmem>>
          %dma_start3A_96 = tpu.memref_squeeze %dma_start3A_95 : memref<1x125xi32, #tpu.memory_space<vmem>> -> memref<125xi32, #tpu.memory_space<vmem>>
          %dma_start3A_97 = arith.constant 0 : i32
          %dma_start3A_98 = arith.constant 0 : i32
          %dma_start3A_99 = tpu.memref_slice %arg12[%dma_start3A_97, %dma_start3A_98] : memref<10000x128xf32, #tpu.memory_space<vmem_shared>> -> memref<10000x128xf32, #tpu.memory_space<vmem_shared>>
          tpu.enqueue_indirect_dma source(%arg10 : memref<125x128xf32, #tpu.memory_space<vmem>>) target(%dma_start3A_99 : memref<10000x128xf32, #tpu.memory_space<vmem_shared>>) offsets(%dma_start3A_96 : memref<125xi32, #tpu.memory_space<vmem>>) semaphore(%run_scoped3A : memref<!tpu.dma_semaphore, #tpu.memory_space<semaphore_mem>>) {add = true}
          %dma_wait3A_100 = arith.constant 0 : i32
          %dma_wait3A_101 = tpu.memref_slice %arg9[%mul3A_64, %dma_wait3A_100] : memref<40x125xi32, #tpu.memory_space<vmem>> -> memref<1x125xi32, #tpu.memory_space<vmem>>
          %dma_wait3A_102 = tpu.memref_squeeze %dma_wait3A_101 : memref<1x125xi32, #tpu.memory_space<vmem>> -> memref<125xi32, #tpu.memory_space<vmem>>
          %dma_wait3A_103 = arith.constant 0 : i32
          %dma_wait3A_104 = arith.constant 0 : i32
          %dma_wait3A_105 = tpu.memref_slice %arg12[%dma_wait3A_103, %dma_wait3A_104] : memref<10000x128xf32, #tpu.memory_space<vmem_shared>> -> memref<10000x128xf32, #tpu.memory_space<vmem_shared>>
          tpu.wait_indirect_dma semaphore(%run_scoped3A : memref<!tpu.dma_semaphore, #tpu.memory_space<semaphore_mem>>) src(%arg10 : memref<125x128xf32, #tpu.memory_space<vmem>>) dst(%dma_wait3A_105 : memref<10000x128xf32, #tpu.memory_space<vmem_shared>>)
          tpu.yield
        }) : () -> ()
        %add3A_79 = arith.constant 1 : i32
        %add3A_80 = arith.addi %scan3A_62, %add3A_79 : i32
        %lt3A = arith.constant 20 : i32
        %lt3A_81 = arith.cmpi slt, %add3A_80, %lt3A : i32
        %convert_element_type3A_82 = arith.extui %lt3A_81 : i1 to i32
        %cond3A_83 = arith.constant 0 : i32
        %cond3A_84 = arith.cmpi ne, %convert_element_type3A_82, %cond3A_83 : i32
        scf.if %cond3A_84 {
          %add3A_94 = arith.constant 2 : i32
          %add3A_95 = arith.addi %mul3A_64, %add3A_94 : i32
          %dma_start3A_96 = arith.constant 0 : i32
          %dma_start3A_97 = tpu.memref_slice %arg8[%add3A_95, %dma_start3A_96] : memref<40x125xi32, #tpu.memory_space<vmem>> -> memref<1x125xi32, #tpu.memory_space<vmem>>
          %dma_start3A_98 = tpu.memref_squeeze %dma_start3A_97 : memref<1x125xi32, #tpu.memory_space<vmem>> -> memref<125xi32, #tpu.memory_space<vmem>>
          %dma_start3A_99 = arith.constant 0 : i32
          %dma_start3A_100 = arith.constant 0 : i32
          %dma_start3A_101 = tpu.memref_slice %arg2[%dma_start3A_99, %dma_start3A_100] : memref<10000x128xf32, #tpu.memory_space<hbm>> -> memref<10000x128xf32, #tpu.memory_space<hbm>>
          tpu.enqueue_indirect_dma source(%dma_start3A_101 : memref<10000x128xf32, #tpu.memory_space<hbm>>) target(%arg10 : memref<125x128xf32, #tpu.memory_space<vmem>>) offsets(%dma_start3A_98 : memref<125xi32, #tpu.memory_space<vmem>>) semaphore(%arg13 : memref<!tpu.dma_semaphore, #tpu.memory_space<semaphore_mem>>)
        } else {
        }
        %dma_wait3A_85 = arith.constant 0 : i32
        %dma_wait3A_86 = arith.constant 0 : i32
        %dma_wait3A_87 = tpu.memref_slice %arg8[%dma_wait3A_85, %dma_wait3A_86] : memref<40x125xi32, #tpu.memory_space<vmem>> -> memref<1x125xi32, #tpu.memory_space<vmem>>
        %dma_wait3A_88 = tpu.memref_squeeze %dma_wait3A_87 : memref<1x125xi32, #tpu.memory_space<vmem>> -> memref<125xi32, #tpu.memory_space<vmem>>
        %dma_wait3A_89 = arith.constant 0 : i32
        %dma_wait3A_90 = arith.constant 0 : i32
        %dma_wait3A_91 = tpu.memref_slice %arg2[%dma_wait3A_89, %dma_wait3A_90] : memref<10000x128xf32, #tpu.memory_space<hbm>> -> memref<10000x128xf32, #tpu.memory_space<hbm>>
        tpu.wait_indirect_dma semaphore(%arg14 : memref<!tpu.dma_semaphore, #tpu.memory_space<semaphore_mem>>) src(%dma_wait3A_91 : memref<10000x128xf32, #tpu.memory_space<hbm>>) dst(%arg11 : memref<125x128xf32, #tpu.memory_space<vmem>>)
        %add3A_92 = arith.constant 1 : i32
        %add3A_93 = arith.addi %mul3A_64, %add3A_92 : i32
        "tpu.region"() ({
          %run_scoped3A = tpu.sem_alloc : memref<!tpu.dma_semaphore, #tpu.memory_space<semaphore_mem>>
          %dma_start3A_94 = arith.constant 0 : i32
          %dma_start3A_95 = tpu.memref_slice %arg9[%add3A_93, %dma_start3A_94] : memref<40x125xi32, #tpu.memory_space<vmem>> -> memref<1x125xi32, #tpu.memory_space<vmem>>
          %dma_start3A_96 = tpu.memref_squeeze %dma_start3A_95 : memref<1x125xi32, #tpu.memory_space<vmem>> -> memref<125xi32, #tpu.memory_space<vmem>>
          %dma_start3A_97 = arith.constant 0 : i32
          %dma_start3A_98 = arith.constant 0 : i32
          %dma_start3A_99 = tpu.memref_slice %arg12[%dma_start3A_97, %dma_start3A_98] : memref<10000x128xf32, #tpu.memory_space<vmem_shared>> -> memref<10000x128xf32, #tpu.memory_space<vmem_shared>>
          tpu.enqueue_indirect_dma source(%arg11 : memref<125x128xf32, #tpu.memory_space<vmem>>) target(%dma_start3A_99 : memref<10000x128xf32, #tpu.memory_space<vmem_shared>>) offsets(%dma_start3A_96 : memref<125xi32, #tpu.memory_space<vmem>>) semaphore(%run_scoped3A : memref<!tpu.dma_semaphore, #tpu.memory_space<semaphore_mem>>) {add = true}
          %dma_wait3A_100 = arith.constant 0 : i32
          %dma_wait3A_101 = tpu.memref_slice %arg9[%add3A_93, %dma_wait3A_100] : memref<40x125xi32, #tpu.memory_space<vmem>> -> memref<1x125xi32, #tpu.memory_space<vmem>>
          %dma_wait3A_102 = tpu.memref_squeeze %dma_wait3A_101 : memref<1x125xi32, #tpu.memory_space<vmem>> -> memref<125xi32, #tpu.memory_space<vmem>>
          %dma_wait3A_103 = arith.constant 0 : i32
          %dma_wait3A_104 = arith.constant 0 : i32
          %dma_wait3A_105 = tpu.memref_slice %arg12[%dma_wait3A_103, %dma_wait3A_104] : memref<10000x128xf32, #tpu.memory_space<vmem_shared>> -> memref<10000x128xf32, #tpu.memory_space<vmem_shared>>
          tpu.wait_indirect_dma semaphore(%run_scoped3A : memref<!tpu.dma_semaphore, #tpu.memory_space<semaphore_mem>>) src(%arg11 : memref<125x128xf32, #tpu.memory_space<vmem>>) dst(%dma_wait3A_105 : memref<10000x128xf32, #tpu.memory_space<vmem_shared>>)
          tpu.yield
        }) : () -> ()
      }
      %scan3A_61 = arith.constant 20 : i32
    } else {
    }
    %ne3A_25 = arith.constant 0 : i32
    %ne3A_26 = arith.cmpi ne, %arg0, %ne3A_25 : i32
    %convert_element_type3A_27 = arith.extui %ne3A_26 : i1 to i32
    %cond3A_28 = arith.constant 0 : i32
    %cond3A_29 = arith.cmpi ne, %convert_element_type3A_27, %cond3A_28 : i32
    scf.if %cond3A_29 {
      %scan3A = arith.constant 0 : i32
      %scan3A_41 = arith.constant 0 : i32
      %scan3A_42 = arith.constant 20 : i32
      %scan3A_43 = arith.addi %scan3A_41, %scan3A_42 : i32
      %scan3A_44 = arith.constant 1 : i32
      scf.for %scan3A_62 = %scan3A_41 to %scan3A_43 step %scan3A_44  : i32 {
        %mul3A_63 = arith.constant 2 : i32
        %mul3A_64 = arith.muli %mul3A_63, %scan3A_62 : i32
        %add3A_65 = arith.constant 1 : i32
        %add3A_66 = arith.addi %mul3A_64, %add3A_65 : i32
        %dma_start3A_67 = arith.constant 0 : i32
        %dma_start3A_68 = tpu.memref_slice %arg8[%add3A_66, %dma_start3A_67] : memref<40x125xi32, #tpu.memory_space<vmem>> -> memref<1x125xi32, #tpu.memory_space<vmem>>
        %dma_start3A_69 = tpu.memref_squeeze %dma_start3A_68 : memref<1x125xi32, #tpu.memory_space<vmem>> -> memref<125xi32, #tpu.memory_space<vmem>>
        %dma_start3A_70 = arith.constant 0 : i32
        %dma_start3A_71 = arith.constant 0 : i32
        %dma_start3A_72 = tpu.memref_slice %arg3[%dma_start3A_70, %dma_start3A_71] : memref<10000x128xf32, #tpu.memory_space<hbm>> -> memref<10000x128xf32, #tpu.memory_space<hbm>>
        tpu.enqueue_indirect_dma source(%dma_start3A_72 : memref<10000x128xf32, #tpu.memory_space<hbm>>) target(%arg11 : memref<125x128xf32, #tpu.memory_space<vmem>>) offsets(%dma_start3A_69 : memref<125xi32, #tpu.memory_space<vmem>>) semaphore(%arg14 : memref<!tpu.dma_semaphore, #tpu.memory_space<semaphore_mem>>)
        %dma_wait3A = arith.constant 0 : i32
        %dma_wait3A_73 = arith.constant 0 : i32
        %dma_wait3A_74 = tpu.memref_slice %arg8[%dma_wait3A, %dma_wait3A_73] : memref<40x125xi32, #tpu.memory_space<vmem>> -> memref<1x125xi32, #tpu.memory_space<vmem>>
        %dma_wait3A_75 = tpu.memref_squeeze %dma_wait3A_74 : memref<1x125xi32, #tpu.memory_space<vmem>> -> memref<125xi32, #tpu.memory_space<vmem>>
        %dma_wait3A_76 = arith.constant 0 : i32
        %dma_wait3A_77 = arith.constant 0 : i32
        %dma_wait3A_78 = tpu.memref_slice %arg3[%dma_wait3A_76, %dma_wait3A_77] : memref<10000x128xf32, #tpu.memory_space<hbm>> -> memref<10000x128xf32, #tpu.memory_space<hbm>>
        tpu.wait_indirect_dma semaphore(%arg13 : memref<!tpu.dma_semaphore, #tpu.memory_space<semaphore_mem>>) src(%dma_wait3A_78 : memref<10000x128xf32, #tpu.memory_space<hbm>>) dst(%arg10 : memref<125x128xf32, #tpu.memory_space<vmem>>)
        "tpu.region"() ({
          %run_scoped3A = tpu.sem_alloc : memref<!tpu.dma_semaphore, #tpu.memory_space<semaphore_mem>>
          %dma_start3A_94 = arith.constant 0 : i32
          %dma_start3A_95 = tpu.memref_slice %arg9[%mul3A_64, %dma_start3A_94] : memref<40x125xi32, #tpu.memory_space<vmem>> -> memref<1x125xi32, #tpu.memory_space<vmem>>
          %dma_start3A_96 = tpu.memref_squeeze %dma_start3A_95 : memref<1x125xi32, #tpu.memory_space<vmem>> -> memref<125xi32, #tpu.memory_space<vmem>>
          %dma_start3A_97 = arith.constant 0 : i32
          %dma_start3A_98 = arith.constant 0 : i32
          %dma_start3A_99 = tpu.memref_slice %arg12[%dma_start3A_97, %dma_start3A_98] : memref<10000x128xf32, #tpu.memory_space<vmem_shared>> -> memref<10000x128xf32, #tpu.memory_space<vmem_shared>>
          tpu.enqueue_indirect_dma source(%arg10 : memref<125x128xf32, #tpu.memory_space<vmem>>) target(%dma_start3A_99 : memref<10000x128xf32, #tpu.memory_space<vmem_shared>>) offsets(%dma_start3A_96 : memref<125xi32, #tpu.memory_space<vmem>>) semaphore(%run_scoped3A : memref<!tpu.dma_semaphore, #tpu.memory_space<semaphore_mem>>) {add = true}
          %dma_wait3A_100 = arith.constant 0 : i32
          %dma_wait3A_101 = tpu.memref_slice %arg9[%mul3A_64, %dma_wait3A_100] : memref<40x125xi32, #tpu.memory_space<vmem>> -> memref<1x125xi32, #tpu.memory_space<vmem>>
          %dma_wait3A_102 = tpu.memref_squeeze %dma_wait3A_101 : memref<1x125xi32, #tpu.memory_space<vmem>> -> memref<125xi32, #tpu.memory_space<vmem>>
          %dma_wait3A_103 = arith.constant 0 : i32
          %dma_wait3A_104 = arith.constant 0 : i32
          %dma_wait3A_105 = tpu.memref_slice %arg12[%dma_wait3A_103, %dma_wait3A_104] : memref<10000x128xf32, #tpu.memory_space<vmem_shared>> -> memref<10000x128xf32, #tpu.memory_space<vmem_shared>>
          tpu.wait_indirect_dma semaphore(%run_scoped3A : memref<!tpu.dma_semaphore, #tpu.memory_space<semaphore_mem>>) src(%arg10 : memref<125x128xf32, #tpu.memory_space<vmem>>) dst(%dma_wait3A_105 : memref<10000x128xf32, #tpu.memory_space<vmem_shared>>)
          tpu.yield
        }) : () -> ()
        %add3A_79 = arith.constant 1 : i32
        %add3A_80 = arith.addi %scan3A_62, %add3A_79 : i32
        %lt3A = arith.constant 20 : i32
        %lt3A_81 = arith.cmpi slt, %add3A_80, %lt3A : i32
        %convert_element_type3A_82 = arith.extui %lt3A_81 : i1 to i32
        %cond3A_83 = arith.constant 0 : i32
        %cond3A_84 = arith.cmpi ne, %convert_element_type3A_82, %cond3A_83 : i32
        scf.if %cond3A_84 {
          %add3A_94 = arith.constant 2 : i32
          %add3A_95 = arith.addi %mul3A_64, %add3A_94 : i32
          %dma_start3A_96 = arith.constant 0 : i32
          %dma_start3A_97 = tpu.memref_slice %arg8[%add3A_95, %dma_start3A_96] : memref<40x125xi32, #tpu.memory_space<vmem>> -> memref<1x125xi32, #tpu.memory_space<vmem>>
          %dma_start3A_98 = tpu.memref_squeeze %dma_start3A_97 : memref<1x125xi32, #tpu.memory_space<vmem>> -> memref<125xi32, #tpu.memory_space<vmem>>
          %dma_start3A_99 = arith.constant 0 : i32
          %dma_start3A_100 = arith.constant 0 : i32
          %dma_start3A_101 = tpu.memref_slice %arg3[%dma_start3A_99, %dma_start3A_100] : memref<10000x128xf32, #tpu.memory_space<hbm>> -> memref<10000x128xf32, #tpu.memory_space<hbm>>
          tpu.enqueue_indirect_dma source(%dma_start3A_101 : memref<10000x128xf32, #tpu.memory_space<hbm>>) target(%arg10 : memref<125x128xf32, #tpu.memory_space<vmem>>) offsets(%dma_start3A_98 : memref<125xi32, #tpu.memory_space<vmem>>) semaphore(%arg13 : memref<!tpu.dma_semaphore, #tpu.memory_space<semaphore_mem>>)
        } else {
        }
        %dma_wait3A_85 = arith.constant 0 : i32
        %dma_wait3A_86 = arith.constant 0 : i32
        %dma_wait3A_87 = tpu.memref_slice %arg8[%dma_wait3A_85, %dma_wait3A_86] : memref<40x125xi32, #tpu.memory_space<vmem>> -> memref<1x125xi32, #tpu.memory_space<vmem>>
        %dma_wait3A_88 = tpu.memref_squeeze %dma_wait3A_87 : memref<1x125xi32, #tpu.memory_space<vmem>> -> memref<125xi32, #tpu.memory_space<vmem>>
        %dma_wait3A_89 = arith.constant 0 : i32
        %dma_wait3A_90 = arith.constant 0 : i32
        %dma_wait3A_91 = tpu.memref_slice %arg3[%dma_wait3A_89, %dma_wait3A_90] : memref<10000x128xf32, #tpu.memory_space<hbm>> -> memref<10000x128xf32, #tpu.memory_space<hbm>>
        tpu.wait_indirect_dma semaphore(%arg14 : memref<!tpu.dma_semaphore, #tpu.memory_space<semaphore_mem>>) src(%dma_wait3A_91 : memref<10000x128xf32, #tpu.memory_space<hbm>>) dst(%arg11 : memref<125x128xf32, #tpu.memory_space<vmem>>)
        %add3A_92 = arith.constant 1 : i32
        %add3A_93 = arith.addi %mul3A_64, %add3A_92 : i32
        "tpu.region"() ({
          %run_scoped3A = tpu.sem_alloc : memref<!tpu.dma_semaphore, #tpu.memory_space<semaphore_mem>>
          %dma_start3A_94 = arith.constant 0 : i32
          %dma_start3A_95 = tpu.memref_slice %arg9[%add3A_93, %dma_start3A_94] : memref<40x125xi32, #tpu.memory_space<vmem>> -> memref<1x125xi32, #tpu.memory_space<vmem>>
          %dma_start3A_96 = tpu.memref_squeeze %dma_start3A_95 : memref<1x125xi32, #tpu.memory_space<vmem>> -> memref<125xi32, #tpu.memory_space<vmem>>
          %dma_start3A_97 = arith.constant 0 : i32
          %dma_start3A_98 = arith.constant 0 : i32
          %dma_start3A_99 = tpu.memref_slice %arg12[%dma_start3A_97, %dma_start3A_98] : memref<10000x128xf32, #tpu.memory_space<vmem_shared>> -> memref<10000x128xf32, #tpu.memory_space<vmem_shared>>
          tpu.enqueue_indirect_dma source(%arg11 : memref<125x128xf32, #tpu.memory_space<vmem>>) target(%dma_start3A_99 : memref<10000x128xf32, #tpu.memory_space<vmem_shared>>) offsets(%dma_start3A_96 : memref<125xi32, #tpu.memory_space<vmem>>) semaphore(%run_scoped3A : memref<!tpu.dma_semaphore, #tpu.memory_space<semaphore_mem>>) {add = true}
          %dma_wait3A_100 = arith.constant 0 : i32
          %dma_wait3A_101 = tpu.memref_slice %arg9[%add3A_93, %dma_wait3A_100] : memref<40x125xi32, #tpu.memory_space<vmem>> -> memref<1x125xi32, #tpu.memory_space<vmem>>
          %dma_wait3A_102 = tpu.memref_squeeze %dma_wait3A_101 : memref<1x125xi32, #tpu.memory_space<vmem>> -> memref<125xi32, #tpu.memory_space<vmem>>
          %dma_wait3A_103 = arith.constant 0 : i32
          %dma_wait3A_104 = arith.constant 0 : i32
          %dma_wait3A_105 = tpu.memref_slice %arg12[%dma_wait3A_103, %dma_wait3A_104] : memref<10000x128xf32, #tpu.memory_space<vmem_shared>> -> memref<10000x128xf32, #tpu.memory_space<vmem_shared>>
          tpu.wait_indirect_dma semaphore(%run_scoped3A : memref<!tpu.dma_semaphore, #tpu.memory_space<semaphore_mem>>) src(%arg11 : memref<125x128xf32, #tpu.memory_space<vmem>>) dst(%dma_wait3A_105 : memref<10000x128xf32, #tpu.memory_space<vmem_shared>>)
          tpu.yield
        }) : () -> ()
      }
      %scan3A_45 = arith.constant 20 : i32
      %mul3A_46 = arith.constant 80 : i32
      %mul3A_47 = arith.muli %arg1, %mul3A_46 : i32
      %add3A = arith.constant 40 : i32
      %add3A_48 = arith.addi %mul3A_47, %add3A : i32
      %multiple_of3A_49 = tpu.assume_multiple %add3A_48, 8 : i32
      "tpu.region"() ({
        %run_scoped3A = tpu.sem_alloc : memref<!tpu.dma_semaphore, #tpu.memory_space<semaphore_mem>>
        %dma_start3A_62 = arith.constant 0 : i32
        %dma_start3A_63 = tpu.memref_slice %arg4[%multiple_of3A_49, %dma_start3A_62] : memref<1280x125xi32, #tpu.memory_space<hbm>> -> memref<40x125xi32, #tpu.memory_space<hbm>>
        %dma_start3A_64 = arith.constant 0 : i32
        %dma_start3A_65 = tpu.memref_slice %arg4[%multiple_of3A_49, %dma_start3A_64] : memref<1280x125xi32, #tpu.memory_space<hbm>> -> memref<40x125xi32, #tpu.memory_space<hbm>>
        tpu.enqueue_dma source(%dma_start3A_65 : memref<40x125xi32, #tpu.memory_space<hbm>>) target(%arg8 : memref<40x125xi32, #tpu.memory_space<vmem>>) target_semaphore(%run_scoped3A : memref<!tpu.dma_semaphore, #tpu.memory_space<semaphore_mem>>)
        %dma_wait3A = arith.constant 0 : i32
        %dma_wait3A_66 = tpu.memref_slice %arg4[%multiple_of3A_49, %dma_wait3A] : memref<1280x125xi32, #tpu.memory_space<hbm>> -> memref<40x125xi32, #tpu.memory_space<hbm>>
        %dma_wait3A_67 = arith.constant 0 : i32
        %dma_wait3A_68 = tpu.memref_slice %arg4[%multiple_of3A_49, %dma_wait3A_67] : memref<1280x125xi32, #tpu.memory_space<hbm>> -> memref<40x125xi32, #tpu.memory_space<hbm>>
        tpu.wait_dma2 semaphore(%run_scoped3A : memref<!tpu.dma_semaphore, #tpu.memory_space<semaphore_mem>>) src(%dma_wait3A_68 : memref<40x125xi32, #tpu.memory_space<hbm>>) dst(%arg8 : memref<40x125xi32, #tpu.memory_space<vmem>>)
        tpu.yield
      }) : () -> ()
      "tpu.region"() ({
        %run_scoped3A = tpu.sem_alloc : memref<!tpu.dma_semaphore, #tpu.memory_space<semaphore_mem>>
        %dma_start3A_62 = arith.constant 0 : i32
        %dma_start3A_63 = tpu.memref_slice %arg5[%multiple_of3A_49, %dma_start3A_62] : memref<1280x125xi32, #tpu.memory_space<hbm>> -> memref<40x125xi32, #tpu.memory_space<hbm>>
        %dma_start3A_64 = arith.constant 0 : i32
        %dma_start3A_65 = tpu.memref_slice %arg5[%multiple_of3A_49, %dma_start3A_64] : memref<1280x125xi32, #tpu.memory_space<hbm>> -> memref<40x125xi32, #tpu.memory_space<hbm>>
        tpu.enqueue_dma source(%dma_start3A_65 : memref<40x125xi32, #tpu.memory_space<hbm>>) target(%arg9 : memref<40x125xi32, #tpu.memory_space<vmem>>) target_semaphore(%run_scoped3A : memref<!tpu.dma_semaphore, #tpu.memory_space<semaphore_mem>>)
        %dma_wait3A = arith.constant 0 : i32
        %dma_wait3A_66 = tpu.memref_slice %arg5[%multiple_of3A_49, %dma_wait3A] : memref<1280x125xi32, #tpu.memory_space<hbm>> -> memref<40x125xi32, #tpu.memory_space<hbm>>
        %dma_wait3A_67 = arith.constant 0 : i32
        %dma_wait3A_68 = tpu.memref_slice %arg5[%multiple_of3A_49, %dma_wait3A_67] : memref<1280x125xi32, #tpu.memory_space<hbm>> -> memref<40x125xi32, #tpu.memory_space<hbm>>
        tpu.wait_dma2 semaphore(%run_scoped3A : memref<!tpu.dma_semaphore, #tpu.memory_space<semaphore_mem>>) src(%dma_wait3A_68 : memref<40x125xi32, #tpu.memory_space<hbm>>) dst(%arg9 : memref<40x125xi32, #tpu.memory_space<vmem>>)
        tpu.yield
      }) : () -> ()
      %dma_start3A = arith.constant 0 : i32
      %dma_start3A_50 = arith.constant 0 : i32
      %dma_start3A_51 = tpu.memref_slice %arg8[%dma_start3A, %dma_start3A_50] : memref<40x125xi32, #tpu.memory_space<vmem>> -> memref<1x125xi32, #tpu.memory_space<vmem>>
      %dma_start3A_52 = tpu.memref_squeeze %dma_start3A_51 : memref<1x125xi32, #tpu.memory_space<vmem>> -> memref<125xi32, #tpu.memory_space<vmem>>
      %dma_start3A_53 = arith.constant 0 : i32
      %dma_start3A_54 = arith.constant 0 : i32
      %dma_start3A_55 = tpu.memref_slice %arg3[%dma_start3A_53, %dma_start3A_54] : memref<10000x128xf32, #tpu.memory_space<hbm>> -> memref<10000x128xf32, #tpu.memory_space<hbm>>
      tpu.enqueue_indirect_dma source(%dma_start3A_55 : memref<10000x128xf32, #tpu.memory_space<hbm>>) target(%arg10 : memref<125x128xf32, #tpu.memory_space<vmem>>) offsets(%dma_start3A_52 : memref<125xi32, #tpu.memory_space<vmem>>) semaphore(%arg13 : memref<!tpu.dma_semaphore, #tpu.memory_space<semaphore_mem>>)
      %scan3A_56 = arith.constant 0 : i32
      %scan3A_57 = arith.constant 0 : i32
      %scan3A_58 = arith.constant 20 : i32
      %scan3A_59 = arith.addi %scan3A_57, %scan3A_58 : i32
      %scan3A_60 = arith.constant 1 : i32
      scf.for %scan3A_62 = %scan3A_57 to %scan3A_59 step %scan3A_60  : i32 {
        %mul3A_63 = arith.constant 2 : i32
        %mul3A_64 = arith.muli %mul3A_63, %scan3A_62 : i32
        %add3A_65 = arith.constant 1 : i32
        %add3A_66 = arith.addi %mul3A_64, %add3A_65 : i32
        %dma_start3A_67 = arith.constant 0 : i32
        %dma_start3A_68 = tpu.memref_slice %arg8[%add3A_66, %dma_start3A_67] : memref<40x125xi32, #tpu.memory_space<vmem>> -> memref<1x125xi32, #tpu.memory_space<vmem>>
        %dma_start3A_69 = tpu.memref_squeeze %dma_start3A_68 : memref<1x125xi32, #tpu.memory_space<vmem>> -> memref<125xi32, #tpu.memory_space<vmem>>
        %dma_start3A_70 = arith.constant 0 : i32
        %dma_start3A_71 = arith.constant 0 : i32
        %dma_start3A_72 = tpu.memref_slice %arg3[%dma_start3A_70, %dma_start3A_71] : memref<10000x128xf32, #tpu.memory_space<hbm>> -> memref<10000x128xf32, #tpu.memory_space<hbm>>
        tpu.enqueue_indirect_dma source(%dma_start3A_72 : memref<10000x128xf32, #tpu.memory_space<hbm>>) target(%arg11 : memref<125x128xf32, #tpu.memory_space<vmem>>) offsets(%dma_start3A_69 : memref<125xi32, #tpu.memory_space<vmem>>) semaphore(%arg14 : memref<!tpu.dma_semaphore, #tpu.memory_space<semaphore_mem>>)
        %dma_wait3A = arith.constant 0 : i32
        %dma_wait3A_73 = arith.constant 0 : i32
        %dma_wait3A_74 = tpu.memref_slice %arg8[%dma_wait3A, %dma_wait3A_73] : memref<40x125xi32, #tpu.memory_space<vmem>> -> memref<1x125xi32, #tpu.memory_space<vmem>>
        %dma_wait3A_75 = tpu.memref_squeeze %dma_wait3A_74 : memref<1x125xi32, #tpu.memory_space<vmem>> -> memref<125xi32, #tpu.memory_space<vmem>>
        %dma_wait3A_76 = arith.constant 0 : i32
        %dma_wait3A_77 = arith.constant 0 : i32
        %dma_wait3A_78 = tpu.memref_slice %arg3[%dma_wait3A_76, %dma_wait3A_77] : memref<10000x128xf32, #tpu.memory_space<hbm>> -> memref<10000x128xf32, #tpu.memory_space<hbm>>
        tpu.wait_indirect_dma semaphore(%arg13 : memref<!tpu.dma_semaphore, #tpu.memory_space<semaphore_mem>>) src(%dma_wait3A_78 : memref<10000x128xf32, #tpu.memory_space<hbm>>) dst(%arg10 : memref<125x128xf32, #tpu.memory_space<vmem>>)
        "tpu.region"() ({
          %run_scoped3A = tpu.sem_alloc : memref<!tpu.dma_semaphore, #tpu.memory_space<semaphore_mem>>
          %dma_start3A_94 = arith.constant 0 : i32
          %dma_start3A_95 = tpu.memref_slice %arg9[%mul3A_64, %dma_start3A_94] : memref<40x125xi32, #tpu.memory_space<vmem>> -> memref<1x125xi32, #tpu.memory_space<vmem>>
          %dma_start3A_96 = tpu.memref_squeeze %dma_start3A_95 : memref<1x125xi32, #tpu.memory_space<vmem>> -> memref<125xi32, #tpu.memory_space<vmem>>
          %dma_start3A_97 = arith.constant 0 : i32
          %dma_start3A_98 = arith.constant 0 : i32
          %dma_start3A_99 = tpu.memref_slice %arg12[%dma_start3A_97, %dma_start3A_98] : memref<10000x128xf32, #tpu.memory_space<vmem_shared>> -> memref<10000x128xf32, #tpu.memory_space<vmem_shared>>
          tpu.enqueue_indirect_dma source(%arg10 : memref<125x128xf32, #tpu.memory_space<vmem>>) target(%dma_start3A_99 : memref<10000x128xf32, #tpu.memory_space<vmem_shared>>) offsets(%dma_start3A_96 : memref<125xi32, #tpu.memory_space<vmem>>) semaphore(%run_scoped3A : memref<!tpu.dma_semaphore, #tpu.memory_space<semaphore_mem>>) {add = true}
          %dma_wait3A_100 = arith.constant 0 : i32
          %dma_wait3A_101 = tpu.memref_slice %arg9[%mul3A_64, %dma_wait3A_100] : memref<40x125xi32, #tpu.memory_space<vmem>> -> memref<1x125xi32, #tpu.memory_space<vmem>>
          %dma_wait3A_102 = tpu.memref_squeeze %dma_wait3A_101 : memref<1x125xi32, #tpu.memory_space<vmem>> -> memref<125xi32, #tpu.memory_space<vmem>>
          %dma_wait3A_103 = arith.constant 0 : i32
          %dma_wait3A_104 = arith.constant 0 : i32
          %dma_wait3A_105 = tpu.memref_slice %arg12[%dma_wait3A_103, %dma_wait3A_104] : memref<10000x128xf32, #tpu.memory_space<vmem_shared>> -> memref<10000x128xf32, #tpu.memory_space<vmem_shared>>
          tpu.wait_indirect_dma semaphore(%run_scoped3A : memref<!tpu.dma_semaphore, #tpu.memory_space<semaphore_mem>>) src(%arg10 : memref<125x128xf32, #tpu.memory_space<vmem>>) dst(%dma_wait3A_105 : memref<10000x128xf32, #tpu.memory_space<vmem_shared>>)
          tpu.yield
        }) : () -> ()
        %add3A_79 = arith.constant 1 : i32
        %add3A_80 = arith.addi %scan3A_62, %add3A_79 : i32
        %lt3A = arith.constant 20 : i32
        %lt3A_81 = arith.cmpi slt, %add3A_80, %lt3A : i32
        %convert_element_type3A_82 = arith.extui %lt3A_81 : i1 to i32
        %cond3A_83 = arith.constant 0 : i32
        %cond3A_84 = arith.cmpi ne, %convert_element_type3A_82, %cond3A_83 : i32
        scf.if %cond3A_84 {
          %add3A_94 = arith.constant 2 : i32
          %add3A_95 = arith.addi %mul3A_64, %add3A_94 : i32
          %dma_start3A_96 = arith.constant 0 : i32
          %dma_start3A_97 = tpu.memref_slice %arg8[%add3A_95, %dma_start3A_96] : memref<40x125xi32, #tpu.memory_space<vmem>> -> memref<1x125xi32, #tpu.memory_space<vmem>>
          %dma_start3A_98 = tpu.memref_squeeze %dma_start3A_97 : memref<1x125xi32, #tpu.memory_space<vmem>> -> memref<125xi32, #tpu.memory_space<vmem>>
          %dma_start3A_99 = arith.constant 0 : i32
          %dma_start3A_100 = arith.constant 0 : i32
          %dma_start3A_101 = tpu.memref_slice %arg3[%dma_start3A_99, %dma_start3A_100] : memref<10000x128xf32, #tpu.memory_space<hbm>> -> memref<10000x128xf32, #tpu.memory_space<hbm>>
          tpu.enqueue_indirect_dma source(%dma_start3A_101 : memref<10000x128xf32, #tpu.memory_space<hbm>>) target(%arg10 : memref<125x128xf32, #tpu.memory_space<vmem>>) offsets(%dma_start3A_98 : memref<125xi32, #tpu.memory_space<vmem>>) semaphore(%arg13 : memref<!tpu.dma_semaphore, #tpu.memory_space<semaphore_mem>>)
        } else {
        }
        %dma_wait3A_85 = arith.constant 0 : i32
        %dma_wait3A_86 = arith.constant 0 : i32
        %dma_wait3A_87 = tpu.memref_slice %arg8[%dma_wait3A_85, %dma_wait3A_86] : memref<40x125xi32, #tpu.memory_space<vmem>> -> memref<1x125xi32, #tpu.memory_space<vmem>>
        %dma_wait3A_88 = tpu.memref_squeeze %dma_wait3A_87 : memref<1x125xi32, #tpu.memory_space<vmem>> -> memref<125xi32, #tpu.memory_space<vmem>>
        %dma_wait3A_89 = arith.constant 0 : i32
        %dma_wait3A_90 = arith.constant 0 : i32
        %dma_wait3A_91 = tpu.memref_slice %arg3[%dma_wait3A_89, %dma_wait3A_90] : memref<10000x128xf32, #tpu.memory_space<hbm>> -> memref<10000x128xf32, #tpu.memory_space<hbm>>
        tpu.wait_indirect_dma semaphore(%arg14 : memref<!tpu.dma_semaphore, #tpu.memory_space<semaphore_mem>>) src(%dma_wait3A_91 : memref<10000x128xf32, #tpu.memory_space<hbm>>) dst(%arg11 : memref<125x128xf32, #tpu.memory_space<vmem>>)
        %add3A_92 = arith.constant 1 : i32
        %add3A_93 = arith.addi %mul3A_64, %add3A_92 : i32
        "tpu.region"() ({
          %run_scoped3A = tpu.sem_alloc : memref<!tpu.dma_semaphore, #tpu.memory_space<semaphore_mem>>
          %dma_start3A_94 = arith.constant 0 : i32
          %dma_start3A_95 = tpu.memref_slice %arg9[%add3A_93, %dma_start3A_94] : memref<40x125xi32, #tpu.memory_space<vmem>> -> memref<1x125xi32, #tpu.memory_space<vmem>>
          %dma_start3A_96 = tpu.memref_squeeze %dma_start3A_95 : memref<1x125xi32, #tpu.memory_space<vmem>> -> memref<125xi32, #tpu.memory_space<vmem>>
          %dma_start3A_97 = arith.constant 0 : i32
          %dma_start3A_98 = arith.constant 0 : i32
          %dma_start3A_99 = tpu.memref_slice %arg12[%dma_start3A_97, %dma_start3A_98] : memref<10000x128xf32, #tpu.memory_space<vmem_shared>> -> memref<10000x128xf32, #tpu.memory_space<vmem_shared>>
          tpu.enqueue_indirect_dma source(%arg11 : memref<125x128xf32, #tpu.memory_space<vmem>>) target(%dma_start3A_99 : memref<10000x128xf32, #tpu.memory_space<vmem_shared>>) offsets(%dma_start3A_96 : memref<125xi32, #tpu.memory_space<vmem>>) semaphore(%run_scoped3A : memref<!tpu.dma_semaphore, #tpu.memory_space<semaphore_mem>>) {add = true}
          %dma_wait3A_100 = arith.constant 0 : i32
          %dma_wait3A_101 = tpu.memref_slice %arg9[%add3A_93, %dma_wait3A_100] : memref<40x125xi32, #tpu.memory_space<vmem>> -> memref<1x125xi32, #tpu.memory_space<vmem>>
          %dma_wait3A_102 = tpu.memref_squeeze %dma_wait3A_101 : memref<1x125xi32, #tpu.memory_space<vmem>> -> memref<125xi32, #tpu.memory_space<vmem>>
          %dma_wait3A_103 = arith.constant 0 : i32
          %dma_wait3A_104 = arith.constant 0 : i32
          %dma_wait3A_105 = tpu.memref_slice %arg12[%dma_wait3A_103, %dma_wait3A_104] : memref<10000x128xf32, #tpu.memory_space<vmem_shared>> -> memref<10000x128xf32, #tpu.memory_space<vmem_shared>>
          tpu.wait_indirect_dma semaphore(%run_scoped3A : memref<!tpu.dma_semaphore, #tpu.memory_space<semaphore_mem>>) src(%arg11 : memref<125x128xf32, #tpu.memory_space<vmem>>) dst(%dma_wait3A_105 : memref<10000x128xf32, #tpu.memory_space<vmem_shared>>)
          tpu.yield
        }) : () -> ()
      }
      %scan3A_61 = arith.constant 20 : i32
    } else {
    }
    %barrier3A_30 = arith.constant 0 : index
    tpu.barrier barrier_id(%barrier3A_30)
    %eq3A_31 = arith.constant 0 : i32
    %eq3A_32 = arith.cmpi eq, %arg0, %eq3A_31 : i32
    %convert_element_type3A_33 = arith.extui %eq3A_32 : i1 to i32
    %cond3A_34 = arith.constant 0 : i32
    %cond3A_35 = arith.cmpi ne, %convert_element_type3A_33, %cond3A_34 : i32
    scf.if %cond3A_35 {
      %lt3A = arith.constant 15 : i32
      %lt3A_41 = arith.cmpi slt, %arg1, %lt3A : i32
      %convert_element_type3A_42 = arith.extui %lt3A_41 : i1 to i32
      %cond3A_43 = arith.constant 0 : i32
      %cond3A_44 = arith.cmpi ne, %convert_element_type3A_42, %cond3A_43 : i32
      scf.if %cond3A_44 {
        "tpu.region"() ({
          %run_scoped3A = tpu.sem_alloc : memref<!tpu.dma_semaphore, #tpu.memory_space<semaphore_mem>>
          %dma_start3A = arith.constant 0 : i32
          %dma_start3A_50 = tpu.memref_slice %arg6[%multiple_of3A, %dma_start3A] : memref<10000x128xf32, #tpu.memory_space<hbm>> -> memref<624x128xf32, #tpu.memory_space<hbm>>
          %dma_start3A_51 = arith.constant 0 : i32
          %dma_start3A_52 = tpu.memref_slice %arg12[%multiple_of3A, %dma_start3A_51] : memref<10000x128xf32, #tpu.memory_space<vmem_shared>> -> memref<624x128xf32, #tpu.memory_space<vmem_shared>>
          tpu.enqueue_dma source(%dma_start3A_52 : memref<624x128xf32, #tpu.memory_space<vmem_shared>>) target(%dma_start3A_50 : memref<624x128xf32, #tpu.memory_space<hbm>>) target_semaphore(%run_scoped3A : memref<!tpu.dma_semaphore, #tpu.memory_space<semaphore_mem>>)
          %dma_wait3A = arith.constant 0 : i32
          %dma_wait3A_53 = tpu.memref_slice %arg6[%multiple_of3A, %dma_wait3A] : memref<10000x128xf32, #tpu.memory_space<hbm>> -> memref<624x128xf32, #tpu.memory_space<hbm>>
          %dma_wait3A_54 = arith.constant 0 : i32
          %dma_wait3A_55 = tpu.memref_slice %arg12[%multiple_of3A, %dma_wait3A_54] : memref<10000x128xf32, #tpu.memory_space<vmem_shared>> -> memref<624x128xf32, #tpu.memory_space<vmem_shared>>
          tpu.wait_dma2 semaphore(%run_scoped3A : memref<!tpu.dma_semaphore, #tpu.memory_space<semaphore_mem>>) src(%dma_wait3A_55 : memref<624x128xf32, #tpu.memory_space<vmem_shared>>) dst(%dma_wait3A_53 : memref<624x128xf32, #tpu.memory_space<hbm>>)
          tpu.yield
        }) : () -> ()
      } else {
      }
      %eq3A_45 = arith.constant 15 : i32
      %eq3A_46 = arith.cmpi eq, %arg1, %eq3A_45 : i32
      %convert_element_type3A_47 = arith.extui %eq3A_46 : i1 to i32
      %cond3A_48 = arith.constant 0 : i32
      %cond3A_49 = arith.cmpi ne, %convert_element_type3A_47, %cond3A_48 : i32
      scf.if %cond3A_49 {
        "tpu.region"() ({
          %run_scoped3A = tpu.sem_alloc : memref<!tpu.dma_semaphore, #tpu.memory_space<semaphore_mem>>
          %dma_start3A = arith.constant 9360 : i32
          %dma_start3A_50 = arith.constant 0 : i32
          %dma_start3A_51 = tpu.memref_slice %arg6[%dma_start3A, %dma_start3A_50] : memref<10000x128xf32, #tpu.memory_space<hbm>> -> memref<640x128xf32, #tpu.memory_space<hbm>>
          %dma_start3A_52 = arith.constant 9360 : i32
          %dma_start3A_53 = arith.constant 0 : i32
          %dma_start3A_54 = tpu.memref_slice %arg12[%dma_start3A_52, %dma_start3A_53] : memref<10000x128xf32, #tpu.memory_space<vmem_shared>> -> memref<640x128xf32, #tpu.memory_space<vmem_shared>>
          tpu.enqueue_dma source(%dma_start3A_54 : memref<640x128xf32, #tpu.memory_space<vmem_shared>>) target(%dma_start3A_51 : memref<640x128xf32, #tpu.memory_space<hbm>>) target_semaphore(%run_scoped3A : memref<!tpu.dma_semaphore, #tpu.memory_space<semaphore_mem>>)
          %dma_wait3A = arith.constant 9360 : i32
          %dma_wait3A_55 = arith.constant 0 : i32
          %dma_wait3A_56 = tpu.memref_slice %arg6[%dma_wait3A, %dma_wait3A_55] : memref<10000x128xf32, #tpu.memory_space<hbm>> -> memref<640x128xf32, #tpu.memory_space<hbm>>
          %dma_wait3A_57 = arith.constant 9360 : i32
          %dma_wait3A_58 = arith.constant 0 : i32
          %dma_wait3A_59 = tpu.memref_slice %arg12[%dma_wait3A_57, %dma_wait3A_58] : memref<10000x128xf32, #tpu.memory_space<vmem_shared>> -> memref<640x128xf32, #tpu.memory_space<vmem_shared>>
          tpu.wait_dma2 semaphore(%run_scoped3A : memref<!tpu.dma_semaphore, #tpu.memory_space<semaphore_mem>>) src(%dma_wait3A_59 : memref<640x128xf32, #tpu.memory_space<vmem_shared>>) dst(%dma_wait3A_56 : memref<640x128xf32, #tpu.memory_space<hbm>>)
          tpu.yield
        }) : () -> ()
      } else {
      }
    } else {
    }
    %ne3A_36 = arith.constant 0 : i32
    %ne3A_37 = arith.cmpi ne, %arg0, %ne3A_36 : i32
    %convert_element_type3A_38 = arith.extui %ne3A_37 : i1 to i32
    %cond3A_39 = arith.constant 0 : i32
    %cond3A_40 = arith.cmpi ne, %convert_element_type3A_38, %cond3A_39 : i32
    scf.if %cond3A_40 {
      %lt3A = arith.constant 15 : i32
      %lt3A_41 = arith.cmpi slt, %arg1, %lt3A : i32
      %convert_element_type3A_42 = arith.extui %lt3A_41 : i1 to i32
      %cond3A_43 = arith.constant 0 : i32
      %cond3A_44 = arith.cmpi ne, %convert_element_type3A_42, %cond3A_43 : i32
      scf.if %cond3A_44 {
        "tpu.region"() ({
          %run_scoped3A = tpu.sem_alloc : memref<!tpu.dma_semaphore, #tpu.memory_space<semaphore_mem>>
          %dma_start3A = arith.constant 0 : i32
          %dma_start3A_50 = tpu.memref_slice %arg7[%multiple_of3A, %dma_start3A] : memref<10000x128xf32, #tpu.memory_space<hbm>> -> memref<624x128xf32, #tpu.memory_space<hbm>>
          %dma_start3A_51 = arith.constant 0 : i32
          %dma_start3A_52 = tpu.memref_slice %arg12[%multiple_of3A, %dma_start3A_51] : memref<10000x128xf32, #tpu.memory_space<vmem_shared>> -> memref<624x128xf32, #tpu.memory_space<vmem_shared>>
          tpu.enqueue_dma source(%dma_start3A_52 : memref<624x128xf32, #tpu.memory_space<vmem_shared>>) target(%dma_start3A_50 : memref<624x128xf32, #tpu.memory_space<hbm>>) target_semaphore(%run_scoped3A : memref<!tpu.dma_semaphore, #tpu.memory_space<semaphore_mem>>)
          %dma_wait3A = arith.constant 0 : i32
          %dma_wait3A_53 = tpu.memref_slice %arg7[%multiple_of3A, %dma_wait3A] : memref<10000x128xf32, #tpu.memory_space<hbm>> -> memref<624x128xf32, #tpu.memory_space<hbm>>
          %dma_wait3A_54 = arith.constant 0 : i32
          %dma_wait3A_55 = tpu.memref_slice %arg12[%multiple_of3A, %dma_wait3A_54] : memref<10000x128xf32, #tpu.memory_space<vmem_shared>> -> memref<624x128xf32, #tpu.memory_space<vmem_shared>>
          tpu.wait_dma2 semaphore(%run_scoped3A : memref<!tpu.dma_semaphore, #tpu.memory_space<semaphore_mem>>) src(%dma_wait3A_55 : memref<624x128xf32, #tpu.memory_space<vmem_shared>>) dst(%dma_wait3A_53 : memref<624x128xf32, #tpu.memory_space<hbm>>)
          tpu.yield
        }) : () -> ()
      } else {
      }
      %eq3A_45 = arith.constant 15 : i32
      %eq3A_46 = arith.cmpi eq, %arg1, %eq3A_45 : i32
      %convert_element_type3A_47 = arith.extui %eq3A_46 : i1 to i32
      %cond3A_48 = arith.constant 0 : i32
      %cond3A_49 = arith.cmpi ne, %convert_element_type3A_47, %cond3A_48 : i32
      scf.if %cond3A_49 {
        "tpu.region"() ({
          %run_scoped3A = tpu.sem_alloc : memref<!tpu.dma_semaphore, #tpu.memory_space<semaphore_mem>>
          %dma_start3A = arith.constant 9360 : i32
          %dma_start3A_50 = arith.constant 0 : i32
          %dma_start3A_51 = tpu.memref_slice %arg7[%dma_start3A, %dma_start3A_50] : memref<10000x128xf32, #tpu.memory_space<hbm>> -> memref<640x128xf32, #tpu.memory_space<hbm>>
          %dma_start3A_52 = arith.constant 9360 : i32
          %dma_start3A_53 = arith.constant 0 : i32
          %dma_start3A_54 = tpu.memref_slice %arg12[%dma_start3A_52, %dma_start3A_53] : memref<10000x128xf32, #tpu.memory_space<vmem_shared>> -> memref<640x128xf32, #tpu.memory_space<vmem_shared>>
          tpu.enqueue_dma source(%dma_start3A_54 : memref<640x128xf32, #tpu.memory_space<vmem_shared>>) target(%dma_start3A_51 : memref<640x128xf32, #tpu.memory_space<hbm>>) target_semaphore(%run_scoped3A : memref<!tpu.dma_semaphore, #tpu.memory_space<semaphore_mem>>)
          %dma_wait3A = arith.constant 9360 : i32
          %dma_wait3A_55 = arith.constant 0 : i32
          %dma_wait3A_56 = tpu.memref_slice %arg7[%dma_wait3A, %dma_wait3A_55] : memref<10000x128xf32, #tpu.memory_space<hbm>> -> memref<640x128xf32, #tpu.memory_space<hbm>>
          %dma_wait3A_57 = arith.constant 9360 : i32
          %dma_wait3A_58 = arith.constant 0 : i32
          %dma_wait3A_59 = tpu.memref_slice %arg12[%dma_wait3A_57, %dma_wait3A_58] : memref<10000x128xf32, #tpu.memory_space<vmem_shared>> -> memref<640x128xf32, #tpu.memory_space<vmem_shared>>
          tpu.wait_dma2 semaphore(%run_scoped3A : memref<!tpu.dma_semaphore, #tpu.memory_space<semaphore_mem>>) src(%dma_wait3A_59 : memref<640x128xf32, #tpu.memory_space<vmem_shared>>) dst(%dma_wait3A_56 : memref<640x128xf32, #tpu.memory_space<hbm>>)
          tpu.yield
        }) : () -> ()
      } else {
      }
    } else {
    }
    return
  }
}

module attributes {stable_mosaic.version = 14 : i64} {
  func.func @_tc_h_body(%arg0: i32, %arg1: memref<2000x128xf32, #tpu.memory_space<vmem>>, %arg2: memref<2000x128xf32, #tpu.memory_space<vmem>>, %arg3: memref<256x256xf32, #tpu.memory_space<vmem>>, %arg4: memref<1x256xf32, #tpu.memory_space<vmem>>, %arg5: memref<2000x128xf32, #tpu.memory_space<vmem>>, %arg6: memref<2000x128xf32, #tpu.memory_space<vmem>>) attributes {dimension_semantics = [#tpu.dimension_semantics<arbitrary>], iteration_bounds = array<i64: 5>, scalar_prefetch = 0 : i64, scratch_operands = 0 : i64, tpu.core_type = #tpu.core_type<tc>, window_params = [{transform_indices = @transform_0, window_bounds = array<i64: 2000, 128>}, {transform_indices = @transform_1, window_bounds = array<i64: 2000, 128>}, {pipeline_mode = #tpu.pipeline_mode<synchronous>, transform_indices = @transform_2, window_bounds = array<i64: 256, 256>}, {pipeline_mode = #tpu.pipeline_mode<synchronous>, transform_indices = @transform_3, window_bounds = array<i64: 1, 256>}, {transform_indices = @transform_4, window_bounds = array<i64: 2000, 128>}, {transform_indices = @transform_5, window_bounds = array<i64: 2000, 128>}]} {
    %get3A = arith.constant 0 : index
    %get3A_0 = arith.constant 0 : index
    %get3A_1 = vector.load %arg1[%get3A, %get3A_0] : memref<2000x128xf32, #tpu.memory_space<vmem>>, vector<2000x128xf32>
    %get3A_2 = arith.constant 0 : index
    %get3A_3 = arith.constant 0 : index
    %get3A_4 = vector.load %arg3[%get3A_2, %get3A_3] : memref<256x256xf32, #tpu.memory_space<vmem>>, vector<128x256xf32>
    %dot_general3A = arith.constant dense<0.000000e+00> : vector<2000x256xf32>
    %dot_general3A_5 = tpu.matmul %get3A_1, %get3A_4, %dot_general3A {dimension_numbers = #tpu.dot_dimension_numbers<[1], [0], [0], [1], [0, 0, 1, 1], [], []>, transpose_lhs_hint = false} : vector<2000x128xf32>, vector<128x256xf32>, vector<2000x256xf32> -> vector<2000x256xf32>
    %get3A_6 = arith.constant 0 : index
    %get3A_7 = arith.constant 0 : index
    %get3A_8 = vector.load %arg2[%get3A_6, %get3A_7] : memref<2000x128xf32, #tpu.memory_space<vmem>>, vector<2000x128xf32>
    %get3A_9 = arith.constant 128 : index
    %get3A_10 = arith.constant 0 : index
    %get3A_11 = vector.load %arg3[%get3A_9, %get3A_10] : memref<256x256xf32, #tpu.memory_space<vmem>>, vector<128x256xf32>
    %dot_general3A_12 = arith.constant dense<0.000000e+00> : vector<2000x256xf32>
    %dot_general3A_13 = tpu.matmul %get3A_8, %get3A_11, %dot_general3A_12 {dimension_numbers = #tpu.dot_dimension_numbers<[1], [0], [0], [1], [0, 0, 1, 1], [], []>, transpose_lhs_hint = false} : vector<2000x128xf32>, vector<128x256xf32>, vector<2000x256xf32> -> vector<2000x256xf32>
    %add3A = arith.addf %dot_general3A_5, %dot_general3A_13 : vector<2000x256xf32>
    %get3A_14 = arith.constant 0 : index
    %get3A_15 = arith.constant 0 : index
    %get3A_16 = vector.load %arg4[%get3A_14, %get3A_15] : memref<1x256xf32, #tpu.memory_space<vmem>>, vector<1x256xf32>
    %add3A_17 = vector.broadcast %get3A_16 : vector<1x256xf32> to vector<2000x256xf32>
    %add3A_18 = arith.addf %add3A, %add3A_17 : vector<2000x256xf32>
    %max3A = arith.constant 0.000000e+00 : f32
    %max3A_19 = vector.broadcast %max3A : f32 to vector<2000x256xf32>
    %max3A_20 = arith.maximumf %add3A_18, %max3A_19 : vector<2000x256xf32>
    %slice3A = vector.extract_strided_slice %max3A_20 {offsets = [0, 0], sizes = [2000, 128], strides = [1, 1]} : vector<2000x256xf32> to vector<2000x128xf32>
    %swap3A = arith.constant 0 : index
    %swap3A_21 = arith.constant 0 : index
    %swap3A_22 = vector.load %arg5[%swap3A, %swap3A_21] : memref<2000x128xf32, #tpu.memory_space<vmem>>, vector<2000x128xf32>
    tpu.vector_store %arg5[%swap3A, %swap3A_21], %slice3A {strides = array<i32>} : memref<2000x128xf32, #tpu.memory_space<vmem>>, vector<2000x128xf32>,
    %slice3A_23 = vector.extract_strided_slice %max3A_20 {offsets = [0, 128], sizes = [2000, 128], strides = [1, 1]} : vector<2000x256xf32> to vector<2000x128xf32>
    %swap3A_24 = arith.constant 0 : index
    %swap3A_25 = arith.constant 0 : index
    %swap3A_26 = vector.load %arg6[%swap3A_24, %swap3A_25] : memref<2000x128xf32, #tpu.memory_space<vmem>>, vector<2000x128xf32>
    tpu.vector_store %arg6[%swap3A_24, %swap3A_25], %slice3A_23 {strides = array<i32>} : memref<2000x128xf32, #tpu.memory_space<vmem>>, vector<2000x128xf32>,
    return
  }
  func.func @transform_0(%arg0: i32) -> (i32, i32) {
    %c0_i32 = arith.constant 0 : i32
    %c0_i32_0 = arith.constant 0 : i32
    return %arg0, %c0_i32 : i32, i32
  }
  func.func @transform_1(%arg0: i32) -> (i32, i32) {
    %c0_i32 = arith.constant 0 : i32
    %c0_i32_0 = arith.constant 0 : i32
    return %arg0, %c0_i32 : i32, i32
  }
  func.func @transform_2(%arg0: i32) -> (i32, i32) {
    %c0_i32 = arith.constant 0 : i32
    %c0_i32_0 = arith.constant 0 : i32
    %c0_i32_1 = arith.constant 0 : i32
    return %c0_i32, %c0_i32_0 : i32, i32
  }
  func.func @transform_3(%arg0: i32) -> (i32, i32) {
    %c0_i32 = arith.constant 0 : i32
    %c0_i32_0 = arith.constant 0 : i32
    %c0_i32_1 = arith.constant 0 : i32
    return %c0_i32, %c0_i32_0 : i32, i32
  }
  func.func @transform_4(%arg0: i32) -> (i32, i32) {
    %c0_i32 = arith.constant 0 : i32
    %c0_i32_0 = arith.constant 0 : i32
    return %arg0, %c0_i32 : i32, i32
  }
  func.func @transform_5(%arg0: i32) -> (i32, i32) {
    %c0_i32 = arith.constant 0 : i32
    %c0_i32_0 = arith.constant 0 : i32
    return %arg0, %c0_i32 : i32, i32
  }
}

module attributes {stable_mosaic.version = 14 : i64} {
  func.func @_tc_fp_body(%arg0: i32, %arg1: memref<1000x128xf32, #tpu.memory_space<vmem>>, %arg2: memref<1000x128xf32, #tpu.memory_space<vmem>>, %arg3: memref<256x2048xf32, #tpu.memory_space<vmem>>, %arg4: memref<1x2048xf32, #tpu.memory_space<vmem>>, %arg5: memref<1x2048xf32, #tpu.memory_space<vmem>>) attributes {dimension_semantics = [#tpu.dimension_semantics<arbitrary>], iteration_bounds = array<i64: 10>, scalar_prefetch = 0 : i64, scratch_operands = 0 : i64, tpu.core_type = #tpu.core_type<tc>, window_params = [{transform_indices = @transform_0, window_bounds = array<i64: 1000, 128>}, {transform_indices = @transform_1, window_bounds = array<i64: 1000, 128>}, {pipeline_mode = #tpu.pipeline_mode<synchronous>, transform_indices = @transform_2, window_bounds = array<i64: 256, 2048>}, {pipeline_mode = #tpu.pipeline_mode<synchronous>, transform_indices = @transform_3, window_bounds = array<i64: 1, 2048>}, {pipeline_mode = #tpu.pipeline_mode<synchronous>, transform_indices = @transform_4, window_bounds = array<i64: 1, 2048>}]} {
    %get3A = arith.constant 0 : index
    %get3A_0 = arith.constant 0 : index
    %get3A_1 = vector.load %arg1[%get3A, %get3A_0] : memref<1000x128xf32, #tpu.memory_space<vmem>>, vector<1000x128xf32>
    %get3A_2 = arith.constant 0 : index
    %get3A_3 = arith.constant 0 : index
    %get3A_4 = vector.load %arg3[%get3A_2, %get3A_3] : memref<256x2048xf32, #tpu.memory_space<vmem>>, vector<128x2048xf32>
    %dot_general3A = arith.constant dense<0.000000e+00> : vector<1000x2048xf32>
    %dot_general3A_5 = tpu.matmul %get3A_1, %get3A_4, %dot_general3A {dimension_numbers = #tpu.dot_dimension_numbers<[1], [0], [0], [1], [0, 0, 1, 1], [], []>, transpose_lhs_hint = false} : vector<1000x128xf32>, vector<128x2048xf32>, vector<1000x2048xf32> -> vector<1000x2048xf32>
    %get3A_6 = arith.constant 0 : index
    %get3A_7 = arith.constant 0 : index
    %get3A_8 = vector.load %arg2[%get3A_6, %get3A_7] : memref<1000x128xf32, #tpu.memory_space<vmem>>, vector<1000x128xf32>
    %get3A_9 = arith.constant 128 : index
    %get3A_10 = arith.constant 0 : index
    %get3A_11 = vector.load %arg3[%get3A_9, %get3A_10] : memref<256x2048xf32, #tpu.memory_space<vmem>>, vector<128x2048xf32>
    %dot_general3A_12 = arith.constant dense<0.000000e+00> : vector<1000x2048xf32>
    %dot_general3A_13 = tpu.matmul %get3A_8, %get3A_11, %dot_general3A_12 {dimension_numbers = #tpu.dot_dimension_numbers<[1], [0], [0], [1], [0, 0, 1, 1], [], []>, transpose_lhs_hint = false} : vector<1000x128xf32>, vector<128x2048xf32>, vector<1000x2048xf32> -> vector<1000x2048xf32>
    %add3A = arith.addf %dot_general3A_5, %dot_general3A_13 : vector<1000x2048xf32>
    %get3A_14 = arith.constant 0 : index
    %get3A_15 = arith.constant 0 : index
    %get3A_16 = vector.load %arg4[%get3A_14, %get3A_15] : memref<1x2048xf32, #tpu.memory_space<vmem>>, vector<1x2048xf32>
    %add3A_17 = vector.broadcast %get3A_16 : vector<1x2048xf32> to vector<1000x2048xf32>
    %add3A_18 = arith.addf %add3A, %add3A_17 : vector<1000x2048xf32>
    %reduce_max3A = arith.constant dense<0xFF800000> : vector<1000xf32>
    %reduce_max3A_19 = vector.multi_reduction <maximumf>, %add3A_18, %reduce_max3A [1] : vector<1000x2048xf32> to vector<1000xf32>
    %broadcast_in_dim3A = vector.shape_cast %reduce_max3A_19 : vector<1000xf32> to vector<1000x1xf32>
    %sub3A = vector.broadcast %broadcast_in_dim3A : vector<1000x1xf32> to vector<1000x2048xf32>
    %sub3A_20 = arith.subf %add3A_18, %sub3A : vector<1000x2048xf32>
    %exp3A = math.exp %sub3A_20 : vector<1000x2048xf32>
    %reduce_sum3A = arith.constant dense<0.000000e+00> : vector<1000xf32>
    %reduce_sum3A_21 = vector.multi_reduction <add>, %exp3A, %reduce_sum3A [1] : vector<1000x2048xf32> to vector<1000xf32>
    %broadcast_in_dim3A_22 = vector.shape_cast %reduce_sum3A_21 : vector<1000xf32> to vector<1000x1xf32>
    %div3A = arith.constant 1.000000e+00 : f32
    %div3A_23 = vector.broadcast %div3A : f32 to vector<1000x1xf32>
    %div3A_24 = arith.divf %div3A_23, %broadcast_in_dim3A_22 : vector<1000x1xf32>
    %mul3A = vector.broadcast %div3A_24 : vector<1000x1xf32> to vector<1000x2048xf32>
    %mul3A_25 = arith.mulf %exp3A, %mul3A : vector<1000x2048xf32>
    %reduce_sum3A_26 = arith.constant dense<0.000000e+00> : vector<2048xf32>
    %reduce_sum3A_27 = vector.multi_reduction <add>, %mul3A_25, %reduce_sum3A_26 [0] : vector<1000x2048xf32> to vector<2048xf32>
    %broadcast_in_dim3A_28 = vector.shape_cast %reduce_sum3A_27 : vector<2048xf32> to vector<1x2048xf32>
    %eq3A = arith.constant 0 : i32
    %eq3A_29 = arith.cmpi eq, %arg0, %eq3A : i32
    %convert_element_type3A = arith.extui %eq3A_29 : i1 to i32
    %cond3A = arith.constant 0 : i32
    %cond3A_30 = arith.cmpi ne, %convert_element_type3A, %cond3A : i32
    scf.if %cond3A_30 {
      %broadcast_in_dim3A_37 = arith.constant 0.000000e+00 : f32
      %broadcast_in_dim3A_38 = vector.broadcast %broadcast_in_dim3A_37 : f32 to vector<1x2048xf32>
      %swap3A_39 = arith.constant 0 : index
      %swap3A_40 = arith.constant 0 : index
      %swap3A_41 = vector.load %arg5[%swap3A_39, %swap3A_40] : memref<1x2048xf32, #tpu.memory_space<vmem>>, vector<1x2048xf32>
      tpu.vector_store %arg5[%swap3A_39, %swap3A_40], %broadcast_in_dim3A_38 {strides = array<i32>} : memref<1x2048xf32, #tpu.memory_space<vmem>>, vector<1x2048xf32>,
    } else {
    }
    %get3A_31 = arith.constant 0 : index
    %get3A_32 = arith.constant 0 : index
    %get3A_33 = vector.load %arg5[%get3A_31, %get3A_32] : memref<1x2048xf32, #tpu.memory_space<vmem>>, vector<1x2048xf32>
    %add3A_34 = arith.addf %get3A_33, %broadcast_in_dim3A_28 : vector<1x2048xf32>
    %swap3A = arith.constant 0 : index
    %swap3A_35 = arith.constant 0 : index
    %swap3A_36 = vector.load %arg5[%swap3A, %swap3A_35] : memref<1x2048xf32, #tpu.memory_space<vmem>>, vector<1x2048xf32>
    tpu.vector_store %arg5[%swap3A, %swap3A_35], %add3A_34 {strides = array<i32>} : memref<1x2048xf32, #tpu.memory_space<vmem>>, vector<1x2048xf32>,
    return
  }
  func.func @transform_0(%arg0: i32) -> (i32, i32) {
    %c0_i32 = arith.constant 0 : i32
    %c0_i32_0 = arith.constant 0 : i32
    return %arg0, %c0_i32 : i32, i32
  }
  func.func @transform_1(%arg0: i32) -> (i32, i32) {
    %c0_i32 = arith.constant 0 : i32
    %c0_i32_0 = arith.constant 0 : i32
    return %arg0, %c0_i32 : i32, i32
  }
  func.func @transform_2(%arg0: i32) -> (i32, i32) {
    %c0_i32 = arith.constant 0 : i32
    %c0_i32_0 = arith.constant 0 : i32
    %c0_i32_1 = arith.constant 0 : i32
    return %c0_i32, %c0_i32_0 : i32, i32
  }
  func.func @transform_3(%arg0: i32) -> (i32, i32) {
    %c0_i32 = arith.constant 0 : i32
    %c0_i32_0 = arith.constant 0 : i32
    %c0_i32_1 = arith.constant 0 : i32
    return %c0_i32, %c0_i32_0 : i32, i32
  }
  func.func @transform_4(%arg0: i32) -> (i32, i32) {
    %c0_i32 = arith.constant 0 : i32
    %c0_i32_0 = arith.constant 0 : i32
    %c0_i32_1 = arith.constant 0 : i32
    return %c0_i32, %c0_i32_0 : i32, i32
  }
}

module attributes {stable_mosaic.version = 14 : i64} {
  func.func @_tc_last_body(%arg0: i32, %arg1: memref<2000x128xf32, #tpu.memory_space<vmem>>, %arg2: memref<2000x128xf32, #tpu.memory_space<vmem>>, %arg3: memref<256x256xf32, #tpu.memory_space<vmem>>, %arg4: memref<1x256xf32, #tpu.memory_space<vmem>>, %arg5: memref<256x2048xf32, #tpu.memory_space<vmem>>, %arg6: memref<1x2048xf32, #tpu.memory_space<vmem>>, %arg7: memref<1x2048xf32, #tpu.memory_space<vmem>>) attributes {dimension_semantics = [#tpu.dimension_semantics<arbitrary>], iteration_bounds = array<i64: 5>, scalar_prefetch = 0 : i64, scratch_operands = 0 : i64, tpu.core_type = #tpu.core_type<tc>, window_params = [{transform_indices = @transform_0, window_bounds = array<i64: 2000, 128>}, {transform_indices = @transform_1, window_bounds = array<i64: 2000, 128>}, {pipeline_mode = #tpu.pipeline_mode<synchronous>, transform_indices = @transform_2, window_bounds = array<i64: 256, 256>}, {pipeline_mode = #tpu.pipeline_mode<synchronous>, transform_indices = @transform_3, window_bounds = array<i64: 1, 256>}, {pipeline_mode = #tpu.pipeline_mode<synchronous>, transform_indices = @transform_4, window_bounds = array<i64: 256, 2048>}, {pipeline_mode = #tpu.pipeline_mode<synchronous>, transform_indices = @transform_5, window_bounds = array<i64: 1, 2048>}, {pipeline_mode = #tpu.pipeline_mode<synchronous>, transform_indices = @transform_6, window_bounds = array<i64: 1, 2048>}]} {
    %get3A = arith.constant 0 : index
    %get3A_0 = arith.constant 0 : index
    %get3A_1 = vector.load %arg1[%get3A, %get3A_0] : memref<2000x128xf32, #tpu.memory_space<vmem>>, vector<2000x128xf32>
    %get3A_2 = arith.constant 0 : index
    %get3A_3 = arith.constant 0 : index
    %get3A_4 = vector.load %arg3[%get3A_2, %get3A_3] : memref<256x256xf32, #tpu.memory_space<vmem>>, vector<128x256xf32>
    %dot_general3A = arith.constant dense<0.000000e+00> : vector<2000x256xf32>
    %dot_general3A_5 = tpu.matmul %get3A_1, %get3A_4, %dot_general3A {dimension_numbers = #tpu.dot_dimension_numbers<[1], [0], [0], [1], [0, 0, 1, 1], [], []>, transpose_lhs_hint = false} : vector<2000x128xf32>, vector<128x256xf32>, vector<2000x256xf32> -> vector<2000x256xf32>
    %get3A_6 = arith.constant 0 : index
    %get3A_7 = arith.constant 0 : index
    %get3A_8 = vector.load %arg2[%get3A_6, %get3A_7] : memref<2000x128xf32, #tpu.memory_space<vmem>>, vector<2000x128xf32>
    %get3A_9 = arith.constant 128 : index
    %get3A_10 = arith.constant 0 : index
    %get3A_11 = vector.load %arg3[%get3A_9, %get3A_10] : memref<256x256xf32, #tpu.memory_space<vmem>>, vector<128x256xf32>
    %dot_general3A_12 = arith.constant dense<0.000000e+00> : vector<2000x256xf32>
    %dot_general3A_13 = tpu.matmul %get3A_8, %get3A_11, %dot_general3A_12 {dimension_numbers = #tpu.dot_dimension_numbers<[1], [0], [0], [1], [0, 0, 1, 1], [], []>, transpose_lhs_hint = false} : vector<2000x128xf32>, vector<128x256xf32>, vector<2000x256xf32> -> vector<2000x256xf32>
    %add3A = arith.addf %dot_general3A_5, %dot_general3A_13 : vector<2000x256xf32>
    %get3A_14 = arith.constant 0 : index
    %get3A_15 = arith.constant 0 : index
    %get3A_16 = vector.load %arg4[%get3A_14, %get3A_15] : memref<1x256xf32, #tpu.memory_space<vmem>>, vector<1x256xf32>
    %add3A_17 = vector.broadcast %get3A_16 : vector<1x256xf32> to vector<2000x256xf32>
    %add3A_18 = arith.addf %add3A, %add3A_17 : vector<2000x256xf32>
    %max3A = arith.constant 0.000000e+00 : f32
    %max3A_19 = vector.broadcast %max3A : f32 to vector<2000x256xf32>
    %max3A_20 = arith.maximumf %add3A_18, %max3A_19 : vector<2000x256xf32>
    %get3A_21 = arith.constant 0 : index
    %get3A_22 = arith.constant 0 : index
    %get3A_23 = vector.load %arg5[%get3A_21, %get3A_22] : memref<256x2048xf32, #tpu.memory_space<vmem>>, vector<256x2048xf32>
    %dot_general3A_24 = arith.constant dense<0.000000e+00> : vector<2000x2048xf32>
    %dot_general3A_25 = tpu.matmul %max3A_20, %get3A_23, %dot_general3A_24 {dimension_numbers = #tpu.dot_dimension_numbers<[1], [0], [0], [1], [0, 0, 1, 1], [], []>, transpose_lhs_hint = false} : vector<2000x256xf32>, vector<256x2048xf32>, vector<2000x2048xf32> -> vector<2000x2048xf32>
    %get3A_26 = arith.constant 0 : index
    %get3A_27 = arith.constant 0 : index
    %get3A_28 = vector.load %arg6[%get3A_26, %get3A_27] : memref<1x2048xf32, #tpu.memory_space<vmem>>, vector<1x2048xf32>
    %add3A_29 = vector.broadcast %get3A_28 : vector<1x2048xf32> to vector<2000x2048xf32>
    %add3A_30 = arith.addf %dot_general3A_25, %add3A_29 : vector<2000x2048xf32>
    %reduce_max3A = arith.constant dense<0xFF800000> : vector<2000xf32>
    %reduce_max3A_31 = vector.multi_reduction <maximumf>, %add3A_30, %reduce_max3A [1] : vector<2000x2048xf32> to vector<2000xf32>
    %broadcast_in_dim3A = vector.shape_cast %reduce_max3A_31 : vector<2000xf32> to vector<2000x1xf32>
    %sub3A = vector.broadcast %broadcast_in_dim3A : vector<2000x1xf32> to vector<2000x2048xf32>
    %sub3A_32 = arith.subf %add3A_30, %sub3A : vector<2000x2048xf32>
    %exp3A = math.exp %sub3A_32 : vector<2000x2048xf32>
    %reduce_sum3A = arith.constant dense<0.000000e+00> : vector<2000xf32>
    %reduce_sum3A_33 = vector.multi_reduction <add>, %exp3A, %reduce_sum3A [1] : vector<2000x2048xf32> to vector<2000xf32>
    %broadcast_in_dim3A_34 = vector.shape_cast %reduce_sum3A_33 : vector<2000xf32> to vector<2000x1xf32>
    %div3A = arith.constant 1.000000e+00 : f32
    %div3A_35 = vector.broadcast %div3A : f32 to vector<2000x1xf32>
    %div3A_36 = arith.divf %div3A_35, %broadcast_in_dim3A_34 : vector<2000x1xf32>
    %mul3A = vector.broadcast %div3A_36 : vector<2000x1xf32> to vector<2000x2048xf32>
    %mul3A_37 = arith.mulf %exp3A, %mul3A : vector<2000x2048xf32>
    %reduce_sum3A_38 = arith.constant dense<0.000000e+00> : vector<2048xf32>
    %reduce_sum3A_39 = vector.multi_reduction <add>, %mul3A_37, %reduce_sum3A_38 [0] : vector<2000x2048xf32> to vector<2048xf32>
    %broadcast_in_dim3A_40 = vector.shape_cast %reduce_sum3A_39 : vector<2048xf32> to vector<1x2048xf32>
    %eq3A = arith.constant 0 : i32
    %eq3A_41 = arith.cmpi eq, %arg0, %eq3A : i32
    %convert_element_type3A = arith.extui %eq3A_41 : i1 to i32
    %cond3A = arith.constant 0 : i32
    %cond3A_42 = arith.cmpi ne, %convert_element_type3A, %cond3A : i32
    scf.if %cond3A_42 {
      %broadcast_in_dim3A_49 = arith.constant 0.000000e+00 : f32
      %broadcast_in_dim3A_50 = vector.broadcast %broadcast_in_dim3A_49 : f32 to vector<1x2048xf32>
      %swap3A_51 = arith.constant 0 : index
      %swap3A_52 = arith.constant 0 : index
      %swap3A_53 = vector.load %arg7[%swap3A_51, %swap3A_52] : memref<1x2048xf32, #tpu.memory_space<vmem>>, vector<1x2048xf32>
      tpu.vector_store %arg7[%swap3A_51, %swap3A_52], %broadcast_in_dim3A_50 {strides = array<i32>} : memref<1x2048xf32, #tpu.memory_space<vmem>>, vector<1x2048xf32>,
    } else {
    }
    %get3A_43 = arith.constant 0 : index
    %get3A_44 = arith.constant 0 : index
    %get3A_45 = vector.load %arg7[%get3A_43, %get3A_44] : memref<1x2048xf32, #tpu.memory_space<vmem>>, vector<1x2048xf32>
    %add3A_46 = arith.addf %get3A_45, %broadcast_in_dim3A_40 : vector<1x2048xf32>
    %swap3A = arith.constant 0 : index
    %swap3A_47 = arith.constant 0 : index
    %swap3A_48 = vector.load %arg7[%swap3A, %swap3A_47] : memref<1x2048xf32, #tpu.memory_space<vmem>>, vector<1x2048xf32>
    tpu.vector_store %arg7[%swap3A, %swap3A_47], %add3A_46 {strides = array<i32>} : memref<1x2048xf32, #tpu.memory_space<vmem>>, vector<1x2048xf32>,
    return
  }
  func.func @transform_0(%arg0: i32) -> (i32, i32) {
    %c0_i32 = arith.constant 0 : i32
    %c0_i32_0 = arith.constant 0 : i32
    return %arg0, %c0_i32 : i32, i32
  }
  func.func @transform_1(%arg0: i32) -> (i32, i32) {
    %c0_i32 = arith.constant 0 : i32
    %c0_i32_0 = arith.constant 0 : i32
    return %arg0, %c0_i32 : i32, i32
  }
  func.func @transform_2(%arg0: i32) -> (i32, i32) {
    %c0_i32 = arith.constant 0 : i32
    %c0_i32_0 = arith.constant 0 : i32
    %c0_i32_1 = arith.constant 0 : i32
    return %c0_i32, %c0_i32_0 : i32, i32
  }
  func.func @transform_3(%arg0: i32) -> (i32, i32) {
    %c0_i32 = arith.constant 0 : i32
    %c0_i32_0 = arith.constant 0 : i32
    %c0_i32_1 = arith.constant 0 : i32
    return %c0_i32, %c0_i32_0 : i32, i32
  }
  func.func @transform_4(%arg0: i32) -> (i32, i32) {
    %c0_i32 = arith.constant 0 : i32
    %c0_i32_0 = arith.constant 0 : i32
    %c0_i32_1 = arith.constant 0 : i32
    return %c0_i32, %c0_i32_0 : i32, i32
  }
  func.func @transform_5(%arg0: i32) -> (i32, i32) {
    %c0_i32 = arith.constant 0 : i32
    %c0_i32_0 = arith.constant 0 : i32
    %c0_i32_1 = arith.constant 0 : i32
    return %c0_i32, %c0_i32_0 : i32, i32
  }
  func.func @transform_6(%arg0: i32) -> (i32, i32) {
    %c0_i32 = arith.constant 0 : i32
    %c0_i32_0 = arith.constant 0 : i32
    %c0_i32_1 = arith.constant 0 : i32
    return %c0_i32, %c0_i32_0 : i32, i32
  }
}

</mosaic_0001>

<sc_bundles>
// kernel: kernel.10.cloned.1.call-start
scs
__scs_entry_jumppad:
0x0: {  	(pc) =	sbr.rel $0x88, $3  }
0x1: {  	(tag) =	ssettag $0x0;
	lr =	simm.s32 $0x1  }
0x2: {  	[smem:$0x3F9B] =	sst lr;
	_ =	strace $0xD0000000  }
0x3: {  	_ = 	snop  }
0x4: {  	_ = 	snop  }
0x5: {  	_ = 	snop  }
0x6: {  	_ = 	snop  }
0x7: {  	_ = 	snop  }
__scs_overlays_trampoline_lowered:
0x8: {  	[smem:$0x3FAA] =	sst s0  }
0x9: {  	[smem:$0x3FAB] =	sst s1  }
0xa: {  	[smem:$0x3FAC] =	sst s2  }
0xb: {  	[smem:$0x3FAD] =	sst s3  }
0xc: {  	[smem:$0x3FAE] =	sst s4  }
0xd: {  	[smem:$0x3FAF] =	sst s5  }
0xe: {  	[smem:$0x3FB0] =	sst s6  }
0xf: {  	[smem:$0x3FB1] =	sst s7  }
0x10: {  	[smem:$0x3FB2] =	sst s8  }
0x11: {  	[smem:$0x3FB3] =	sst s9;
	s0 =	simm.s32 @!p0 $0x0  }
0x12: {  	s1 =	sld [smem:$0x3F99];
	s0 =	simm.s32 @p0 $0x1  }
0x13: {  	[smem:$0x3FB4] =	sst s0;
	s0 =	simm.s32 @!p1 $0x0  }
0x14: {  	s2 =	sld [smem:$0x3F98];
	s0 =	simm.s32 @p1 $0x1  }
0x15: {  	[smem:$0x3FB5] =	sst s0;
	s0 =	simm.s32 @!p2 $0x0  }
0x16: {  	s3 =	sld [smem:$0x3FDB];
	s0 =	simm.s32 @p2 $0x1  }
0x17: {  	s4 =	simm.s32 $0x1BF5;
	[smem:$0x3FB7] =	sst s0  }
0x18: {  	s0 =	sld [smem:$0x3F9A];
	_ =	swait.ge [sflag:s4], $0x0  }
0x19: {  	s7 =	sld [smem:$0x3F9B]  }
0x1a: {  	s8 =	sadd.s32 $0xFFFFE003, lr  }
0x1b: {  	s9 =	sadd.s32 $0xFFFFFEF7, lr;
	s5 =	simm.s32 $0xFFFFFFFF;
	p2 =	slt.u32 s8, $0xFFFFF086  }
0x1c: {  	p1 =	slt.u32 s9, $0xF7A;
	s5 =	simm.s32 @!p2 $0x0  }
0x1d: {  	s5 =	simm.s32 @p1 $0x1;
	p0 =	seq.s32 s7, s2  }
0x1e: {  	s7 =	smul.u32 @!p0 $0xF7A, s2;
	p2 =	seq.s32 @!p0 s5, $0x0  }
0x1f: {  	s9 =	smul.u32 $0xF7A, s1;
	s8 =	simm.s32 @!p0 $0x1BF5;
	p2 =	por !p2, p0  }
0x20: {  	[sflag:s8] =	ssyncset.s32 @!p0 $0xFFFFF086;
	s6 =	sadd.s32 @!p0 s3, s7;
	s7 =	simm.s32 @!p0 $0x108  }
0x21: {  	s3 =	sadd.s32 s3, s9;
	s6 =	sadd.s32 @!p0 $0x88, s6;
	s7 =	simm.s32 @p2 $0x1082  }
0x22: {  	[simem:s7], [sflag:s8] =	dma.local @!p0 [hbm:s6], $0xF7A  }
0x23: {  	s9 =	sor.u32 $0xD0000000, s2;
	s6 =	simm.s32 $0x108;
	_ =	swait.ge @!p0 [sflag:s8], $0x0  }
0x24: {  	s3 =	sadd.s32 $0x88, s3;
	s6 =	simm.s32 @!p1 $0x1082;
	[sflag:s4] =	ssyncset.s32 $0xFFFFF086  }
0x25: {  	[simem:s6], [sflag:s4] =	dma.local [hbm:s3], $0xF7A  }
0x26: {  	[smem:$0x3F9B] =	sst s1;
	(tag) =	ssettag s2;
	_ =	strace s9  }
0x27: {  	s1 =	sld [smem:$0x3FAB]  }
0x28: {  	s2 =	sld [smem:$0x3FAC]  }
0x29: {  	s4 =	sld [smem:$0x3FAE]  }
0x2a: {  	p0 =	seq.s32 s5, $0x0;
	s5 =	sld [smem:$0x3FAF]  }
0x2b: {  	s6 =	sld [smem:$0x3FB0]  }
0x2c: {  	s7 =	sld [smem:$0x3FB1]  }
0x2d: {  	s3 =	simm.s32 $0x108;
	s8 =	sld [smem:$0x3FB2]  }
0x2e: {  	s3 =	simm.s32 @!p0 $0x1082;
	s9 =	sld [smem:$0x3FB3]  }
0x2f: {  	lr =	sadd.s32 s0, s3;
	s0 =	sld [smem:$0x3FAA]  }
0x30: {  	s3 =	sld [smem:$0x3FAD]  }
0x31: {  	[smem:$0x3FB6] =	sst s10  }
0x32: {  	s10 =	sld [smem:$0x3FB4];
	_ =	sdelay $0x3  }
0x33: {  	p0 =	seq.s32 s10, $0x1;
	s10 =	sld [smem:$0x3FB6];
	_ =	sdelay $0x3  }
0x34: {  	[smem:$0x3FB6] =	sst s10  }
0x35: {  	s10 =	sld [smem:$0x3FB5];
	_ =	sdelay $0x3  }
0x36: {  	p1 =	seq.s32 s10, $0x1;
	s10 =	sld [smem:$0x3FB6];
	_ =	sdelay $0x3  }
0x37: {  	[smem:$0x3FB6] =	sst s10  }
0x38: {  	s10 =	sld [smem:$0x3FB7]  }
0x39: {  	_ = 	snop;
	(pc) =	sbr.ind lr, $3  }
0x3a: {  	_ = 	snop  }
0x3b: {  	_ = 	snop  }
0x3c: {  	p2 =	seq.s32 s10, $0x1;
	s10 =	sld [smem:$0x3FB6]  }
0x3d: {  	_ =	shalt  }
0x3e: {  	_ =	shalt  }
0x3f: {  	_ =	shalt  }
0x40: {  	_ =	shalt  }
0x41: {  	_ =	shalt  }
0x42: {  	_ =	shalt  }
0x43: {  	_ =	shalt  }
0x44: {  	_ =	shalt  }
0x45: {  	_ =	shalt  }
0x46: {  	_ =	shalt  }
0x47: {  	_ =	shalt  }
0x48: {  	_ =	shalt  }
0x49: {  	_ =	shalt  }
0x4a: {  	_ =	shalt  }
0x4b: {  	_ =	shalt  }
0x4c: {  	_ =	shalt  }
0x4d: {  	_ =	shalt  }
0x4e: {  	_ =	shalt  }
0x4f: {  	_ =	shalt  }
0x50: {  	_ =	shalt  }
0x51: {  	_ =	shalt  }
0x52: {  	_ =	shalt  }
0x53: {  	_ =	shalt  }
0x54: {  	_ =	shalt  }
0x55: {  	_ =	shalt  }
0x56: {  	_ =	shalt  }
0x57: {  	_ =	shalt  }
0x58: {  	_ =	shalt  }
0x59: {  	_ =	shalt  }
0x5a: {  	_ =	shalt  }
0x5b: {  	_ =	shalt  }
0x5c: {  	_ =	shalt  }
0x5d: {  	_ =	shalt  }
0x5e: {  	_ =	shalt  }
0x5f: {  	_ =	shalt  }
0x60: {  	_ =	shalt  }
0x61: {  	_ =	shalt  }
0x62: {  	_ =	shalt  }
0x63: {  	_ =	shalt  }
0x64: {  	_ =	shalt  }
0x65: {  	_ =	shalt  }
0x66: {  	_ =	shalt  }
0x67: {  	_ =	shalt  }
0x68: {  	_ =	shalt  }
0x69: {  	_ =	shalt  }
0x6a: {  	_ =	shalt  }
0x6b: {  	_ =	shalt  }
0x6c: {  	_ =	shalt  }
0x6d: {  	_ =	shalt  }
0x6e: {  	_ =	shalt  }
0x6f: {  	_ =	shalt  }
0x70: {  	_ =	shalt  }
0x71: {  	_ =	shalt  }
0x72: {  	_ =	shalt  }
0x73: {  	_ =	shalt  }
0x74: {  	_ =	shalt  }
0x75: {  	_ =	shalt  }
0x76: {  	_ =	shalt  }
0x77: {  	_ =	shalt  }
0x78: {  	_ =	shalt  }
0x79: {  	_ =	shalt  }
0x7a: {  	_ =	shalt  }
0x7b: {  	_ =	shalt  }
0x7c: {  	_ =	shalt  }
0x7d: {  	_ =	shalt  }
0x7e: {  	_ =	shalt  }
0x7f: {  	_ =	shalt  }
0x80: {  	_ =	shalt  }
0x81: {  	_ =	shalt  }
0x82: {  	_ =	shalt  }
0x83: {  	_ =	shalt  }
0x84: {  	_ =	shalt  }
0x85: {  	_ =	shalt  }
0x86: {  	_ =	shalt  }
0x87: {  	_ =	shalt  }
.Lfunc_end0:
.L_simem_size_0:
called_computation_lowered:
.L_overlay_start_0:
0x88: {  	s2 =	sld [smem:$0x3FD9]  }
0x89: {  	s3 =	sld [smem:$0x3FFE];
	_ =	sdelay $0x1  }
0x8a: {  	s1 =	srdreg.scid  }
0x8b: {  	s0 =	sand.u32 $0x1, s1  }
0x8c: {  	s16 =	sshll.u32 s0, $0xA;
	s2 =	sadd.s32 s3, s2  }
0x8d: {  	s2 =	sadd.s32 s2, s16  }
0x8e: {  	[smem:$0x3FC2] =	sst s2  }
0x8f: {  	_ = 	snop  }
0x90: {  	(tm) =	ssettm $0x1  }
0x91: {  	s17 =	sld [smem:$0x3FFB];
	_ =	sdelay $0x3  }
0x92: {  	_ =	strace s17  }
0x93: {  	s2 =	sld [smem:$0x3FFC];
	_ =	sdelay $0x3  }
0x94: {  	_ =	strace s2  }
0x95: {  	s2 =	sld [smem:$0x3FFD];
	_ =	sdelay $0x3  }
0x96: {  	_ =	strace s2  }
0x97: {  	_ =	strace $0x8FFFFFFF  }
0x98: {  	s18 =	sld [smem:$0x3FDB];
	_ =	sdelay $0x1  }
0x99: {  	s19 =	simm.s32 $_scs_section_size  }
0x9a: {  	s4 =	simm.s32 $_size__tile_overlayer_lowered;
	s5 =	simm.s32 $_tile_overlayer_lowered  }
0x9b: {  	s22 =	simm.s32 $0x1BFF;
	s21 =	sshll.u32 s5, $0x1;
	s2 =	sadd.s32 s19, s18  }
0x9c: {  	s6 =	simm.s32 $0x0;
	s20 =	sshll.u32 s4, $0x1;
	s4 =	sadd.s32 s21, s2  }
0x9d: {  	[timem:s6], [sflag:s22] =	dma.local [hbm:s4], s20  }
0x9e: {  	_ =	swait.ge [sflag:s22], s20  }
0x9f: {  	s3 =	ssub.s32 $0x0, s20;
	[sflag:s22] =	ssyncset.done $0x0  }
0xa0: {  	[sflag:s22] =	ssyncadd.s32 s3;
	_ =	sdelay $0x1  }
0xa1: {  	s23 =	simm.s32 $0x1B8B  }
0xa2: {  	_ =	swait.ge [sflag:s23], $0x1  }
0xa3: {  	[sflag:s23] =	ssyncset.done $0x0  }
0xa4: {  	s25 =	simm.s32 $0x1B8E;
	s24 =	sld [smem:$0x3FFE];
	[sflag:s23] =	ssyncadd.s32 $0xFFFFFFFF  }
0xa5: {  	s26 =	simm.s32 $execute0_lowered;
	[smem:$0x3FD2] =	sst s25  }
0xa6: {  	s4 =	sshll.u32 s26, $0x1;
	_ =	strace $0x80000046;
	[dreg:$0x1] =	wrdreg $0xFFFFFFFF  }
0xa7: {  	s28 =	simm.s32 $_size_execute0_lowered;
	s2 =	sadd.s32 s2, s4;
	[dreg:$0x0] =	wrdreg $0x0  }
0xa8: {  	s4 =	sshll.u32 s28, $0x1;
	[dreg:$0x2] =	wrdreg s2  }
0xa9: {  	[dreg:$0x3] =	wrdreg s4  }
0xaa: {  	[dreg:$0x4] =	wrdreg $0xC0  }
0xab: {  	_ =	task [dreg:s6], $0x5FFFF  }
0xac: {  	[dreg:$0x1] =	wrdreg $0xFFFFFFFF  }
0xad: {  	[dreg:$0x0] =	wrdreg $0x60  }
0xae: {  	[dreg:$0x2] =	wrdreg s24  }
0xaf: {  	[dreg:$0x3] =	wrdreg $0xA8000  }
0xb0: {  	[dreg:$0x4] =	wrdreg $0x9  }
0xb1: {  	_ =	task.clear_ibuf [dreg:s6], $0x5FFFF;
	_ =	strace $0x90000046  }
0xb2: {  	s29 =	simm.s32 $0x9;
	_ =	strace $0x80000048  }
0xb3: {  	_ =	swait.ge [sflag:s29], $0x1  }
0xb4: {  	[sflag:s29] =	ssyncadd.s32 $0xFFFFFFFF  }
0xb5: {  	_ =	strace $0x90000048  }
0xb6: {  	_ =	sfence  }
0xb7: {  	s30 =	sld [smem:$0x0];
	_ =	sdelay $0x2  }
0xb8: {  	s31 =	sshll.u32 s1, $0xD;
	s1 =	sshrl.u32 s1, $0x2  }
0xb9: {  	s3 =	sand.u32 $0x4000, s31;
	s1 =	sadd.s32 s1, s30  }
0xba: {  	s0 =	sor.u32 s3, s0;
	s1 =	sshll.u32 s1, $0x11  }
0xbb: {  	s0 =	sor.u32 s1, s0  }
0xbc: {  	s0 =	sadd.s32 $0x8F2B, s0  }
0xbd: {  	[sflag:s0] =	ssyncadd.remote.s32 $0x1  }
0xbe: {  	_ =	sfence.sel $0xFFFF  }
0xbf: {  	[dreg:$0x0] =	wrdreg $0xFFFFFFFF;
	(pc) =	sbr.abs _section_cstart, $3  }
0xc0: {  	[dreg:$0x1] =	wrdreg $0xFFFFFFFF  }
0xc1: {  	_ =	task.clear_ibuf [dreg:s6], $0x2FFFF;
	_ =	strace $0x9FFFFFFF  }
0xc2: {  	(tm) =	ssettm $0x7FFFFFFF  }
0xc3: {  	_ =	shalt  }
tec
execute0_lowered:
.L_overlay_start_1:
0x0: {  	(tag) =	ssettag $0x1  }
0x1: {  	s0 =	rddreg [dreg:$0x0]  }
0x2: {  	s1 =	rddreg [dreg:$0x1];
	s2 =	simm.s32 $0x0  }
0x3: {  	s3 =	stileid.u32;
	s6 =	srdreg.scid;
	s28 =	simm.s32 $0x2  }
0x4: {  	s29 =	simm.s32 $0x1380;
	s30 =	simm.s32 $0x2700;
	s31 =	simm.s32 $0x2780  }
0x5: {  	[smem:$0x7FF] =	sst s2;
	s4 =	sadd.s32 $0x36400, s0;
	s11 =	smul.u32 $0x2700, s3  }
0x6: {  	s5 =	sadd.s32 $0xF200, s0;
	s9 =	sadd.s32 $0xA200, s0;
	s7 =	smul.u32 $0x4E000, s3  }
0x7: {  	s12 =	sand.u32 $0x1, s6;
	s13 =	sadd.s32 $0x5200, s0;
	s10 =	smul.u32 $0x500, s3  }
0x8: {  	s14 =	smul.u32 $0x2800, s3;
	s15 =	sadd.s32 $0x33B00, s0;
	s23 =	sadd.s32 $0x5AD00, s0  }
0x9: {  	s25 =	sadd.s32 $0xA9100, s0;
	_ =	strace $0x80000047;
	[dreg:$0x4] =	wrdreg s15  }
0xa: {  	p1 =	seq.s32 s3, $0xF;
	s6 =	ssub.s32 $0x2, s12;
	[dreg:$0x6] =	wrdreg s23  }
0xb: {  	[dreg:$0x8] =	wrdreg s25;
	p0 =	sne.s32 s12, $0x0;
	s23 =	simm.s32 $0x7D  }
0xc: {  	s25 =	simm.s32 $0x1;
	s16 =	sadd.s32 s11, s0;
	s8 =	sshrl.u32 s6, $0x1  }
0xd: {  	s19 =	sshrl.u32 s7, $0x2;
	s7 =	sadd.s32 s13, s10;
	s21 =	sadd.s32 s5, s11  }
0xe: {  	s14 =	sshrl.u32 s14, $0x3;
	s11 =	sadd.s32 s4, s11;
	s0 =	sadd.s32 $0x81F00, s0  }
0xf: {  	s20 =	ssub.s32 s6, s8;
	s6 =	sadd.s32 s9, s10;
	[dreg:$0x3] =	wrdreg s21  }
0x10: {  	s8 =	sadd.s32 s19, s1;
	s10 =	sadd.s32 $0x124800, s1;
	[dreg:$0x5] =	wrdreg s11  }
.Ltmp0:
0x11: {  	s22 =	sadd.s32 $0x280, s14;
	s24 =	sadd.s32 $0x84800, s16;
	(pc) =	sbr.rel .LBB2_1-.Ltmp0, $4  }
0x12: {  	s26 =	sadd.s32 $0x5D600, s16;
	[dreg:$0xa] =	wrdreg s0;
	s21 =	simm.s32 $0x4  }
0x13: {  	s0 =	simm.s32 $0x0;
	s14 =	sadd.s32 s9, s22;
	[dreg:$0x7] =	wrdreg s24  }
0x14: {  	s15 =	sadd.s32 s13, s22;
	[dreg:$0x9] =	wrdreg s26;
	s20 =	smax.u32 s20, $0x1  }
0x15: {  	s22 =	simm.s32 $0x1400;
	s24 =	simm.s32 $0x6800;
	s26 =	simm.s32 $0x2800  }
.LBB2_11:
0x16: {  	s16 =	sadd.s32 $0x80, s13;
	[sflag:s21] =	ssyncadd.s32 $0xFFFFC180  }
0x17: {  	[tilespmem:s24], [sflag:$0x2] =	stream.indirect.gather [hbm4b:s5+s23], $0x80, s16, s23, $0xb8;
	[tilespmem:$0x1E080] =	vst v63  }
0x18: {  	_ =	swait.ge [sflag:s25], $0x3E80  }
0x19: {  	[sflag:s25] =	ssyncset.done $0x0  }
0x1a: {  	s17 =	sadd.s32 $0x1400, s13;
	[sflag:s25] =	ssyncadd.s32 $0xFFFFC180  }
0x1b: {  	[spmem:s1] =	stream.indirect.scatter.add.f32 [tilespmem:s26], [sflag:$0x4], $0x80, s17, s23, $0xb8;
	[tilespmem:$0x1E080] =	vst v63  }
0x1c: {  	_ =	swait.ge [sflag:s21], $0x3E80  }
0x1d: {  	[sflag:s21] =	ssyncset.done $0x0  }
0x1e: {  	s18 =	sadd.s32 $0x100, s13;
	[sflag:s21] =	ssyncadd.s32 $0xFFFFC180  }
0x1f: {  	[tilespmem:s26], [sflag:$0x1] =	stream.indirect.gather [hbm4b:s5+s23], $0x80, s18, s23, $0xb8;
	[tilespmem:$0x1E080] =	vst v63  }
0x20: {  	_ =	swait.ge [sflag:s28], $0x3E80  }
0x21: {  	[sflag:s28] =	ssyncset.done $0x0  }
0x22: {  	s19 =	sadd.s32 $0x1480, s13;
	[sflag:s28] =	ssyncadd.s32 $0xFFFFC180  }
0x23: {  	[spmem:s1] =	stream.indirect.scatter.add.f32 [tilespmem:s24], [sflag:$0x4], $0x80, s19, s23, $0xb8;
	[tilespmem:$0x1E080] =	vst v63  }
0x24: {  	_ =	swait.ge [sflag:s21], $0x3E80  }
0x25: {  	[sflag:s21] =	ssyncset.done $0x0  }
0x26: {  	[sflag:s21] =	ssyncadd.s32 $0xFFFFC180  }
0x27: {  	[tilespmem:s24], [sflag:$0x2] =	stream.indirect.gather [hbm4b:s5+s23], $0x80, s29, s23, $0xb8;
	[tilespmem:$0x1E080] =	vst v63  }
0x28: {  	_ =	swait.ge [sflag:s25], $0x3E80  }
0x29: {  	[sflag:s25] =	ssyncset.done $0x0  }
0x2a: {  	[sflag:s25] =	ssyncadd.s32 $0xFFFFC180  }
0x2b: {  	[spmem:s1] =	stream.indirect.scatter.add.f32 [tilespmem:s26], [sflag:$0x4], $0x80, s30, s23, $0xb8;
	[tilespmem:$0x1E080] =	vst v63  }
0x2c: {  	_ =	swait.ge [sflag:s21], $0x3E80  }
0x2d: {  	[sflag:s21] =	ssyncset.done $0x0  }
0x2e: {  	[sflag:s21] =	ssyncadd.s32 $0xFFFFC180  }
0x2f: {  	_ =	swait.ge [sflag:s28], $0x3E80  }
0x30: {  	[sflag:s28] =	ssyncset.done $0x0  }
0x31: {  	[sflag:s28] =	ssyncadd.s32 $0xFFFFC180  }
0x32: {  	[spmem:s1] =	stream.indirect.scatter.add.f32 [tilespmem:s24], [sflag:$0x4], $0x80, s31, s23, $0xb8;
	[tilespmem:$0x1E080] =	vst v63  }
0x33: {  	_ =	swait.ge [sflag:s21], $0x3E80  }
0x34: {  	[sflag:s21] =	ssyncset.done $0x0  }
0x35: {  	[sflag:s21] =	ssyncadd.s32 $0xFFFFC180  }
0x36: {  	[bflag:$0x0] =	sbarrier.arrive $0xFFFF  }
0x37: {  	s13 =	simm.s32 @p1 $0x1FC4;
	s16 =	rddreg [dreg:$0x8]  }
0x38: {  	[hbm:s16], [sflag:s13] =	dma.local @p1 [spmem:s12], $0x2800  }
0x39: {  	s12 =	simm.s32 @p1 $0x4  }
0x3a: {  	_ =	swait.ge @p1 [sflag:s12], $0x2800  }
0x3b: {  	[sflag:s12] =	ssyncset.done @p1 $0x0  }
0x3c: {  	[sflag:s12] =	ssyncadd.s32 @p1 $0xFFFFD800;
	s12 =	rddreg [dreg:$0x7]  }
0x3d: {  	[hbm:s12], [sflag:s11] =	dma.local @!p1 [spmem:s9], $0x2700  }
0x3e: {  	s9 =	simm.s32 @!p1 $0x4  }
0x3f: {  	_ =	swait.ge @!p1 [sflag:s9], $0x2700  }
0x40: {  	[sflag:s9] =	ssyncset.done @!p1 $0x0  }
0x41: {  	[sflag:s9] =	ssyncadd.s32 @!p1 $0xFFFFD900  }
.LBB2_12:
0x42: {  	s0 =	sadd.s32 $0x1, s0  }
0x43: {  	p2 =	sne.s32 s0, s20  }
.Ltmp1:
0x44: {  	_ = 	snop;
	(pc) =	sbr.rel @!p2 .LBB2_13-.Ltmp1, $1  }
0x45: {  	_ =	sdelay $0x3  }
.LBB2_1:
0x46: {  	[tilespmem:s2], [sflag:$0x4] =	stream.linear.gather [hbm4b:s6+s2], $0x1400, $0x38;
	[tilespmem:$0x1E080] =	vst v63  }
0x47: {  	_ =	swait.ge [sflag:s21], $0x1400  }
0x48: {  	[sflag:s21] =	ssyncset.done $0x0  }
.Ltmp2:
0x49: {  	[sflag:s21] =	ssyncadd.s32 $0xFFFFEC00;
	(pc) =	sbr.rel @p0 .LBB2_7-.Ltmp2, $4  }
0x4a: {  	[tilespmem:s22], [sflag:$0x4] =	stream.linear.gather [hbm4b:s7+s2], $0x1400, $0x38;
	[tilespmem:$0x1E080] =	vst v63  }
0x4b: {  	s12 =	sshrl.u32 @p1 s10, $0x3;
	_ =	swait.ge [sflag:s21], $0x1400  }
0x4c: {  	s11 =	sshll.u32 @!p1 s3, $0x6;
	s9 =	sshrl.u32 @!p1 s8, $0x3;
	[sflag:s21] =	ssyncset.done $0x0  }
0x4d: {  	s13 =	sor.u32 @!p1 $0x1C03, s11;
	s11 =	sor.u32 @!p1 $0x1C04, s11;
	[sflag:s21] =	ssyncadd.s32 $0xFFFFEC00  }
0x4e: {  	s16 =	simm.s32 @p1 $0x1FC3;
	s17 =	rddreg [dreg:$0x6]  }
0x4f: {  	[spmem:s12], [sflag:s16] =	dma.local @p1 [hbm:s17], $0x2800  }
0x50: {  	s18 =	simm.s32 @p1 $0x2800;
	s16 =	simm.s32 @p1 $0x7D;
	s17 =	simm.s32 @p1 $0x0  }
0x51: {  	[tilespmem:s18], [sflag:$0x1] =	stream.indirect.gather @p1 [hbm4b:s4+s16], $0x80, s17, s16, $0xb8;
	[tilespmem:$0x1E080] =	vst v63  }
0x52: {  	s16 =	simm.s32 @p1 $0x3  }
0x53: {  	_ =	swait.ge @p1 [sflag:s16], $0x2800  }
0x54: {  	[sflag:s16] =	ssyncset.done @p1 $0x0  }
0x55: {  	[sflag:s16] =	ssyncadd.s32 @p1 $0xFFFFD800;
	s16 =	rddreg [dreg:$0x5]  }
0x56: {  	[spmem:s9], [sflag:s13] =	dma.local @!p1 [hbm:s16], $0x2700  }
0x57: {  	s17 =	simm.s32 @!p1 $0x2800;
	s13 =	simm.s32 @!p1 $0x7D;
	s16 =	simm.s32 @!p1 $0x0  }
0x58: {  	[tilespmem:s17], [sflag:$0x1] =	stream.indirect.gather @!p1 [hbm4b:s4+s13], $0x80, s16, s13, $0xb8;
	[tilespmem:$0x1E080] =	vst v63  }
0x59: {  	s13 =	simm.s32 @!p1 $0x3  }
0x5a: {  	_ =	swait.ge @!p1 [sflag:s13], $0x2700  }
0x5b: {  	[sflag:s13] =	ssyncset.done @!p1 $0x0  }
0x5c: {  	[sflag:s13] =	ssyncadd.s32 @!p1 $0xFFFFD900  }
0x5d: {  	s16 =	simm.s32 $0x80;
	[bflag:$0x0] =	sbarrier.arrive $0xFFFF  }
0x5e: {  	[tilespmem:s24], [sflag:$0x2] =	stream.indirect.gather [hbm4b:s4+s23], $0x80, s16, s23, $0xb8;
	[tilespmem:$0x1E080] =	vst v63  }
0x5f: {  	_ =	swait.ge [sflag:s25], $0x3E80  }
0x60: {  	[sflag:s25] =	ssyncset.done $0x0  }
0x61: {  	s17 =	simm.s32 $0x1400;
	[sflag:s25] =	ssyncadd.s32 $0xFFFFC180  }
0x62: {  	[spmem:s1] =	stream.indirect.scatter.add.f32 [tilespmem:s26], [sflag:$0x4], $0x80, s17, s23, $0xb8;
	[tilespmem:$0x1E080] =	vst v63  }
0x63: {  	_ =	swait.ge [sflag:s21], $0x3E80  }
0x64: {  	[sflag:s21] =	ssyncset.done $0x0  }
0x65: {  	s18 =	simm.s32 $0x100;
	[sflag:s21] =	ssyncadd.s32 $0xFFFFC180  }
0x66: {  	[tilespmem:s26], [sflag:$0x1] =	stream.indirect.gather [hbm4b:s4+s23], $0x80, s18, s23, $0xb8;
	[tilespmem:$0x1E080] =	vst v63  }
0x67: {  	_ =	swait.ge [sflag:s28], $0x3E80  }
0x68: {  	[sflag:s28] =	ssyncset.done $0x0  }
0x69: {  	s19 =	simm.s32 $0x1480;
	[sflag:s28] =	ssyncadd.s32 $0xFFFFC180  }
0x6a: {  	[spmem:s1] =	stream.indirect.scatter.add.f32 [tilespmem:s24], [sflag:$0x4], $0x80, s19, s23, $0xb8;
	[tilespmem:$0x1E080] =	vst v63  }
0x6b: {  	_ =	swait.ge [sflag:s21], $0x3E80  }
0x6c: {  	s13 =	simm.s32 $0x100;
	s16 =	simm.s32 $0x800;
	[sflag:s21] =	ssyncset.done $0x0  }
.LBB2_3:
0x6d: {  	s17 =	sadd.s32 $0x80, s13  }
0x6e: {  	[sflag:s21] =	ssyncadd.s32 $0xFFFFC180;
	s18 =	smov.u32 s16;
	s19 =	sadd.s32 $0x400, s16  }
0x6f: {  	[tilespmem:s24], [sflag:$0x2] =	stream.indirect.gather [hbm4b:s4+s23], $0x80, s17, s23, $0xb8;
	[tilespmem:$0x1E080] =	vst v63  }
0x70: {  	p2 =	sne.s32 s16, $0x4800;
	_ =	swait.ge [sflag:s25], $0x3E80  }
0x71: {  	[sflag:s25] =	ssyncset.done $0x0  }
0x72: {  	s16 =	sadd.s32 $0x1400, s13;
	[sflag:s25] =	ssyncadd.s32 $0xFFFFC180  }
0x73: {  	[spmem:s1] =	stream.indirect.scatter.add.f32 [tilespmem:s26], [sflag:$0x4], $0x80, s16, s23, $0xb8;
	[tilespmem:$0x1E080] =	vst v63  }
0x74: {  	_ =	swait.ge [sflag:s21], $0x3E80  }
0x75: {  	[sflag:s21] =	ssyncset.done $0x0  }
0x76: {  	s16 =	sadd.s32 $0x100, s13;
	[sflag:s21] =	ssyncadd.s32 $0xFFFFC180  }
0x77: {  	[tilespmem:s26], [sflag:$0x1] =	stream.indirect.gather [hbm4b:s4+s23], $0x80, s16, s23, $0xb8;
	[tilespmem:$0x1E080] =	vst v63  }
0x78: {  	_ =	swait.ge [sflag:s28], $0x3E80  }
.Ltmp3:
0x79: {  	[sflag:s28] =	ssyncset.done $0x0;
	(pc) =	sbr.rel @p2 .LBB2_3-.Ltmp3, $4  }
0x7a: {  	s13 =	sadd.s32 $0x1480, s13;
	[sflag:s28] =	ssyncadd.s32 $0xFFFFC180  }
0x7b: {  	[spmem:s1] =	stream.indirect.scatter.add.f32 [tilespmem:s24], [sflag:$0x4], $0x80, s13, s23, $0xb8;
	[tilespmem:$0x1E080] =	vst v63  }
0x7c: {  	_ =	swait.ge [sflag:s21], $0x3E80  }
0x7d: {  	s16 =	smov.u32 s19;
	s13 =	sshra.s32 s18, $0x2;
	[sflag:s21] =	ssyncset.done $0x0  }
0x7e: {  	s16 =	sadd.s32 $0x80, s13;
	[sflag:s21] =	ssyncadd.s32 $0xFFFFC180  }
0x7f: {  	[tilespmem:s24], [sflag:$0x2] =	stream.indirect.gather [hbm4b:s4+s23], $0x80, s16, s23, $0xb8;
	[tilespmem:$0x1E080] =	vst v63  }
0x80: {  	_ =	swait.ge [sflag:s25], $0x3E80  }
0x81: {  	[sflag:s25] =	ssyncset.done $0x0  }
0x82: {  	s19 =	sadd.s32 $0x1400, s13;
	[sflag:s25] =	ssyncadd.s32 $0xFFFFC180  }
0x83: {  	[spmem:s1] =	stream.indirect.scatter.add.f32 [tilespmem:s26], [sflag:$0x4], $0x80, s19, s23, $0xb8;
	[tilespmem:$0x1E080] =	vst v63  }
0x84: {  	_ =	swait.ge [sflag:s21], $0x3E80  }
0x85: {  	[sflag:s21] =	ssyncset.done $0x0  }
0x86: {  	s17 =	sadd.s32 $0x100, s13;
	[sflag:s21] =	ssyncadd.s32 $0xFFFFC180  }
0x87: {  	[tilespmem:s26], [sflag:$0x1] =	stream.indirect.gather [hbm4b:s4+s23], $0x80, s17, s23, $0xb8;
	[tilespmem:$0x1E080] =	vst v63  }
0x88: {  	_ =	swait.ge [sflag:s28], $0x3E80  }
0x89: {  	[sflag:s28] =	ssyncset.done $0x0  }
0x8a: {  	s18 =	sadd.s32 $0x1480, s13;
	[sflag:s28] =	ssyncadd.s32 $0xFFFFC180  }
0x8b: {  	[spmem:s1] =	stream.indirect.scatter.add.f32 [tilespmem:s24], [sflag:$0x4], $0x80, s18, s23, $0xb8;
	[tilespmem:$0x1E080] =	vst v63  }
0x8c: {  	_ =	swait.ge [sflag:s21], $0x3E80  }
0x8d: {  	[sflag:s21] =	ssyncset.done $0x0  }
0x8e: {  	[sflag:s21] =	ssyncadd.s32 $0xFFFFC180  }
0x8f: {  	[tilespmem:s24], [sflag:$0x2] =	stream.indirect.gather [hbm4b:s4+s23], $0x80, s29, s23, $0xb8;
	[tilespmem:$0x1E080] =	vst v63  }
0x90: {  	_ =	swait.ge [sflag:s25], $0x3E80  }
0x91: {  	[sflag:s25] =	ssyncset.done $0x0  }
0x92: {  	[sflag:s25] =	ssyncadd.s32 $0xFFFFC180  }
0x93: {  	[spmem:s1] =	stream.indirect.scatter.add.f32 [tilespmem:s26], [sflag:$0x4], $0x80, s30, s23, $0xb8;
	[tilespmem:$0x1E080] =	vst v63  }
0x94: {  	_ =	swait.ge [sflag:s21], $0x3E80  }
0x95: {  	[sflag:s21] =	ssyncset.done $0x0  }
0x96: {  	[sflag:s21] =	ssyncadd.s32 $0xFFFFC180  }
0x97: {  	_ =	swait.ge [sflag:s28], $0x3E80  }
0x98: {  	[sflag:s28] =	ssyncset.done $0x0  }
0x99: {  	[sflag:s28] =	ssyncadd.s32 $0xFFFFC180  }
0x9a: {  	[spmem:s1] =	stream.indirect.scatter.add.f32 [tilespmem:s24], [sflag:$0x4], $0x80, s31, s23, $0xb8;
	[tilespmem:$0x1E080] =	vst v63  }
0x9b: {  	_ =	swait.ge [sflag:s21], $0x3E80  }
0x9c: {  	[sflag:s21] =	ssyncset.done $0x0  }
0x9d: {  	s19 =	simm.s32 $0x0;
	[sflag:s21] =	ssyncadd.s32 $0xFFFFC180  }
0x9e: {  	[tilespmem:s19], [sflag:$0x4] =	stream.linear.gather [hbm4b:s14+s19], $0x1400, $0x38;
	[tilespmem:$0x1E080] =	vst v63  }
0x9f: {  	_ =	swait.ge [sflag:s21], $0x1400  }
0xa0: {  	[sflag:s21] =	ssyncset.done $0x0  }
0xa1: {  	[sflag:s21] =	ssyncadd.s32 $0xFFFFEC00  }
0xa2: {  	[tilespmem:s22], [sflag:$0x4] =	stream.linear.gather [hbm4b:s15+s19], $0x1400, $0x38;
	[tilespmem:$0x1E080] =	vst v63  }
0xa3: {  	_ =	swait.ge [sflag:s21], $0x1400  }
0xa4: {  	[sflag:s21] =	ssyncset.done $0x0  }
0xa5: {  	[sflag:s21] =	ssyncadd.s32 $0xFFFFEC00  }
0xa6: {  	[tilespmem:s26], [sflag:$0x1] =	stream.indirect.gather [hbm4b:s4+s23], $0x80, s19, s23, $0xb8;
	[tilespmem:$0x1E080] =	vst v63  }
0xa7: {  	s16 =	simm.s32 $0x80  }
0xa8: {  	[tilespmem:s24], [sflag:$0x2] =	stream.indirect.gather [hbm4b:s4+s23], $0x80, s16, s23, $0xb8;
	[tilespmem:$0x1E080] =	vst v63  }
0xa9: {  	_ =	swait.ge [sflag:s25], $0x3E80  }
0xaa: {  	[sflag:s25] =	ssyncset.done $0x0  }
0xab: {  	s17 =	simm.s32 $0x1400;
	[sflag:s25] =	ssyncadd.s32 $0xFFFFC180  }
0xac: {  	[spmem:s1] =	stream.indirect.scatter.add.f32 [tilespmem:s26], [sflag:$0x4], $0x80, s17, s23, $0xb8;
	[tilespmem:$0x1E080] =	vst v63  }
0xad: {  	_ =	swait.ge [sflag:s21], $0x3E80  }
0xae: {  	[sflag:s21] =	ssyncset.done $0x0  }
0xaf: {  	s18 =	simm.s32 $0x100;
	[sflag:s21] =	ssyncadd.s32 $0xFFFFC180  }
0xb0: {  	[tilespmem:s26], [sflag:$0x1] =	stream.indirect.gather [hbm4b:s4+s23], $0x80, s18, s23, $0xb8;
	[tilespmem:$0x1E080] =	vst v63  }
0xb1: {  	_ =	swait.ge [sflag:s28], $0x3E80  }
0xb2: {  	[sflag:s28] =	ssyncset.done $0x0  }
0xb3: {  	s19 =	simm.s32 $0x1480;
	[sflag:s28] =	ssyncadd.s32 $0xFFFFC180  }
0xb4: {  	[spmem:s1] =	stream.indirect.scatter.add.f32 [tilespmem:s24], [sflag:$0x4], $0x80, s19, s23, $0xb8;
	[tilespmem:$0x1E080] =	vst v63  }
0xb5: {  	_ =	swait.ge [sflag:s21], $0x3E80  }
0xb6: {  	s13 =	simm.s32 $0x100;
	s16 =	simm.s32 $0x800;
	[sflag:s21] =	ssyncset.done $0x0  }
.LBB2_5:
0xb7: {  	s17 =	sadd.s32 $0x80, s13  }
0xb8: {  	[sflag:s21] =	ssyncadd.s32 $0xFFFFC180;
	s18 =	smov.u32 s16;
	s19 =	sadd.s32 $0x400, s16  }
0xb9: {  	[tilespmem:s24], [sflag:$0x2] =	stream.indirect.gather [hbm4b:s4+s23], $0x80, s17, s23, $0xb8;
	[tilespmem:$0x1E080] =	vst v63  }
0xba: {  	p2 =	seq.s32 s16, $0x4800;
	_ =	swait.ge [sflag:s25], $0x3E80  }
0xbb: {  	[sflag:s25] =	ssyncset.done $0x0  }
0xbc: {  	s16 =	sadd.s32 $0x1400, s13;
	[sflag:s25] =	ssyncadd.s32 $0xFFFFC180  }
0xbd: {  	[spmem:s1] =	stream.indirect.scatter.add.f32 [tilespmem:s26], [sflag:$0x4], $0x80, s16, s23, $0xb8;
	[tilespmem:$0x1E080] =	vst v63  }
0xbe: {  	_ =	swait.ge [sflag:s21], $0x3E80  }
0xbf: {  	[sflag:s21] =	ssyncset.done $0x0  }
0xc0: {  	s16 =	sadd.s32 $0x100, s13;
	[sflag:s21] =	ssyncadd.s32 $0xFFFFC180  }
0xc1: {  	[tilespmem:s26], [sflag:$0x1] =	stream.indirect.gather [hbm4b:s4+s23], $0x80, s16, s23, $0xb8;
	[tilespmem:$0x1E080] =	vst v63  }
0xc2: {  	_ =	swait.ge [sflag:s28], $0x3E80  }
.Ltmp4:
0xc3: {  	[sflag:s28] =	ssyncset.done $0x0;
	(pc) =	sbr.rel @!p2 .LBB2_5-.Ltmp4, $4  }
0xc4: {  	s13 =	sadd.s32 $0x1480, s13;
	[sflag:s28] =	ssyncadd.s32 $0xFFFFC180  }
0xc5: {  	[spmem:s1] =	stream.indirect.scatter.add.f32 [tilespmem:s24], [sflag:$0x4], $0x80, s13, s23, $0xb8;
	[tilespmem:$0x1E080] =	vst v63  }
0xc6: {  	_ =	swait.ge [sflag:s21], $0x3E80  }
0xc7: {  	s16 =	smov.u32 s19;
	s13 =	sshra.s32 s18, $0x2;
	[sflag:s21] =	ssyncset.done $0x0  }
0xc8: {  	s16 =	sadd.s32 $0x80, s13;
	[sflag:s21] =	ssyncadd.s32 $0xFFFFC180  }
0xc9: {  	[tilespmem:s24], [sflag:$0x2] =	stream.indirect.gather [hbm4b:s4+s23], $0x80, s16, s23, $0xb8;
	[tilespmem:$0x1E080] =	vst v63  }
0xca: {  	_ =	swait.ge [sflag:s25], $0x3E80  }
0xcb: {  	[sflag:s25] =	ssyncset.done $0x0  }
0xcc: {  	s17 =	sadd.s32 $0x1400, s13;
	[sflag:s25] =	ssyncadd.s32 $0xFFFFC180  }
0xcd: {  	[spmem:s1] =	stream.indirect.scatter.add.f32 [tilespmem:s26], [sflag:$0x4], $0x80, s17, s23, $0xb8;
	[tilespmem:$0x1E080] =	vst v63  }
0xce: {  	_ =	swait.ge [sflag:s21], $0x3E80  }
0xcf: {  	[sflag:s21] =	ssyncset.done $0x0  }
0xd0: {  	s18 =	sadd.s32 $0x100, s13;
	[sflag:s21] =	ssyncadd.s32 $0xFFFFC180  }
0xd1: {  	[tilespmem:s26], [sflag:$0x1] =	stream.indirect.gather [hbm4b:s4+s23], $0x80, s18, s23, $0xb8;
	[tilespmem:$0x1E080] =	vst v63  }
0xd2: {  	_ =	swait.ge [sflag:s28], $0x3E80  }
0xd3: {  	[sflag:s28] =	ssyncset.done $0x0  }
0xd4: {  	s19 =	sadd.s32 $0x1480, s13;
	[sflag:s28] =	ssyncadd.s32 $0xFFFFC180  }
0xd5: {  	[spmem:s1] =	stream.indirect.scatter.add.f32 [tilespmem:s24], [sflag:$0x4], $0x80, s19, s23, $0xb8;
	[tilespmem:$0x1E080] =	vst v63  }
0xd6: {  	_ =	swait.ge [sflag:s21], $0x3E80  }
0xd7: {  	[sflag:s21] =	ssyncset.done $0x0  }
0xd8: {  	[sflag:s21] =	ssyncadd.s32 $0xFFFFC180  }
0xd9: {  	[tilespmem:s24], [sflag:$0x2] =	stream.indirect.gather [hbm4b:s4+s23], $0x80, s29, s23, $0xb8;
	[tilespmem:$0x1E080] =	vst v63  }
0xda: {  	_ =	swait.ge [sflag:s25], $0x3E80  }
0xdb: {  	[sflag:s25] =	ssyncset.done $0x0  }
0xdc: {  	[sflag:s25] =	ssyncadd.s32 $0xFFFFC180  }
0xdd: {  	[spmem:s1] =	stream.indirect.scatter.add.f32 [tilespmem:s26], [sflag:$0x4], $0x80, s30, s23, $0xb8;
	[tilespmem:$0x1E080] =	vst v63  }
0xde: {  	_ =	swait.ge [sflag:s21], $0x3E80  }
0xdf: {  	[sflag:s21] =	ssyncset.done $0x0  }
0xe0: {  	[sflag:s21] =	ssyncadd.s32 $0xFFFFC180  }
0xe1: {  	_ =	swait.ge [sflag:s28], $0x3E80  }
0xe2: {  	[sflag:s28] =	ssyncset.done $0x0  }
0xe3: {  	[sflag:s28] =	ssyncadd.s32 $0xFFFFC180  }
0xe4: {  	[spmem:s1] =	stream.indirect.scatter.add.f32 [tilespmem:s24], [sflag:$0x4], $0x80, s31, s23, $0xb8;
	[tilespmem:$0x1E080] =	vst v63  }
0xe5: {  	_ =	swait.ge [sflag:s21], $0x3E80  }
0xe6: {  	[sflag:s21] =	ssyncset.done $0x0  }
0xe7: {  	[sflag:s21] =	ssyncadd.s32 $0xFFFFC180  }
0xe8: {  	[bflag:$0x0] =	sbarrier.arrive $0xFFFF  }
0xe9: {  	s13 =	simm.s32 @p1 $0x1FC4;
	s16 =	rddreg [dreg:$0xa]  }
0xea: {  	[hbm:s16], [sflag:s13] =	dma.local @p1 [spmem:s12], $0x2800  }
0xeb: {  	s12 =	simm.s32 @p1 $0x4  }
0xec: {  	_ =	swait.ge @p1 [sflag:s12], $0x2800  }
0xed: {  	[sflag:s12] =	ssyncset.done @p1 $0x0  }
0xee: {  	[sflag:s12] =	ssyncadd.s32 @p1 $0xFFFFD800;
	s12 =	rddreg [dreg:$0x9]  }
0xef: {  	[hbm:s12], [sflag:s11] =	dma.local @!p1 [spmem:s9], $0x2700  }
.Ltmp5:
0xf0: {  	_ = 	snop;
	(pc) =	sbr.rel .LBB2_12-.Ltmp5, $4  }
0xf1: {  	s9 =	simm.s32 @!p1 $0x4  }
0xf2: {  	_ =	swait.ge @!p1 [sflag:s9], $0x2700  }
0xf3: {  	[sflag:s9] =	ssyncset.done @!p1 $0x0  }
0xf4: {  	[sflag:s9] =	ssyncadd.s32 @!p1 $0xFFFFD900  }
.LBB2_7:
0xf5: {  	s16 =	simm.s32 @p1 $0x1FC3;
	s17 =	rddreg [dreg:$0x4]  }
0xf6: {  	[spmem:s12], [sflag:s16] =	dma.local @p1 [hbm:s17], $0x2800  }
0xf7: {  	s18 =	simm.s32 @p1 $0x2800;
	s16 =	simm.s32 @p1 $0x7D;
	s17 =	simm.s32 @p1 $0x0  }
0xf8: {  	[tilespmem:s18], [sflag:$0x1] =	stream.indirect.gather @p1 [hbm4b:s5+s16], $0x80, s17, s16, $0xb8;
	[tilespmem:$0x1E080] =	vst v63  }
0xf9: {  	s16 =	simm.s32 @p1 $0x3  }
0xfa: {  	_ =	swait.ge @p1 [sflag:s16], $0x2800  }
0xfb: {  	[sflag:s16] =	ssyncset.done @p1 $0x0  }
0xfc: {  	[sflag:s16] =	ssyncadd.s32 @p1 $0xFFFFD800;
	s16 =	rddreg [dreg:$0x3]  }
0xfd: {  	[spmem:s9], [sflag:s13] =	dma.local @!p1 [hbm:s16], $0x2700  }
0xfe: {  	s17 =	simm.s32 @!p1 $0x2800;
	s13 =	simm.s32 @!p1 $0x7D;
	s16 =	simm.s32 @!p1 $0x0  }
0xff: {  	[tilespmem:s17], [sflag:$0x1] =	stream.indirect.gather @!p1 [hbm4b:s5+s13], $0x80, s16, s13, $0xb8;
	[tilespmem:$0x1E080] =	vst v63  }
0x100: {  	s13 =	simm.s32 @!p1 $0x3  }
0x101: {  	_ =	swait.ge @!p1 [sflag:s13], $0x2700  }
0x102: {  	[sflag:s13] =	ssyncset.done @!p1 $0x0  }
0x103: {  	[sflag:s13] =	ssyncadd.s32 @!p1 $0xFFFFD900  }
0x104: {  	s16 =	simm.s32 $0x80;
	[bflag:$0x0] =	sbarrier.arrive $0xFFFF  }
0x105: {  	[tilespmem:s24], [sflag:$0x2] =	stream.indirect.gather [hbm4b:s5+s23], $0x80, s16, s23, $0xb8;
	[tilespmem:$0x1E080] =	vst v63  }
0x106: {  	_ =	swait.ge [sflag:s25], $0x3E80  }
0x107: {  	[sflag:s25] =	ssyncset.done $0x0  }
0x108: {  	s17 =	simm.s32 $0x1400;
	[sflag:s25] =	ssyncadd.s32 $0xFFFFC180  }
0x109: {  	[spmem:s1] =	stream.indirect.scatter.add.f32 [tilespmem:s26], [sflag:$0x4], $0x80, s17, s23, $0xb8;
	[tilespmem:$0x1E080] =	vst v63  }
0x10a: {  	_ =	swait.ge [sflag:s21], $0x3E80  }
0x10b: {  	[sflag:s21] =	ssyncset.done $0x0  }
0x10c: {  	s18 =	simm.s32 $0x100;
	[sflag:s21] =	ssyncadd.s32 $0xFFFFC180  }
0x10d: {  	[tilespmem:s26], [sflag:$0x1] =	stream.indirect.gather [hbm4b:s5+s23], $0x80, s18, s23, $0xb8;
	[tilespmem:$0x1E080] =	vst v63  }
0x10e: {  	_ =	swait.ge [sflag:s28], $0x3E80  }
0x10f: {  	[sflag:s28] =	ssyncset.done $0x0  }
0x110: {  	s19 =	simm.s32 $0x1480;
	[sflag:s28] =	ssyncadd.s32 $0xFFFFC180  }
0x111: {  	[spmem:s1] =	stream.indirect.scatter.add.f32 [tilespmem:s24], [sflag:$0x4], $0x80, s19, s23, $0xb8;
	[tilespmem:$0x1E080] =	vst v63  }
0x112: {  	_ =	swait.ge [sflag:s21], $0x3E80  }
0x113: {  	s13 =	simm.s32 $0x100;
	s16 =	simm.s32 $0x800;
	[sflag:s21] =	ssyncset.done $0x0  }
.LBB2_8:
0x114: {  	s17 =	sadd.s32 $0x80, s13  }
0x115: {  	[sflag:s21] =	ssyncadd.s32 $0xFFFFC180;
	s18 =	smov.u32 s16;
	s19 =	sadd.s32 $0x400, s16  }
0x116: {  	[tilespmem:s24], [sflag:$0x2] =	stream.indirect.gather [hbm4b:s5+s23], $0x80, s17, s23, $0xb8;
	[tilespmem:$0x1E080] =	vst v63  }
0x117: {  	p2 =	sne.s32 s16, $0x4800;
	_ =	swait.ge [sflag:s25], $0x3E80  }
0x118: {  	[sflag:s25] =	ssyncset.done $0x0  }
0x119: {  	s16 =	sadd.s32 $0x1400, s13;
	[sflag:s25] =	ssyncadd.s32 $0xFFFFC180  }
0x11a: {  	[spmem:s1] =	stream.indirect.scatter.add.f32 [tilespmem:s26], [sflag:$0x4], $0x80, s16, s23, $0xb8;
	[tilespmem:$0x1E080] =	vst v63  }
0x11b: {  	_ =	swait.ge [sflag:s21], $0x3E80  }
0x11c: {  	[sflag:s21] =	ssyncset.done $0x0  }
0x11d: {  	s16 =	sadd.s32 $0x100, s13;
	[sflag:s21] =	ssyncadd.s32 $0xFFFFC180  }
0x11e: {  	[tilespmem:s26], [sflag:$0x1] =	stream.indirect.gather [hbm4b:s5+s23], $0x80, s16, s23, $0xb8;
	[tilespmem:$0x1E080] =	vst v63  }
0x11f: {  	_ =	swait.ge [sflag:s28], $0x3E80  }
.Ltmp6:
0x120: {  	[sflag:s28] =	ssyncset.done $0x0;
	(pc) =	sbr.rel @p2 .LBB2_8-.Ltmp6, $4  }
0x121: {  	s13 =	sadd.s32 $0x1480, s13;
	[sflag:s28] =	ssyncadd.s32 $0xFFFFC180  }
0x122: {  	[spmem:s1] =	stream.indirect.scatter.add.f32 [tilespmem:s24], [sflag:$0x4], $0x80, s13, s23, $0xb8;
	[tilespmem:$0x1E080] =	vst v63  }
0x123: {  	_ =	swait.ge [sflag:s21], $0x3E80  }
0x124: {  	s16 =	smov.u32 s19;
	s13 =	sshra.s32 s18, $0x2;
	[sflag:s21] =	ssyncset.done $0x0  }
0x125: {  	s16 =	sadd.s32 $0x80, s13;
	[sflag:s21] =	ssyncadd.s32 $0xFFFFC180  }
0x126: {  	[tilespmem:s24], [sflag:$0x2] =	stream.indirect.gather [hbm4b:s5+s23], $0x80, s16, s23, $0xb8;
	[tilespmem:$0x1E080] =	vst v63  }
0x127: {  	_ =	swait.ge [sflag:s25], $0x3E80  }
0x128: {  	[sflag:s25] =	ssyncset.done $0x0  }
0x129: {  	s19 =	sadd.s32 $0x1400, s13;
	[sflag:s25] =	ssyncadd.s32 $0xFFFFC180  }
0x12a: {  	[spmem:s1] =	stream.indirect.scatter.add.f32 [tilespmem:s26], [sflag:$0x4], $0x80, s19, s23, $0xb8;
	[tilespmem:$0x1E080] =	vst v63  }
0x12b: {  	_ =	swait.ge [sflag:s21], $0x3E80  }
0x12c: {  	[sflag:s21] =	ssyncset.done $0x0  }
0x12d: {  	s17 =	sadd.s32 $0x100, s13;
	[sflag:s21] =	ssyncadd.s32 $0xFFFFC180  }
0x12e: {  	[tilespmem:s26], [sflag:$0x1] =	stream.indirect.gather [hbm4b:s5+s23], $0x80, s17, s23, $0xb8;
	[tilespmem:$0x1E080] =	vst v63  }
0x12f: {  	_ =	swait.ge [sflag:s28], $0x3E80  }
0x130: {  	[sflag:s28] =	ssyncset.done $0x0  }
0x131: {  	s18 =	sadd.s32 $0x1480, s13;
	[sflag:s28] =	ssyncadd.s32 $0xFFFFC180  }
0x132: {  	[spmem:s1] =	stream.indirect.scatter.add.f32 [tilespmem:s24], [sflag:$0x4], $0x80, s18, s23, $0xb8;
	[tilespmem:$0x1E080] =	vst v63  }
0x133: {  	_ =	swait.ge [sflag:s21], $0x3E80  }
0x134: {  	[sflag:s21] =	ssyncset.done $0x0  }
0x135: {  	[sflag:s21] =	ssyncadd.s32 $0xFFFFC180  }
0x136: {  	[tilespmem:s24], [sflag:$0x2] =	stream.indirect.gather [hbm4b:s5+s23], $0x80, s29, s23, $0xb8;
	[tilespmem:$0x1E080] =	vst v63  }
0x137: {  	_ =	swait.ge [sflag:s25], $0x3E80  }
0x138: {  	[sflag:s25] =	ssyncset.done $0x0  }
0x139: {  	[sflag:s25] =	ssyncadd.s32 $0xFFFFC180  }
0x13a: {  	[spmem:s1] =	stream.indirect.scatter.add.f32 [tilespmem:s26], [sflag:$0x4], $0x80, s30, s23, $0xb8;
	[tilespmem:$0x1E080] =	vst v63  }
0x13b: {  	_ =	swait.ge [sflag:s21], $0x3E80  }
0x13c: {  	[sflag:s21] =	ssyncset.done $0x0  }
0x13d: {  	[sflag:s21] =	ssyncadd.s32 $0xFFFFC180  }
0x13e: {  	_ =	swait.ge [sflag:s28], $0x3E80  }
0x13f: {  	[sflag:s28] =	ssyncset.done $0x0  }
0x140: {  	[sflag:s28] =	ssyncadd.s32 $0xFFFFC180  }
0x141: {  	[spmem:s1] =	stream.indirect.scatter.add.f32 [tilespmem:s24], [sflag:$0x4], $0x80, s31, s23, $0xb8;
	[tilespmem:$0x1E080] =	vst v63  }
0x142: {  	_ =	swait.ge [sflag:s21], $0x3E80  }
0x143: {  	[sflag:s21] =	ssyncset.done $0x0  }
0x144: {  	s19 =	simm.s32 $0x0;
	[sflag:s21] =	ssyncadd.s32 $0xFFFFC180  }
0x145: {  	[tilespmem:s19], [sflag:$0x4] =	stream.linear.gather [hbm4b:s14+s19], $0x1400, $0x38;
	[tilespmem:$0x1E080] =	vst v63  }
0x146: {  	_ =	swait.ge [sflag:s21], $0x1400  }
0x147: {  	[sflag:s21] =	ssyncset.done $0x0  }
0x148: {  	[sflag:s21] =	ssyncadd.s32 $0xFFFFEC00  }
0x149: {  	[tilespmem:s22], [sflag:$0x4] =	stream.linear.gather [hbm4b:s15+s19], $0x1400, $0x38;
	[tilespmem:$0x1E080] =	vst v63  }
0x14a: {  	_ =	swait.ge [sflag:s21], $0x1400  }
0x14b: {  	[sflag:s21] =	ssyncset.done $0x0  }
0x14c: {  	[sflag:s21] =	ssyncadd.s32 $0xFFFFEC00  }
0x14d: {  	[tilespmem:s26], [sflag:$0x1] =	stream.indirect.gather [hbm4b:s5+s23], $0x80, s19, s23, $0xb8;
	[tilespmem:$0x1E080] =	vst v63  }
0x14e: {  	s16 =	simm.s32 $0x80  }
0x14f: {  	[tilespmem:s24], [sflag:$0x2] =	stream.indirect.gather [hbm4b:s5+s23], $0x80, s16, s23, $0xb8;
	[tilespmem:$0x1E080] =	vst v63  }
0x150: {  	_ =	swait.ge [sflag:s25], $0x3E80  }
0x151: {  	[sflag:s25] =	ssyncset.done $0x0  }
0x152: {  	s17 =	simm.s32 $0x1400;
	[sflag:s25] =	ssyncadd.s32 $0xFFFFC180  }
0x153: {  	[spmem:s1] =	stream.indirect.scatter.add.f32 [tilespmem:s26], [sflag:$0x4], $0x80, s17, s23, $0xb8;
	[tilespmem:$0x1E080] =	vst v63  }
0x154: {  	_ =	swait.ge [sflag:s21], $0x3E80  }
0x155: {  	[sflag:s21] =	ssyncset.done $0x0  }
0x156: {  	s18 =	simm.s32 $0x100;
	[sflag:s21] =	ssyncadd.s32 $0xFFFFC180  }
0x157: {  	[tilespmem:s26], [sflag:$0x1] =	stream.indirect.gather [hbm4b:s5+s23], $0x80, s18, s23, $0xb8;
	[tilespmem:$0x1E080] =	vst v63  }
0x158: {  	_ =	swait.ge [sflag:s28], $0x3E80  }
0x159: {  	[sflag:s28] =	ssyncset.done $0x0  }
0x15a: {  	s19 =	simm.s32 $0x1480;
	[sflag:s28] =	ssyncadd.s32 $0xFFFFC180  }
0x15b: {  	[spmem:s1] =	stream.indirect.scatter.add.f32 [tilespmem:s24], [sflag:$0x4], $0x80, s19, s23, $0xb8;
	[tilespmem:$0x1E080] =	vst v63  }
0x15c: {  	_ =	swait.ge [sflag:s21], $0x3E80  }
0x15d: {  	s13 =	simm.s32 $0x100;
	s16 =	simm.s32 $0x800;
	[sflag:s21] =	ssyncset.done $0x0  }
.LBB2_10:
0x15e: {  	s17 =	sadd.s32 $0x80, s13  }
0x15f: {  	[sflag:s21] =	ssyncadd.s32 $0xFFFFC180;
	s18 =	smov.u32 s16;
	s19 =	sadd.s32 $0x400, s16  }
0x160: {  	[tilespmem:s24], [sflag:$0x2] =	stream.indirect.gather [hbm4b:s5+s23], $0x80, s17, s23, $0xb8;
	[tilespmem:$0x1E080] =	vst v63  }
0x161: {  	p2 =	sne.s32 s16, $0x4800;
	_ =	swait.ge [sflag:s25], $0x3E80  }
0x162: {  	[sflag:s25] =	ssyncset.done $0x0  }
0x163: {  	s16 =	sadd.s32 $0x1400, s13;
	[sflag:s25] =	ssyncadd.s32 $0xFFFFC180  }
0x164: {  	[spmem:s1] =	stream.indirect.scatter.add.f32 [tilespmem:s26], [sflag:$0x4], $0x80, s16, s23, $0xb8;
	[tilespmem:$0x1E080] =	vst v63  }
0x165: {  	_ =	swait.ge [sflag:s21], $0x3E80  }
0x166: {  	[sflag:s21] =	ssyncset.done $0x0  }
0x167: {  	s16 =	sadd.s32 $0x100, s13;
	[sflag:s21] =	ssyncadd.s32 $0xFFFFC180  }
0x168: {  	[tilespmem:s26], [sflag:$0x1] =	stream.indirect.gather [hbm4b:s5+s23], $0x80, s16, s23, $0xb8;
	[tilespmem:$0x1E080] =	vst v63  }
0x169: {  	_ =	swait.ge [sflag:s28], $0x3E80  }
.Ltmp7:
0x16a: {  	[sflag:s28] =	ssyncset.done $0x0;
	(pc) =	sbr.rel @p2 .LBB2_10-.Ltmp7, $4  }
0x16b: {  	s13 =	sadd.s32 $0x1480, s13;
	[sflag:s28] =	ssyncadd.s32 $0xFFFFC180  }
0x16c: {  	[spmem:s1] =	stream.indirect.scatter.add.f32 [tilespmem:s24], [sflag:$0x4], $0x80, s13, s23, $0xb8;
	[tilespmem:$0x1E080] =	vst v63  }
0x16d: {  	_ =	swait.ge [sflag:s21], $0x3E80  }
0x16e: {  	s16 =	smov.u32 s19;
	s13 =	sshra.s32 s18, $0x2;
	[sflag:s21] =	ssyncset.done $0x0  }
.Ltmp8:
0x16f: {  	_ = 	snop;
	(pc) =	sbr.rel .LBB2_11-.Ltmp8, $1  }
0x170: {  	_ =	sdelay $0x3  }
.LBB2_13:
0x171: {  	_ =	sfence.sel $0x180000  }
0x172: {  	[bflag:$0x0] =	sbarrier.arrive $0xFFFF  }
0x173: {  	_ =	strace $0x90000047  }
0x174: {  	[bflag:$0x2] =	sbarrier.arrive $0xFFFF  }
0x175: {  	p0 =	sne.s32 s3, $0x0;
	s0 =	rddreg [dreg:$0x2]  }
0x176: {  	s0 =	sadd.s32 @!p0 $0x100000, s0  }
0x177: {  	[sflag:s0] =	ssyncadd.tile.s32 @!p0 $0x1;
	_ =	shalt  }
.Lfunc_end2:
_tile_overlayer_lowered:
.L_overlay_start_2:
0x178: {  	(tag) =	ssettag $0x2  }
0x179: {  	s0 =	rddreg [dreg:$0x0];
	s2 =	stileid.u32  }
0x17a: {  	s1 =	rddreg [dreg:$0x1];
	p0 =	sne.s32 s2, $0x0  }
0x17b: {  	s3 =	rddreg [dreg:$0x2];
	[bflag:$0x3] =	sbarrier.arrive $0xFFFF;
	s2 =	simm.s32 @!p0 $0x1C04  }
0x17c: {  	[timem:s3], [sflag:s2] =	dma.local @!p0 [hbm:s0], s1  }
0x17d: {  	s0 =	simm.s32 @!p0 $0x4  }
0x17e: {  	_ =	swait.ge @!p0 [sflag:s0], s1  }
0x17f: {  	s1 =	ssub.s32 @!p0 $0x0, s1;
	[sflag:s0] =	ssyncset.done @!p0 $0x0  }
0x180: {  	[sflag:s0] =	ssyncadd.s32 @!p0 s1  }
0x181: {  	[bflag:$0x3] =	sbarrier.arrive $0xFFFF  }
0x182: {  	_ =	shalt  }

// kernel: kernel.13.cloned.1.call-start
scs
__scs_entry_jumppad:
0x0: {  	(pc) =	sbr.rel $0x88, $3  }
0x1: {  	(tag) =	ssettag $0x0;
	lr =	simm.s32 $0x1  }
0x2: {  	[smem:$0x3F9B] =	sst lr;
	_ =	strace $0xD0000000  }
0x3: {  	_ = 	snop  }
0x4: {  	_ = 	snop  }
0x5: {  	_ = 	snop  }
0x6: {  	_ = 	snop  }
0x7: {  	_ = 	snop  }
__scs_overlays_trampoline_lowered:
0x8: {  	[smem:$0x3FAA] =	sst s0  }
0x9: {  	[smem:$0x3FAB] =	sst s1  }
0xa: {  	[smem:$0x3FAC] =	sst s2  }
0xb: {  	[smem:$0x3FAD] =	sst s3  }
0xc: {  	[smem:$0x3FAE] =	sst s4  }
0xd: {  	[smem:$0x3FAF] =	sst s5  }
0xe: {  	[smem:$0x3FB0] =	sst s6  }
0xf: {  	[smem:$0x3FB1] =	sst s7  }
0x10: {  	[smem:$0x3FB2] =	sst s8  }
0x11: {  	[smem:$0x3FB3] =	sst s9;
	s0 =	simm.s32 @!p0 $0x0  }
0x12: {  	s1 =	sld [smem:$0x3F99];
	s0 =	simm.s32 @p0 $0x1  }
0x13: {  	[smem:$0x3FB4] =	sst s0;
	s0 =	simm.s32 @!p1 $0x0  }
0x14: {  	s2 =	sld [smem:$0x3F98];
	s0 =	simm.s32 @p1 $0x1  }
0x15: {  	[smem:$0x3FB5] =	sst s0;
	s0 =	simm.s32 @!p2 $0x0  }
0x16: {  	s3 =	sld [smem:$0x3FDB];
	s0 =	simm.s32 @p2 $0x1  }
0x17: {  	s4 =	simm.s32 $0x1BF5;
	[smem:$0x3FB7] =	sst s0  }
0x18: {  	s0 =	sld [smem:$0x3F9A];
	_ =	swait.ge [sflag:s4], $0x0  }
0x19: {  	s7 =	sld [smem:$0x3F9B]  }
0x1a: {  	s8 =	sadd.s32 $0xFFFFE003, lr  }
0x1b: {  	s9 =	sadd.s32 $0xFFFFFEF7, lr;
	s5 =	simm.s32 $0xFFFFFFFF;
	p2 =	slt.u32 s8, $0xFFFFF086  }
0x1c: {  	p1 =	slt.u32 s9, $0xF7A;
	s5 =	simm.s32 @!p2 $0x0  }
0x1d: {  	s5 =	simm.s32 @p1 $0x1;
	p0 =	seq.s32 s7, s2  }
0x1e: {  	s7 =	smul.u32 @!p0 $0xF7A, s2;
	p2 =	seq.s32 @!p0 s5, $0x0  }
0x1f: {  	s9 =	smul.u32 $0xF7A, s1;
	s8 =	simm.s32 @!p0 $0x1BF5;
	p2 =	por !p2, p0  }
0x20: {  	[sflag:s8] =	ssyncset.s32 @!p0 $0xFFFFF086;
	s6 =	sadd.s32 @!p0 s3, s7;
	s7 =	simm.s32 @!p0 $0x108  }
0x21: {  	s3 =	sadd.s32 s3, s9;
	s6 =	sadd.s32 @!p0 $0x88, s6;
	s7 =	simm.s32 @p2 $0x1082  }
0x22: {  	[simem:s7], [sflag:s8] =	dma.local @!p0 [hbm:s6], $0xF7A  }
0x23: {  	s9 =	sor.u32 $0xD0000000, s2;
	s6 =	simm.s32 $0x108;
	_ =	swait.ge @!p0 [sflag:s8], $0x0  }
0x24: {  	s3 =	sadd.s32 $0x88, s3;
	s6 =	simm.s32 @!p1 $0x1082;
	[sflag:s4] =	ssyncset.s32 $0xFFFFF086  }
0x25: {  	[simem:s6], [sflag:s4] =	dma.local [hbm:s3], $0xF7A  }
0x26: {  	[smem:$0x3F9B] =	sst s1;
	(tag) =	ssettag s2;
	_ =	strace s9  }
0x27: {  	s1 =	sld [smem:$0x3FAB]  }
0x28: {  	s2 =	sld [smem:$0x3FAC]  }
0x29: {  	s4 =	sld [smem:$0x3FAE]  }
0x2a: {  	p0 =	seq.s32 s5, $0x0;
	s5 =	sld [smem:$0x3FAF]  }
0x2b: {  	s6 =	sld [smem:$0x3FB0]  }
0x2c: {  	s7 =	sld [smem:$0x3FB1]  }
0x2d: {  	s3 =	simm.s32 $0x108;
	s8 =	sld [smem:$0x3FB2]  }
0x2e: {  	s3 =	simm.s32 @!p0 $0x1082;
	s9 =	sld [smem:$0x3FB3]  }
0x2f: {  	lr =	sadd.s32 s0, s3;
	s0 =	sld [smem:$0x3FAA]  }
0x30: {  	s3 =	sld [smem:$0x3FAD]  }
0x31: {  	[smem:$0x3FB6] =	sst s10  }
0x32: {  	s10 =	sld [smem:$0x3FB4];
	_ =	sdelay $0x3  }
0x33: {  	p0 =	seq.s32 s10, $0x1;
	s10 =	sld [smem:$0x3FB6];
	_ =	sdelay $0x3  }
0x34: {  	[smem:$0x3FB6] =	sst s10  }
0x35: {  	s10 =	sld [smem:$0x3FB5];
	_ =	sdelay $0x3  }
0x36: {  	p1 =	seq.s32 s10, $0x1;
	s10 =	sld [smem:$0x3FB6];
	_ =	sdelay $0x3  }
0x37: {  	[smem:$0x3FB6] =	sst s10  }
0x38: {  	s10 =	sld [smem:$0x3FB7]  }
0x39: {  	_ = 	snop;
	(pc) =	sbr.ind lr, $3  }
0x3a: {  	_ = 	snop  }
0x3b: {  	_ = 	snop  }
0x3c: {  	p2 =	seq.s32 s10, $0x1;
	s10 =	sld [smem:$0x3FB6]  }
0x3d: {  	_ =	shalt  }
0x3e: {  	_ =	shalt  }
0x3f: {  	_ =	shalt  }
0x40: {  	_ =	shalt  }
0x41: {  	_ =	shalt  }
0x42: {  	_ =	shalt  }
0x43: {  	_ =	shalt  }
0x44: {  	_ =	shalt  }
0x45: {  	_ =	shalt  }
0x46: {  	_ =	shalt  }
0x47: {  	_ =	shalt  }
0x48: {  	_ =	shalt  }
0x49: {  	_ =	shalt  }
0x4a: {  	_ =	shalt  }
0x4b: {  	_ =	shalt  }
0x4c: {  	_ =	shalt  }
0x4d: {  	_ =	shalt  }
0x4e: {  	_ =	shalt  }
0x4f: {  	_ =	shalt  }
0x50: {  	_ =	shalt  }
0x51: {  	_ =	shalt  }
0x52: {  	_ =	shalt  }
0x53: {  	_ =	shalt  }
0x54: {  	_ =	shalt  }
0x55: {  	_ =	shalt  }
0x56: {  	_ =	shalt  }
0x57: {  	_ =	shalt  }
0x58: {  	_ =	shalt  }
0x59: {  	_ =	shalt  }
0x5a: {  	_ =	shalt  }
0x5b: {  	_ =	shalt  }
0x5c: {  	_ =	shalt  }
0x5d: {  	_ =	shalt  }
0x5e: {  	_ =	shalt  }
0x5f: {  	_ =	shalt  }
0x60: {  	_ =	shalt  }
0x61: {  	_ =	shalt  }
0x62: {  	_ =	shalt  }
0x63: {  	_ =	shalt  }
0x64: {  	_ =	shalt  }
0x65: {  	_ =	shalt  }
0x66: {  	_ =	shalt  }
0x67: {  	_ =	shalt  }
0x68: {  	_ =	shalt  }
0x69: {  	_ =	shalt  }
0x6a: {  	_ =	shalt  }
0x6b: {  	_ =	shalt  }
0x6c: {  	_ =	shalt  }
0x6d: {  	_ =	shalt  }
0x6e: {  	_ =	shalt  }
0x6f: {  	_ =	shalt  }
0x70: {  	_ =	shalt  }
0x71: {  	_ =	shalt  }
0x72: {  	_ =	shalt  }
0x73: {  	_ =	shalt  }
0x74: {  	_ =	shalt  }
0x75: {  	_ =	shalt  }
0x76: {  	_ =	shalt  }
0x77: {  	_ =	shalt  }
0x78: {  	_ =	shalt  }
0x79: {  	_ =	shalt  }
0x7a: {  	_ =	shalt  }
0x7b: {  	_ =	shalt  }
0x7c: {  	_ =	shalt  }
0x7d: {  	_ =	shalt  }
0x7e: {  	_ =	shalt  }
0x7f: {  	_ =	shalt  }
0x80: {  	_ =	shalt  }
0x81: {  	_ =	shalt  }
0x82: {  	_ =	shalt  }
0x83: {  	_ =	shalt  }
0x84: {  	_ =	shalt  }
0x85: {  	_ =	shalt  }
0x86: {  	_ =	shalt  }
0x87: {  	_ =	shalt  }
.Lfunc_end0:
.L_simem_size_0:
called_computation.1_lowered:
.L_overlay_start_0:
0x88: {  	s2 =	sld [smem:$0x3FD9]  }
0x89: {  	s3 =	sld [smem:$0x3FFE];
	_ =	sdelay $0x1  }
0x8a: {  	s1 =	srdreg.scid  }
0x8b: {  	s0 =	sand.u32 $0x1, s1  }
0x8c: {  	s16 =	sshll.u32 s0, $0xA;
	s2 =	sadd.s32 s3, s2  }
0x8d: {  	s2 =	sadd.s32 s2, s16  }
0x8e: {  	[smem:$0x3FC2] =	sst s2  }
0x8f: {  	_ = 	snop  }
0x90: {  	(tm) =	ssettm $0x1  }
0x91: {  	s17 =	sld [smem:$0x3FFB];
	_ =	sdelay $0x3  }
0x92: {  	_ =	strace s17  }
0x93: {  	s2 =	sld [smem:$0x3FFC];
	_ =	sdelay $0x3  }
0x94: {  	_ =	strace s2  }
0x95: {  	s2 =	sld [smem:$0x3FFD];
	_ =	sdelay $0x3  }
0x96: {  	_ =	strace s2  }
0x97: {  	_ =	strace $0x8FFFFFFF  }
0x98: {  	s18 =	sld [smem:$0x3FDB];
	_ =	sdelay $0x1  }
0x99: {  	s19 =	simm.s32 $_scs_section_size  }
0x9a: {  	s4 =	simm.s32 $_size__tile_overlayer_lowered;
	s5 =	simm.s32 $_tile_overlayer_lowered  }
0x9b: {  	s22 =	simm.s32 $0x1BFF;
	s21 =	sshll.u32 s5, $0x1;
	s2 =	sadd.s32 s19, s18  }
0x9c: {  	s6 =	simm.s32 $0x0;
	s20 =	sshll.u32 s4, $0x1;
	s4 =	sadd.s32 s21, s2  }
0x9d: {  	[timem:s6], [sflag:s22] =	dma.local [hbm:s4], s20  }
0x9e: {  	_ =	swait.ge [sflag:s22], s20  }
0x9f: {  	s3 =	ssub.s32 $0x0, s20;
	[sflag:s22] =	ssyncset.done $0x0  }
0xa0: {  	[sflag:s22] =	ssyncadd.s32 s3;
	_ =	sdelay $0x1  }
0xa1: {  	s23 =	simm.s32 $0x1B8B  }
0xa2: {  	_ =	swait.ge [sflag:s23], $0x1  }
0xa3: {  	[sflag:s23] =	ssyncset.done $0x0  }
0xa4: {  	s25 =	simm.s32 $0x1B8E;
	s24 =	sld [smem:$0x3FFE];
	[sflag:s23] =	ssyncadd.s32 $0xFFFFFFFF  }
0xa5: {  	s26 =	simm.s32 $execute0_lowered;
	[smem:$0x3FD2] =	sst s25  }
0xa6: {  	s4 =	sshll.u32 s26, $0x1;
	_ =	strace $0x80000049;
	[dreg:$0x1] =	wrdreg $0xFFFFFFFF  }
0xa7: {  	s28 =	simm.s32 $_size_execute0_lowered;
	s2 =	sadd.s32 s2, s4;
	[dreg:$0x0] =	wrdreg $0x0  }
0xa8: {  	s4 =	sshll.u32 s28, $0x1;
	[dreg:$0x2] =	wrdreg s2  }
0xa9: {  	[dreg:$0x3] =	wrdreg s4  }
0xaa: {  	[dreg:$0x4] =	wrdreg $0xC0  }
0xab: {  	_ =	task [dreg:s6], $0x5FFFF  }
0xac: {  	[dreg:$0x1] =	wrdreg $0xFFFFFFFF  }
0xad: {  	[dreg:$0x0] =	wrdreg $0x60  }
0xae: {  	[dreg:$0x2] =	wrdreg s24  }
0xaf: {  	[dreg:$0x3] =	wrdreg $0xA8000  }
0xb0: {  	[dreg:$0x4] =	wrdreg $0x9  }
0xb1: {  	_ =	task.clear_ibuf [dreg:s6], $0x5FFFF;
	_ =	strace $0x90000049  }
0xb2: {  	s29 =	simm.s32 $0x9;
	_ =	strace $0x8000004B  }
0xb3: {  	_ =	swait.ge [sflag:s29], $0x1  }
0xb4: {  	[sflag:s29] =	ssyncadd.s32 $0xFFFFFFFF  }
0xb5: {  	_ =	strace $0x9000004B  }
0xb6: {  	_ =	sfence  }
0xb7: {  	s30 =	sld [smem:$0x0];
	_ =	sdelay $0x2  }
0xb8: {  	s31 =	sshll.u32 s1, $0xD;
	s1 =	sshrl.u32 s1, $0x2  }
0xb9: {  	s3 =	sand.u32 $0x4000, s31;
	s1 =	sadd.s32 s1, s30  }
0xba: {  	s0 =	sor.u32 s3, s0;
	s1 =	sshll.u32 s1, $0x11  }
0xbb: {  	s0 =	sor.u32 s1, s0  }
0xbc: {  	s0 =	sadd.s32 $0x8F2B, s0  }
0xbd: {  	[sflag:s0] =	ssyncadd.remote.s32 $0x1  }
0xbe: {  	_ =	sfence.sel $0xFFFF  }
0xbf: {  	[dreg:$0x0] =	wrdreg $0xFFFFFFFF;
	(pc) =	sbr.abs _section_cstart, $3  }
0xc0: {  	[dreg:$0x1] =	wrdreg $0xFFFFFFFF  }
0xc1: {  	_ =	task.clear_ibuf [dreg:s6], $0x2FFFF;
	_ =	strace $0x9FFFFFFF  }
0xc2: {  	(tm) =	ssettm $0x7FFFFFFF  }
0xc3: {  	_ =	shalt  }
tec
execute0_lowered:
.L_overlay_start_1:
0x0: {  	(tag) =	ssettag $0x1  }
0x1: {  	s0 =	rddreg [dreg:$0x0]  }
0x2: {  	s1 =	rddreg [dreg:$0x1];
	s2 =	simm.s32 $0x0  }
0x3: {  	s3 =	stileid.u32;
	s6 =	srdreg.scid;
	s28 =	simm.s32 $0x2  }
0x4: {  	s29 =	simm.s32 $0x1380;
	s30 =	simm.s32 $0x2700;
	s31 =	simm.s32 $0x2780  }
0x5: {  	[smem:$0x7FF] =	sst s2;
	s4 =	sadd.s32 $0xF200, s0;
	s11 =	smul.u32 $0x2700, s3  }
0x6: {  	s5 =	sadd.s32 $0x36400, s0;
	s9 =	sadd.s32 $0xA200, s0;
	s7 =	smul.u32 $0x4E000, s3  }
0x7: {  	s12 =	sand.u32 $0x1, s6;
	s13 =	sadd.s32 $0x5200, s0;
	s10 =	smul.u32 $0x500, s3  }
0x8: {  	s14 =	smul.u32 $0x2800, s3;
	s15 =	sadd.s32 $0x5AD00, s0;
	s23 =	sadd.s32 $0x33B00, s0  }
0x9: {  	s25 =	sadd.s32 $0xA9100, s0;
	_ =	strace $0x8000004A;
	[dreg:$0x4] =	wrdreg s15  }
0xa: {  	p1 =	seq.s32 s3, $0xF;
	s6 =	ssub.s32 $0x2, s12;
	[dreg:$0x6] =	wrdreg s23  }
0xb: {  	[dreg:$0x8] =	wrdreg s25;
	p0 =	sne.s32 s12, $0x0;
	s23 =	simm.s32 $0x7D  }
0xc: {  	s25 =	simm.s32 $0x1;
	s16 =	sadd.s32 s11, s0;
	s8 =	sshrl.u32 s6, $0x1  }
0xd: {  	s19 =	sshrl.u32 s7, $0x2;
	s7 =	sadd.s32 s13, s10;
	s21 =	sadd.s32 s5, s11  }
0xe: {  	s14 =	sshrl.u32 s14, $0x3;
	s11 =	sadd.s32 s4, s11;
	s0 =	sadd.s32 $0x81F00, s0  }
0xf: {  	s20 =	ssub.s32 s6, s8;
	s6 =	sadd.s32 s9, s10;
	[dreg:$0x3] =	wrdreg s21  }
0x10: {  	s8 =	sadd.s32 s19, s1;
	s10 =	sadd.s32 $0x124800, s1;
	[dreg:$0x5] =	wrdreg s11  }
.Ltmp0:
0x11: {  	s22 =	sadd.s32 $0x280, s14;
	s24 =	sadd.s32 $0x84800, s16;
	(pc) =	sbr.rel .LBB2_1-.Ltmp0, $4  }
0x12: {  	s26 =	sadd.s32 $0x5D600, s16;
	[dreg:$0xa] =	wrdreg s0;
	s21 =	simm.s32 $0x4  }
0x13: {  	s0 =	simm.s32 $0x0;
	s14 =	sadd.s32 s9, s22;
	[dreg:$0x7] =	wrdreg s24  }
0x14: {  	s15 =	sadd.s32 s13, s22;
	[dreg:$0x9] =	wrdreg s26;
	s20 =	smax.u32 s20, $0x1  }
0x15: {  	s22 =	simm.s32 $0x1400;
	s24 =	simm.s32 $0x6800;
	s26 =	simm.s32 $0x2800  }
.LBB2_11:
0x16: {  	s16 =	sadd.s32 $0x80, s13;
	[sflag:s21] =	ssyncadd.s32 $0xFFFFC180  }
0x17: {  	[tilespmem:s24], [sflag:$0x2] =	stream.indirect.gather [hbm4b:s5+s23], $0x80, s16, s23, $0xb8;
	[tilespmem:$0x1E080] =	vst v63  }
0x18: {  	_ =	swait.ge [sflag:s25], $0x3E80  }
0x19: {  	[sflag:s25] =	ssyncset.done $0x0  }
0x1a: {  	s17 =	sadd.s32 $0x1400, s13;
	[sflag:s25] =	ssyncadd.s32 $0xFFFFC180  }
0x1b: {  	[spmem:s1] =	stream.indirect.scatter.add.f32 [tilespmem:s26], [sflag:$0x4], $0x80, s17, s23, $0xb8;
	[tilespmem:$0x1E080] =	vst v63  }
0x1c: {  	_ =	swait.ge [sflag:s21], $0x3E80  }
0x1d: {  	[sflag:s21] =	ssyncset.done $0x0  }
0x1e: {  	s18 =	sadd.s32 $0x100, s13;
	[sflag:s21] =	ssyncadd.s32 $0xFFFFC180  }
0x1f: {  	[tilespmem:s26], [sflag:$0x1] =	stream.indirect.gather [hbm4b:s5+s23], $0x80, s18, s23, $0xb8;
	[tilespmem:$0x1E080] =	vst v63  }
0x20: {  	_ =	swait.ge [sflag:s28], $0x3E80  }
0x21: {  	[sflag:s28] =	ssyncset.done $0x0  }
0x22: {  	s19 =	sadd.s32 $0x1480, s13;
	[sflag:s28] =	ssyncadd.s32 $0xFFFFC180  }
0x23: {  	[spmem:s1] =	stream.indirect.scatter.add.f32 [tilespmem:s24], [sflag:$0x4], $0x80, s19, s23, $0xb8;
	[tilespmem:$0x1E080] =	vst v63  }
0x24: {  	_ =	swait.ge [sflag:s21], $0x3E80  }
0x25: {  	[sflag:s21] =	ssyncset.done $0x0  }
0x26: {  	[sflag:s21] =	ssyncadd.s32 $0xFFFFC180  }
0x27: {  	[tilespmem:s24], [sflag:$0x2] =	stream.indirect.gather [hbm4b:s5+s23], $0x80, s29, s23, $0xb8;
	[tilespmem:$0x1E080] =	vst v63  }
0x28: {  	_ =	swait.ge [sflag:s25], $0x3E80  }
0x29: {  	[sflag:s25] =	ssyncset.done $0x0  }
0x2a: {  	[sflag:s25] =	ssyncadd.s32 $0xFFFFC180  }
0x2b: {  	[spmem:s1] =	stream.indirect.scatter.add.f32 [tilespmem:s26], [sflag:$0x4], $0x80, s30, s23, $0xb8;
	[tilespmem:$0x1E080] =	vst v63  }
0x2c: {  	_ =	swait.ge [sflag:s21], $0x3E80  }
0x2d: {  	[sflag:s21] =	ssyncset.done $0x0  }
0x2e: {  	[sflag:s21] =	ssyncadd.s32 $0xFFFFC180  }
0x2f: {  	_ =	swait.ge [sflag:s28], $0x3E80  }
0x30: {  	[sflag:s28] =	ssyncset.done $0x0  }
0x31: {  	[sflag:s28] =	ssyncadd.s32 $0xFFFFC180  }
0x32: {  	[spmem:s1] =	stream.indirect.scatter.add.f32 [tilespmem:s24], [sflag:$0x4], $0x80, s31, s23, $0xb8;
	[tilespmem:$0x1E080] =	vst v63  }
0x33: {  	_ =	swait.ge [sflag:s21], $0x3E80  }
0x34: {  	[sflag:s21] =	ssyncset.done $0x0  }
0x35: {  	[sflag:s21] =	ssyncadd.s32 $0xFFFFC180  }
0x36: {  	[bflag:$0x0] =	sbarrier.arrive $0xFFFF  }
0x37: {  	s13 =	simm.s32 @p1 $0x1FC4;
	s16 =	rddreg [dreg:$0x8]  }
0x38: {  	[hbm:s16], [sflag:s13] =	dma.local @p1 [spmem:s12], $0x2800  }
0x39: {  	s12 =	simm.s32 @p1 $0x4  }
0x3a: {  	_ =	swait.ge @p1 [sflag:s12], $0x2800  }
0x3b: {  	[sflag:s12] =	ssyncset.done @p1 $0x0  }
0x3c: {  	[sflag:s12] =	ssyncadd.s32 @p1 $0xFFFFD800;
	s12 =	rddreg [dreg:$0x7]  }
0x3d: {  	[hbm:s12], [sflag:s11] =	dma.local @!p1 [spmem:s9], $0x2700  }
0x3e: {  	s9 =	simm.s32 @!p1 $0x4  }
0x3f: {  	_ =	swait.ge @!p1 [sflag:s9], $0x2700  }
0x40: {  	[sflag:s9] =	ssyncset.done @!p1 $0x0  }
0x41: {  	[sflag:s9] =	ssyncadd.s32 @!p1 $0xFFFFD900  }
.LBB2_12:
0x42: {  	s0 =	sadd.s32 $0x1, s0  }
0x43: {  	p2 =	sne.s32 s0, s20  }
.Ltmp1:
0x44: {  	_ = 	snop;
	(pc) =	sbr.rel @!p2 .LBB2_13-.Ltmp1, $1  }
0x45: {  	_ =	sdelay $0x3  }
.LBB2_1:
0x46: {  	[tilespmem:s2], [sflag:$0x4] =	stream.linear.gather [hbm4b:s6+s2], $0x1400, $0x38;
	[tilespmem:$0x1E080] =	vst v63  }
0x47: {  	_ =	swait.ge [sflag:s21], $0x1400  }
0x48: {  	[sflag:s21] =	ssyncset.done $0x0  }
.Ltmp2:
0x49: {  	[sflag:s21] =	ssyncadd.s32 $0xFFFFEC00;
	(pc) =	sbr.rel @p0 .LBB2_7-.Ltmp2, $4  }
0x4a: {  	[tilespmem:s22], [sflag:$0x4] =	stream.linear.gather [hbm4b:s7+s2], $0x1400, $0x38;
	[tilespmem:$0x1E080] =	vst v63  }
0x4b: {  	s12 =	sshrl.u32 @p1 s10, $0x3;
	_ =	swait.ge [sflag:s21], $0x1400  }
0x4c: {  	s11 =	sshll.u32 @!p1 s3, $0x6;
	s9 =	sshrl.u32 @!p1 s8, $0x3;
	[sflag:s21] =	ssyncset.done $0x0  }
0x4d: {  	s13 =	sor.u32 @!p1 $0x1C03, s11;
	s11 =	sor.u32 @!p1 $0x1C04, s11;
	[sflag:s21] =	ssyncadd.s32 $0xFFFFEC00  }
0x4e: {  	s16 =	simm.s32 @p1 $0x1FC3;
	s17 =	rddreg [dreg:$0x6]  }
0x4f: {  	[spmem:s12], [sflag:s16] =	dma.local @p1 [hbm:s17], $0x2800  }
0x50: {  	s18 =	simm.s32 @p1 $0x2800;
	s16 =	simm.s32 @p1 $0x7D;
	s17 =	simm.s32 @p1 $0x0  }
0x51: {  	[tilespmem:s18], [sflag:$0x1] =	stream.indirect.gather @p1 [hbm4b:s4+s16], $0x80, s17, s16, $0xb8;
	[tilespmem:$0x1E080] =	vst v63  }
0x52: {  	s16 =	simm.s32 @p1 $0x3  }
0x53: {  	_ =	swait.ge @p1 [sflag:s16], $0x2800  }
0x54: {  	[sflag:s16] =	ssyncset.done @p1 $0x0  }
0x55: {  	[sflag:s16] =	ssyncadd.s32 @p1 $0xFFFFD800;
	s16 =	rddreg [dreg:$0x5]  }
0x56: {  	[spmem:s9], [sflag:s13] =	dma.local @!p1 [hbm:s16], $0x2700  }
0x57: {  	s17 =	simm.s32 @!p1 $0x2800;
	s13 =	simm.s32 @!p1 $0x7D;
	s16 =	simm.s32 @!p1 $0x0  }
0x58: {  	[tilespmem:s17], [sflag:$0x1] =	stream.indirect.gather @!p1 [hbm4b:s4+s13], $0x80, s16, s13, $0xb8;
	[tilespmem:$0x1E080] =	vst v63  }
0x59: {  	s13 =	simm.s32 @!p1 $0x3  }
0x5a: {  	_ =	swait.ge @!p1 [sflag:s13], $0x2700  }
0x5b: {  	[sflag:s13] =	ssyncset.done @!p1 $0x0  }
0x5c: {  	[sflag:s13] =	ssyncadd.s32 @!p1 $0xFFFFD900  }
0x5d: {  	s16 =	simm.s32 $0x80;
	[bflag:$0x0] =	sbarrier.arrive $0xFFFF  }
0x5e: {  	[tilespmem:s24], [sflag:$0x2] =	stream.indirect.gather [hbm4b:s4+s23], $0x80, s16, s23, $0xb8;
	[tilespmem:$0x1E080] =	vst v63  }
0x5f: {  	_ =	swait.ge [sflag:s25], $0x3E80  }
0x60: {  	[sflag:s25] =	ssyncset.done $0x0  }
0x61: {  	s17 =	simm.s32 $0x1400;
	[sflag:s25] =	ssyncadd.s32 $0xFFFFC180  }
0x62: {  	[spmem:s1] =	stream.indirect.scatter.add.f32 [tilespmem:s26], [sflag:$0x4], $0x80, s17, s23, $0xb8;
	[tilespmem:$0x1E080] =	vst v63  }
0x63: {  	_ =	swait.ge [sflag:s21], $0x3E80  }
0x64: {  	[sflag:s21] =	ssyncset.done $0x0  }
0x65: {  	s18 =	simm.s32 $0x100;
	[sflag:s21] =	ssyncadd.s32 $0xFFFFC180  }
0x66: {  	[tilespmem:s26], [sflag:$0x1] =	stream.indirect.gather [hbm4b:s4+s23], $0x80, s18, s23, $0xb8;
	[tilespmem:$0x1E080] =	vst v63  }
0x67: {  	_ =	swait.ge [sflag:s28], $0x3E80  }
0x68: {  	[sflag:s28] =	ssyncset.done $0x0  }
0x69: {  	s19 =	simm.s32 $0x1480;
	[sflag:s28] =	ssyncadd.s32 $0xFFFFC180  }
0x6a: {  	[spmem:s1] =	stream.indirect.scatter.add.f32 [tilespmem:s24], [sflag:$0x4], $0x80, s19, s23, $0xb8;
	[tilespmem:$0x1E080] =	vst v63  }
0x6b: {  	_ =	swait.ge [sflag:s21], $0x3E80  }
0x6c: {  	s13 =	simm.s32 $0x100;
	s16 =	simm.s32 $0x800;
	[sflag:s21] =	ssyncset.done $0x0  }
.LBB2_3:
0x6d: {  	s17 =	sadd.s32 $0x80, s13  }
0x6e: {  	[sflag:s21] =	ssyncadd.s32 $0xFFFFC180;
	s18 =	smov.u32 s16;
	s19 =	sadd.s32 $0x400, s16  }
0x6f: {  	[tilespmem:s24], [sflag:$0x2] =	stream.indirect.gather [hbm4b:s4+s23], $0x80, s17, s23, $0xb8;
	[tilespmem:$0x1E080] =	vst v63  }
0x70: {  	p2 =	sne.s32 s16, $0x4800;
	_ =	swait.ge [sflag:s25], $0x3E80  }
0x71: {  	[sflag:s25] =	ssyncset.done $0x0  }
0x72: {  	s16 =	sadd.s32 $0x1400, s13;
	[sflag:s25] =	ssyncadd.s32 $0xFFFFC180  }
0x73: {  	[spmem:s1] =	stream.indirect.scatter.add.f32 [tilespmem:s26], [sflag:$0x4], $0x80, s16, s23, $0xb8;
	[tilespmem:$0x1E080] =	vst v63  }
0x74: {  	_ =	swait.ge [sflag:s21], $0x3E80  }
0x75: {  	[sflag:s21] =	ssyncset.done $0x0  }
0x76: {  	s16 =	sadd.s32 $0x100, s13;
	[sflag:s21] =	ssyncadd.s32 $0xFFFFC180  }
0x77: {  	[tilespmem:s26], [sflag:$0x1] =	stream.indirect.gather [hbm4b:s4+s23], $0x80, s16, s23, $0xb8;
	[tilespmem:$0x1E080] =	vst v63  }
0x78: {  	_ =	swait.ge [sflag:s28], $0x3E80  }
.Ltmp3:
0x79: {  	[sflag:s28] =	ssyncset.done $0x0;
	(pc) =	sbr.rel @p2 .LBB2_3-.Ltmp3, $4  }
0x7a: {  	s13 =	sadd.s32 $0x1480, s13;
	[sflag:s28] =	ssyncadd.s32 $0xFFFFC180  }
0x7b: {  	[spmem:s1] =	stream.indirect.scatter.add.f32 [tilespmem:s24], [sflag:$0x4], $0x80, s13, s23, $0xb8;
	[tilespmem:$0x1E080] =	vst v63  }
0x7c: {  	_ =	swait.ge [sflag:s21], $0x3E80  }
0x7d: {  	s16 =	smov.u32 s19;
	s13 =	sshra.s32 s18, $0x2;
	[sflag:s21] =	ssyncset.done $0x0  }
0x7e: {  	s16 =	sadd.s32 $0x80, s13;
	[sflag:s21] =	ssyncadd.s32 $0xFFFFC180  }
0x7f: {  	[tilespmem:s24], [sflag:$0x2] =	stream.indirect.gather [hbm4b:s4+s23], $0x80, s16, s23, $0xb8;
	[tilespmem:$0x1E080] =	vst v63  }
0x80: {  	_ =	swait.ge [sflag:s25], $0x3E80  }
0x81: {  	[sflag:s25] =	ssyncset.done $0x0  }
0x82: {  	s19 =	sadd.s32 $0x1400, s13;
	[sflag:s25] =	ssyncadd.s32 $0xFFFFC180  }
0x83: {  	[spmem:s1] =	stream.indirect.scatter.add.f32 [tilespmem:s26], [sflag:$0x4], $0x80, s19, s23, $0xb8;
	[tilespmem:$0x1E080] =	vst v63  }
0x84: {  	_ =	swait.ge [sflag:s21], $0x3E80  }
0x85: {  	[sflag:s21] =	ssyncset.done $0x0  }
0x86: {  	s17 =	sadd.s32 $0x100, s13;
	[sflag:s21] =	ssyncadd.s32 $0xFFFFC180  }
0x87: {  	[tilespmem:s26], [sflag:$0x1] =	stream.indirect.gather [hbm4b:s4+s23], $0x80, s17, s23, $0xb8;
	[tilespmem:$0x1E080] =	vst v63  }
0x88: {  	_ =	swait.ge [sflag:s28], $0x3E80  }
0x89: {  	[sflag:s28] =	ssyncset.done $0x0  }
0x8a: {  	s18 =	sadd.s32 $0x1480, s13;
	[sflag:s28] =	ssyncadd.s32 $0xFFFFC180  }
0x8b: {  	[spmem:s1] =	stream.indirect.scatter.add.f32 [tilespmem:s24], [sflag:$0x4], $0x80, s18, s23, $0xb8;
	[tilespmem:$0x1E080] =	vst v63  }
0x8c: {  	_ =	swait.ge [sflag:s21], $0x3E80  }
0x8d: {  	[sflag:s21] =	ssyncset.done $0x0  }
0x8e: {  	[sflag:s21] =	ssyncadd.s32 $0xFFFFC180  }
0x8f: {  	[tilespmem:s24], [sflag:$0x2] =	stream.indirect.gather [hbm4b:s4+s23], $0x80, s29, s23, $0xb8;
	[tilespmem:$0x1E080] =	vst v63  }
0x90: {  	_ =	swait.ge [sflag:s25], $0x3E80  }
0x91: {  	[sflag:s25] =	ssyncset.done $0x0  }
0x92: {  	[sflag:s25] =	ssyncadd.s32 $0xFFFFC180  }
0x93: {  	[spmem:s1] =	stream.indirect.scatter.add.f32 [tilespmem:s26], [sflag:$0x4], $0x80, s30, s23, $0xb8;
	[tilespmem:$0x1E080] =	vst v63  }
0x94: {  	_ =	swait.ge [sflag:s21], $0x3E80  }
0x95: {  	[sflag:s21] =	ssyncset.done $0x0  }
0x96: {  	[sflag:s21] =	ssyncadd.s32 $0xFFFFC180  }
0x97: {  	_ =	swait.ge [sflag:s28], $0x3E80  }
0x98: {  	[sflag:s28] =	ssyncset.done $0x0  }
0x99: {  	[sflag:s28] =	ssyncadd.s32 $0xFFFFC180  }
0x9a: {  	[spmem:s1] =	stream.indirect.scatter.add.f32 [tilespmem:s24], [sflag:$0x4], $0x80, s31, s23, $0xb8;
	[tilespmem:$0x1E080] =	vst v63  }
0x9b: {  	_ =	swait.ge [sflag:s21], $0x3E80  }
0x9c: {  	[sflag:s21] =	ssyncset.done $0x0  }
0x9d: {  	s19 =	simm.s32 $0x0;
	[sflag:s21] =	ssyncadd.s32 $0xFFFFC180  }
0x9e: {  	[tilespmem:s19], [sflag:$0x4] =	stream.linear.gather [hbm4b:s14+s19], $0x1400, $0x38;
	[tilespmem:$0x1E080] =	vst v63  }
0x9f: {  	_ =	swait.ge [sflag:s21], $0x1400  }
0xa0: {  	[sflag:s21] =	ssyncset.done $0x0  }
0xa1: {  	[sflag:s21] =	ssyncadd.s32 $0xFFFFEC00  }
0xa2: {  	[tilespmem:s22], [sflag:$0x4] =	stream.linear.gather [hbm4b:s15+s19], $0x1400, $0x38;
	[tilespmem:$0x1E080] =	vst v63  }
0xa3: {  	_ =	swait.ge [sflag:s21], $0x1400  }
0xa4: {  	[sflag:s21] =	ssyncset.done $0x0  }
0xa5: {  	[sflag:s21] =	ssyncadd.s32 $0xFFFFEC00  }
0xa6: {  	[tilespmem:s26], [sflag:$0x1] =	stream.indirect.gather [hbm4b:s4+s23], $0x80, s19, s23, $0xb8;
	[tilespmem:$0x1E080] =	vst v63  }
0xa7: {  	s16 =	simm.s32 $0x80  }
0xa8: {  	[tilespmem:s24], [sflag:$0x2] =	stream.indirect.gather [hbm4b:s4+s23], $0x80, s16, s23, $0xb8;
	[tilespmem:$0x1E080] =	vst v63  }
0xa9: {  	_ =	swait.ge [sflag:s25], $0x3E80  }
0xaa: {  	[sflag:s25] =	ssyncset.done $0x0  }
0xab: {  	s17 =	simm.s32 $0x1400;
	[sflag:s25] =	ssyncadd.s32 $0xFFFFC180  }
0xac: {  	[spmem:s1] =	stream.indirect.scatter.add.f32 [tilespmem:s26], [sflag:$0x4], $0x80, s17, s23, $0xb8;
	[tilespmem:$0x1E080] =	vst v63  }
0xad: {  	_ =	swait.ge [sflag:s21], $0x3E80  }
0xae: {  	[sflag:s21] =	ssyncset.done $0x0  }
0xaf: {  	s18 =	simm.s32 $0x100;
	[sflag:s21] =	ssyncadd.s32 $0xFFFFC180  }
0xb0: {  	[tilespmem:s26], [sflag:$0x1] =	stream.indirect.gather [hbm4b:s4+s23], $0x80, s18, s23, $0xb8;
	[tilespmem:$0x1E080] =	vst v63  }
0xb1: {  	_ =	swait.ge [sflag:s28], $0x3E80  }
0xb2: {  	[sflag:s28] =	ssyncset.done $0x0  }
0xb3: {  	s19 =	simm.s32 $0x1480;
	[sflag:s28] =	ssyncadd.s32 $0xFFFFC180  }
0xb4: {  	[spmem:s1] =	stream.indirect.scatter.add.f32 [tilespmem:s24], [sflag:$0x4], $0x80, s19, s23, $0xb8;
	[tilespmem:$0x1E080] =	vst v63  }
0xb5: {  	_ =	swait.ge [sflag:s21], $0x3E80  }
0xb6: {  	s13 =	simm.s32 $0x100;
	s16 =	simm.s32 $0x800;
	[sflag:s21] =	ssyncset.done $0x0  }
.LBB2_5:
0xb7: {  	s17 =	sadd.s32 $0x80, s13  }
0xb8: {  	[sflag:s21] =	ssyncadd.s32 $0xFFFFC180;
	s18 =	smov.u32 s16;
	s19 =	sadd.s32 $0x400, s16  }
0xb9: {  	[tilespmem:s24], [sflag:$0x2] =	stream.indirect.gather [hbm4b:s4+s23], $0x80, s17, s23, $0xb8;
	[tilespmem:$0x1E080] =	vst v63  }
0xba: {  	p2 =	seq.s32 s16, $0x4800;
	_ =	swait.ge [sflag:s25], $0x3E80  }
0xbb: {  	[sflag:s25] =	ssyncset.done $0x0  }
0xbc: {  	s16 =	sadd.s32 $0x1400, s13;
	[sflag:s25] =	ssyncadd.s32 $0xFFFFC180  }
0xbd: {  	[spmem:s1] =	stream.indirect.scatter.add.f32 [tilespmem:s26], [sflag:$0x4], $0x80, s16, s23, $0xb8;
	[tilespmem:$0x1E080] =	vst v63  }
0xbe: {  	_ =	swait.ge [sflag:s21], $0x3E80  }
0xbf: {  	[sflag:s21] =	ssyncset.done $0x0  }
0xc0: {  	s16 =	sadd.s32 $0x100, s13;
	[sflag:s21] =	ssyncadd.s32 $0xFFFFC180  }
0xc1: {  	[tilespmem:s26], [sflag:$0x1] =	stream.indirect.gather [hbm4b:s4+s23], $0x80, s16, s23, $0xb8;
	[tilespmem:$0x1E080] =	vst v63  }
0xc2: {  	_ =	swait.ge [sflag:s28], $0x3E80  }
.Ltmp4:
0xc3: {  	[sflag:s28] =	ssyncset.done $0x0;
	(pc) =	sbr.rel @!p2 .LBB2_5-.Ltmp4, $4  }
0xc4: {  	s13 =	sadd.s32 $0x1480, s13;
	[sflag:s28] =	ssyncadd.s32 $0xFFFFC180  }
0xc5: {  	[spmem:s1] =	stream.indirect.scatter.add.f32 [tilespmem:s24], [sflag:$0x4], $0x80, s13, s23, $0xb8;
	[tilespmem:$0x1E080] =	vst v63  }
0xc6: {  	_ =	swait.ge [sflag:s21], $0x3E80  }
0xc7: {  	s16 =	smov.u32 s19;
	s13 =	sshra.s32 s18, $0x2;
	[sflag:s21] =	ssyncset.done $0x0  }
0xc8: {  	s16 =	sadd.s32 $0x80, s13;
	[sflag:s21] =	ssyncadd.s32 $0xFFFFC180  }
0xc9: {  	[tilespmem:s24], [sflag:$0x2] =	stream.indirect.gather [hbm4b:s4+s23], $0x80, s16, s23, $0xb8;
	[tilespmem:$0x1E080] =	vst v63  }
0xca: {  	_ =	swait.ge [sflag:s25], $0x3E80  }
0xcb: {  	[sflag:s25] =	ssyncset.done $0x0  }
0xcc: {  	s17 =	sadd.s32 $0x1400, s13;
	[sflag:s25] =	ssyncadd.s32 $0xFFFFC180  }
0xcd: {  	[spmem:s1] =	stream.indirect.scatter.add.f32 [tilespmem:s26], [sflag:$0x4], $0x80, s17, s23, $0xb8;
	[tilespmem:$0x1E080] =	vst v63  }
0xce: {  	_ =	swait.ge [sflag:s21], $0x3E80  }
0xcf: {  	[sflag:s21] =	ssyncset.done $0x0  }
0xd0: {  	s18 =	sadd.s32 $0x100, s13;
	[sflag:s21] =	ssyncadd.s32 $0xFFFFC180  }
0xd1: {  	[tilespmem:s26], [sflag:$0x1] =	stream.indirect.gather [hbm4b:s4+s23], $0x80, s18, s23, $0xb8;
	[tilespmem:$0x1E080] =	vst v63  }
0xd2: {  	_ =	swait.ge [sflag:s28], $0x3E80  }
0xd3: {  	[sflag:s28] =	ssyncset.done $0x0  }
0xd4: {  	s19 =	sadd.s32 $0x1480, s13;
	[sflag:s28] =	ssyncadd.s32 $0xFFFFC180  }
0xd5: {  	[spmem:s1] =	stream.indirect.scatter.add.f32 [tilespmem:s24], [sflag:$0x4], $0x80, s19, s23, $0xb8;
	[tilespmem:$0x1E080] =	vst v63  }
0xd6: {  	_ =	swait.ge [sflag:s21], $0x3E80  }
0xd7: {  	[sflag:s21] =	ssyncset.done $0x0  }
0xd8: {  	[sflag:s21] =	ssyncadd.s32 $0xFFFFC180  }
0xd9: {  	[tilespmem:s24], [sflag:$0x2] =	stream.indirect.gather [hbm4b:s4+s23], $0x80, s29, s23, $0xb8;
	[tilespmem:$0x1E080] =	vst v63  }
0xda: {  	_ =	swait.ge [sflag:s25], $0x3E80  }
0xdb: {  	[sflag:s25] =	ssyncset.done $0x0  }
0xdc: {  	[sflag:s25] =	ssyncadd.s32 $0xFFFFC180  }
0xdd: {  	[spmem:s1] =	stream.indirect.scatter.add.f32 [tilespmem:s26], [sflag:$0x4], $0x80, s30, s23, $0xb8;
	[tilespmem:$0x1E080] =	vst v63  }
0xde: {  	_ =	swait.ge [sflag:s21], $0x3E80  }
0xdf: {  	[sflag:s21] =	ssyncset.done $0x0  }
0xe0: {  	[sflag:s21] =	ssyncadd.s32 $0xFFFFC180  }
0xe1: {  	_ =	swait.ge [sflag:s28], $0x3E80  }
0xe2: {  	[sflag:s28] =	ssyncset.done $0x0  }
0xe3: {  	[sflag:s28] =	ssyncadd.s32 $0xFFFFC180  }
0xe4: {  	[spmem:s1] =	stream.indirect.scatter.add.f32 [tilespmem:s24], [sflag:$0x4], $0x80, s31, s23, $0xb8;
	[tilespmem:$0x1E080] =	vst v63  }
0xe5: {  	_ =	swait.ge [sflag:s21], $0x3E80  }
0xe6: {  	[sflag:s21] =	ssyncset.done $0x0  }
0xe7: {  	[sflag:s21] =	ssyncadd.s32 $0xFFFFC180  }
0xe8: {  	[bflag:$0x0] =	sbarrier.arrive $0xFFFF  }
0xe9: {  	s13 =	simm.s32 @p1 $0x1FC4;
	s16 =	rddreg [dreg:$0xa]  }
0xea: {  	[hbm:s16], [sflag:s13] =	dma.local @p1 [spmem:s12], $0x2800  }
0xeb: {  	s12 =	simm.s32 @p1 $0x4  }
0xec: {  	_ =	swait.ge @p1 [sflag:s12], $0x2800  }
0xed: {  	[sflag:s12] =	ssyncset.done @p1 $0x0  }
0xee: {  	[sflag:s12] =	ssyncadd.s32 @p1 $0xFFFFD800;
	s12 =	rddreg [dreg:$0x9]  }
0xef: {  	[hbm:s12], [sflag:s11] =	dma.local @!p1 [spmem:s9], $0x2700  }
.Ltmp5:
0xf0: {  	_ = 	snop;
	(pc) =	sbr.rel .LBB2_12-.Ltmp5, $4  }
0xf1: {  	s9 =	simm.s32 @!p1 $0x4  }
0xf2: {  	_ =	swait.ge @!p1 [sflag:s9], $0x2700  }
0xf3: {  	[sflag:s9] =	ssyncset.done @!p1 $0x0  }
0xf4: {  	[sflag:s9] =	ssyncadd.s32 @!p1 $0xFFFFD900  }
.LBB2_7:
0xf5: {  	s16 =	simm.s32 @p1 $0x1FC3;
	s17 =	rddreg [dreg:$0x4]  }
0xf6: {  	[spmem:s12], [sflag:s16] =	dma.local @p1 [hbm:s17], $0x2800  }
0xf7: {  	s18 =	simm.s32 @p1 $0x2800;
	s16 =	simm.s32 @p1 $0x7D;
	s17 =	simm.s32 @p1 $0x0  }
0xf8: {  	[tilespmem:s18], [sflag:$0x1] =	stream.indirect.gather @p1 [hbm4b:s5+s16], $0x80, s17, s16, $0xb8;
	[tilespmem:$0x1E080] =	vst v63  }
0xf9: {  	s16 =	simm.s32 @p1 $0x3  }
0xfa: {  	_ =	swait.ge @p1 [sflag:s16], $0x2800  }
0xfb: {  	[sflag:s16] =	ssyncset.done @p1 $0x0  }
0xfc: {  	[sflag:s16] =	ssyncadd.s32 @p1 $0xFFFFD800;
	s16 =	rddreg [dreg:$0x3]  }
0xfd: {  	[spmem:s9], [sflag:s13] =	dma.local @!p1 [hbm:s16], $0x2700  }
0xfe: {  	s17 =	simm.s32 @!p1 $0x2800;
	s13 =	simm.s32 @!p1 $0x7D;
	s16 =	simm.s32 @!p1 $0x0  }
0xff: {  	[tilespmem:s17], [sflag:$0x1] =	stream.indirect.gather @!p1 [hbm4b:s5+s13], $0x80, s16, s13, $0xb8;
	[tilespmem:$0x1E080] =	vst v63  }
0x100: {  	s13 =	simm.s32 @!p1 $0x3  }
0x101: {  	_ =	swait.ge @!p1 [sflag:s13], $0x2700  }
0x102: {  	[sflag:s13] =	ssyncset.done @!p1 $0x0  }
0x103: {  	[sflag:s13] =	ssyncadd.s32 @!p1 $0xFFFFD900  }
0x104: {  	s16 =	simm.s32 $0x80;
	[bflag:$0x0] =	sbarrier.arrive $0xFFFF  }
0x105: {  	[tilespmem:s24], [sflag:$0x2] =	stream.indirect.gather [hbm4b:s5+s23], $0x80, s16, s23, $0xb8;
	[tilespmem:$0x1E080] =	vst v63  }
0x106: {  	_ =	swait.ge [sflag:s25], $0x3E80  }
0x107: {  	[sflag:s25] =	ssyncset.done $0x0  }
0x108: {  	s17 =	simm.s32 $0x1400;
	[sflag:s25] =	ssyncadd.s32 $0xFFFFC180  }
0x109: {  	[spmem:s1] =	stream.indirect.scatter.add.f32 [tilespmem:s26], [sflag:$0x4], $0x80, s17, s23, $0xb8;
	[tilespmem:$0x1E080] =	vst v63  }
0x10a: {  	_ =	swait.ge [sflag:s21], $0x3E80  }
0x10b: {  	[sflag:s21] =	ssyncset.done $0x0  }
0x10c: {  	s18 =	simm.s32 $0x100;
	[sflag:s21] =	ssyncadd.s32 $0xFFFFC180  }
0x10d: {  	[tilespmem:s26], [sflag:$0x1] =	stream.indirect.gather [hbm4b:s5+s23], $0x80, s18, s23, $0xb8;
	[tilespmem:$0x1E080] =	vst v63  }
0x10e: {  	_ =	swait.ge [sflag:s28], $0x3E80  }
0x10f: {  	[sflag:s28] =	ssyncset.done $0x0  }
0x110: {  	s19 =	simm.s32 $0x1480;
	[sflag:s28] =	ssyncadd.s32 $0xFFFFC180  }
0x111: {  	[spmem:s1] =	stream.indirect.scatter.add.f32 [tilespmem:s24], [sflag:$0x4], $0x80, s19, s23, $0xb8;
	[tilespmem:$0x1E080] =	vst v63  }
0x112: {  	_ =	swait.ge [sflag:s21], $0x3E80  }
0x113: {  	s13 =	simm.s32 $0x100;
	s16 =	simm.s32 $0x800;
	[sflag:s21] =	ssyncset.done $0x0  }
.LBB2_8:
0x114: {  	s17 =	sadd.s32 $0x80, s13  }
0x115: {  	[sflag:s21] =	ssyncadd.s32 $0xFFFFC180;
	s18 =	smov.u32 s16;
	s19 =	sadd.s32 $0x400, s16  }
0x116: {  	[tilespmem:s24], [sflag:$0x2] =	stream.indirect.gather [hbm4b:s5+s23], $0x80, s17, s23, $0xb8;
	[tilespmem:$0x1E080] =	vst v63  }
0x117: {  	p2 =	sne.s32 s16, $0x4800;
	_ =	swait.ge [sflag:s25], $0x3E80  }
0x118: {  	[sflag:s25] =	ssyncset.done $0x0  }
0x119: {  	s16 =	sadd.s32 $0x1400, s13;
	[sflag:s25] =	ssyncadd.s32 $0xFFFFC180  }
0x11a: {  	[spmem:s1] =	stream.indirect.scatter.add.f32 [tilespmem:s26], [sflag:$0x4], $0x80, s16, s23, $0xb8;
	[tilespmem:$0x1E080] =	vst v63  }
0x11b: {  	_ =	swait.ge [sflag:s21], $0x3E80  }
0x11c: {  	[sflag:s21] =	ssyncset.done $0x0  }
0x11d: {  	s16 =	sadd.s32 $0x100, s13;
	[sflag:s21] =	ssyncadd.s32 $0xFFFFC180  }
0x11e: {  	[tilespmem:s26], [sflag:$0x1] =	stream.indirect.gather [hbm4b:s5+s23], $0x80, s16, s23, $0xb8;
	[tilespmem:$0x1E080] =	vst v63  }
0x11f: {  	_ =	swait.ge [sflag:s28], $0x3E80  }
.Ltmp6:
0x120: {  	[sflag:s28] =	ssyncset.done $0x0;
	(pc) =	sbr.rel @p2 .LBB2_8-.Ltmp6, $4  }
0x121: {  	s13 =	sadd.s32 $0x1480, s13;
	[sflag:s28] =	ssyncadd.s32 $0xFFFFC180  }
0x122: {  	[spmem:s1] =	stream.indirect.scatter.add.f32 [tilespmem:s24], [sflag:$0x4], $0x80, s13, s23, $0xb8;
	[tilespmem:$0x1E080] =	vst v63  }
0x123: {  	_ =	swait.ge [sflag:s21], $0x3E80  }
0x124: {  	s16 =	smov.u32 s19;
	s13 =	sshra.s32 s18, $0x2;
	[sflag:s21] =	ssyncset.done $0x0  }
0x125: {  	s16 =	sadd.s32 $0x80, s13;
	[sflag:s21] =	ssyncadd.s32 $0xFFFFC180  }
0x126: {  	[tilespmem:s24], [sflag:$0x2] =	stream.indirect.gather [hbm4b:s5+s23], $0x80, s16, s23, $0xb8;
	[tilespmem:$0x1E080] =	vst v63  }
0x127: {  	_ =	swait.ge [sflag:s25], $0x3E80  }
0x128: {  	[sflag:s25] =	ssyncset.done $0x0  }
0x129: {  	s19 =	sadd.s32 $0x1400, s13;
	[sflag:s25] =	ssyncadd.s32 $0xFFFFC180  }
0x12a: {  	[spmem:s1] =	stream.indirect.scatter.add.f32 [tilespmem:s26], [sflag:$0x4], $0x80, s19, s23, $0xb8;
	[tilespmem:$0x1E080] =	vst v63  }
0x12b: {  	_ =	swait.ge [sflag:s21], $0x3E80  }
0x12c: {  	[sflag:s21] =	ssyncset.done $0x0  }
0x12d: {  	s17 =	sadd.s32 $0x100, s13;
	[sflag:s21] =	ssyncadd.s32 $0xFFFFC180  }
0x12e: {  	[tilespmem:s26], [sflag:$0x1] =	stream.indirect.gather [hbm4b:s5+s23], $0x80, s17, s23, $0xb8;
	[tilespmem:$0x1E080] =	vst v63  }
0x12f: {  	_ =	swait.ge [sflag:s28], $0x3E80  }
0x130: {  	[sflag:s28] =	ssyncset.done $0x0  }
0x131: {  	s18 =	sadd.s32 $0x1480, s13;
	[sflag:s28] =	ssyncadd.s32 $0xFFFFC180  }
0x132: {  	[spmem:s1] =	stream.indirect.scatter.add.f32 [tilespmem:s24], [sflag:$0x4], $0x80, s18, s23, $0xb8;
	[tilespmem:$0x1E080] =	vst v63  }
0x133: {  	_ =	swait.ge [sflag:s21], $0x3E80  }
0x134: {  	[sflag:s21] =	ssyncset.done $0x0  }
0x135: {  	[sflag:s21] =	ssyncadd.s32 $0xFFFFC180  }
0x136: {  	[tilespmem:s24], [sflag:$0x2] =	stream.indirect.gather [hbm4b:s5+s23], $0x80, s29, s23, $0xb8;
	[tilespmem:$0x1E080] =	vst v63  }
0x137: {  	_ =	swait.ge [sflag:s25], $0x3E80  }
0x138: {  	[sflag:s25] =	ssyncset.done $0x0  }
0x139: {  	[sflag:s25] =	ssyncadd.s32 $0xFFFFC180  }
0x13a: {  	[spmem:s1] =	stream.indirect.scatter.add.f32 [tilespmem:s26], [sflag:$0x4], $0x80, s30, s23, $0xb8;
	[tilespmem:$0x1E080] =	vst v63  }
0x13b: {  	_ =	swait.ge [sflag:s21], $0x3E80  }
0x13c: {  	[sflag:s21] =	ssyncset.done $0x0  }
0x13d: {  	[sflag:s21] =	ssyncadd.s32 $0xFFFFC180  }
0x13e: {  	_ =	swait.ge [sflag:s28], $0x3E80  }
0x13f: {  	[sflag:s28] =	ssyncset.done $0x0  }
0x140: {  	[sflag:s28] =	ssyncadd.s32 $0xFFFFC180  }
0x141: {  	[spmem:s1] =	stream.indirect.scatter.add.f32 [tilespmem:s24], [sflag:$0x4], $0x80, s31, s23, $0xb8;
	[tilespmem:$0x1E080] =	vst v63  }
0x142: {  	_ =	swait.ge [sflag:s21], $0x3E80  }
0x143: {  	[sflag:s21] =	ssyncset.done $0x0  }
0x144: {  	s19 =	simm.s32 $0x0;
	[sflag:s21] =	ssyncadd.s32 $0xFFFFC180  }
0x145: {  	[tilespmem:s19], [sflag:$0x4] =	stream.linear.gather [hbm4b:s14+s19], $0x1400, $0x38;
	[tilespmem:$0x1E080] =	vst v63  }
0x146: {  	_ =	swait.ge [sflag:s21], $0x1400  }
0x147: {  	[sflag:s21] =	ssyncset.done $0x0  }
0x148: {  	[sflag:s21] =	ssyncadd.s32 $0xFFFFEC00  }
0x149: {  	[tilespmem:s22], [sflag:$0x4] =	stream.linear.gather [hbm4b:s15+s19], $0x1400, $0x38;
	[tilespmem:$0x1E080] =	vst v63  }
0x14a: {  	_ =	swait.ge [sflag:s21], $0x1400  }
0x14b: {  	[sflag:s21] =	ssyncset.done $0x0  }
0x14c: {  	[sflag:s21] =	ssyncadd.s32 $0xFFFFEC00  }
0x14d: {  	[tilespmem:s26], [sflag:$0x1] =	stream.indirect.gather [hbm4b:s5+s23], $0x80, s19, s23, $0xb8;
	[tilespmem:$0x1E080] =	vst v63  }
0x14e: {  	s16 =	simm.s32 $0x80  }
0x14f: {  	[tilespmem:s24], [sflag:$0x2] =	stream.indirect.gather [hbm4b:s5+s23], $0x80, s16, s23, $0xb8;
	[tilespmem:$0x1E080] =	vst v63  }
0x150: {  	_ =	swait.ge [sflag:s25], $0x3E80  }
0x151: {  	[sflag:s25] =	ssyncset.done $0x0  }
0x152: {  	s17 =	simm.s32 $0x1400;
	[sflag:s25] =	ssyncadd.s32 $0xFFFFC180  }
0x153: {  	[spmem:s1] =	stream.indirect.scatter.add.f32 [tilespmem:s26], [sflag:$0x4], $0x80, s17, s23, $0xb8;
	[tilespmem:$0x1E080] =	vst v63  }
0x154: {  	_ =	swait.ge [sflag:s21], $0x3E80  }
0x155: {  	[sflag:s21] =	ssyncset.done $0x0  }
0x156: {  	s18 =	simm.s32 $0x100;
	[sflag:s21] =	ssyncadd.s32 $0xFFFFC180  }
0x157: {  	[tilespmem:s26], [sflag:$0x1] =	stream.indirect.gather [hbm4b:s5+s23], $0x80, s18, s23, $0xb8;
	[tilespmem:$0x1E080] =	vst v63  }
0x158: {  	_ =	swait.ge [sflag:s28], $0x3E80  }
0x159: {  	[sflag:s28] =	ssyncset.done $0x0  }
0x15a: {  	s19 =	simm.s32 $0x1480;
	[sflag:s28] =	ssyncadd.s32 $0xFFFFC180  }
0x15b: {  	[spmem:s1] =	stream.indirect.scatter.add.f32 [tilespmem:s24], [sflag:$0x4], $0x80, s19, s23, $0xb8;
	[tilespmem:$0x1E080] =	vst v63  }
0x15c: {  	_ =	swait.ge [sflag:s21], $0x3E80  }
0x15d: {  	s13 =	simm.s32 $0x100;
	s16 =	simm.s32 $0x800;
	[sflag:s21] =	ssyncset.done $0x0  }
.LBB2_10:
0x15e: {  	s17 =	sadd.s32 $0x80, s13  }
0x15f: {  	[sflag:s21] =	ssyncadd.s32 $0xFFFFC180;
	s18 =	smov.u32 s16;
	s19 =	sadd.s32 $0x400, s16  }
0x160: {  	[tilespmem:s24], [sflag:$0x2] =	stream.indirect.gather [hbm4b:s5+s23], $0x80, s17, s23, $0xb8;
	[tilespmem:$0x1E080] =	vst v63  }
0x161: {  	p2 =	sne.s32 s16, $0x4800;
	_ =	swait.ge [sflag:s25], $0x3E80  }
0x162: {  	[sflag:s25] =	ssyncset.done $0x0  }
0x163: {  	s16 =	sadd.s32 $0x1400, s13;
	[sflag:s25] =	ssyncadd.s32 $0xFFFFC180  }
0x164: {  	[spmem:s1] =	stream.indirect.scatter.add.f32 [tilespmem:s26], [sflag:$0x4], $0x80, s16, s23, $0xb8;
	[tilespmem:$0x1E080] =	vst v63  }
0x165: {  	_ =	swait.ge [sflag:s21], $0x3E80  }
0x166: {  	[sflag:s21] =	ssyncset.done $0x0  }
0x167: {  	s16 =	sadd.s32 $0x100, s13;
	[sflag:s21] =	ssyncadd.s32 $0xFFFFC180  }
0x168: {  	[tilespmem:s26], [sflag:$0x1] =	stream.indirect.gather [hbm4b:s5+s23], $0x80, s16, s23, $0xb8;
	[tilespmem:$0x1E080] =	vst v63  }
0x169: {  	_ =	swait.ge [sflag:s28], $0x3E80  }
.Ltmp7:
0x16a: {  	[sflag:s28] =	ssyncset.done $0x0;
	(pc) =	sbr.rel @p2 .LBB2_10-.Ltmp7, $4  }
0x16b: {  	s13 =	sadd.s32 $0x1480, s13;
	[sflag:s28] =	ssyncadd.s32 $0xFFFFC180  }
0x16c: {  	[spmem:s1] =	stream.indirect.scatter.add.f32 [tilespmem:s24], [sflag:$0x4], $0x80, s13, s23, $0xb8;
	[tilespmem:$0x1E080] =	vst v63  }
0x16d: {  	_ =	swait.ge [sflag:s21], $0x3E80  }
0x16e: {  	s16 =	smov.u32 s19;
	s13 =	sshra.s32 s18, $0x2;
	[sflag:s21] =	ssyncset.done $0x0  }
.Ltmp8:
0x16f: {  	_ = 	snop;
	(pc) =	sbr.rel .LBB2_11-.Ltmp8, $1  }
0x170: {  	_ =	sdelay $0x3  }
.LBB2_13:
0x171: {  	_ =	sfence.sel $0x180000  }
0x172: {  	[bflag:$0x0] =	sbarrier.arrive $0xFFFF  }
0x173: {  	_ =	strace $0x9000004A  }
0x174: {  	[bflag:$0x2] =	sbarrier.arrive $0xFFFF  }
0x175: {  	p0 =	sne.s32 s3, $0x0;
	s0 =	rddreg [dreg:$0x2]  }
0x176: {  	s0 =	sadd.s32 @!p0 $0x100000, s0  }
0x177: {  	[sflag:s0] =	ssyncadd.tile.s32 @!p0 $0x1;
	_ =	shalt  }
.Lfunc_end2:
_tile_overlayer_lowered:
.L_overlay_start_2:
0x178: {  	(tag) =	ssettag $0x2  }
0x179: {  	s0 =	rddreg [dreg:$0x0];
	s2 =	stileid.u32  }
0x17a: {  	s1 =	rddreg [dreg:$0x1];
	p0 =	sne.s32 s2, $0x0  }
0x17b: {  	s3 =	rddreg [dreg:$0x2];
	[bflag:$0x3] =	sbarrier.arrive $0xFFFF;
	s2 =	simm.s32 @!p0 $0x1C04  }
0x17c: {  	[timem:s3], [sflag:s2] =	dma.local @!p0 [hbm:s0], s1  }
0x17d: {  	s0 =	simm.s32 @!p0 $0x4  }
0x17e: {  	_ =	swait.ge @!p0 [sflag:s0], s1  }
0x17f: {  	s1 =	ssub.s32 @!p0 $0x0, s1;
	[sflag:s0] =	ssyncset.done @!p0 $0x0  }
0x180: {  	[sflag:s0] =	ssyncadd.s32 @!p0 s1  }
0x181: {  	[bflag:$0x3] =	sbarrier.arrive $0xFFFF  }
0x182: {  	_ =	shalt  }

// kernel: kernel.16.cloned.1.call-start
scs
__scs_entry_jumppad:
0x0: {  	(pc) =	sbr.rel $0x88, $3  }
0x1: {  	(tag) =	ssettag $0x0;
	lr =	simm.s32 $0x1  }
0x2: {  	[smem:$0x3F9B] =	sst lr;
	_ =	strace $0xD0000000  }
0x3: {  	_ = 	snop  }
0x4: {  	_ = 	snop  }
0x5: {  	_ = 	snop  }
0x6: {  	_ = 	snop  }
0x7: {  	_ = 	snop  }
__scs_overlays_trampoline_lowered:
0x8: {  	[smem:$0x3FAA] =	sst s0  }
0x9: {  	[smem:$0x3FAB] =	sst s1  }
0xa: {  	[smem:$0x3FAC] =	sst s2  }
0xb: {  	[smem:$0x3FAD] =	sst s3  }
0xc: {  	[smem:$0x3FAE] =	sst s4  }
0xd: {  	[smem:$0x3FAF] =	sst s5  }
0xe: {  	[smem:$0x3FB0] =	sst s6  }
0xf: {  	[smem:$0x3FB1] =	sst s7  }
0x10: {  	[smem:$0x3FB2] =	sst s8  }
0x11: {  	[smem:$0x3FB3] =	sst s9;
	s0 =	simm.s32 @!p0 $0x0  }
0x12: {  	s1 =	sld [smem:$0x3F99];
	s0 =	simm.s32 @p0 $0x1  }
0x13: {  	[smem:$0x3FB4] =	sst s0;
	s0 =	simm.s32 @!p1 $0x0  }
0x14: {  	s2 =	sld [smem:$0x3F98];
	s0 =	simm.s32 @p1 $0x1  }
0x15: {  	[smem:$0x3FB5] =	sst s0;
	s0 =	simm.s32 @!p2 $0x0  }
0x16: {  	s3 =	sld [smem:$0x3FDB];
	s0 =	simm.s32 @p2 $0x1  }
0x17: {  	s4 =	simm.s32 $0x1BF5;
	[smem:$0x3FB7] =	sst s0  }
0x18: {  	s0 =	sld [smem:$0x3F9A];
	_ =	swait.ge [sflag:s4], $0x0  }
0x19: {  	s7 =	sld [smem:$0x3F9B]  }
0x1a: {  	s8 =	sadd.s32 $0xFFFFE003, lr  }
0x1b: {  	s9 =	sadd.s32 $0xFFFFFEF7, lr;
	s5 =	simm.s32 $0xFFFFFFFF;
	p2 =	slt.u32 s8, $0xFFFFF086  }
0x1c: {  	p1 =	slt.u32 s9, $0xF7A;
	s5 =	simm.s32 @!p2 $0x0  }
0x1d: {  	s5 =	simm.s32 @p1 $0x1;
	p0 =	seq.s32 s7, s2  }
0x1e: {  	s7 =	smul.u32 @!p0 $0xF7A, s2;
	p2 =	seq.s32 @!p0 s5, $0x0  }
0x1f: {  	s9 =	smul.u32 $0xF7A, s1;
	s8 =	simm.s32 @!p0 $0x1BF5;
	p2 =	por !p2, p0  }
0x20: {  	[sflag:s8] =	ssyncset.s32 @!p0 $0xFFFFF086;
	s6 =	sadd.s32 @!p0 s3, s7;
	s7 =	simm.s32 @!p0 $0x108  }
0x21: {  	s3 =	sadd.s32 s3, s9;
	s6 =	sadd.s32 @!p0 $0x88, s6;
	s7 =	simm.s32 @p2 $0x1082  }
0x22: {  	[simem:s7], [sflag:s8] =	dma.local @!p0 [hbm:s6], $0xF7A  }
0x23: {  	s9 =	sor.u32 $0xD0000000, s2;
	s6 =	simm.s32 $0x108;
	_ =	swait.ge @!p0 [sflag:s8], $0x0  }
0x24: {  	s3 =	sadd.s32 $0x88, s3;
	s6 =	simm.s32 @!p1 $0x1082;
	[sflag:s4] =	ssyncset.s32 $0xFFFFF086  }
0x25: {  	[simem:s6], [sflag:s4] =	dma.local [hbm:s3], $0xF7A  }
0x26: {  	[smem:$0x3F9B] =	sst s1;
	(tag) =	ssettag s2;
	_ =	strace s9  }
0x27: {  	s1 =	sld [smem:$0x3FAB]  }
0x28: {  	s2 =	sld [smem:$0x3FAC]  }
0x29: {  	s4 =	sld [smem:$0x3FAE]  }
0x2a: {  	p0 =	seq.s32 s5, $0x0;
	s5 =	sld [smem:$0x3FAF]  }
0x2b: {  	s6 =	sld [smem:$0x3FB0]  }
0x2c: {  	s7 =	sld [smem:$0x3FB1]  }
0x2d: {  	s3 =	simm.s32 $0x108;
	s8 =	sld [smem:$0x3FB2]  }
0x2e: {  	s3 =	simm.s32 @!p0 $0x1082;
	s9 =	sld [smem:$0x3FB3]  }
0x2f: {  	lr =	sadd.s32 s0, s3;
	s0 =	sld [smem:$0x3FAA]  }
0x30: {  	s3 =	sld [smem:$0x3FAD]  }
0x31: {  	[smem:$0x3FB6] =	sst s10  }
0x32: {  	s10 =	sld [smem:$0x3FB4];
	_ =	sdelay $0x3  }
0x33: {  	p0 =	seq.s32 s10, $0x1;
	s10 =	sld [smem:$0x3FB6];
	_ =	sdelay $0x3  }
0x34: {  	[smem:$0x3FB6] =	sst s10  }
0x35: {  	s10 =	sld [smem:$0x3FB5];
	_ =	sdelay $0x3  }
0x36: {  	p1 =	seq.s32 s10, $0x1;
	s10 =	sld [smem:$0x3FB6];
	_ =	sdelay $0x3  }
0x37: {  	[smem:$0x3FB6] =	sst s10  }
0x38: {  	s10 =	sld [smem:$0x3FB7]  }
0x39: {  	_ = 	snop;
	(pc) =	sbr.ind lr, $3  }
0x3a: {  	_ = 	snop  }
0x3b: {  	_ = 	snop  }
0x3c: {  	p2 =	seq.s32 s10, $0x1;
	s10 =	sld [smem:$0x3FB6]  }
0x3d: {  	_ =	shalt  }
0x3e: {  	_ =	shalt  }
0x3f: {  	_ =	shalt  }
0x40: {  	_ =	shalt  }
0x41: {  	_ =	shalt  }
0x42: {  	_ =	shalt  }
0x43: {  	_ =	shalt  }
0x44: {  	_ =	shalt  }
0x45: {  	_ =	shalt  }
0x46: {  	_ =	shalt  }
0x47: {  	_ =	shalt  }
0x48: {  	_ =	shalt  }
0x49: {  	_ =	shalt  }
0x4a: {  	_ =	shalt  }
0x4b: {  	_ =	shalt  }
0x4c: {  	_ =	shalt  }
0x4d: {  	_ =	shalt  }
0x4e: {  	_ =	shalt  }
0x4f: {  	_ =	shalt  }
0x50: {  	_ =	shalt  }
0x51: {  	_ =	shalt  }
0x52: {  	_ =	shalt  }
0x53: {  	_ =	shalt  }
0x54: {  	_ =	shalt  }
0x55: {  	_ =	shalt  }
0x56: {  	_ =	shalt  }
0x57: {  	_ =	shalt  }
0x58: {  	_ =	shalt  }
0x59: {  	_ =	shalt  }
0x5a: {  	_ =	shalt  }
0x5b: {  	_ =	shalt  }
0x5c: {  	_ =	shalt  }
0x5d: {  	_ =	shalt  }
0x5e: {  	_ =	shalt  }
0x5f: {  	_ =	shalt  }
0x60: {  	_ =	shalt  }
0x61: {  	_ =	shalt  }
0x62: {  	_ =	shalt  }
0x63: {  	_ =	shalt  }
0x64: {  	_ =	shalt  }
0x65: {  	_ =	shalt  }
0x66: {  	_ =	shalt  }
0x67: {  	_ =	shalt  }
0x68: {  	_ =	shalt  }
0x69: {  	_ =	shalt  }
0x6a: {  	_ =	shalt  }
0x6b: {  	_ =	shalt  }
0x6c: {  	_ =	shalt  }
0x6d: {  	_ =	shalt  }
0x6e: {  	_ =	shalt  }
0x6f: {  	_ =	shalt  }
0x70: {  	_ =	shalt  }
0x71: {  	_ =	shalt  }
0x72: {  	_ =	shalt  }
0x73: {  	_ =	shalt  }
0x74: {  	_ =	shalt  }
0x75: {  	_ =	shalt  }
0x76: {  	_ =	shalt  }
0x77: {  	_ =	shalt  }
0x78: {  	_ =	shalt  }
0x79: {  	_ =	shalt  }
0x7a: {  	_ =	shalt  }
0x7b: {  	_ =	shalt  }
0x7c: {  	_ =	shalt  }
0x7d: {  	_ =	shalt  }
0x7e: {  	_ =	shalt  }
0x7f: {  	_ =	shalt  }
0x80: {  	_ =	shalt  }
0x81: {  	_ =	shalt  }
0x82: {  	_ =	shalt  }
0x83: {  	_ =	shalt  }
0x84: {  	_ =	shalt  }
0x85: {  	_ =	shalt  }
0x86: {  	_ =	shalt  }
0x87: {  	_ =	shalt  }
.Lfunc_end0:
.L_simem_size_0:
called_computation.2_lowered:
.L_overlay_start_0:
0x88: {  	s2 =	sld [smem:$0x3FD9]  }
0x89: {  	s3 =	sld [smem:$0x3FFE];
	_ =	sdelay $0x1  }
0x8a: {  	s1 =	srdreg.scid  }
0x8b: {  	s0 =	sand.u32 $0x1, s1  }
0x8c: {  	s16 =	sshll.u32 s0, $0xA;
	s2 =	sadd.s32 s3, s2  }
0x8d: {  	s2 =	sadd.s32 s2, s16  }
0x8e: {  	[smem:$0x3FC2] =	sst s2  }
0x8f: {  	_ = 	snop  }
0x90: {  	(tm) =	ssettm $0x1  }
0x91: {  	s17 =	sld [smem:$0x3FFB];
	_ =	sdelay $0x3  }
0x92: {  	_ =	strace s17  }
0x93: {  	s2 =	sld [smem:$0x3FFC];
	_ =	sdelay $0x3  }
0x94: {  	_ =	strace s2  }
0x95: {  	s2 =	sld [smem:$0x3FFD];
	_ =	sdelay $0x3  }
0x96: {  	_ =	strace s2  }
0x97: {  	_ =	strace $0x8FFFFFFF  }
0x98: {  	s18 =	sld [smem:$0x3FDB];
	_ =	sdelay $0x1  }
0x99: {  	s19 =	simm.s32 $_scs_section_size  }
0x9a: {  	s4 =	simm.s32 $_size__tile_overlayer_lowered;
	s5 =	simm.s32 $_tile_overlayer_lowered  }
0x9b: {  	s22 =	simm.s32 $0x1BFF;
	s21 =	sshll.u32 s5, $0x1;
	s2 =	sadd.s32 s19, s18  }
0x9c: {  	s6 =	simm.s32 $0x0;
	s20 =	sshll.u32 s4, $0x1;
	s4 =	sadd.s32 s21, s2  }
0x9d: {  	[timem:s6], [sflag:s22] =	dma.local [hbm:s4], s20  }
0x9e: {  	_ =	swait.ge [sflag:s22], s20  }
0x9f: {  	s3 =	ssub.s32 $0x0, s20;
	[sflag:s22] =	ssyncset.done $0x0  }
0xa0: {  	[sflag:s22] =	ssyncadd.s32 s3;
	_ =	sdelay $0x1  }
0xa1: {  	s23 =	simm.s32 $0x1B8B  }
0xa2: {  	_ =	swait.ge [sflag:s23], $0x1  }
0xa3: {  	[sflag:s23] =	ssyncset.done $0x0  }
0xa4: {  	s25 =	simm.s32 $0x1B8E;
	s24 =	sld [smem:$0x3FFE];
	[sflag:s23] =	ssyncadd.s32 $0xFFFFFFFF  }
0xa5: {  	s26 =	simm.s32 $execute0_lowered;
	[smem:$0x3FD2] =	sst s25  }
0xa6: {  	s4 =	sshll.u32 s26, $0x1;
	_ =	strace $0x8000004C;
	[dreg:$0x1] =	wrdreg $0xFFFFFFFF  }
0xa7: {  	s28 =	simm.s32 $_size_execute0_lowered;
	s2 =	sadd.s32 s2, s4;
	[dreg:$0x0] =	wrdreg $0x0  }
0xa8: {  	s4 =	sshll.u32 s28, $0x1;
	[dreg:$0x2] =	wrdreg s2  }
0xa9: {  	[dreg:$0x3] =	wrdreg s4  }
0xaa: {  	[dreg:$0x4] =	wrdreg $0xC0  }
0xab: {  	_ =	task [dreg:s6], $0x5FFFF  }
0xac: {  	[dreg:$0x1] =	wrdreg $0xFFFFFFFF  }
0xad: {  	[dreg:$0x0] =	wrdreg $0x60  }
0xae: {  	[dreg:$0x2] =	wrdreg s24  }
0xaf: {  	[dreg:$0x3] =	wrdreg $0xA8000  }
0xb0: {  	[dreg:$0x4] =	wrdreg $0x9  }
0xb1: {  	_ =	task.clear_ibuf [dreg:s6], $0x5FFFF;
	_ =	strace $0x9000004C  }
0xb2: {  	s29 =	simm.s32 $0x9;
	_ =	strace $0x8000004E  }
0xb3: {  	_ =	swait.ge [sflag:s29], $0x1  }
0xb4: {  	[sflag:s29] =	ssyncadd.s32 $0xFFFFFFFF  }
0xb5: {  	_ =	strace $0x9000004E  }
0xb6: {  	_ =	sfence  }
0xb7: {  	s30 =	sld [smem:$0x0];
	_ =	sdelay $0x2  }
0xb8: {  	s31 =	sshll.u32 s1, $0xD;
	s1 =	sshrl.u32 s1, $0x2  }
0xb9: {  	s3 =	sand.u32 $0x4000, s31;
	s1 =	sadd.s32 s1, s30  }
0xba: {  	s0 =	sor.u32 s3, s0;
	s1 =	sshll.u32 s1, $0x11  }
0xbb: {  	s0 =	sor.u32 s1, s0  }
0xbc: {  	s0 =	sadd.s32 $0x8F2B, s0  }
0xbd: {  	[sflag:s0] =	ssyncadd.remote.s32 $0x1  }
0xbe: {  	_ =	sfence.sel $0xFFFF  }
0xbf: {  	[dreg:$0x0] =	wrdreg $0xFFFFFFFF;
	(pc) =	sbr.abs _section_cstart, $3  }
0xc0: {  	[dreg:$0x1] =	wrdreg $0xFFFFFFFF  }
0xc1: {  	_ =	task.clear_ibuf [dreg:s6], $0x2FFFF;
	_ =	strace $0x9FFFFFFF  }
0xc2: {  	(tm) =	ssettm $0x7FFFFFFF  }
0xc3: {  	_ =	shalt  }
tec
execute0_lowered:
.L_overlay_start_1:
0x0: {  	(tag) =	ssettag $0x1  }
0x1: {  	s0 =	rddreg [dreg:$0x0]  }
0x2: {  	s1 =	rddreg [dreg:$0x1];
	s2 =	simm.s32 $0x0  }
0x3: {  	s3 =	stileid.u32;
	s6 =	srdreg.scid;
	s28 =	simm.s32 $0x2  }
0x4: {  	s29 =	simm.s32 $0x1380;
	s30 =	simm.s32 $0x2700;
	s31 =	simm.s32 $0x2780  }
0x5: {  	[smem:$0x7FF] =	sst s2;
	s4 =	sadd.s32 $0x5D600, s0;
	s11 =	smul.u32 $0x2700, s3  }
0x6: {  	s5 =	sadd.s32 $0x84800, s0;
	s9 =	sadd.s32 $0xA200, s0;
	s7 =	smul.u32 $0x4E000, s3  }
0x7: {  	s12 =	sand.u32 $0x1, s6;
	s13 =	sadd.s32 $0x5200, s0;
	s10 =	smul.u32 $0x500, s3  }
0x8: {  	s14 =	smul.u32 $0x2800, s3;
	s15 =	sadd.s32 $0xA9100, s0;
	s23 =	sadd.s32 $0x81F00, s0  }
0x9: {  	s25 =	sadd.s32 $0xF7500, s0;
	_ =	strace $0x8000004D;
	[dreg:$0x4] =	wrdreg s15  }
0xa: {  	p1 =	seq.s32 s3, $0xF;
	s6 =	ssub.s32 $0x2, s12;
	[dreg:$0x6] =	wrdreg s23  }
0xb: {  	[dreg:$0x8] =	wrdreg s25;
	p0 =	sne.s32 s12, $0x0;
	s23 =	simm.s32 $0x7D  }
0xc: {  	s25 =	simm.s32 $0x1;
	s16 =	sadd.s32 s11, s0;
	s8 =	sshrl.u32 s6, $0x1  }
0xd: {  	s19 =	sshrl.u32 s7, $0x2;
	s7 =	sadd.s32 s13, s10;
	s21 =	sadd.s32 s5, s11  }
0xe: {  	s14 =	sshrl.u32 s14, $0x3;
	s11 =	sadd.s32 s4, s11;
	s0 =	sadd.s32 $0xD0300, s0  }
0xf: {  	s20 =	ssub.s32 s6, s8;
	s6 =	sadd.s32 s9, s10;
	[dreg:$0x3] =	wrdreg s21  }
0x10: {  	s8 =	sadd.s32 s19, s1;
	s10 =	sadd.s32 $0x124800, s1;
	[dreg:$0x5] =	wrdreg s11  }
.Ltmp0:
0x11: {  	s22 =	sadd.s32 $0x280, s14;
	s24 =	sadd.s32 $0xD2C00, s16;
	(pc) =	sbr.rel .LBB2_1-.Ltmp0, $4  }
0x12: {  	s26 =	sadd.s32 $0xABA00, s16;
	[dreg:$0xa] =	wrdreg s0;
	s21 =	simm.s32 $0x4  }
0x13: {  	s0 =	simm.s32 $0x0;
	s14 =	sadd.s32 s9, s22;
	[dreg:$0x7] =	wrdreg s24  }
0x14: {  	s15 =	sadd.s32 s13, s22;
	[dreg:$0x9] =	wrdreg s26;
	s20 =	smax.u32 s20, $0x1  }
0x15: {  	s22 =	simm.s32 $0x1400;
	s24 =	simm.s32 $0x6800;
	s26 =	simm.s32 $0x2800  }
.LBB2_11:
0x16: {  	s16 =	sadd.s32 $0x80, s13;
	[sflag:s21] =	ssyncadd.s32 $0xFFFFC180  }
0x17: {  	[tilespmem:s24], [sflag:$0x2] =	stream.indirect.gather [hbm4b:s5+s23], $0x80, s16, s23, $0xb8;
	[tilespmem:$0x1E080] =	vst v63  }
0x18: {  	_ =	swait.ge [sflag:s25], $0x3E80  }
0x19: {  	[sflag:s25] =	ssyncset.done $0x0  }
0x1a: {  	s17 =	sadd.s32 $0x1400, s13;
	[sflag:s25] =	ssyncadd.s32 $0xFFFFC180  }
0x1b: {  	[spmem:s1] =	stream.indirect.scatter.add.f32 [tilespmem:s26], [sflag:$0x4], $0x80, s17, s23, $0xb8;
	[tilespmem:$0x1E080] =	vst v63  }
0x1c: {  	_ =	swait.ge [sflag:s21], $0x3E80  }
0x1d: {  	[sflag:s21] =	ssyncset.done $0x0  }
0x1e: {  	s18 =	sadd.s32 $0x100, s13;
	[sflag:s21] =	ssyncadd.s32 $0xFFFFC180  }
0x1f: {  	[tilespmem:s26], [sflag:$0x1] =	stream.indirect.gather [hbm4b:s5+s23], $0x80, s18, s23, $0xb8;
	[tilespmem:$0x1E080] =	vst v63  }
0x20: {  	_ =	swait.ge [sflag:s28], $0x3E80  }
0x21: {  	[sflag:s28] =	ssyncset.done $0x0  }
0x22: {  	s19 =	sadd.s32 $0x1480, s13;
	[sflag:s28] =	ssyncadd.s32 $0xFFFFC180  }
0x23: {  	[spmem:s1] =	stream.indirect.scatter.add.f32 [tilespmem:s24], [sflag:$0x4], $0x80, s19, s23, $0xb8;
	[tilespmem:$0x1E080] =	vst v63  }
0x24: {  	_ =	swait.ge [sflag:s21], $0x3E80  }
0x25: {  	[sflag:s21] =	ssyncset.done $0x0  }
0x26: {  	[sflag:s21] =	ssyncadd.s32 $0xFFFFC180  }
0x27: {  	[tilespmem:s24], [sflag:$0x2] =	stream.indirect.gather [hbm4b:s5+s23], $0x80, s29, s23, $0xb8;
	[tilespmem:$0x1E080] =	vst v63  }
0x28: {  	_ =	swait.ge [sflag:s25], $0x3E80  }
0x29: {  	[sflag:s25] =	ssyncset.done $0x0  }
0x2a: {  	[sflag:s25] =	ssyncadd.s32 $0xFFFFC180  }
0x2b: {  	[spmem:s1] =	stream.indirect.scatter.add.f32 [tilespmem:s26], [sflag:$0x4], $0x80, s30, s23, $0xb8;
	[tilespmem:$0x1E080] =	vst v63  }
0x2c: {  	_ =	swait.ge [sflag:s21], $0x3E80  }
0x2d: {  	[sflag:s21] =	ssyncset.done $0x0  }
0x2e: {  	[sflag:s21] =	ssyncadd.s32 $0xFFFFC180  }
0x2f: {  	_ =	swait.ge [sflag:s28], $0x3E80  }
0x30: {  	[sflag:s28] =	ssyncset.done $0x0  }
0x31: {  	[sflag:s28] =	ssyncadd.s32 $0xFFFFC180  }
0x32: {  	[spmem:s1] =	stream.indirect.scatter.add.f32 [tilespmem:s24], [sflag:$0x4], $0x80, s31, s23, $0xb8;
	[tilespmem:$0x1E080] =	vst v63  }
0x33: {  	_ =	swait.ge [sflag:s21], $0x3E80  }
0x34: {  	[sflag:s21] =	ssyncset.done $0x0  }
0x35: {  	[sflag:s21] =	ssyncadd.s32 $0xFFFFC180  }
0x36: {  	[bflag:$0x0] =	sbarrier.arrive $0xFFFF  }
0x37: {  	s13 =	simm.s32 @p1 $0x1FC4;
	s16 =	rddreg [dreg:$0x8]  }
0x38: {  	[hbm:s16], [sflag:s13] =	dma.local @p1 [spmem:s12], $0x2800  }
0x39: {  	s12 =	simm.s32 @p1 $0x4  }
0x3a: {  	_ =	swait.ge @p1 [sflag:s12], $0x2800  }
0x3b: {  	[sflag:s12] =	ssyncset.done @p1 $0x0  }
0x3c: {  	[sflag:s12] =	ssyncadd.s32 @p1 $0xFFFFD800;
	s12 =	rddreg [dreg:$0x7]  }
0x3d: {  	[hbm:s12], [sflag:s11] =	dma.local @!p1 [spmem:s9], $0x2700  }
0x3e: {  	s9 =	simm.s32 @!p1 $0x4  }
0x3f: {  	_ =	swait.ge @!p1 [sflag:s9], $0x2700  }
0x40: {  	[sflag:s9] =	ssyncset.done @!p1 $0x0  }
0x41: {  	[sflag:s9] =	ssyncadd.s32 @!p1 $0xFFFFD900  }
.LBB2_12:
0x42: {  	s0 =	sadd.s32 $0x1, s0  }
0x43: {  	p2 =	sne.s32 s0, s20  }
.Ltmp1:
0x44: {  	_ = 	snop;
	(pc) =	sbr.rel @!p2 .LBB2_13-.Ltmp1, $1  }
0x45: {  	_ =	sdelay $0x3  }
.LBB2_1:
0x46: {  	[tilespmem:s2], [sflag:$0x4] =	stream.linear.gather [hbm4b:s6+s2], $0x1400, $0x38;
	[tilespmem:$0x1E080] =	vst v63  }
0x47: {  	_ =	swait.ge [sflag:s21], $0x1400  }
0x48: {  	[sflag:s21] =	ssyncset.done $0x0  }
.Ltmp2:
0x49: {  	[sflag:s21] =	ssyncadd.s32 $0xFFFFEC00;
	(pc) =	sbr.rel @p0 .LBB2_7-.Ltmp2, $4  }
0x4a: {  	[tilespmem:s22], [sflag:$0x4] =	stream.linear.gather [hbm4b:s7+s2], $0x1400, $0x38;
	[tilespmem:$0x1E080] =	vst v63  }
0x4b: {  	s12 =	sshrl.u32 @p1 s10, $0x3;
	_ =	swait.ge [sflag:s21], $0x1400  }
0x4c: {  	s11 =	sshll.u32 @!p1 s3, $0x6;
	s9 =	sshrl.u32 @!p1 s8, $0x3;
	[sflag:s21] =	ssyncset.done $0x0  }
0x4d: {  	s13 =	sor.u32 @!p1 $0x1C03, s11;
	s11 =	sor.u32 @!p1 $0x1C04, s11;
	[sflag:s21] =	ssyncadd.s32 $0xFFFFEC00  }
0x4e: {  	s16 =	simm.s32 @p1 $0x1FC3;
	s17 =	rddreg [dreg:$0x6]  }
0x4f: {  	[spmem:s12], [sflag:s16] =	dma.local @p1 [hbm:s17], $0x2800  }
0x50: {  	s18 =	simm.s32 @p1 $0x2800;
	s16 =	simm.s32 @p1 $0x7D;
	s17 =	simm.s32 @p1 $0x0  }
0x51: {  	[tilespmem:s18], [sflag:$0x1] =	stream.indirect.gather @p1 [hbm4b:s4+s16], $0x80, s17, s16, $0xb8;
	[tilespmem:$0x1E080] =	vst v63  }
0x52: {  	s16 =	simm.s32 @p1 $0x3  }
0x53: {  	_ =	swait.ge @p1 [sflag:s16], $0x2800  }
0x54: {  	[sflag:s16] =	ssyncset.done @p1 $0x0  }
0x55: {  	[sflag:s16] =	ssyncadd.s32 @p1 $0xFFFFD800;
	s16 =	rddreg [dreg:$0x5]  }
0x56: {  	[spmem:s9], [sflag:s13] =	dma.local @!p1 [hbm:s16], $0x2700  }
0x57: {  	s17 =	simm.s32 @!p1 $0x2800;
	s13 =	simm.s32 @!p1 $0x7D;
	s16 =	simm.s32 @!p1 $0x0  }
0x58: {  	[tilespmem:s17], [sflag:$0x1] =	stream.indirect.gather @!p1 [hbm4b:s4+s13], $0x80, s16, s13, $0xb8;
	[tilespmem:$0x1E080] =	vst v63  }
0x59: {  	s13 =	simm.s32 @!p1 $0x3  }
0x5a: {  	_ =	swait.ge @!p1 [sflag:s13], $0x2700  }
0x5b: {  	[sflag:s13] =	ssyncset.done @!p1 $0x0  }
0x5c: {  	[sflag:s13] =	ssyncadd.s32 @!p1 $0xFFFFD900  }
0x5d: {  	s16 =	simm.s32 $0x80;
	[bflag:$0x0] =	sbarrier.arrive $0xFFFF  }
0x5e: {  	[tilespmem:s24], [sflag:$0x2] =	stream.indirect.gather [hbm4b:s4+s23], $0x80, s16, s23, $0xb8;
	[tilespmem:$0x1E080] =	vst v63  }
0x5f: {  	_ =	swait.ge [sflag:s25], $0x3E80  }
0x60: {  	[sflag:s25] =	ssyncset.done $0x0  }
0x61: {  	s17 =	simm.s32 $0x1400;
	[sflag:s25] =	ssyncadd.s32 $0xFFFFC180  }
0x62: {  	[spmem:s1] =	stream.indirect.scatter.add.f32 [tilespmem:s26], [sflag:$0x4], $0x80, s17, s23, $0xb8;
	[tilespmem:$0x1E080] =	vst v63  }
0x63: {  	_ =	swait.ge [sflag:s21], $0x3E80  }
0x64: {  	[sflag:s21] =	ssyncset.done $0x0  }
0x65: {  	s18 =	simm.s32 $0x100;
	[sflag:s21] =	ssyncadd.s32 $0xFFFFC180  }
0x66: {  	[tilespmem:s26], [sflag:$0x1] =	stream.indirect.gather [hbm4b:s4+s23], $0x80, s18, s23, $0xb8;
	[tilespmem:$0x1E080] =	vst v63  }
0x67: {  	_ =	swait.ge [sflag:s28], $0x3E80  }
0x68: {  	[sflag:s28] =	ssyncset.done $0x0  }
0x69: {  	s19 =	simm.s32 $0x1480;
	[sflag:s28] =	ssyncadd.s32 $0xFFFFC180  }
0x6a: {  	[spmem:s1] =	stream.indirect.scatter.add.f32 [tilespmem:s24], [sflag:$0x4], $0x80, s19, s23, $0xb8;
	[tilespmem:$0x1E080] =	vst v63  }
0x6b: {  	_ =	swait.ge [sflag:s21], $0x3E80  }
0x6c: {  	s13 =	simm.s32 $0x100;
	s16 =	simm.s32 $0x800;
	[sflag:s21] =	ssyncset.done $0x0  }
.LBB2_3:
0x6d: {  	s17 =	sadd.s32 $0x80, s13  }
0x6e: {  	[sflag:s21] =	ssyncadd.s32 $0xFFFFC180;
	s18 =	smov.u32 s16;
	s19 =	sadd.s32 $0x400, s16  }
0x6f: {  	[tilespmem:s24], [sflag:$0x2] =	stream.indirect.gather [hbm4b:s4+s23], $0x80, s17, s23, $0xb8;
	[tilespmem:$0x1E080] =	vst v63  }
0x70: {  	p2 =	sne.s32 s16, $0x4800;
	_ =	swait.ge [sflag:s25], $0x3E80  }
0x71: {  	[sflag:s25] =	ssyncset.done $0x0  }
0x72: {  	s16 =	sadd.s32 $0x1400, s13;
	[sflag:s25] =	ssyncadd.s32 $0xFFFFC180  }
0x73: {  	[spmem:s1] =	stream.indirect.scatter.add.f32 [tilespmem:s26], [sflag:$0x4], $0x80, s16, s23, $0xb8;
	[tilespmem:$0x1E080] =	vst v63  }
0x74: {  	_ =	swait.ge [sflag:s21], $0x3E80  }
0x75: {  	[sflag:s21] =	ssyncset.done $0x0  }
0x76: {  	s16 =	sadd.s32 $0x100, s13;
	[sflag:s21] =	ssyncadd.s32 $0xFFFFC180  }
0x77: {  	[tilespmem:s26], [sflag:$0x1] =	stream.indirect.gather [hbm4b:s4+s23], $0x80, s16, s23, $0xb8;
	[tilespmem:$0x1E080] =	vst v63  }
0x78: {  	_ =	swait.ge [sflag:s28], $0x3E80  }
.Ltmp3:
0x79: {  	[sflag:s28] =	ssyncset.done $0x0;
	(pc) =	sbr.rel @p2 .LBB2_3-.Ltmp3, $4  }
0x7a: {  	s13 =	sadd.s32 $0x1480, s13;
	[sflag:s28] =	ssyncadd.s32 $0xFFFFC180  }
0x7b: {  	[spmem:s1] =	stream.indirect.scatter.add.f32 [tilespmem:s24], [sflag:$0x4], $0x80, s13, s23, $0xb8;
	[tilespmem:$0x1E080] =	vst v63  }
0x7c: {  	_ =	swait.ge [sflag:s21], $0x3E80  }
0x7d: {  	s16 =	smov.u32 s19;
	s13 =	sshra.s32 s18, $0x2;
	[sflag:s21] =	ssyncset.done $0x0  }
0x7e: {  	s16 =	sadd.s32 $0x80, s13;
	[sflag:s21] =	ssyncadd.s32 $0xFFFFC180  }
0x7f: {  	[tilespmem:s24], [sflag:$0x2] =	stream.indirect.gather [hbm4b:s4+s23], $0x80, s16, s23, $0xb8;
	[tilespmem:$0x1E080] =	vst v63  }
0x80: {  	_ =	swait.ge [sflag:s25], $0x3E80  }
0x81: {  	[sflag:s25] =	ssyncset.done $0x0  }
0x82: {  	s19 =	sadd.s32 $0x1400, s13;
	[sflag:s25] =	ssyncadd.s32 $0xFFFFC180  }
0x83: {  	[spmem:s1] =	stream.indirect.scatter.add.f32 [tilespmem:s26], [sflag:$0x4], $0x80, s19, s23, $0xb8;
	[tilespmem:$0x1E080] =	vst v63  }
0x84: {  	_ =	swait.ge [sflag:s21], $0x3E80  }
0x85: {  	[sflag:s21] =	ssyncset.done $0x0  }
0x86: {  	s17 =	sadd.s32 $0x100, s13;
	[sflag:s21] =	ssyncadd.s32 $0xFFFFC180  }
0x87: {  	[tilespmem:s26], [sflag:$0x1] =	stream.indirect.gather [hbm4b:s4+s23], $0x80, s17, s23, $0xb8;
	[tilespmem:$0x1E080] =	vst v63  }
0x88: {  	_ =	swait.ge [sflag:s28], $0x3E80  }
0x89: {  	[sflag:s28] =	ssyncset.done $0x0  }
0x8a: {  	s18 =	sadd.s32 $0x1480, s13;
	[sflag:s28] =	ssyncadd.s32 $0xFFFFC180  }
0x8b: {  	[spmem:s1] =	stream.indirect.scatter.add.f32 [tilespmem:s24], [sflag:$0x4], $0x80, s18, s23, $0xb8;
	[tilespmem:$0x1E080] =	vst v63  }
0x8c: {  	_ =	swait.ge [sflag:s21], $0x3E80  }
0x8d: {  	[sflag:s21] =	ssyncset.done $0x0  }
0x8e: {  	[sflag:s21] =	ssyncadd.s32 $0xFFFFC180  }
0x8f: {  	[tilespmem:s24], [sflag:$0x2] =	stream.indirect.gather [hbm4b:s4+s23], $0x80, s29, s23, $0xb8;
	[tilespmem:$0x1E080] =	vst v63  }
0x90: {  	_ =	swait.ge [sflag:s25], $0x3E80  }
0x91: {  	[sflag:s25] =	ssyncset.done $0x0  }
0x92: {  	[sflag:s25] =	ssyncadd.s32 $0xFFFFC180  }
0x93: {  	[spmem:s1] =	stream.indirect.scatter.add.f32 [tilespmem:s26], [sflag:$0x4], $0x80, s30, s23, $0xb8;
	[tilespmem:$0x1E080] =	vst v63  }
0x94: {  	_ =	swait.ge [sflag:s21], $0x3E80  }
0x95: {  	[sflag:s21] =	ssyncset.done $0x0  }
0x96: {  	[sflag:s21] =	ssyncadd.s32 $0xFFFFC180  }
0x97: {  	_ =	swait.ge [sflag:s28], $0x3E80  }
0x98: {  	[sflag:s28] =	ssyncset.done $0x0  }
0x99: {  	[sflag:s28] =	ssyncadd.s32 $0xFFFFC180  }
0x9a: {  	[spmem:s1] =	stream.indirect.scatter.add.f32 [tilespmem:s24], [sflag:$0x4], $0x80, s31, s23, $0xb8;
	[tilespmem:$0x1E080] =	vst v63  }
0x9b: {  	_ =	swait.ge [sflag:s21], $0x3E80  }
0x9c: {  	[sflag:s21] =	ssyncset.done $0x0  }
0x9d: {  	s19 =	simm.s32 $0x0;
	[sflag:s21] =	ssyncadd.s32 $0xFFFFC180  }
0x9e: {  	[tilespmem:s19], [sflag:$0x4] =	stream.linear.gather [hbm4b:s14+s19], $0x1400, $0x38;
	[tilespmem:$0x1E080] =	vst v63  }
0x9f: {  	_ =	swait.ge [sflag:s21], $0x1400  }
0xa0: {  	[sflag:s21] =	ssyncset.done $0x0  }
0xa1: {  	[sflag:s21] =	ssyncadd.s32 $0xFFFFEC00  }
0xa2: {  	[tilespmem:s22], [sflag:$0x4] =	stream.linear.gather [hbm4b:s15+s19], $0x1400, $0x38;
	[tilespmem:$0x1E080] =	vst v63  }
0xa3: {  	_ =	swait.ge [sflag:s21], $0x1400  }
0xa4: {  	[sflag:s21] =	ssyncset.done $0x0  }
0xa5: {  	[sflag:s21] =	ssyncadd.s32 $0xFFFFEC00  }
0xa6: {  	[tilespmem:s26], [sflag:$0x1] =	stream.indirect.gather [hbm4b:s4+s23], $0x80, s19, s23, $0xb8;
	[tilespmem:$0x1E080] =	vst v63  }
0xa7: {  	s16 =	simm.s32 $0x80  }
0xa8: {  	[tilespmem:s24], [sflag:$0x2] =	stream.indirect.gather [hbm4b:s4+s23], $0x80, s16, s23, $0xb8;
	[tilespmem:$0x1E080] =	vst v63  }
0xa9: {  	_ =	swait.ge [sflag:s25], $0x3E80  }
0xaa: {  	[sflag:s25] =	ssyncset.done $0x0  }
0xab: {  	s17 =	simm.s32 $0x1400;
	[sflag:s25] =	ssyncadd.s32 $0xFFFFC180  }
0xac: {  	[spmem:s1] =	stream.indirect.scatter.add.f32 [tilespmem:s26], [sflag:$0x4], $0x80, s17, s23, $0xb8;
	[tilespmem:$0x1E080] =	vst v63  }
0xad: {  	_ =	swait.ge [sflag:s21], $0x3E80  }
0xae: {  	[sflag:s21] =	ssyncset.done $0x0  }
0xaf: {  	s18 =	simm.s32 $0x100;
	[sflag:s21] =	ssyncadd.s32 $0xFFFFC180  }
0xb0: {  	[tilespmem:s26], [sflag:$0x1] =	stream.indirect.gather [hbm4b:s4+s23], $0x80, s18, s23, $0xb8;
	[tilespmem:$0x1E080] =	vst v63  }
0xb1: {  	_ =	swait.ge [sflag:s28], $0x3E80  }
0xb2: {  	[sflag:s28] =	ssyncset.done $0x0  }
0xb3: {  	s19 =	simm.s32 $0x1480;
	[sflag:s28] =	ssyncadd.s32 $0xFFFFC180  }
0xb4: {  	[spmem:s1] =	stream.indirect.scatter.add.f32 [tilespmem:s24], [sflag:$0x4], $0x80, s19, s23, $0xb8;
	[tilespmem:$0x1E080] =	vst v63  }
0xb5: {  	_ =	swait.ge [sflag:s21], $0x3E80  }
0xb6: {  	s13 =	simm.s32 $0x100;
	s16 =	simm.s32 $0x800;
	[sflag:s21] =	ssyncset.done $0x0  }
.LBB2_5:
0xb7: {  	s17 =	sadd.s32 $0x80, s13  }
0xb8: {  	[sflag:s21] =	ssyncadd.s32 $0xFFFFC180;
	s18 =	smov.u32 s16;
	s19 =	sadd.s32 $0x400, s16  }
0xb9: {  	[tilespmem:s24], [sflag:$0x2] =	stream.indirect.gather [hbm4b:s4+s23], $0x80, s17, s23, $0xb8;
	[tilespmem:$0x1E080] =	vst v63  }
0xba: {  	p2 =	seq.s32 s16, $0x4800;
	_ =	swait.ge [sflag:s25], $0x3E80  }
0xbb: {  	[sflag:s25] =	ssyncset.done $0x0  }
0xbc: {  	s16 =	sadd.s32 $0x1400, s13;
	[sflag:s25] =	ssyncadd.s32 $0xFFFFC180  }
0xbd: {  	[spmem:s1] =	stream.indirect.scatter.add.f32 [tilespmem:s26], [sflag:$0x4], $0x80, s16, s23, $0xb8;
	[tilespmem:$0x1E080] =	vst v63  }
0xbe: {  	_ =	swait.ge [sflag:s21], $0x3E80  }
0xbf: {  	[sflag:s21] =	ssyncset.done $0x0  }
0xc0: {  	s16 =	sadd.s32 $0x100, s13;
	[sflag:s21] =	ssyncadd.s32 $0xFFFFC180  }
0xc1: {  	[tilespmem:s26], [sflag:$0x1] =	stream.indirect.gather [hbm4b:s4+s23], $0x80, s16, s23, $0xb8;
	[tilespmem:$0x1E080] =	vst v63  }
0xc2: {  	_ =	swait.ge [sflag:s28], $0x3E80  }
.Ltmp4:
0xc3: {  	[sflag:s28] =	ssyncset.done $0x0;
	(pc) =	sbr.rel @!p2 .LBB2_5-.Ltmp4, $4  }
0xc4: {  	s13 =	sadd.s32 $0x1480, s13;
	[sflag:s28] =	ssyncadd.s32 $0xFFFFC180  }
0xc5: {  	[spmem:s1] =	stream.indirect.scatter.add.f32 [tilespmem:s24], [sflag:$0x4], $0x80, s13, s23, $0xb8;
	[tilespmem:$0x1E080] =	vst v63  }
0xc6: {  	_ =	swait.ge [sflag:s21], $0x3E80  }
0xc7: {  	s16 =	smov.u32 s19;
	s13 =	sshra.s32 s18, $0x2;
	[sflag:s21] =	ssyncset.done $0x0  }
0xc8: {  	s16 =	sadd.s32 $0x80, s13;
	[sflag:s21] =	ssyncadd.s32 $0xFFFFC180  }
0xc9: {  	[tilespmem:s24], [sflag:$0x2] =	stream.indirect.gather [hbm4b:s4+s23], $0x80, s16, s23, $0xb8;
	[tilespmem:$0x1E080] =	vst v63  }
0xca: {  	_ =	swait.ge [sflag:s25], $0x3E80  }
0xcb: {  	[sflag:s25] =	ssyncset.done $0x0  }
0xcc: {  	s17 =	sadd.s32 $0x1400, s13;
	[sflag:s25] =	ssyncadd.s32 $0xFFFFC180  }
0xcd: {  	[spmem:s1] =	stream.indirect.scatter.add.f32 [tilespmem:s26], [sflag:$0x4], $0x80, s17, s23, $0xb8;
	[tilespmem:$0x1E080] =	vst v63  }
0xce: {  	_ =	swait.ge [sflag:s21], $0x3E80  }
0xcf: {  	[sflag:s21] =	ssyncset.done $0x0  }
0xd0: {  	s18 =	sadd.s32 $0x100, s13;
	[sflag:s21] =	ssyncadd.s32 $0xFFFFC180  }
0xd1: {  	[tilespmem:s26], [sflag:$0x1] =	stream.indirect.gather [hbm4b:s4+s23], $0x80, s18, s23, $0xb8;
	[tilespmem:$0x1E080] =	vst v63  }
0xd2: {  	_ =	swait.ge [sflag:s28], $0x3E80  }
0xd3: {  	[sflag:s28] =	ssyncset.done $0x0  }
0xd4: {  	s19 =	sadd.s32 $0x1480, s13;
	[sflag:s28] =	ssyncadd.s32 $0xFFFFC180  }
0xd5: {  	[spmem:s1] =	stream.indirect.scatter.add.f32 [tilespmem:s24], [sflag:$0x4], $0x80, s19, s23, $0xb8;
	[tilespmem:$0x1E080] =	vst v63  }
0xd6: {  	_ =	swait.ge [sflag:s21], $0x3E80  }
0xd7: {  	[sflag:s21] =	ssyncset.done $0x0  }
0xd8: {  	[sflag:s21] =	ssyncadd.s32 $0xFFFFC180  }
0xd9: {  	[tilespmem:s24], [sflag:$0x2] =	stream.indirect.gather [hbm4b:s4+s23], $0x80, s29, s23, $0xb8;
	[tilespmem:$0x1E080] =	vst v63  }
0xda: {  	_ =	swait.ge [sflag:s25], $0x3E80  }
0xdb: {  	[sflag:s25] =	ssyncset.done $0x0  }
0xdc: {  	[sflag:s25] =	ssyncadd.s32 $0xFFFFC180  }
0xdd: {  	[spmem:s1] =	stream.indirect.scatter.add.f32 [tilespmem:s26], [sflag:$0x4], $0x80, s30, s23, $0xb8;
	[tilespmem:$0x1E080] =	vst v63  }
0xde: {  	_ =	swait.ge [sflag:s21], $0x3E80  }
0xdf: {  	[sflag:s21] =	ssyncset.done $0x0  }
0xe0: {  	[sflag:s21] =	ssyncadd.s32 $0xFFFFC180  }
0xe1: {  	_ =	swait.ge [sflag:s28], $0x3E80  }
0xe2: {  	[sflag:s28] =	ssyncset.done $0x0  }
0xe3: {  	[sflag:s28] =	ssyncadd.s32 $0xFFFFC180  }
0xe4: {  	[spmem:s1] =	stream.indirect.scatter.add.f32 [tilespmem:s24], [sflag:$0x4], $0x80, s31, s23, $0xb8;
	[tilespmem:$0x1E080] =	vst v63  }
0xe5: {  	_ =	swait.ge [sflag:s21], $0x3E80  }
0xe6: {  	[sflag:s21] =	ssyncset.done $0x0  }
0xe7: {  	[sflag:s21] =	ssyncadd.s32 $0xFFFFC180  }
0xe8: {  	[bflag:$0x0] =	sbarrier.arrive $0xFFFF  }
0xe9: {  	s13 =	simm.s32 @p1 $0x1FC4;
	s16 =	rddreg [dreg:$0xa]  }
0xea: {  	[hbm:s16], [sflag:s13] =	dma.local @p1 [spmem:s12], $0x2800  }
0xeb: {  	s12 =	simm.s32 @p1 $0x4  }
0xec: {  	_ =	swait.ge @p1 [sflag:s12], $0x2800  }
0xed: {  	[sflag:s12] =	ssyncset.done @p1 $0x0  }
0xee: {  	[sflag:s12] =	ssyncadd.s32 @p1 $0xFFFFD800;
	s12 =	rddreg [dreg:$0x9]  }
0xef: {  	[hbm:s12], [sflag:s11] =	dma.local @!p1 [spmem:s9], $0x2700  }
.Ltmp5:
0xf0: {  	_ = 	snop;
	(pc) =	sbr.rel .LBB2_12-.Ltmp5, $4  }
0xf1: {  	s9 =	simm.s32 @!p1 $0x4  }
0xf2: {  	_ =	swait.ge @!p1 [sflag:s9], $0x2700  }
0xf3: {  	[sflag:s9] =	ssyncset.done @!p1 $0x0  }
0xf4: {  	[sflag:s9] =	ssyncadd.s32 @!p1 $0xFFFFD900  }
.LBB2_7:
0xf5: {  	s16 =	simm.s32 @p1 $0x1FC3;
	s17 =	rddreg [dreg:$0x4]  }
0xf6: {  	[spmem:s12], [sflag:s16] =	dma.local @p1 [hbm:s17], $0x2800  }
0xf7: {  	s18 =	simm.s32 @p1 $0x2800;
	s16 =	simm.s32 @p1 $0x7D;
	s17 =	simm.s32 @p1 $0x0  }
0xf8: {  	[tilespmem:s18], [sflag:$0x1] =	stream.indirect.gather @p1 [hbm4b:s5+s16], $0x80, s17, s16, $0xb8;
	[tilespmem:$0x1E080] =	vst v63  }
0xf9: {  	s16 =	simm.s32 @p1 $0x3  }
0xfa: {  	_ =	swait.ge @p1 [sflag:s16], $0x2800  }
0xfb: {  	[sflag:s16] =	ssyncset.done @p1 $0x0  }
0xfc: {  	[sflag:s16] =	ssyncadd.s32 @p1 $0xFFFFD800;
	s16 =	rddreg [dreg:$0x3]  }
0xfd: {  	[spmem:s9], [sflag:s13] =	dma.local @!p1 [hbm:s16], $0x2700  }
0xfe: {  	s17 =	simm.s32 @!p1 $0x2800;
	s13 =	simm.s32 @!p1 $0x7D;
	s16 =	simm.s32 @!p1 $0x0  }
0xff: {  	[tilespmem:s17], [sflag:$0x1] =	stream.indirect.gather @!p1 [hbm4b:s5+s13], $0x80, s16, s13, $0xb8;
	[tilespmem:$0x1E080] =	vst v63  }
0x100: {  	s13 =	simm.s32 @!p1 $0x3  }
0x101: {  	_ =	swait.ge @!p1 [sflag:s13], $0x2700  }
0x102: {  	[sflag:s13] =	ssyncset.done @!p1 $0x0  }
0x103: {  	[sflag:s13] =	ssyncadd.s32 @!p1 $0xFFFFD900  }
0x104: {  	s16 =	simm.s32 $0x80;
	[bflag:$0x0] =	sbarrier.arrive $0xFFFF  }
0x105: {  	[tilespmem:s24], [sflag:$0x2] =	stream.indirect.gather [hbm4b:s5+s23], $0x80, s16, s23, $0xb8;
	[tilespmem:$0x1E080] =	vst v63  }
0x106: {  	_ =	swait.ge [sflag:s25], $0x3E80  }
0x107: {  	[sflag:s25] =	ssyncset.done $0x0  }
0x108: {  	s17 =	simm.s32 $0x1400;
	[sflag:s25] =	ssyncadd.s32 $0xFFFFC180  }
0x109: {  	[spmem:s1] =	stream.indirect.scatter.add.f32 [tilespmem:s26], [sflag:$0x4], $0x80, s17, s23, $0xb8;
	[tilespmem:$0x1E080] =	vst v63  }
0x10a: {  	_ =	swait.ge [sflag:s21], $0x3E80  }
0x10b: {  	[sflag:s21] =	ssyncset.done $0x0  }
0x10c: {  	s18 =	simm.s32 $0x100;
	[sflag:s21] =	ssyncadd.s32 $0xFFFFC180  }
0x10d: {  	[tilespmem:s26], [sflag:$0x1] =	stream.indirect.gather [hbm4b:s5+s23], $0x80, s18, s23, $0xb8;
	[tilespmem:$0x1E080] =	vst v63  }
0x10e: {  	_ =	swait.ge [sflag:s28], $0x3E80  }
0x10f: {  	[sflag:s28] =	ssyncset.done $0x0  }
0x110: {  	s19 =	simm.s32 $0x1480;
	[sflag:s28] =	ssyncadd.s32 $0xFFFFC180  }
0x111: {  	[spmem:s1] =	stream.indirect.scatter.add.f32 [tilespmem:s24], [sflag:$0x4], $0x80, s19, s23, $0xb8;
	[tilespmem:$0x1E080] =	vst v63  }
0x112: {  	_ =	swait.ge [sflag:s21], $0x3E80  }
0x113: {  	s13 =	simm.s32 $0x100;
	s16 =	simm.s32 $0x800;
	[sflag:s21] =	ssyncset.done $0x0  }
.LBB2_8:
0x114: {  	s17 =	sadd.s32 $0x80, s13  }
0x115: {  	[sflag:s21] =	ssyncadd.s32 $0xFFFFC180;
	s18 =	smov.u32 s16;
	s19 =	sadd.s32 $0x400, s16  }
0x116: {  	[tilespmem:s24], [sflag:$0x2] =	stream.indirect.gather [hbm4b:s5+s23], $0x80, s17, s23, $0xb8;
	[tilespmem:$0x1E080] =	vst v63  }
0x117: {  	p2 =	sne.s32 s16, $0x4800;
	_ =	swait.ge [sflag:s25], $0x3E80  }
0x118: {  	[sflag:s25] =	ssyncset.done $0x0  }
0x119: {  	s16 =	sadd.s32 $0x1400, s13;
	[sflag:s25] =	ssyncadd.s32 $0xFFFFC180  }
0x11a: {  	[spmem:s1] =	stream.indirect.scatter.add.f32 [tilespmem:s26], [sflag:$0x4], $0x80, s16, s23, $0xb8;
	[tilespmem:$0x1E080] =	vst v63  }
0x11b: {  	_ =	swait.ge [sflag:s21], $0x3E80  }
0x11c: {  	[sflag:s21] =	ssyncset.done $0x0  }
0x11d: {  	s16 =	sadd.s32 $0x100, s13;
	[sflag:s21] =	ssyncadd.s32 $0xFFFFC180  }
0x11e: {  	[tilespmem:s26], [sflag:$0x1] =	stream.indirect.gather [hbm4b:s5+s23], $0x80, s16, s23, $0xb8;
	[tilespmem:$0x1E080] =	vst v63  }
0x11f: {  	_ =	swait.ge [sflag:s28], $0x3E80  }
.Ltmp6:
0x120: {  	[sflag:s28] =	ssyncset.done $0x0;
	(pc) =	sbr.rel @p2 .LBB2_8-.Ltmp6, $4  }
0x121: {  	s13 =	sadd.s32 $0x1480, s13;
	[sflag:s28] =	ssyncadd.s32 $0xFFFFC180  }
0x122: {  	[spmem:s1] =	stream.indirect.scatter.add.f32 [tilespmem:s24], [sflag:$0x4], $0x80, s13, s23, $0xb8;
	[tilespmem:$0x1E080] =	vst v63  }
0x123: {  	_ =	swait.ge [sflag:s21], $0x3E80  }
0x124: {  	s16 =	smov.u32 s19;
	s13 =	sshra.s32 s18, $0x2;
	[sflag:s21] =	ssyncset.done $0x0  }
0x125: {  	s16 =	sadd.s32 $0x80, s13;
	[sflag:s21] =	ssyncadd.s32 $0xFFFFC180  }
0x126: {  	[tilespmem:s24], [sflag:$0x2] =	stream.indirect.gather [hbm4b:s5+s23], $0x80, s16, s23, $0xb8;
	[tilespmem:$0x1E080] =	vst v63  }
0x127: {  	_ =	swait.ge [sflag:s25], $0x3E80  }
0x128: {  	[sflag:s25] =	ssyncset.done $0x0  }
0x129: {  	s19 =	sadd.s32 $0x1400, s13;
	[sflag:s25] =	ssyncadd.s32 $0xFFFFC180  }
0x12a: {  	[spmem:s1] =	stream.indirect.scatter.add.f32 [tilespmem:s26], [sflag:$0x4], $0x80, s19, s23, $0xb8;
	[tilespmem:$0x1E080] =	vst v63  }
0x12b: {  	_ =	swait.ge [sflag:s21], $0x3E80  }
0x12c: {  	[sflag:s21] =	ssyncset.done $0x0  }
0x12d: {  	s17 =	sadd.s32 $0x100, s13;
	[sflag:s21] =	ssyncadd.s32 $0xFFFFC180  }
0x12e: {  	[tilespmem:s26], [sflag:$0x1] =	stream.indirect.gather [hbm4b:s5+s23], $0x80, s17, s23, $0xb8;
	[tilespmem:$0x1E080] =	vst v63  }
0x12f: {  	_ =	swait.ge [sflag:s28], $0x3E80  }
0x130: {  	[sflag:s28] =	ssyncset.done $0x0  }
0x131: {  	s18 =	sadd.s32 $0x1480, s13;
	[sflag:s28] =	ssyncadd.s32 $0xFFFFC180  }
0x132: {  	[spmem:s1] =	stream.indirect.scatter.add.f32 [tilespmem:s24], [sflag:$0x4], $0x80, s18, s23, $0xb8;
	[tilespmem:$0x1E080] =	vst v63  }
0x133: {  	_ =	swait.ge [sflag:s21], $0x3E80  }
0x134: {  	[sflag:s21] =	ssyncset.done $0x0  }
0x135: {  	[sflag:s21] =	ssyncadd.s32 $0xFFFFC180  }
0x136: {  	[tilespmem:s24], [sflag:$0x2] =	stream.indirect.gather [hbm4b:s5+s23], $0x80, s29, s23, $0xb8;
	[tilespmem:$0x1E080] =	vst v63  }
0x137: {  	_ =	swait.ge [sflag:s25], $0x3E80  }
0x138: {  	[sflag:s25] =	ssyncset.done $0x0  }
0x139: {  	[sflag:s25] =	ssyncadd.s32 $0xFFFFC180  }
0x13a: {  	[spmem:s1] =	stream.indirect.scatter.add.f32 [tilespmem:s26], [sflag:$0x4], $0x80, s30, s23, $0xb8;
	[tilespmem:$0x1E080] =	vst v63  }
0x13b: {  	_ =	swait.ge [sflag:s21], $0x3E80  }
0x13c: {  	[sflag:s21] =	ssyncset.done $0x0  }
0x13d: {  	[sflag:s21] =	ssyncadd.s32 $0xFFFFC180  }
0x13e: {  	_ =	swait.ge [sflag:s28], $0x3E80  }
0x13f: {  	[sflag:s28] =	ssyncset.done $0x0  }
0x140: {  	[sflag:s28] =	ssyncadd.s32 $0xFFFFC180  }
0x141: {  	[spmem:s1] =	stream.indirect.scatter.add.f32 [tilespmem:s24], [sflag:$0x4], $0x80, s31, s23, $0xb8;
	[tilespmem:$0x1E080] =	vst v63  }
0x142: {  	_ =	swait.ge [sflag:s21], $0x3E80  }
0x143: {  	[sflag:s21] =	ssyncset.done $0x0  }
0x144: {  	s19 =	simm.s32 $0x0;
	[sflag:s21] =	ssyncadd.s32 $0xFFFFC180  }
0x145: {  	[tilespmem:s19], [sflag:$0x4] =	stream.linear.gather [hbm4b:s14+s19], $0x1400, $0x38;
	[tilespmem:$0x1E080] =	vst v63  }
0x146: {  	_ =	swait.ge [sflag:s21], $0x1400  }
0x147: {  	[sflag:s21] =	ssyncset.done $0x0  }
0x148: {  	[sflag:s21] =	ssyncadd.s32 $0xFFFFEC00  }
0x149: {  	[tilespmem:s22], [sflag:$0x4] =	stream.linear.gather [hbm4b:s15+s19], $0x1400, $0x38;
	[tilespmem:$0x1E080] =	vst v63  }
0x14a: {  	_ =	swait.ge [sflag:s21], $0x1400  }
0x14b: {  	[sflag:s21] =	ssyncset.done $0x0  }
0x14c: {  	[sflag:s21] =	ssyncadd.s32 $0xFFFFEC00  }
0x14d: {  	[tilespmem:s26], [sflag:$0x1] =	stream.indirect.gather [hbm4b:s5+s23], $0x80, s19, s23, $0xb8;
	[tilespmem:$0x1E080] =	vst v63  }
0x14e: {  	s16 =	simm.s32 $0x80  }
0x14f: {  	[tilespmem:s24], [sflag:$0x2] =	stream.indirect.gather [hbm4b:s5+s23], $0x80, s16, s23, $0xb8;
	[tilespmem:$0x1E080] =	vst v63  }
0x150: {  	_ =	swait.ge [sflag:s25], $0x3E80  }
0x151: {  	[sflag:s25] =	ssyncset.done $0x0  }
0x152: {  	s17 =	simm.s32 $0x1400;
	[sflag:s25] =	ssyncadd.s32 $0xFFFFC180  }
0x153: {  	[spmem:s1] =	stream.indirect.scatter.add.f32 [tilespmem:s26], [sflag:$0x4], $0x80, s17, s23, $0xb8;
	[tilespmem:$0x1E080] =	vst v63  }
0x154: {  	_ =	swait.ge [sflag:s21], $0x3E80  }
0x155: {  	[sflag:s21] =	ssyncset.done $0x0  }
0x156: {  	s18 =	simm.s32 $0x100;
	[sflag:s21] =	ssyncadd.s32 $0xFFFFC180  }
0x157: {  	[tilespmem:s26], [sflag:$0x1] =	stream.indirect.gather [hbm4b:s5+s23], $0x80, s18, s23, $0xb8;
	[tilespmem:$0x1E080] =	vst v63  }
0x158: {  	_ =	swait.ge [sflag:s28], $0x3E80  }
0x159: {  	[sflag:s28] =	ssyncset.done $0x0  }
0x15a: {  	s19 =	simm.s32 $0x1480;
	[sflag:s28] =	ssyncadd.s32 $0xFFFFC180  }
0x15b: {  	[spmem:s1] =	stream.indirect.scatter.add.f32 [tilespmem:s24], [sflag:$0x4], $0x80, s19, s23, $0xb8;
	[tilespmem:$0x1E080] =	vst v63  }
0x15c: {  	_ =	swait.ge [sflag:s21], $0x3E80  }
0x15d: {  	s13 =	simm.s32 $0x100;
	s16 =	simm.s32 $0x800;
	[sflag:s21] =	ssyncset.done $0x0  }
.LBB2_10:
0x15e: {  	s17 =	sadd.s32 $0x80, s13  }
0x15f: {  	[sflag:s21] =	ssyncadd.s32 $0xFFFFC180;
	s18 =	smov.u32 s16;
	s19 =	sadd.s32 $0x400, s16  }
0x160: {  	[tilespmem:s24], [sflag:$0x2] =	stream.indirect.gather [hbm4b:s5+s23], $0x80, s17, s23, $0xb8;
	[tilespmem:$0x1E080] =	vst v63  }
0x161: {  	p2 =	sne.s32 s16, $0x4800;
	_ =	swait.ge [sflag:s25], $0x3E80  }
0x162: {  	[sflag:s25] =	ssyncset.done $0x0  }
0x163: {  	s16 =	sadd.s32 $0x1400, s13;
	[sflag:s25] =	ssyncadd.s32 $0xFFFFC180  }
0x164: {  	[spmem:s1] =	stream.indirect.scatter.add.f32 [tilespmem:s26], [sflag:$0x4], $0x80, s16, s23, $0xb8;
	[tilespmem:$0x1E080] =	vst v63  }
0x165: {  	_ =	swait.ge [sflag:s21], $0x3E80  }
0x166: {  	[sflag:s21] =	ssyncset.done $0x0  }
0x167: {  	s16 =	sadd.s32 $0x100, s13;
	[sflag:s21] =	ssyncadd.s32 $0xFFFFC180  }
0x168: {  	[tilespmem:s26], [sflag:$0x1] =	stream.indirect.gather [hbm4b:s5+s23], $0x80, s16, s23, $0xb8;
	[tilespmem:$0x1E080] =	vst v63  }
0x169: {  	_ =	swait.ge [sflag:s28], $0x3E80  }
.Ltmp7:
0x16a: {  	[sflag:s28] =	ssyncset.done $0x0;
	(pc) =	sbr.rel @p2 .LBB2_10-.Ltmp7, $4  }
0x16b: {  	s13 =	sadd.s32 $0x1480, s13;
	[sflag:s28] =	ssyncadd.s32 $0xFFFFC180  }
0x16c: {  	[spmem:s1] =	stream.indirect.scatter.add.f32 [tilespmem:s24], [sflag:$0x4], $0x80, s13, s23, $0xb8;
	[tilespmem:$0x1E080] =	vst v63  }
0x16d: {  	_ =	swait.ge [sflag:s21], $0x3E80  }
0x16e: {  	s16 =	smov.u32 s19;
	s13 =	sshra.s32 s18, $0x2;
	[sflag:s21] =	ssyncset.done $0x0  }
.Ltmp8:
0x16f: {  	_ = 	snop;
	(pc) =	sbr.rel .LBB2_11-.Ltmp8, $1  }
0x170: {  	_ =	sdelay $0x3  }
.LBB2_13:
0x171: {  	_ =	sfence.sel $0x180000  }
0x172: {  	[bflag:$0x0] =	sbarrier.arrive $0xFFFF  }
0x173: {  	_ =	strace $0x9000004D  }
0x174: {  	[bflag:$0x2] =	sbarrier.arrive $0xFFFF  }
0x175: {  	p0 =	sne.s32 s3, $0x0;
	s0 =	rddreg [dreg:$0x2]  }
0x176: {  	s0 =	sadd.s32 @!p0 $0x100000, s0  }
0x177: {  	[sflag:s0] =	ssyncadd.tile.s32 @!p0 $0x1;
	_ =	shalt  }
.Lfunc_end2:
_tile_overlayer_lowered:
.L_overlay_start_2:
0x178: {  	(tag) =	ssettag $0x2  }
0x179: {  	s0 =	rddreg [dreg:$0x0];
	s2 =	stileid.u32  }
0x17a: {  	s1 =	rddreg [dreg:$0x1];
	p0 =	sne.s32 s2, $0x0  }
0x17b: {  	s3 =	rddreg [dreg:$0x2];
	[bflag:$0x3] =	sbarrier.arrive $0xFFFF;
	s2 =	simm.s32 @!p0 $0x1C04  }
0x17c: {  	[timem:s3], [sflag:s2] =	dma.local @!p0 [hbm:s0], s1  }
0x17d: {  	s0 =	simm.s32 @!p0 $0x4  }
0x17e: {  	_ =	swait.ge @!p0 [sflag:s0], s1  }
0x17f: {  	s1 =	ssub.s32 @!p0 $0x0, s1;
	[sflag:s0] =	ssyncset.done @!p0 $0x0  }
0x180: {  	[sflag:s0] =	ssyncadd.s32 @!p0 s1  }
0x181: {  	[bflag:$0x3] =	sbarrier.arrive $0xFFFF  }
0x182: {  	_ =	shalt  }

</sc_bundles>
